<compile_context>
chip_gen: v7x
topology: tpu7x:2x2x1
jax: 0.10.2.dev20260603
libtpu: 0.0.44.dev20260713+nightly
codegen_flags: <defaults>
</compile_context>

<pallas_src>
import functools
import jax
import jax.numpy as jnp
from jax import lax
from jax.experimental import pallas as pl
from jax.experimental.pallas import tpu as pltpu
from jax.experimental.pallas import tpu_sc as plsc

N = 10000
E = 160000
B = 8
F = 32
P = 8
HID = 64
CH = 128
EB = 128
EPAD = 163840
NBE = 40
DW = 8
NWIN = 2 * NBE // DW
NTILE = 16
NPAD = 10240
ROWS_T = NPAD // NTILE
NB = 2000
NBLK = N // NB

_mesh = plsc.VectorSubcoreMesh(core_axis_name="c", subcore_axis_name="s")


@functools.partial(
    pl.kernel,
    out_type=jax.ShapeDtypeStruct((2, NPAD), jnp.float32),
    mesh=_mesh,
    scratch_types=[
        pltpu.VMEM((NBE, EB), jnp.int32),
        pltpu.VMEM((EB,), jnp.float32),
        pltpu.VMEM_SHARED((NPAD,), jnp.float32),
    ],
)
def _deg_kernel(er, ones_h, zeros_h, deg_out, dst_v, ones_v, acc):
    cid = lax.axis_index("c")
    sid = lax.axis_index("s")
    pltpu.sync_copy(er.at[1, cid * NTILE + sid], dst_v)
    pltpu.sync_copy(ones_h, ones_v)
    pltpu.sync_copy(zeros_h, acc.at[pl.ds(sid * ROWS_T, ROWS_T)])
    plsc.subcore_barrier()

    def eb_body(eb, carry):
        pltpu.sync_copy(ones_v, acc.at[dst_v.at[eb]], add=True)
        return carry

    lax.fori_loop(0, NBE, eb_body, 0)
    plsc.subcore_barrier()
    pltpu.sync_copy(
        acc.at[pl.ds(sid * ROWS_T, ROWS_T)],
        deg_out.at[cid, pl.ds(sid * ROWS_T, ROWS_T)],
    )


def _make_prop(nchunk):
    nck = nchunk // 2

    @functools.partial(
        pl.kernel,
        out_type=jax.ShapeDtypeStruct((nchunk, NPAD, CH), jnp.float32),
        mesh=_mesh,
        scratch_types=[
            pltpu.VMEM((2 * NBE, EB), jnp.int32),
            pltpu.VMEM((2 * DW, EB), jnp.int32),
            pltpu.VMEM((EB, CH), jnp.float32),
            pltpu.VMEM((EB, CH), jnp.float32),
            pltpu.VMEM_SHARED((NPAD, CH), jnp.float32),
            pltpu.SemaphoreType.DMA,
            pltpu.SemaphoreType.DMA,
            pltpu.SemaphoreType.DMA,
            pltpu.SemaphoreType.DMA,
        ],
    )
    def prop(xc, er, zeros_h, out, src_v, dstw, rows_a, rows_b, acc,
             sem_a, sem_b, sem_d0, sem_d1):
        cid = lax.axis_index("c")
        sid = lax.axis_index("s")
        pltpu.sync_copy(er.at[0, sid], src_v.at[pl.ds(0, NBE)])
        pltpu.sync_copy(er.at[0, sid + NTILE], src_v.at[pl.ds(NBE, NBE)])

        def dstw_desc(wt, half, sem):
            blk = sid + jnp.where(wt >= NBE // DW, NTILE, 0)
            r0 = DW * wt - jnp.where(wt >= NBE // DW, NBE, 0)
            return pltpu.make_async_copy(
                er.at[1, blk, pl.ds(r0, DW)],
                dstw.at[pl.ds(half * DW, DW)], sem)

        def chunk_body(ci, carry):
            chunk = cid * nck + ci
            pltpu.sync_copy(zeros_h, acc.at[pl.ds(sid * ROWS_T, ROWS_T)])
            plsc.subcore_barrier()

            dstw_desc(0, 0, sem_d0).start()
            dstw_desc(1, 1, sem_d1).start()
            pltpu.async_copy(xc.at[chunk].at[src_v.at[0]], rows_a, sem_a)

            def window(w, carry):
                half = lax.rem(w, 2)
                hb = half * DW

                @pl.when(half == 0)
                def _():
                    dstw_desc(w, 0, sem_d0).wait()

                @pl.when(half == 1)
                def _():
                    dstw_desc(w, 1, sem_d1).wait()

                for jp in range(DW // 2):
                    eb = DW * w + 2 * jp
                    nxt = eb + 1
                    pltpu.async_copy(xc.at[chunk].at[src_v.at[nxt]], rows_b,
                                     sem_b)
                    pltpu.make_async_copy(xc.at[chunk].at[src_v.at[eb]],
                                          rows_a, sem_a).wait()
                    pltpu.sync_copy(rows_a, acc.at[dstw.at[hb + 2 * jp]],
                                    add=True)

                    nxt2 = eb + 2

                    @pl.when(nxt2 < 2 * NBE)
                    def _():
                        pltpu.async_copy(xc.at[chunk].at[src_v.at[nxt2]],
                                         rows_a, sem_a)

                    pltpu.make_async_copy(xc.at[chunk].at[src_v.at[nxt]],
                                          rows_b, sem_b).wait()
                    pltpu.sync_copy(rows_b, acc.at[dstw.at[hb + 2 * jp + 1]],
                                    add=True)

                nxtw = w + 2

                @pl.when((nxtw < NWIN) & (half == 0))
                def _():
                    dstw_desc(nxtw, 0, sem_d0).start()

                @pl.when((nxtw < NWIN) & (half == 1))
                def _():
                    dstw_desc(nxtw, 1, sem_d1).start()

                return carry

            lax.fori_loop(0, NWIN, window, 0)
            plsc.subcore_barrier()
            pltpu.sync_copy(
                acc.at[pl.ds(sid * ROWS_T, ROWS_T)],
                out.at[chunk, pl.ds(sid * ROWS_T, ROWS_T)],
            )
            plsc.subcore_barrier()
            return carry

        lax.fori_loop(0, nck, chunk_body, 0)

    return prop


_prop16 = _make_prop(16)
_prop4 = _make_prop(4)


def _foldw_body(W1r, L1r, b1r, Lb1r, att1r, W2r, L2r, b2r, Lb2r, linwr,
                w0big, w2big, c04, c24, s0, s1, v0big, v2big, d02, d22,
                linbig):
    z3264 = jnp.zeros((F, HID), jnp.float32)
    z64 = jnp.zeros((HID, HID), jnp.float32)
    eye64 = jnp.eye(HID, dtype=jnp.float32)

    def fold1(g):
        Wp = jnp.dot(W1r[g], L1r[g, :HID, :],
                     preferred_element_type=jnp.float32)
        c = jnp.dot(b1r[g:g + 1, :], L1r[g, :HID, :],
                    preferred_element_type=jnp.float32) + Lb1r[g:g + 1, :]
        return Wp, c

    W0p, c0 = fold1(0)
    W2p, c2 = fold1(2)

    def bigdiag4(Wp):
        cols = []
        for j in range(4):
            blocks = [Wp if i == j else z3264 for i in range(4)]
            cols.append(jnp.concatenate(blocks, axis=0))
        return jnp.concatenate(cols, axis=1)

    w0big[...] = bigdiag4(W0p)
    w2big[...] = bigdiag4(W2p)
    c04[...] = jnp.concatenate([c0] * 4, axis=1)
    c24[...] = jnp.concatenate([c2] * 4, axis=1)

    probs = jax.nn.softmax(att1r[...], axis=-1)
    s0[...] = jnp.concatenate(
        [probs[0:1, p_:p_ + 1] * eye64 for p_ in range(4)], axis=0)
    s1[...] = jnp.concatenate(
        [probs[0:1, 4 + p_:5 + p_] * eye64 for p_ in range(4)], axis=0)

    def fold2(g):
        Wp = jnp.dot(W2r[g], L2r[g, :HID, :],
                     preferred_element_type=jnp.float32)
        c = jnp.dot(b2r[g:g + 1, :], L2r[g, :HID, :],
                    preferred_element_type=jnp.float32) + Lb2r[g:g + 1, :]
        return Wp, c

    V0p, d0 = fold2(0)
    V2p, d2 = fold2(2)
    v0big[...] = jnp.concatenate(
        [jnp.concatenate([V0p, z64], 0), jnp.concatenate([z64, V0p], 0)], 1)
    v2big[...] = jnp.concatenate(
        [jnp.concatenate([V2p, z64], 0), jnp.concatenate([z64, V2p], 0)], 1)
    d02[...] = jnp.concatenate([d0] * 2, axis=1)
    d22[...] = jnp.concatenate([d2] * 2, axis=1)
    zlin = jnp.zeros((HID, 1), jnp.float32)
    lw = linwr[...]
    linbig[...] = jnp.concatenate(
        [jnp.concatenate([lw, zlin], 0), jnp.concatenate([zlin, lw], 0)], 1)


def _fold_weights(W1, L1, b1, Lb1, att1, W2, L2, b2, Lb2, lin_w):
    outs = [
        jax.ShapeDtypeStruct((4 * F, 4 * HID), jnp.float32),
        jax.ShapeDtypeStruct((4 * F, 4 * HID), jnp.float32),
        jax.ShapeDtypeStruct((1, 4 * HID), jnp.float32),
        jax.ShapeDtypeStruct((1, 4 * HID), jnp.float32),
        jax.ShapeDtypeStruct((4 * HID, HID), jnp.float32),
        jax.ShapeDtypeStruct((4 * HID, HID), jnp.float32),
        jax.ShapeDtypeStruct((2 * HID, 2 * HID), jnp.float32),
        jax.ShapeDtypeStruct((2 * HID, 2 * HID), jnp.float32),
        jax.ShapeDtypeStruct((1, 2 * HID), jnp.float32),
        jax.ShapeDtypeStruct((1, 2 * HID), jnp.float32),
        jax.ShapeDtypeStruct((2 * HID, 2), jnp.float32),
    ]
    return pl.pallas_call(_foldw_body, out_shape=outs)(
        W1, L1, b1, Lb1, att1[None], W2, L2, b2, Lb2, lin_w)


def _dinv_of(degr):
    dp = degr[...]
    return lax.rsqrt(1.0 + dp[0, :, 0] + dp[1, :, 0])


def _relayout_body(xr, degr, pmr, out):
    dinv = _dinv_of(degr)
    y = jnp.dot(xr[0], pmr[0], preferred_element_type=jnp.float32)
    out[0] = y * dinv[:, None]


def _relayout(x2, deg2, pm):
    grid = (B, 2, NBLK)
    return pl.pallas_call(
        _relayout_body,
        grid=grid,
        in_specs=[
            pl.BlockSpec((1, NB, F * P), lambda b, h, i: (b, i, 0)),
            pl.BlockSpec((2, NB, 1), lambda b, h, i: (0, i, 0)),
            pl.BlockSpec((1, F * P, CH), lambda b, h, i: (h, 0, 0)),
        ],
        out_specs=pl.BlockSpec((1, NB, CH), lambda b, h, i: (b * 2 + h, i, 0)),
        out_shape=jax.ShapeDtypeStruct((2 * B, N, CH), jnp.float32),
    )(x2, deg2, pm)


def _gates1_body(p1r, xcr, degr, w0r, w2r, c04r, c24r, s0r, s1r, out):
    dinv = _dinv_of(degr)[:, None]
    halves = []
    for b_loc in range(2):
        acc = jnp.zeros((NB, HID), jnp.float32)
        for h in range(2):
            kk = b_loc * 2 + h
            M = dinv * (p1r[kk] + xcr[kk])
            z4 = jax.nn.sigmoid(
                jnp.dot(M, w0r[...], preferred_element_type=jnp.float32)
                + c04r[...])
            t4 = jnp.tanh(
                jnp.dot(M, w2r[...], preferred_element_type=jnp.float32)
                + c24r[...])
            w4 = (1.0 - z4) * t4
            sh = s0r[...] if h == 0 else s1r[...]
            acc = acc + jnp.dot(w4, sh, preferred_element_type=jnp.float32)
        halves.append(jax.nn.relu(acc) * dinv)
    out[0] = jnp.concatenate(halves, axis=1)


def _gates1(p1, xc, deg2, w0big, w2big, c04, c24, s0, s1):
    grid = (4, NBLK)
    return pl.pallas_call(
        _gates1_body,
        grid=grid,
        in_specs=[
            pl.BlockSpec((4, NB, CH), lambda j, i: (j, i, 0)),
            pl.BlockSpec((4, NB, CH), lambda j, i: (j, i, 0)),
            pl.BlockSpec((2, NB, 1), lambda j, i: (0, i, 0)),
            pl.BlockSpec((4 * F, 4 * HID), lambda j, i: (0, 0)),
            pl.BlockSpec((4 * F, 4 * HID), lambda j, i: (0, 0)),
            pl.BlockSpec((1, 4 * HID), lambda j, i: (0, 0)),
            pl.BlockSpec((1, 4 * HID), lambda j, i: (0, 0)),
            pl.BlockSpec((4 * HID, HID), lambda j, i: (0, 0)),
            pl.BlockSpec((4 * HID, HID), lambda j, i: (0, 0)),
        ],
        out_specs=pl.BlockSpec((1, NB, CH), lambda j, i: (j, i, 0)),
        out_shape=jax.ShapeDtypeStruct((4, N, CH), jnp.float32),
    )(p1, xc, deg2, w0big, w2big, c04, c24, s0, s1)


def _final_body(p2r, hsr, degr, v0r, v2r, d02r, d22r, linr, lbr, out):
    dinv = _dinv_of(degr)[:, None]
    G = dinv * (p2r[0] + hsr[0])
    z2 = jax.nn.sigmoid(
        jnp.dot(G, v0r[...], preferred_element_type=jnp.float32) + d02r[...])
    t2 = jnp.tanh(
        jnp.dot(G, v2r[...], preferred_element_type=jnp.float32) + d22r[...])
    h2 = jax.nn.relu((1.0 - z2) * t2)
    out[0] = jnp.dot(h2, linr[...], preferred_element_type=jnp.float32) \
        + lbr[0:1, 0:1]


def _final(p2, hs, deg2, v0big, v2big, d02, d22, linbig, lin_b):
    grid = (4, NBLK)
    return pl.pallas_call(
        _final_body,
        grid=grid,
        in_specs=[
            pl.BlockSpec((1, NB, CH), lambda j, i: (j, i, 0)),
            pl.BlockSpec((1, NB, CH), lambda j, i: (j, i, 0)),
            pl.BlockSpec((2, NB, 1), lambda j, i: (0, i, 0)),
            pl.BlockSpec((2 * HID, 2 * HID), lambda j, i: (0, 0)),
            pl.BlockSpec((2 * HID, 2 * HID), lambda j, i: (0, 0)),
            pl.BlockSpec((1, 2 * HID), lambda j, i: (0, 0)),
            pl.BlockSpec((1, 2 * HID), lambda j, i: (0, 0)),
            pl.BlockSpec((2 * HID, 2), lambda j, i: (0, 0)),
            pl.BlockSpec((1, 1), lambda j, i: (0, 0)),
        ],
        out_specs=pl.BlockSpec((1, NB, 2), lambda j, i: (j, i, 0)),
        out_shape=jax.ShapeDtypeStruct((4, N, 2), jnp.float32),
    )(p2, hs, deg2, v0big, v2big, d02, d22, linbig, lin_b)


def kernel(x, edge_index, W1, b1, L1, Lb1, att1, W2, b2, L2, Lb2, att2,
           lin_w, lin_b):
    x2 = x.reshape(B, N, F * P)
    epad = EPAD - E
    pad_block = jnp.stack([
        jnp.zeros((epad,), jnp.int32),
        jnp.full((epad,), NPAD - 1, jnp.int32),
    ])
    er = jnp.concatenate([edge_index, pad_block],
                         axis=1).reshape(2, 2 * NTILE, NBE, EB)
    ones_h = jnp.ones((EB,), jnp.float32)
    zerod_h = jnp.zeros((ROWS_T,), jnp.float32)
    zeros_h = jnp.zeros((ROWS_T, CH), jnp.float32)

    fi = jnp.arange(F * P) // P
    pi = jnp.arange(F * P) % P
    pm = jnp.stack([
        ((pi[:, None] == (h * 4 + jnp.arange(CH)[None, :] // F))
         & (fi[:, None] == jnp.arange(CH)[None, :] % F)).astype(jnp.float32)
        for h in range(2)
    ])

    (w0big, w2big, c04, c24, s0, s1, v0big, v2big, d02, d22, linbig) = \
        _fold_weights(W1, L1, b1, Lb1, att1, W2, L2, b2, Lb2, lin_w)

    deg_p = _deg_kernel(er, ones_h, zerod_h)
    deg2 = deg_p[:, :, None]
    xc = _relayout(x2, deg2, pm)
    p1 = _prop16(xc, er, zeros_h)
    hs = _gates1(p1, xc, deg2, w0big, w2big, c04, c24, s0, s1)
    p2 = _prop4(hs, er, zeros_h)
    out3 = _final(p2, hs, deg2, v0big, v2big, d02, d22, linbig,
                  lin_b.reshape(1, 1))
    return out3.transpose(0, 2, 1).reshape(B, N)

# --- scband reference (transcript-rebuilt; emitter-appended) ---
"""Pipeline reference for scband-temporal-gnn-81982335746594 (READ-ONLY COPY).

The authoritative reference and input builder live on the scoring server;
editing this copy changes nothing except your own understanding.
"""

import jax, jax.numpy as jnp
import numpy as np

BATCH = 8
N_NODES = 10000
N_EDGES = 160000
IN_FEAT = 32
HID = 64
PERIODS = 8


def setup_inputs(seed: int = 0):
    key = jax.random.key(seed)
    ks = jax.random.split(key, 12)

    def p(k, shape, scale=0.1):
        return jax.random.normal(k, shape, dtype=jnp.float32) * scale

    inp = {}
    inp["x"] = jax.random.normal(ks[0], (BATCH, N_NODES, IN_FEAT, PERIODS), dtype=jnp.float32)
    inp["edge_index"] = jax.random.randint(ks[1], (2, N_EDGES), 0, N_NODES, dtype=jnp.int32)
    # A3TGCN layer 1 (in=32 -> out=64): 3 GCNConv weights/biases (z, r, h gates),
    # 3 gate linears (2*HID -> HID), attention over periods
    inp["W1"] = p(ks[2], (3, IN_FEAT, HID))
    inp["b1"] = jnp.zeros((3, HID), dtype=jnp.float32)
    inp["L1"] = p(ks[3], (3, 2 * HID, HID))
    inp["Lb1"] = jnp.zeros((3, HID), dtype=jnp.float32)
    inp["att1"] = p(ks[4], (PERIODS,), 1.0)
    # A3TGCN layer 2 (in=64 -> out=64)
    inp["W2"] = p(ks[5], (3, HID, HID))
    inp["b2"] = jnp.zeros((3, HID), dtype=jnp.float32)
    inp["L2"] = p(ks[6], (3, 2 * HID, HID))
    inp["Lb2"] = jnp.zeros((3, HID), dtype=jnp.float32)
    inp["att2"] = p(ks[7], (PERIODS,), 1.0)
    # final readout linear 64 -> 1
    inp["lin_w"] = p(ks[8], (HID, 1))
    inp["lin_b"] = jnp.zeros((1,), dtype=jnp.float32)
    return inp


def _gcn_norm(edge_index, n):
    # PyG gcn_norm with add_self_loops=True, edge_weight=1
    src = edge_index[0]
    dst = edge_index[1]
    loop = jnp.arange(n, dtype=src.dtype)
    src_f = jnp.concatenate([src, loop])
    dst_f = jnp.concatenate([dst, loop])
    deg = jnp.zeros((n,), jnp.float32).at[dst_f].add(1.0)
    dinv = jnp.where(deg > 0, jax.lax.rsqrt(deg), 0.0)
    norm = dinv[src_f] * dinv[dst_f]
    return src_f, dst_f, norm


def _gcn_conv(x, W, b, src, dst, norm):
    # x: [B, N, F]; gather along node dim, scatter-add to dst
    xw = jnp.einsum('bnf,fc->bnc', x, W)
    msgs = xw[:, src, :] * norm[None, :, None]
    out = jnp.zeros_like(xw).at[:, dst, :].add(msgs)
    return out + b


def _tgcn_cell(X, H, W, b, L, Lb, src, dst, norm):
    Z = jax.nn.sigmoid(jnp.concatenate([_gcn_conv(X, W[0], b[0], src, dst, norm), H], axis=-1) @ L[0] + Lb[0])
    R = jax.nn.sigmoid(jnp.concatenate([_gcn_conv(X, W[1], b[1], src, dst, norm), H], axis=-1) @ L[1] + Lb[1])
    Ht = jnp.tanh(jnp.concatenate([_gcn_conv(X, W[2], b[2], src, dst, norm), R * H], axis=-1) @ L[2] + Lb[2])
    return Z * H + (1.0 - Z) * Ht


def _a3tgcn(X4, W, b, L, Lb, att, src, dst, norm):
    # X4: [B, N, F, periods]; H is reset to zeros each period (matches A3TGCN2 semantics with H=None)
    probs = jax.nn.softmax(att)
    B, n = X4.shape[0], X4.shape[1]
    H0 = jnp.zeros((B, n, HID), jnp.float32)
    acc = jnp.zeros((B, n, HID), jnp.float32)
    for p_ in range(X4.shape[-1]):
        acc = acc + probs[p_] * _tgcn_cell(X4[..., p_], H0, W, b, L, Lb, src, dst, norm)
    return acc


def reference(x, edge_index, W1, b1, L1, Lb1, att1, W2, b2, L2, Lb2, att2, lin_w, lin_b):
    n = x.shape[1]
    src, dst, norm = _gcn_norm(edge_index, n)
    h = _a3tgcn(x, W1, b1, L1, Lb1, att1, src, dst, norm)
    h = jax.nn.relu(h)
    # second A3TGCN sees a non-temporal hidden state: replicate across periods
    h4 = jnp.broadcast_to(h[..., None], h.shape + (PERIODS,))
    h = _a3tgcn(h4, W2, b2, L2, Lb2, att2, src, dst, norm)
    h = jax.nn.relu(h)
    out = (h @ lin_w + lin_b)[..., 0]
    return out

if __name__ == "__main__":
    import jax
    _d = setup_inputs()
    print(jax.jit(kernel)(*tuple(_d.values())))

</pallas_src>

<mosaic_0001>
#map = affine_map<(d0, d1) -> (0, 0, 0)>
#map1 = affine_map<(d0, d1) -> (0, 0, 0, 0)>
#map2 = affine_map<(d0, d1) -> (0, 0)>
module attributes {stable_mosaic.version = 14 : i64} {
  func.func @prop(%arg0: i32, %arg1: i32, %arg2: memref<4x10000x128xf32, #tpu.memory_space<hbm>>, %arg3: memref<2x32x40x128xi32, #tpu.memory_space<hbm>>, %arg4: memref<640x128xf32, #tpu.memory_space<hbm>>, %arg5: memref<4x10240x128xf32, #tpu.memory_space<hbm>>, %arg6: memref<80x128xi32, #tpu.memory_space<vmem>>, %arg7: memref<16x128xi32, #tpu.memory_space<vmem>>, %arg8: memref<128x128xf32, #tpu.memory_space<vmem>>, %arg9: memref<128x128xf32, #tpu.memory_space<vmem>>, %arg10: memref<10240x128xf32, #tpu.memory_space<vmem_shared>>, %arg11: memref<!tpu.dma_semaphore, #tpu.memory_space<semaphore_mem>>, %arg12: memref<!tpu.dma_semaphore, #tpu.memory_space<semaphore_mem>>, %arg13: memref<!tpu.dma_semaphore, #tpu.memory_space<semaphore_mem>>, %arg14: memref<!tpu.dma_semaphore, #tpu.memory_space<semaphore_mem>>) attributes {dimension_semantics = [#tpu.dimension_semantics<core_parallel>, #tpu.dimension_semantics<subcore_parallel>], iteration_bounds = array<i64: 2, 16>, scalar_prefetch = 0 : i64, scratch_operands = 9 : i64, tpu.core_type = #tpu.core_type<sc_vector_subcore>, window_params = [{transform_indices = #map}, {transform_indices = #map1}, {transform_indices = #map2}, {transform_indices = #map}]} {
    %run_scoped3A = arith.constant 0 : i32
    "tpu.region"() ({
      %run_scoped3A_7 = tpu.sem_alloc : memref<!tpu.dma_semaphore, #tpu.memory_space<semaphore_mem>>
      %dma_start3A = arith.constant 0 : i32
      %dma_start3A_8 = arith.constant 0 : i32
      %dma_start3A_9 = tpu.memref_slice %arg6[%dma_start3A, %dma_start3A_8] : memref<80x128xi32, #tpu.memory_space<vmem>> -> memref<40x128xi32, #tpu.memory_space<vmem>>
      %dma_start3A_10 = arith.constant 0 : i32
      %dma_start3A_11 = arith.constant 0 : i32
      %dma_start3A_12 = tpu.memref_slice %arg3[%run_scoped3A, %arg1, %dma_start3A_10, %dma_start3A_11] : memref<2x32x40x128xi32, #tpu.memory_space<hbm>> -> memref<1x1x40x128xi32, #tpu.memory_space<hbm>>
      %dma_start3A_13 = tpu.memref_squeeze %dma_start3A_12 : memref<1x1x40x128xi32, #tpu.memory_space<hbm>> -> memref<40x128xi32, #tpu.memory_space<hbm>>
      %dma_start3A_14 = arith.constant 0 : i32
      %dma_start3A_15 = arith.constant 0 : i32
      %dma_start3A_16 = tpu.memref_slice %arg6[%dma_start3A_14, %dma_start3A_15] : memref<80x128xi32, #tpu.memory_space<vmem>> -> memref<40x128xi32, #tpu.memory_space<vmem>>
      %dma_start3A_17 = arith.constant 0 : i32
      %dma_start3A_18 = arith.constant 0 : i32
      %dma_start3A_19 = tpu.memref_slice %arg3[%run_scoped3A, %arg1, %dma_start3A_17, %dma_start3A_18] : memref<2x32x40x128xi32, #tpu.memory_space<hbm>> -> memref<1x1x40x128xi32, #tpu.memory_space<hbm>>
      %dma_start3A_20 = tpu.memref_squeeze %dma_start3A_19 : memref<1x1x40x128xi32, #tpu.memory_space<hbm>> -> memref<40x128xi32, #tpu.memory_space<hbm>>
      tpu.enqueue_dma source(%dma_start3A_20 : memref<40x128xi32, #tpu.memory_space<hbm>>) target(%dma_start3A_16 : memref<40x128xi32, #tpu.memory_space<vmem>>) target_semaphore(%run_scoped3A_7 : memref<!tpu.dma_semaphore, #tpu.memory_space<semaphore_mem>>)
      %dma_wait3A = arith.constant 0 : i32
      %dma_wait3A_21 = arith.constant 0 : i32
      %dma_wait3A_22 = tpu.memref_slice %arg6[%dma_wait3A, %dma_wait3A_21] : memref<80x128xi32, #tpu.memory_space<vmem>> -> memref<40x128xi32, #tpu.memory_space<vmem>>
      %dma_wait3A_23 = arith.constant 0 : i32
      %dma_wait3A_24 = arith.constant 0 : i32
      %dma_wait3A_25 = tpu.memref_slice %arg3[%run_scoped3A, %arg1, %dma_wait3A_23, %dma_wait3A_24] : memref<2x32x40x128xi32, #tpu.memory_space<hbm>> -> memref<1x1x40x128xi32, #tpu.memory_space<hbm>>
      %dma_wait3A_26 = tpu.memref_squeeze %dma_wait3A_25 : memref<1x1x40x128xi32, #tpu.memory_space<hbm>> -> memref<40x128xi32, #tpu.memory_space<hbm>>
      %dma_wait3A_27 = arith.constant 0 : i32
      %dma_wait3A_28 = arith.constant 0 : i32
      %dma_wait3A_29 = tpu.memref_slice %arg6[%dma_wait3A_27, %dma_wait3A_28] : memref<80x128xi32, #tpu.memory_space<vmem>> -> memref<40x128xi32, #tpu.memory_space<vmem>>
      %dma_wait3A_30 = arith.constant 0 : i32
      %dma_wait3A_31 = arith.constant 0 : i32
      %dma_wait3A_32 = tpu.memref_slice %arg3[%run_scoped3A, %arg1, %dma_wait3A_30, %dma_wait3A_31] : memref<2x32x40x128xi32, #tpu.memory_space<hbm>> -> memref<1x1x40x128xi32, #tpu.memory_space<hbm>>
      %dma_wait3A_33 = tpu.memref_squeeze %dma_wait3A_32 : memref<1x1x40x128xi32, #tpu.memory_space<hbm>> -> memref<40x128xi32, #tpu.memory_space<hbm>>
      tpu.wait_dma2 semaphore(%run_scoped3A_7 : memref<!tpu.dma_semaphore, #tpu.memory_space<semaphore_mem>>) src(%dma_wait3A_33 : memref<40x128xi32, #tpu.memory_space<hbm>>) dst(%dma_wait3A_29 : memref<40x128xi32, #tpu.memory_space<vmem>>)
      tpu.yield
    }) : () -> ()
    %add3A = arith.constant 16 : i32
    %add3A_0 = arith.addi %arg1, %add3A : i32
    %run_scoped3A_1 = arith.constant 0 : i32
    "tpu.region"() ({
      %run_scoped3A_7 = tpu.sem_alloc : memref<!tpu.dma_semaphore, #tpu.memory_space<semaphore_mem>>
      %dma_start3A = arith.constant 40 : i32
      %dma_start3A_8 = arith.constant 0 : i32
      %dma_start3A_9 = tpu.memref_slice %arg6[%dma_start3A, %dma_start3A_8] : memref<80x128xi32, #tpu.memory_space<vmem>> -> memref<40x128xi32, #tpu.memory_space<vmem>>
      %dma_start3A_10 = arith.constant 0 : i32
      %dma_start3A_11 = arith.constant 0 : i32
      %dma_start3A_12 = tpu.memref_slice %arg3[%run_scoped3A_1, %add3A_0, %dma_start3A_10, %dma_start3A_11] : memref<2x32x40x128xi32, #tpu.memory_space<hbm>> -> memref<1x1x40x128xi32, #tpu.memory_space<hbm>>
      %dma_start3A_13 = tpu.memref_squeeze %dma_start3A_12 : memref<1x1x40x128xi32, #tpu.memory_space<hbm>> -> memref<40x128xi32, #tpu.memory_space<hbm>>
      %dma_start3A_14 = arith.constant 40 : i32
      %dma_start3A_15 = arith.constant 0 : i32
      %dma_start3A_16 = tpu.memref_slice %arg6[%dma_start3A_14, %dma_start3A_15] : memref<80x128xi32, #tpu.memory_space<vmem>> -> memref<40x128xi32, #tpu.memory_space<vmem>>
      %dma_start3A_17 = arith.constant 0 : i32
      %dma_start3A_18 = arith.constant 0 : i32
      %dma_start3A_19 = tpu.memref_slice %arg3[%run_scoped3A_1, %add3A_0, %dma_start3A_17, %dma_start3A_18] : memref<2x32x40x128xi32, #tpu.memory_space<hbm>> -> memref<1x1x40x128xi32, #tpu.memory_space<hbm>>
      %dma_start3A_20 = tpu.memref_squeeze %dma_start3A_19 : memref<1x1x40x128xi32, #tpu.memory_space<hbm>> -> memref<40x128xi32, #tpu.memory_space<hbm>>
      tpu.enqueue_dma source(%dma_start3A_20 : memref<40x128xi32, #tpu.memory_space<hbm>>) target(%dma_start3A_16 : memref<40x128xi32, #tpu.memory_space<vmem>>) target_semaphore(%run_scoped3A_7 : memref<!tpu.dma_semaphore, #tpu.memory_space<semaphore_mem>>)
      %dma_wait3A = arith.constant 40 : i32
      %dma_wait3A_21 = arith.constant 0 : i32
      %dma_wait3A_22 = tpu.memref_slice %arg6[%dma_wait3A, %dma_wait3A_21] : memref<80x128xi32, #tpu.memory_space<vmem>> -> memref<40x128xi32, #tpu.memory_space<vmem>>
      %dma_wait3A_23 = arith.constant 0 : i32
      %dma_wait3A_24 = arith.constant 0 : i32
      %dma_wait3A_25 = tpu.memref_slice %arg3[%run_scoped3A_1, %add3A_0, %dma_wait3A_23, %dma_wait3A_24] : memref<2x32x40x128xi32, #tpu.memory_space<hbm>> -> memref<1x1x40x128xi32, #tpu.memory_space<hbm>>
      %dma_wait3A_26 = tpu.memref_squeeze %dma_wait3A_25 : memref<1x1x40x128xi32, #tpu.memory_space<hbm>> -> memref<40x128xi32, #tpu.memory_space<hbm>>
      %dma_wait3A_27 = arith.constant 40 : i32
      %dma_wait3A_28 = arith.constant 0 : i32
      %dma_wait3A_29 = tpu.memref_slice %arg6[%dma_wait3A_27, %dma_wait3A_28] : memref<80x128xi32, #tpu.memory_space<vmem>> -> memref<40x128xi32, #tpu.memory_space<vmem>>
      %dma_wait3A_30 = arith.constant 0 : i32
      %dma_wait3A_31 = arith.constant 0 : i32
      %dma_wait3A_32 = tpu.memref_slice %arg3[%run_scoped3A_1, %add3A_0, %dma_wait3A_30, %dma_wait3A_31] : memref<2x32x40x128xi32, #tpu.memory_space<hbm>> -> memref<1x1x40x128xi32, #tpu.memory_space<hbm>>
      %dma_wait3A_33 = tpu.memref_squeeze %dma_wait3A_32 : memref<1x1x40x128xi32, #tpu.memory_space<hbm>> -> memref<40x128xi32, #tpu.memory_space<hbm>>
      tpu.wait_dma2 semaphore(%run_scoped3A_7 : memref<!tpu.dma_semaphore, #tpu.memory_space<semaphore_mem>>) src(%dma_wait3A_33 : memref<40x128xi32, #tpu.memory_space<hbm>>) dst(%dma_wait3A_29 : memref<40x128xi32, #tpu.memory_space<vmem>>)
      tpu.yield
    }) : () -> ()
    %scan3A = arith.constant 0 : i32
    %scan3A_2 = arith.constant 0 : i32
    %scan3A_3 = arith.constant 2 : i32
    %scan3A_4 = arith.addi %scan3A_2, %scan3A_3 : i32
    %scan3A_5 = arith.constant 1 : i32
    scf.for %scan3A_7 = %scan3A_2 to %scan3A_4 step %scan3A_5  : i32 {
      %mul3A = arith.constant 2 : i32
      %mul3A_8 = arith.muli %arg0, %mul3A : i32
      %add3A_9 = arith.addi %mul3A_8, %scan3A_7 : i32
      %mul3A_10 = arith.constant 640 : i32
      %mul3A_11 = arith.muli %arg1, %mul3A_10 : i32
      "tpu.region"() ({
        %run_scoped3A_79 = tpu.sem_alloc : memref<!tpu.dma_semaphore, #tpu.memory_space<semaphore_mem>>
        %dma_start3A_80 = arith.constant 0 : i32
        %dma_start3A_81 = tpu.memref_slice %arg10[%mul3A_11, %dma_start3A_80] : memref<10240x128xf32, #tpu.memory_space<vmem_shared>> -> memref<640x128xf32, #tpu.memory_space<vmem_shared>>
        tpu.enqueue_dma source(%arg4 : memref<640x128xf32, #tpu.memory_space<hbm>>) target(%dma_start3A_81 : memref<640x128xf32, #tpu.memory_space<vmem_shared>>) target_semaphore(%run_scoped3A_79 : memref<!tpu.dma_semaphore, #tpu.memory_space<semaphore_mem>>)
        %dma_wait3A = arith.constant 0 : i32
        %dma_wait3A_82 = tpu.memref_slice %arg10[%mul3A_11, %dma_wait3A] : memref<10240x128xf32, #tpu.memory_space<vmem_shared>> -> memref<640x128xf32, #tpu.memory_space<vmem_shared>>
        tpu.wait_dma2 semaphore(%run_scoped3A_79 : memref<!tpu.dma_semaphore, #tpu.memory_space<semaphore_mem>>) src(%arg4 : memref<640x128xf32, #tpu.memory_space<hbm>>) dst(%dma_wait3A_82 : memref<640x128xf32, #tpu.memory_space<vmem_shared>>)
        tpu.yield
      }) : () -> ()
      %barrier3A = arith.constant 0 : index
      tpu.barrier barrier_id(%barrier3A)
      %jit3A = arith.constant false
      %jit3A_12 = arith.constant 16 : i32
      %jit3A_13 = arith.constant 0 : i32
      %select_n3A = arith.select %jit3A, %jit3A_12, %jit3A_13 : i32
      %add3A_14 = arith.addi %arg1, %select_n3A : i32
      %jit3A_15 = arith.constant false
      %jit3A_16 = arith.constant 40 : i32
      %jit3A_17 = arith.constant 0 : i32
      %select_n3A_18 = arith.select %jit3A_15, %jit3A_16, %jit3A_17 : i32
      %sub3A = arith.constant 0 : i32
      %sub3A_19 = arith.subi %sub3A, %select_n3A_18 : i32
      %dma_start3A = arith.constant 1 : i32
      %dma_start3A_20 = arith.constant 0 : i32
      %dma_start3A_21 = arith.constant 0 : i32
      %dma_start3A_22 = tpu.memref_slice %arg7[%dma_start3A_20, %dma_start3A_21] : memref<16x128xi32, #tpu.memory_space<vmem>> -> memref<8x128xi32, #tpu.memory_space<vmem>>
      %dma_start3A_23 = arith.constant 0 : i32
      %dma_start3A_24 = tpu.memref_slice %arg3[%dma_start3A, %add3A_14, %sub3A_19, %dma_start3A_23] : memref<2x32x40x128xi32, #tpu.memory_space<hbm>> -> memref<1x1x8x128xi32, #tpu.memory_space<hbm>>
      %dma_start3A_25 = tpu.memref_squeeze %dma_start3A_24 : memref<1x1x8x128xi32, #tpu.memory_space<hbm>> -> memref<8x128xi32, #tpu.memory_space<hbm>>
      %dma_start3A_26 = arith.constant 0 : i32
      %dma_start3A_27 = arith.constant 0 : i32
      %dma_start3A_28 = tpu.memref_slice %arg7[%dma_start3A_26, %dma_start3A_27] : memref<16x128xi32, #tpu.memory_space<vmem>> -> memref<8x128xi32, #tpu.memory_space<vmem>>
      %dma_start3A_29 = arith.constant 0 : i32
      %dma_start3A_30 = tpu.memref_slice %arg3[%dma_start3A, %add3A_14, %sub3A_19, %dma_start3A_29] : memref<2x32x40x128xi32, #tpu.memory_space<hbm>> -> memref<1x1x8x128xi32, #tpu.memory_space<hbm>>
      %dma_start3A_31 = tpu.memref_squeeze %dma_start3A_30 : memref<1x1x8x128xi32, #tpu.memory_space<hbm>> -> memref<8x128xi32, #tpu.memory_space<hbm>>
      tpu.enqueue_dma source(%dma_start3A_31 : memref<8x128xi32, #tpu.memory_space<hbm>>) target(%dma_start3A_28 : memref<8x128xi32, #tpu.memory_space<vmem>>) target_semaphore(%arg13 : memref<!tpu.dma_semaphore, #tpu.memory_space<semaphore_mem>>)
      %jit3A_32 = arith.constant false
      %jit3A_33 = arith.constant 16 : i32
      %jit3A_34 = arith.constant 0 : i32
      %select_n3A_35 = arith.select %jit3A_32, %jit3A_33, %jit3A_34 : i32
      %add3A_36 = arith.addi %arg1, %select_n3A_35 : i32
      %jit3A_37 = arith.constant false
      %jit3A_38 = arith.constant 40 : i32
      %jit3A_39 = arith.constant 0 : i32
      %select_n3A_40 = arith.select %jit3A_37, %jit3A_38, %jit3A_39 : i32
      %sub3A_41 = arith.constant 8 : i32
      %sub3A_42 = arith.subi %sub3A_41, %select_n3A_40 : i32
      %dma_start3A_43 = arith.constant 1 : i32
      %dma_start3A_44 = arith.constant 8 : i32
      %dma_start3A_45 = arith.constant 0 : i32
      %dma_start3A_46 = tpu.memref_slice %arg7[%dma_start3A_44, %dma_start3A_45] : memref<16x128xi32, #tpu.memory_space<vmem>> -> memref<8x128xi32, #tpu.memory_space<vmem>>
      %dma_start3A_47 = arith.constant 0 : i32
      %dma_start3A_48 = tpu.memref_slice %arg3[%dma_start3A_43, %add3A_36, %sub3A_42, %dma_start3A_47] : memref<2x32x40x128xi32, #tpu.memory_space<hbm>> -> memref<1x1x8x128xi32, #tpu.memory_space<hbm>>
      %dma_start3A_49 = tpu.memref_squeeze %dma_start3A_48 : memref<1x1x8x128xi32, #tpu.memory_space<hbm>> -> memref<8x128xi32, #tpu.memory_space<hbm>>
      %dma_start3A_50 = arith.constant 8 : i32
      %dma_start3A_51 = arith.constant 0 : i32
      %dma_start3A_52 = tpu.memref_slice %arg7[%dma_start3A_50, %dma_start3A_51] : memref<16x128xi32, #tpu.memory_space<vmem>> -> memref<8x128xi32, #tpu.memory_space<vmem>>
      %dma_start3A_53 = arith.constant 0 : i32
      %dma_start3A_54 = tpu.memref_slice %arg3[%dma_start3A_43, %add3A_36, %sub3A_42, %dma_start3A_53] : memref<2x32x40x128xi32, #tpu.memory_space<hbm>> -> memref<1x1x8x128xi32, #tpu.memory_space<hbm>>
      %dma_start3A_55 = tpu.memref_squeeze %dma_start3A_54 : memref<1x1x8x128xi32, #tpu.memory_space<hbm>> -> memref<8x128xi32, #tpu.memory_space<hbm>>
      tpu.enqueue_dma source(%dma_start3A_55 : memref<8x128xi32, #tpu.memory_space<hbm>>) target(%dma_start3A_52 : memref<8x128xi32, #tpu.memory_space<vmem>>) target_semaphore(%arg14 : memref<!tpu.dma_semaphore, #tpu.memory_space<semaphore_mem>>)
      %dma_start3A_56 = arith.constant 0 : i32
      %dma_start3A_57 = arith.constant 0 : i32
      %dma_start3A_58 = tpu.memref_slice %arg6[%dma_start3A_56, %dma_start3A_57] : memref<80x128xi32, #tpu.memory_space<vmem>> -> memref<1x128xi32, #tpu.memory_space<vmem>>
      %dma_start3A_59 = tpu.memref_squeeze %dma_start3A_58 : memref<1x128xi32, #tpu.memory_space<vmem>> -> memref<128xi32, #tpu.memory_space<vmem>>
      %dma_start3A_60 = arith.constant 0 : i32
      %dma_start3A_61 = arith.constant 0 : i32
      %dma_start3A_62 = tpu.memref_slice %arg2[%add3A_9, %dma_start3A_60, %dma_start3A_61] : memref<4x10000x128xf32, #tpu.memory_space<hbm>> -> memref<1x10000x128xf32, #tpu.memory_space<hbm>>
      %dma_start3A_63 = tpu.memref_squeeze %dma_start3A_62 : memref<1x10000x128xf32, #tpu.memory_space<hbm>> -> memref<10000x128xf32, #tpu.memory_space<hbm>>
      %dma_start3A_64 = arith.constant 0 : i32
      %dma_start3A_65 = arith.constant 0 : i32
      %dma_start3A_66 = tpu.memref_slice %dma_start3A_63[%dma_start3A_64, %dma_start3A_65] : memref<10000x128xf32, #tpu.memory_space<hbm>> -> memref<10000x128xf32, #tpu.memory_space<hbm>>
      tpu.enqueue_indirect_dma source(%dma_start3A_66 : memref<10000x128xf32, #tpu.memory_space<hbm>>) target(%arg8 : memref<128x128xf32, #tpu.memory_space<vmem>>) offsets(%dma_start3A_59 : memref<128xi32, #tpu.memory_space<vmem>>) semaphore(%arg11 : memref<!tpu.dma_semaphore, #tpu.memory_space<semaphore_mem>>)
      %scan3A_67 = arith.constant 0 : i32
      %scan3A_68 = arith.constant 0 : i32
      %scan3A_69 = arith.constant 10 : i32
      %scan3A_70 = arith.addi %scan3A_68, %scan3A_69 : i32
      %scan3A_71 = arith.constant 1 : i32
      scf.for %scan3A_79 = %scan3A_68 to %scan3A_70 step %scan3A_71  : i32 {
        %rem3A = arith.constant 2 : i32
        %rem3A_80 = arith.remsi %scan3A_79, %rem3A : i32
        %mul3A_81 = arith.constant 8 : i32
        %mul3A_82 = arith.muli %rem3A_80, %mul3A_81 : i32
        %eq3A = arith.constant 0 : i32
        %eq3A_83 = arith.cmpi eq, %rem3A_80, %eq3A : i32
        %convert_element_type3A = arith.extui %eq3A_83 : i1 to i32
        %cond3A = arith.constant 0 : i32
        %cond3A_84 = arith.cmpi ne, %convert_element_type3A, %cond3A : i32
        scf.if %cond3A_84 {
          %ge3A = arith.constant 5 : i32
          %ge3A_301 = arith.cmpi sge, %scan3A_79, %ge3A : i32
          %jit3A_302 = arith.constant 16 : i32
          %jit3A_303 = arith.constant 0 : i32
          %select_n3A_304 = arith.select %ge3A_301, %jit3A_302, %jit3A_303 : i32
          %add3A_305 = arith.addi %arg1, %select_n3A_304 : i32
          %mul3A_306 = arith.constant 8 : i32
          %mul3A_307 = arith.muli %mul3A_306, %scan3A_79 : i32
          %ge3A_308 = arith.constant 5 : i32
          %ge3A_309 = arith.cmpi sge, %scan3A_79, %ge3A_308 : i32
          %jit3A_310 = arith.constant 40 : i32
          %jit3A_311 = arith.constant 0 : i32
          %select_n3A_312 = arith.select %ge3A_309, %jit3A_310, %jit3A_311 : i32
          %sub3A_313 = arith.subi %mul3A_307, %select_n3A_312 : i32
          %dma_wait3A_314 = arith.constant 1 : i32
          %dma_wait3A_315 = arith.constant 0 : i32
          %dma_wait3A_316 = arith.constant 0 : i32
          %dma_wait3A_317 = tpu.memref_slice %arg7[%dma_wait3A_315, %dma_wait3A_316] : memref<16x128xi32, #tpu.memory_space<vmem>> -> memref<8x128xi32, #tpu.memory_space<vmem>>
          %dma_wait3A_318 = arith.constant 0 : i32
          %dma_wait3A_319 = tpu.memref_slice %arg3[%dma_wait3A_314, %add3A_305, %sub3A_313, %dma_wait3A_318] : memref<2x32x40x128xi32, #tpu.memory_space<hbm>> -> memref<1x1x8x128xi32, #tpu.memory_space<hbm>>
          %dma_wait3A_320 = tpu.memref_squeeze %dma_wait3A_319 : memref<1x1x8x128xi32, #tpu.memory_space<hbm>> -> memref<8x128xi32, #tpu.memory_space<hbm>>
          %dma_wait3A_321 = arith.constant 0 : i32
          %dma_wait3A_322 = arith.constant 0 : i32
          %dma_wait3A_323 = tpu.memref_slice %arg7[%dma_wait3A_321, %dma_wait3A_322] : memref<16x128xi32, #tpu.memory_space<vmem>> -> memref<8x128xi32, #tpu.memory_space<vmem>>
          %dma_wait3A_324 = arith.constant 0 : i32
          %dma_wait3A_325 = tpu.memref_slice %arg3[%dma_wait3A_314, %add3A_305, %sub3A_313, %dma_wait3A_324] : memref<2x32x40x128xi32, #tpu.memory_space<hbm>> -> memref<1x1x8x128xi32, #tpu.memory_space<hbm>>
          %dma_wait3A_326 = tpu.memref_squeeze %dma_wait3A_325 : memref<1x1x8x128xi32, #tpu.memory_space<hbm>> -> memref<8x128xi32, #tpu.memory_space<hbm>>
          tpu.wait_dma2 semaphore(%arg13 : memref<!tpu.dma_semaphore, #tpu.memory_space<semaphore_mem>>) src(%dma_wait3A_326 : memref<8x128xi32, #tpu.memory_space<hbm>>) dst(%dma_wait3A_323 : memref<8x128xi32, #tpu.memory_space<vmem>>)
        } else {
        }
        %eq3A_85 = arith.constant 1 : i32
        %eq3A_86 = arith.cmpi eq, %rem3A_80, %eq3A_85 : i32
        %convert_element_type3A_87 = arith.extui %eq3A_86 : i1 to i32
        %cond3A_88 = arith.constant 0 : i32
        %cond3A_89 = arith.cmpi ne, %convert_element_type3A_87, %cond3A_88 : i32
        scf.if %cond3A_89 {
          %ge3A = arith.constant 5 : i32
          %ge3A_301 = arith.cmpi sge, %scan3A_79, %ge3A : i32
          %jit3A_302 = arith.constant 16 : i32
          %jit3A_303 = arith.constant 0 : i32
          %select_n3A_304 = arith.select %ge3A_301, %jit3A_302, %jit3A_303 : i32
          %add3A_305 = arith.addi %arg1, %select_n3A_304 : i32
          %mul3A_306 = arith.constant 8 : i32
          %mul3A_307 = arith.muli %mul3A_306, %scan3A_79 : i32
          %ge3A_308 = arith.constant 5 : i32
          %ge3A_309 = arith.cmpi sge, %scan3A_79, %ge3A_308 : i32
          %jit3A_310 = arith.constant 40 : i32
          %jit3A_311 = arith.constant 0 : i32
          %select_n3A_312 = arith.select %ge3A_309, %jit3A_310, %jit3A_311 : i32
          %sub3A_313 = arith.subi %mul3A_307, %select_n3A_312 : i32
          %dma_wait3A_314 = arith.constant 1 : i32
          %dma_wait3A_315 = arith.constant 8 : i32
          %dma_wait3A_316 = arith.constant 0 : i32
          %dma_wait3A_317 = tpu.memref_slice %arg7[%dma_wait3A_315, %dma_wait3A_316] : memref<16x128xi32, #tpu.memory_space<vmem>> -> memref<8x128xi32, #tpu.memory_space<vmem>>
          %dma_wait3A_318 = arith.constant 0 : i32
          %dma_wait3A_319 = tpu.memref_slice %arg3[%dma_wait3A_314, %add3A_305, %sub3A_313, %dma_wait3A_318] : memref<2x32x40x128xi32, #tpu.memory_space<hbm>> -> memref<1x1x8x128xi32, #tpu.memory_space<hbm>>
          %dma_wait3A_320 = tpu.memref_squeeze %dma_wait3A_319 : memref<1x1x8x128xi32, #tpu.memory_space<hbm>> -> memref<8x128xi32, #tpu.memory_space<hbm>>
          %dma_wait3A_321 = arith.constant 8 : i32
          %dma_wait3A_322 = arith.constant 0 : i32
          %dma_wait3A_323 = tpu.memref_slice %arg7[%dma_wait3A_321, %dma_wait3A_322] : memref<16x128xi32, #tpu.memory_space<vmem>> -> memref<8x128xi32, #tpu.memory_space<vmem>>
          %dma_wait3A_324 = arith.constant 0 : i32
          %dma_wait3A_325 = tpu.memref_slice %arg3[%dma_wait3A_314, %add3A_305, %sub3A_313, %dma_wait3A_324] : memref<2x32x40x128xi32, #tpu.memory_space<hbm>> -> memref<1x1x8x128xi32, #tpu.memory_space<hbm>>
          %dma_wait3A_326 = tpu.memref_squeeze %dma_wait3A_325 : memref<1x1x8x128xi32, #tpu.memory_space<hbm>> -> memref<8x128xi32, #tpu.memory_space<hbm>>
          tpu.wait_dma2 semaphore(%arg14 : memref<!tpu.dma_semaphore, #tpu.memory_space<semaphore_mem>>) src(%dma_wait3A_326 : memref<8x128xi32, #tpu.memory_space<hbm>>) dst(%dma_wait3A_323 : memref<8x128xi32, #tpu.memory_space<vmem>>)
        } else {
        }
        %mul3A_90 = arith.constant 8 : i32
        %mul3A_91 = arith.muli %mul3A_90, %scan3A_79 : i32
        %add3A_92 = arith.constant 0 : i32
        %add3A_93 = arith.addi %mul3A_91, %add3A_92 : i32
        %add3A_94 = arith.constant 1 : i32
        %add3A_95 = arith.addi %add3A_93, %add3A_94 : i32
        %dma_start3A_96 = arith.constant 0 : i32
        %dma_start3A_97 = tpu.memref_slice %arg6[%add3A_95, %dma_start3A_96] : memref<80x128xi32, #tpu.memory_space<vmem>> -> memref<1x128xi32, #tpu.memory_space<vmem>>
        %dma_start3A_98 = tpu.memref_squeeze %dma_start3A_97 : memref<1x128xi32, #tpu.memory_space<vmem>> -> memref<128xi32, #tpu.memory_space<vmem>>
        %dma_start3A_99 = arith.constant 0 : i32
        %dma_start3A_100 = arith.constant 0 : i32
        %dma_start3A_101 = tpu.memref_slice %arg2[%add3A_9, %dma_start3A_99, %dma_start3A_100] : memref<4x10000x128xf32, #tpu.memory_space<hbm>> -> memref<1x10000x128xf32, #tpu.memory_space<hbm>>
        %dma_start3A_102 = tpu.memref_squeeze %dma_start3A_101 : memref<1x10000x128xf32, #tpu.memory_space<hbm>> -> memref<10000x128xf32, #tpu.memory_space<hbm>>
        %dma_start3A_103 = arith.constant 0 : i32
        %dma_start3A_104 = arith.constant 0 : i32
        %dma_start3A_105 = tpu.memref_slice %dma_start3A_102[%dma_start3A_103, %dma_start3A_104] : memref<10000x128xf32, #tpu.memory_space<hbm>> -> memref<10000x128xf32, #tpu.memory_space<hbm>>
        tpu.enqueue_indirect_dma source(%dma_start3A_105 : memref<10000x128xf32, #tpu.memory_space<hbm>>) target(%arg9 : memref<128x128xf32, #tpu.memory_space<vmem>>) offsets(%dma_start3A_98 : memref<128xi32, #tpu.memory_space<vmem>>) semaphore(%arg12 : memref<!tpu.dma_semaphore, #tpu.memory_space<semaphore_mem>>)
        %dma_wait3A = arith.constant 0 : i32
        %dma_wait3A_106 = tpu.memref_slice %arg6[%add3A_93, %dma_wait3A] : memref<80x128xi32, #tpu.memory_space<vmem>> -> memref<1x128xi32, #tpu.memory_space<vmem>>
        %dma_wait3A_107 = tpu.memref_squeeze %dma_wait3A_106 : memref<1x128xi32, #tpu.memory_space<vmem>> -> memref<128xi32, #tpu.memory_space<vmem>>
        %dma_wait3A_108 = arith.constant 0 : i32
        %dma_wait3A_109 = arith.constant 0 : i32
        %dma_wait3A_110 = tpu.memref_slice %arg2[%add3A_9, %dma_wait3A_108, %dma_wait3A_109] : memref<4x10000x128xf32, #tpu.memory_space<hbm>> -> memref<1x10000x128xf32, #tpu.memory_space<hbm>>
        %dma_wait3A_111 = tpu.memref_squeeze %dma_wait3A_110 : memref<1x10000x128xf32, #tpu.memory_space<hbm>> -> memref<10000x128xf32, #tpu.memory_space<hbm>>
        %dma_wait3A_112 = arith.constant 0 : i32
        %dma_wait3A_113 = arith.constant 0 : i32
        %dma_wait3A_114 = tpu.memref_slice %dma_wait3A_111[%dma_wait3A_112, %dma_wait3A_113] : memref<10000x128xf32, #tpu.memory_space<hbm>> -> memref<10000x128xf32, #tpu.memory_space<hbm>>
        tpu.wait_indirect_dma semaphore(%arg11 : memref<!tpu.dma_semaphore, #tpu.memory_space<semaphore_mem>>) src(%dma_wait3A_114 : memref<10000x128xf32, #tpu.memory_space<hbm>>) dst(%arg8 : memref<128x128xf32, #tpu.memory_space<vmem>>)
        %add3A_115 = arith.constant 0 : i32
        %add3A_116 = arith.addi %mul3A_82, %add3A_115 : i32
        "tpu.region"() ({
          %run_scoped3A_301 = tpu.sem_alloc : memref<!tpu.dma_semaphore, #tpu.memory_space<semaphore_mem>>
          %dma_start3A_302 = arith.constant 0 : i32
          %dma_start3A_303 = tpu.memref_slice %arg7[%add3A_116, %dma_start3A_302] : memref<16x128xi32, #tpu.memory_space<vmem>> -> memref<1x128xi32, #tpu.memory_space<vmem>>
          %dma_start3A_304 = tpu.memref_squeeze %dma_start3A_303 : memref<1x128xi32, #tpu.memory_space<vmem>> -> memref<128xi32, #tpu.memory_space<vmem>>
          %dma_start3A_305 = arith.constant 0 : i32
          %dma_start3A_306 = arith.constant 0 : i32
          %dma_start3A_307 = tpu.memref_slice %arg10[%dma_start3A_305, %dma_start3A_306] : memref<10240x128xf32, #tpu.memory_space<vmem_shared>> -> memref<10240x128xf32, #tpu.memory_space<vmem_shared>>
          tpu.enqueue_indirect_dma source(%arg8 : memref<128x128xf32, #tpu.memory_space<vmem>>) target(%dma_start3A_307 : memref<10240x128xf32, #tpu.memory_space<vmem_shared>>) offsets(%dma_start3A_304 : memref<128xi32, #tpu.memory_space<vmem>>) semaphore(%run_scoped3A_301 : memref<!tpu.dma_semaphore, #tpu.memory_space<semaphore_mem>>) {add = true}
          %dma_wait3A_308 = arith.constant 0 : i32
          %dma_wait3A_309 = tpu.memref_slice %arg7[%add3A_116, %dma_wait3A_308] : memref<16x128xi32, #tpu.memory_space<vmem>> -> memref<1x128xi32, #tpu.memory_space<vmem>>
          %dma_wait3A_310 = tpu.memref_squeeze %dma_wait3A_309 : memref<1x128xi32, #tpu.memory_space<vmem>> -> memref<128xi32, #tpu.memory_space<vmem>>
          %dma_wait3A_311 = arith.constant 0 : i32
          %dma_wait3A_312 = arith.constant 0 : i32
          %dma_wait3A_313 = tpu.memref_slice %arg10[%dma_wait3A_311, %dma_wait3A_312] : memref<10240x128xf32, #tpu.memory_space<vmem_shared>> -> memref<10240x128xf32, #tpu.memory_space<vmem_shared>>
          tpu.wait_indirect_dma semaphore(%run_scoped3A_301 : memref<!tpu.dma_semaphore, #tpu.memory_space<semaphore_mem>>) src(%arg8 : memref<128x128xf32, #tpu.memory_space<vmem>>) dst(%dma_wait3A_313 : memref<10240x128xf32, #tpu.memory_space<vmem_shared>>)
          tpu.yield
        }) : () -> ()
        %add3A_117 = arith.constant 2 : i32
        %add3A_118 = arith.addi %add3A_93, %add3A_117 : i32
        %lt3A = arith.constant 80 : i32
        %lt3A_119 = arith.cmpi slt, %add3A_118, %lt3A : i32
        %convert_element_type3A_120 = arith.extui %lt3A_119 : i1 to i32
        %cond3A_121 = arith.constant 0 : i32
        %cond3A_122 = arith.cmpi ne, %convert_element_type3A_120, %cond3A_121 : i32
        scf.if %cond3A_122 {
          %dma_start3A_301 = arith.constant 0 : i32
          %dma_start3A_302 = tpu.memref_slice %arg6[%add3A_118, %dma_start3A_301] : memref<80x128xi32, #tpu.memory_space<vmem>> -> memref<1x128xi32, #tpu.memory_space<vmem>>
          %dma_start3A_303 = tpu.memref_squeeze %dma_start3A_302 : memref<1x128xi32, #tpu.memory_space<vmem>> -> memref<128xi32, #tpu.memory_space<vmem>>
          %dma_start3A_304 = arith.constant 0 : i32
          %dma_start3A_305 = arith.constant 0 : i32
          %dma_start3A_306 = tpu.memref_slice %arg2[%add3A_9, %dma_start3A_304, %dma_start3A_305] : memref<4x10000x128xf32, #tpu.memory_space<hbm>> -> memref<1x10000x128xf32, #tpu.memory_space<hbm>>
          %dma_start3A_307 = tpu.memref_squeeze %dma_start3A_306 : memref<1x10000x128xf32, #tpu.memory_space<hbm>> -> memref<10000x128xf32, #tpu.memory_space<hbm>>
          %dma_start3A_308 = arith.constant 0 : i32
          %dma_start3A_309 = arith.constant 0 : i32
          %dma_start3A_310 = tpu.memref_slice %dma_start3A_307[%dma_start3A_308, %dma_start3A_309] : memref<10000x128xf32, #tpu.memory_space<hbm>> -> memref<10000x128xf32, #tpu.memory_space<hbm>>
          tpu.enqueue_indirect_dma source(%dma_start3A_310 : memref<10000x128xf32, #tpu.memory_space<hbm>>) target(%arg8 : memref<128x128xf32, #tpu.memory_space<vmem>>) offsets(%dma_start3A_303 : memref<128xi32, #tpu.memory_space<vmem>>) semaphore(%arg11 : memref<!tpu.dma_semaphore, #tpu.memory_space<semaphore_mem>>)
        } else {
        }
        %dma_wait3A_123 = arith.constant 0 : i32
        %dma_wait3A_124 = tpu.memref_slice %arg6[%add3A_95, %dma_wait3A_123] : memref<80x128xi32, #tpu.memory_space<vmem>> -> memref<1x128xi32, #tpu.memory_space<vmem>>
        %dma_wait3A_125 = tpu.memref_squeeze %dma_wait3A_124 : memref<1x128xi32, #tpu.memory_space<vmem>> -> memref<128xi32, #tpu.memory_space<vmem>>
        %dma_wait3A_126 = arith.constant 0 : i32
        %dma_wait3A_127 = arith.constant 0 : i32
        %dma_wait3A_128 = tpu.memref_slice %arg2[%add3A_9, %dma_wait3A_126, %dma_wait3A_127] : memref<4x10000x128xf32, #tpu.memory_space<hbm>> -> memref<1x10000x128xf32, #tpu.memory_space<hbm>>
        %dma_wait3A_129 = tpu.memref_squeeze %dma_wait3A_128 : memref<1x10000x128xf32, #tpu.memory_space<hbm>> -> memref<10000x128xf32, #tpu.memory_space<hbm>>
        %dma_wait3A_130 = arith.constant 0 : i32
        %dma_wait3A_131 = arith.constant 0 : i32
        %dma_wait3A_132 = tpu.memref_slice %dma_wait3A_129[%dma_wait3A_130, %dma_wait3A_131] : memref<10000x128xf32, #tpu.memory_space<hbm>> -> memref<10000x128xf32, #tpu.memory_space<hbm>>
        tpu.wait_indirect_dma semaphore(%arg12 : memref<!tpu.dma_semaphore, #tpu.memory_space<semaphore_mem>>) src(%dma_wait3A_132 : memref<10000x128xf32, #tpu.memory_space<hbm>>) dst(%arg9 : memref<128x128xf32, #tpu.memory_space<vmem>>)
        %add3A_133 = arith.constant 0 : i32
        %add3A_134 = arith.addi %mul3A_82, %add3A_133 : i32
        %add3A_135 = arith.constant 1 : i32
        %add3A_136 = arith.addi %add3A_134, %add3A_135 : i32
        "tpu.region"() ({
          %run_scoped3A_301 = tpu.sem_alloc : memref<!tpu.dma_semaphore, #tpu.memory_space<semaphore_mem>>
          %dma_start3A_302 = arith.constant 0 : i32
          %dma_start3A_303 = tpu.memref_slice %arg7[%add3A_136, %dma_start3A_302] : memref<16x128xi32, #tpu.memory_space<vmem>> -> memref<1x128xi32, #tpu.memory_space<vmem>>
          %dma_start3A_304 = tpu.memref_squeeze %dma_start3A_303 : memref<1x128xi32, #tpu.memory_space<vmem>> -> memref<128xi32, #tpu.memory_space<vmem>>
          %dma_start3A_305 = arith.constant 0 : i32
          %dma_start3A_306 = arith.constant 0 : i32
          %dma_start3A_307 = tpu.memref_slice %arg10[%dma_start3A_305, %dma_start3A_306] : memref<10240x128xf32, #tpu.memory_space<vmem_shared>> -> memref<10240x128xf32, #tpu.memory_space<vmem_shared>>
          tpu.enqueue_indirect_dma source(%arg9 : memref<128x128xf32, #tpu.memory_space<vmem>>) target(%dma_start3A_307 : memref<10240x128xf32, #tpu.memory_space<vmem_shared>>) offsets(%dma_start3A_304 : memref<128xi32, #tpu.memory_space<vmem>>) semaphore(%run_scoped3A_301 : memref<!tpu.dma_semaphore, #tpu.memory_space<semaphore_mem>>) {add = true}
          %dma_wait3A_308 = arith.constant 0 : i32
          %dma_wait3A_309 = tpu.memref_slice %arg7[%add3A_136, %dma_wait3A_308] : memref<16x128xi32, #tpu.memory_space<vmem>> -> memref<1x128xi32, #tpu.memory_space<vmem>>
          %dma_wait3A_310 = tpu.memref_squeeze %dma_wait3A_309 : memref<1x128xi32, #tpu.memory_space<vmem>> -> memref<128xi32, #tpu.memory_space<vmem>>
          %dma_wait3A_311 = arith.constant 0 : i32
          %dma_wait3A_312 = arith.constant 0 : i32
          %dma_wait3A_313 = tpu.memref_slice %arg10[%dma_wait3A_311, %dma_wait3A_312] : memref<10240x128xf32, #tpu.memory_space<vmem_shared>> -> memref<10240x128xf32, #tpu.memory_space<vmem_shared>>
          tpu.wait_indirect_dma semaphore(%run_scoped3A_301 : memref<!tpu.dma_semaphore, #tpu.memory_space<semaphore_mem>>) src(%arg9 : memref<128x128xf32, #tpu.memory_space<vmem>>) dst(%dma_wait3A_313 : memref<10240x128xf32, #tpu.memory_space<vmem_shared>>)
          tpu.yield
        }) : () -> ()
        %mul3A_137 = arith.constant 8 : i32
        %mul3A_138 = arith.muli %mul3A_137, %scan3A_79 : i32
        %add3A_139 = arith.constant 2 : i32
        %add3A_140 = arith.addi %mul3A_138, %add3A_139 : i32
        %add3A_141 = arith.constant 1 : i32
        %add3A_142 = arith.addi %add3A_140, %add3A_141 : i32
        %dma_start3A_143 = arith.constant 0 : i32
        %dma_start3A_144 = tpu.memref_slice %arg6[%add3A_142, %dma_start3A_143] : memref<80x128xi32, #tpu.memory_space<vmem>> -> memref<1x128xi32, #tpu.memory_space<vmem>>
        %dma_start3A_145 = tpu.memref_squeeze %dma_start3A_144 : memref<1x128xi32, #tpu.memory_space<vmem>> -> memref<128xi32, #tpu.memory_space<vmem>>
        %dma_start3A_146 = arith.constant 0 : i32
        %dma_start3A_147 = arith.constant 0 : i32
        %dma_start3A_148 = tpu.memref_slice %arg2[%add3A_9, %dma_start3A_146, %dma_start3A_147] : memref<4x10000x128xf32, #tpu.memory_space<hbm>> -> memref<1x10000x128xf32, #tpu.memory_space<hbm>>
        %dma_start3A_149 = tpu.memref_squeeze %dma_start3A_148 : memref<1x10000x128xf32, #tpu.memory_space<hbm>> -> memref<10000x128xf32, #tpu.memory_space<hbm>>
        %dma_start3A_150 = arith.constant 0 : i32
        %dma_start3A_151 = arith.constant 0 : i32
        %dma_start3A_152 = tpu.memref_slice %dma_start3A_149[%dma_start3A_150, %dma_start3A_151] : memref<10000x128xf32, #tpu.memory_space<hbm>> -> memref<10000x128xf32, #tpu.memory_space<hbm>>
        tpu.enqueue_indirect_dma source(%dma_start3A_152 : memref<10000x128xf32, #tpu.memory_space<hbm>>) target(%arg9 : memref<128x128xf32, #tpu.memory_space<vmem>>) offsets(%dma_start3A_145 : memref<128xi32, #tpu.memory_space<vmem>>) semaphore(%arg12 : memref<!tpu.dma_semaphore, #tpu.memory_space<semaphore_mem>>)
        %dma_wait3A_153 = arith.constant 0 : i32
        %dma_wait3A_154 = tpu.memref_slice %arg6[%add3A_140, %dma_wait3A_153] : memref<80x128xi32, #tpu.memory_space<vmem>> -> memref<1x128xi32, #tpu.memory_space<vmem>>
        %dma_wait3A_155 = tpu.memref_squeeze %dma_wait3A_154 : memref<1x128xi32, #tpu.memory_space<vmem>> -> memref<128xi32, #tpu.memory_space<vmem>>
        %dma_wait3A_156 = arith.constant 0 : i32
        %dma_wait3A_157 = arith.constant 0 : i32
        %dma_wait3A_158 = tpu.memref_slice %arg2[%add3A_9, %dma_wait3A_156, %dma_wait3A_157] : memref<4x10000x128xf32, #tpu.memory_space<hbm>> -> memref<1x10000x128xf32, #tpu.memory_space<hbm>>
        %dma_wait3A_159 = tpu.memref_squeeze %dma_wait3A_158 : memref<1x10000x128xf32, #tpu.memory_space<hbm>> -> memref<10000x128xf32, #tpu.memory_space<hbm>>
        %dma_wait3A_160 = arith.constant 0 : i32
        %dma_wait3A_161 = arith.constant 0 : i32
        %dma_wait3A_162 = tpu.memref_slice %dma_wait3A_159[%dma_wait3A_160, %dma_wait3A_161] : memref<10000x128xf32, #tpu.memory_space<hbm>> -> memref<10000x128xf32, #tpu.memory_space<hbm>>
        tpu.wait_indirect_dma semaphore(%arg11 : memref<!tpu.dma_semaphore, #tpu.memory_space<semaphore_mem>>) src(%dma_wait3A_162 : memref<10000x128xf32, #tpu.memory_space<hbm>>) dst(%arg8 : memref<128x128xf32, #tpu.memory_space<vmem>>)
        %add3A_163 = arith.constant 2 : i32
        %add3A_164 = arith.addi %mul3A_82, %add3A_163 : i32
        "tpu.region"() ({
          %run_scoped3A_301 = tpu.sem_alloc : memref<!tpu.dma_semaphore, #tpu.memory_space<semaphore_mem>>
          %dma_start3A_302 = arith.constant 0 : i32
          %dma_start3A_303 = tpu.memref_slice %arg7[%add3A_164, %dma_start3A_302] : memref<16x128xi32, #tpu.memory_space<vmem>> -> memref<1x128xi32, #tpu.memory_space<vmem>>
          %dma_start3A_304 = tpu.memref_squeeze %dma_start3A_303 : memref<1x128xi32, #tpu.memory_space<vmem>> -> memref<128xi32, #tpu.memory_space<vmem>>
          %dma_start3A_305 = arith.constant 0 : i32
          %dma_start3A_306 = arith.constant 0 : i32
          %dma_start3A_307 = tpu.memref_slice %arg10[%dma_start3A_305, %dma_start3A_306] : memref<10240x128xf32, #tpu.memory_space<vmem_shared>> -> memref<10240x128xf32, #tpu.memory_space<vmem_shared>>
          tpu.enqueue_indirect_dma source(%arg8 : memref<128x128xf32, #tpu.memory_space<vmem>>) target(%dma_start3A_307 : memref<10240x128xf32, #tpu.memory_space<vmem_shared>>) offsets(%dma_start3A_304 : memref<128xi32, #tpu.memory_space<vmem>>) semaphore(%run_scoped3A_301 : memref<!tpu.dma_semaphore, #tpu.memory_space<semaphore_mem>>) {add = true}
          %dma_wait3A_308 = arith.constant 0 : i32
          %dma_wait3A_309 = tpu.memref_slice %arg7[%add3A_164, %dma_wait3A_308] : memref<16x128xi32, #tpu.memory_space<vmem>> -> memref<1x128xi32, #tpu.memory_space<vmem>>
          %dma_wait3A_310 = tpu.memref_squeeze %dma_wait3A_309 : memref<1x128xi32, #tpu.memory_space<vmem>> -> memref<128xi32, #tpu.memory_space<vmem>>
          %dma_wait3A_311 = arith.constant 0 : i32
          %dma_wait3A_312 = arith.constant 0 : i32
          %dma_wait3A_313 = tpu.memref_slice %arg10[%dma_wait3A_311, %dma_wait3A_312] : memref<10240x128xf32, #tpu.memory_space<vmem_shared>> -> memref<10240x128xf32, #tpu.memory_space<vmem_shared>>
          tpu.wait_indirect_dma semaphore(%run_scoped3A_301 : memref<!tpu.dma_semaphore, #tpu.memory_space<semaphore_mem>>) src(%arg8 : memref<128x128xf32, #tpu.memory_space<vmem>>) dst(%dma_wait3A_313 : memref<10240x128xf32, #tpu.memory_space<vmem_shared>>)
          tpu.yield
        }) : () -> ()
        %add3A_165 = arith.constant 2 : i32
        %add3A_166 = arith.addi %add3A_140, %add3A_165 : i32
        %lt3A_167 = arith.constant 80 : i32
        %lt3A_168 = arith.cmpi slt, %add3A_166, %lt3A_167 : i32
        %convert_element_type3A_169 = arith.extui %lt3A_168 : i1 to i32
        %cond3A_170 = arith.constant 0 : i32
        %cond3A_171 = arith.cmpi ne, %convert_element_type3A_169, %cond3A_170 : i32
        scf.if %cond3A_171 {
          %dma_start3A_301 = arith.constant 0 : i32
          %dma_start3A_302 = tpu.memref_slice %arg6[%add3A_166, %dma_start3A_301] : memref<80x128xi32, #tpu.memory_space<vmem>> -> memref<1x128xi32, #tpu.memory_space<vmem>>
          %dma_start3A_303 = tpu.memref_squeeze %dma_start3A_302 : memref<1x128xi32, #tpu.memory_space<vmem>> -> memref<128xi32, #tpu.memory_space<vmem>>
          %dma_start3A_304 = arith.constant 0 : i32
          %dma_start3A_305 = arith.constant 0 : i32
          %dma_start3A_306 = tpu.memref_slice %arg2[%add3A_9, %dma_start3A_304, %dma_start3A_305] : memref<4x10000x128xf32, #tpu.memory_space<hbm>> -> memref<1x10000x128xf32, #tpu.memory_space<hbm>>
          %dma_start3A_307 = tpu.memref_squeeze %dma_start3A_306 : memref<1x10000x128xf32, #tpu.memory_space<hbm>> -> memref<10000x128xf32, #tpu.memory_space<hbm>>
          %dma_start3A_308 = arith.constant 0 : i32
          %dma_start3A_309 = arith.constant 0 : i32
          %dma_start3A_310 = tpu.memref_slice %dma_start3A_307[%dma_start3A_308, %dma_start3A_309] : memref<10000x128xf32, #tpu.memory_space<hbm>> -> memref<10000x128xf32, #tpu.memory_space<hbm>>
          tpu.enqueue_indirect_dma source(%dma_start3A_310 : memref<10000x128xf32, #tpu.memory_space<hbm>>) target(%arg8 : memref<128x128xf32, #tpu.memory_space<vmem>>) offsets(%dma_start3A_303 : memref<128xi32, #tpu.memory_space<vmem>>) semaphore(%arg11 : memref<!tpu.dma_semaphore, #tpu.memory_space<semaphore_mem>>)
        } else {
        }
        %dma_wait3A_172 = arith.constant 0 : i32
        %dma_wait3A_173 = tpu.memref_slice %arg6[%add3A_142, %dma_wait3A_172] : memref<80x128xi32, #tpu.memory_space<vmem>> -> memref<1x128xi32, #tpu.memory_space<vmem>>
        %dma_wait3A_174 = tpu.memref_squeeze %dma_wait3A_173 : memref<1x128xi32, #tpu.memory_space<vmem>> -> memref<128xi32, #tpu.memory_space<vmem>>
        %dma_wait3A_175 = arith.constant 0 : i32
        %dma_wait3A_176 = arith.constant 0 : i32
        %dma_wait3A_177 = tpu.memref_slice %arg2[%add3A_9, %dma_wait3A_175, %dma_wait3A_176] : memref<4x10000x128xf32, #tpu.memory_space<hbm>> -> memref<1x10000x128xf32, #tpu.memory_space<hbm>>
        %dma_wait3A_178 = tpu.memref_squeeze %dma_wait3A_177 : memref<1x10000x128xf32, #tpu.memory_space<hbm>> -> memref<10000x128xf32, #tpu.memory_space<hbm>>
        %dma_wait3A_179 = arith.constant 0 : i32
        %dma_wait3A_180 = arith.constant 0 : i32
        %dma_wait3A_181 = tpu.memref_slice %dma_wait3A_178[%dma_wait3A_179, %dma_wait3A_180] : memref<10000x128xf32, #tpu.memory_space<hbm>> -> memref<10000x128xf32, #tpu.memory_space<hbm>>
        tpu.wait_indirect_dma semaphore(%arg12 : memref<!tpu.dma_semaphore, #tpu.memory_space<semaphore_mem>>) src(%dma_wait3A_181 : memref<10000x128xf32, #tpu.memory_space<hbm>>) dst(%arg9 : memref<128x128xf32, #tpu.memory_space<vmem>>)
        %add3A_182 = arith.constant 2 : i32
        %add3A_183 = arith.addi %mul3A_82, %add3A_182 : i32
        %add3A_184 = arith.constant 1 : i32
        %add3A_185 = arith.addi %add3A_183, %add3A_184 : i32
        "tpu.region"() ({
          %run_scoped3A_301 = tpu.sem_alloc : memref<!tpu.dma_semaphore, #tpu.memory_space<semaphore_mem>>
          %dma_start3A_302 = arith.constant 0 : i32
          %dma_start3A_303 = tpu.memref_slice %arg7[%add3A_185, %dma_start3A_302] : memref<16x128xi32, #tpu.memory_space<vmem>> -> memref<1x128xi32, #tpu.memory_space<vmem>>
          %dma_start3A_304 = tpu.memref_squeeze %dma_start3A_303 : memref<1x128xi32, #tpu.memory_space<vmem>> -> memref<128xi32, #tpu.memory_space<vmem>>
          %dma_start3A_305 = arith.constant 0 : i32
          %dma_start3A_306 = arith.constant 0 : i32
          %dma_start3A_307 = tpu.memref_slice %arg10[%dma_start3A_305, %dma_start3A_306] : memref<10240x128xf32, #tpu.memory_space<vmem_shared>> -> memref<10240x128xf32, #tpu.memory_space<vmem_shared>>
          tpu.enqueue_indirect_dma source(%arg9 : memref<128x128xf32, #tpu.memory_space<vmem>>) target(%dma_start3A_307 : memref<10240x128xf32, #tpu.memory_space<vmem_shared>>) offsets(%dma_start3A_304 : memref<128xi32, #tpu.memory_space<vmem>>) semaphore(%run_scoped3A_301 : memref<!tpu.dma_semaphore, #tpu.memory_space<semaphore_mem>>) {add = true}
          %dma_wait3A_308 = arith.constant 0 : i32
          %dma_wait3A_309 = tpu.memref_slice %arg7[%add3A_185, %dma_wait3A_308] : memref<16x128xi32, #tpu.memory_space<vmem>> -> memref<1x128xi32, #tpu.memory_space<vmem>>
          %dma_wait3A_310 = tpu.memref_squeeze %dma_wait3A_309 : memref<1x128xi32, #tpu.memory_space<vmem>> -> memref<128xi32, #tpu.memory_space<vmem>>
          %dma_wait3A_311 = arith.constant 0 : i32
          %dma_wait3A_312 = arith.constant 0 : i32
          %dma_wait3A_313 = tpu.memref_slice %arg10[%dma_wait3A_311, %dma_wait3A_312] : memref<10240x128xf32, #tpu.memory_space<vmem_shared>> -> memref<10240x128xf32, #tpu.memory_space<vmem_shared>>
          tpu.wait_indirect_dma semaphore(%run_scoped3A_301 : memref<!tpu.dma_semaphore, #tpu.memory_space<semaphore_mem>>) src(%arg9 : memref<128x128xf32, #tpu.memory_space<vmem>>) dst(%dma_wait3A_313 : memref<10240x128xf32, #tpu.memory_space<vmem_shared>>)
          tpu.yield
        }) : () -> ()
        %mul3A_186 = arith.constant 8 : i32
        %mul3A_187 = arith.muli %mul3A_186, %scan3A_79 : i32
        %add3A_188 = arith.constant 4 : i32
        %add3A_189 = arith.addi %mul3A_187, %add3A_188 : i32
        %add3A_190 = arith.constant 1 : i32
        %add3A_191 = arith.addi %add3A_189, %add3A_190 : i32
        %dma_start3A_192 = arith.constant 0 : i32
        %dma_start3A_193 = tpu.memref_slice %arg6[%add3A_191, %dma_start3A_192] : memref<80x128xi32, #tpu.memory_space<vmem>> -> memref<1x128xi32, #tpu.memory_space<vmem>>
        %dma_start3A_194 = tpu.memref_squeeze %dma_start3A_193 : memref<1x128xi32, #tpu.memory_space<vmem>> -> memref<128xi32, #tpu.memory_space<vmem>>
        %dma_start3A_195 = arith.constant 0 : i32
        %dma_start3A_196 = arith.constant 0 : i32
        %dma_start3A_197 = tpu.memref_slice %arg2[%add3A_9, %dma_start3A_195, %dma_start3A_196] : memref<4x10000x128xf32, #tpu.memory_space<hbm>> -> memref<1x10000x128xf32, #tpu.memory_space<hbm>>
        %dma_start3A_198 = tpu.memref_squeeze %dma_start3A_197 : memref<1x10000x128xf32, #tpu.memory_space<hbm>> -> memref<10000x128xf32, #tpu.memory_space<hbm>>
        %dma_start3A_199 = arith.constant 0 : i32
        %dma_start3A_200 = arith.constant 0 : i32
        %dma_start3A_201 = tpu.memref_slice %dma_start3A_198[%dma_start3A_199, %dma_start3A_200] : memref<10000x128xf32, #tpu.memory_space<hbm>> -> memref<10000x128xf32, #tpu.memory_space<hbm>>
        tpu.enqueue_indirect_dma source(%dma_start3A_201 : memref<10000x128xf32, #tpu.memory_space<hbm>>) target(%arg9 : memref<128x128xf32, #tpu.memory_space<vmem>>) offsets(%dma_start3A_194 : memref<128xi32, #tpu.memory_space<vmem>>) semaphore(%arg12 : memref<!tpu.dma_semaphore, #tpu.memory_space<semaphore_mem>>)
        %dma_wait3A_202 = arith.constant 0 : i32
        %dma_wait3A_203 = tpu.memref_slice %arg6[%add3A_189, %dma_wait3A_202] : memref<80x128xi32, #tpu.memory_space<vmem>> -> memref<1x128xi32, #tpu.memory_space<vmem>>
        %dma_wait3A_204 = tpu.memref_squeeze %dma_wait3A_203 : memref<1x128xi32, #tpu.memory_space<vmem>> -> memref<128xi32, #tpu.memory_space<vmem>>
        %dma_wait3A_205 = arith.constant 0 : i32
        %dma_wait3A_206 = arith.constant 0 : i32
        %dma_wait3A_207 = tpu.memref_slice %arg2[%add3A_9, %dma_wait3A_205, %dma_wait3A_206] : memref<4x10000x128xf32, #tpu.memory_space<hbm>> -> memref<1x10000x128xf32, #tpu.memory_space<hbm>>
        %dma_wait3A_208 = tpu.memref_squeeze %dma_wait3A_207 : memref<1x10000x128xf32, #tpu.memory_space<hbm>> -> memref<10000x128xf32, #tpu.memory_space<hbm>>
        %dma_wait3A_209 = arith.constant 0 : i32
        %dma_wait3A_210 = arith.constant 0 : i32
        %dma_wait3A_211 = tpu.memref_slice %dma_wait3A_208[%dma_wait3A_209, %dma_wait3A_210] : memref<10000x128xf32, #tpu.memory_space<hbm>> -> memref<10000x128xf32, #tpu.memory_space<hbm>>
        tpu.wait_indirect_dma semaphore(%arg11 : memref<!tpu.dma_semaphore, #tpu.memory_space<semaphore_mem>>) src(%dma_wait3A_211 : memref<10000x128xf32, #tpu.memory_space<hbm>>) dst(%arg8 : memref<128x128xf32, #tpu.memory_space<vmem>>)
        %add3A_212 = arith.constant 4 : i32
        %add3A_213 = arith.addi %mul3A_82, %add3A_212 : i32
        "tpu.region"() ({
          %run_scoped3A_301 = tpu.sem_alloc : memref<!tpu.dma_semaphore, #tpu.memory_space<semaphore_mem>>
          %dma_start3A_302 = arith.constant 0 : i32
          %dma_start3A_303 = tpu.memref_slice %arg7[%add3A_213, %dma_start3A_302] : memref<16x128xi32, #tpu.memory_space<vmem>> -> memref<1x128xi32, #tpu.memory_space<vmem>>
          %dma_start3A_304 = tpu.memref_squeeze %dma_start3A_303 : memref<1x128xi32, #tpu.memory_space<vmem>> -> memref<128xi32, #tpu.memory_space<vmem>>
          %dma_start3A_305 = arith.constant 0 : i32
          %dma_start3A_306 = arith.constant 0 : i32
          %dma_start3A_307 = tpu.memref_slice %arg10[%dma_start3A_305, %dma_start3A_306] : memref<10240x128xf32, #tpu.memory_space<vmem_shared>> -> memref<10240x128xf32, #tpu.memory_space<vmem_shared>>
          tpu.enqueue_indirect_dma source(%arg8 : memref<128x128xf32, #tpu.memory_space<vmem>>) target(%dma_start3A_307 : memref<10240x128xf32, #tpu.memory_space<vmem_shared>>) offsets(%dma_start3A_304 : memref<128xi32, #tpu.memory_space<vmem>>) semaphore(%run_scoped3A_301 : memref<!tpu.dma_semaphore, #tpu.memory_space<semaphore_mem>>) {add = true}
          %dma_wait3A_308 = arith.constant 0 : i32
          %dma_wait3A_309 = tpu.memref_slice %arg7[%add3A_213, %dma_wait3A_308] : memref<16x128xi32, #tpu.memory_space<vmem>> -> memref<1x128xi32, #tpu.memory_space<vmem>>
          %dma_wait3A_310 = tpu.memref_squeeze %dma_wait3A_309 : memref<1x128xi32, #tpu.memory_space<vmem>> -> memref<128xi32, #tpu.memory_space<vmem>>
          %dma_wait3A_311 = arith.constant 0 : i32
          %dma_wait3A_312 = arith.constant 0 : i32
          %dma_wait3A_313 = tpu.memref_slice %arg10[%dma_wait3A_311, %dma_wait3A_312] : memref<10240x128xf32, #tpu.memory_space<vmem_shared>> -> memref<10240x128xf32, #tpu.memory_space<vmem_shared>>
          tpu.wait_indirect_dma semaphore(%run_scoped3A_301 : memref<!tpu.dma_semaphore, #tpu.memory_space<semaphore_mem>>) src(%arg8 : memref<128x128xf32, #tpu.memory_space<vmem>>) dst(%dma_wait3A_313 : memref<10240x128xf32, #tpu.memory_space<vmem_shared>>)
          tpu.yield
        }) : () -> ()
        %add3A_214 = arith.constant 2 : i32
        %add3A_215 = arith.addi %add3A_189, %add3A_214 : i32
        %lt3A_216 = arith.constant 80 : i32
        %lt3A_217 = arith.cmpi slt, %add3A_215, %lt3A_216 : i32
        %convert_element_type3A_218 = arith.extui %lt3A_217 : i1 to i32
        %cond3A_219 = arith.constant 0 : i32
        %cond3A_220 = arith.cmpi ne, %convert_element_type3A_218, %cond3A_219 : i32
        scf.if %cond3A_220 {
          %dma_start3A_301 = arith.constant 0 : i32
          %dma_start3A_302 = tpu.memref_slice %arg6[%add3A_215, %dma_start3A_301] : memref<80x128xi32, #tpu.memory_space<vmem>> -> memref<1x128xi32, #tpu.memory_space<vmem>>
          %dma_start3A_303 = tpu.memref_squeeze %dma_start3A_302 : memref<1x128xi32, #tpu.memory_space<vmem>> -> memref<128xi32, #tpu.memory_space<vmem>>
          %dma_start3A_304 = arith.constant 0 : i32
          %dma_start3A_305 = arith.constant 0 : i32
          %dma_start3A_306 = tpu.memref_slice %arg2[%add3A_9, %dma_start3A_304, %dma_start3A_305] : memref<4x10000x128xf32, #tpu.memory_space<hbm>> -> memref<1x10000x128xf32, #tpu.memory_space<hbm>>
          %dma_start3A_307 = tpu.memref_squeeze %dma_start3A_306 : memref<1x10000x128xf32, #tpu.memory_space<hbm>> -> memref<10000x128xf32, #tpu.memory_space<hbm>>
          %dma_start3A_308 = arith.constant 0 : i32
          %dma_start3A_309 = arith.constant 0 : i32
          %dma_start3A_310 = tpu.memref_slice %dma_start3A_307[%dma_start3A_308, %dma_start3A_309] : memref<10000x128xf32, #tpu.memory_space<hbm>> -> memref<10000x128xf32, #tpu.memory_space<hbm>>
          tpu.enqueue_indirect_dma source(%dma_start3A_310 : memref<10000x128xf32, #tpu.memory_space<hbm>>) target(%arg8 : memref<128x128xf32, #tpu.memory_space<vmem>>) offsets(%dma_start3A_303 : memref<128xi32, #tpu.memory_space<vmem>>) semaphore(%arg11 : memref<!tpu.dma_semaphore, #tpu.memory_space<semaphore_mem>>)
        } else {
        }
        %dma_wait3A_221 = arith.constant 0 : i32
        %dma_wait3A_222 = tpu.memref_slice %arg6[%add3A_191, %dma_wait3A_221] : memref<80x128xi32, #tpu.memory_space<vmem>> -> memref<1x128xi32, #tpu.memory_space<vmem>>
        %dma_wait3A_223 = tpu.memref_squeeze %dma_wait3A_222 : memref<1x128xi32, #tpu.memory_space<vmem>> -> memref<128xi32, #tpu.memory_space<vmem>>
        %dma_wait3A_224 = arith.constant 0 : i32
        %dma_wait3A_225 = arith.constant 0 : i32
        %dma_wait3A_226 = tpu.memref_slice %arg2[%add3A_9, %dma_wait3A_224, %dma_wait3A_225] : memref<4x10000x128xf32, #tpu.memory_space<hbm>> -> memref<1x10000x128xf32, #tpu.memory_space<hbm>>
        %dma_wait3A_227 = tpu.memref_squeeze %dma_wait3A_226 : memref<1x10000x128xf32, #tpu.memory_space<hbm>> -> memref<10000x128xf32, #tpu.memory_space<hbm>>
        %dma_wait3A_228 = arith.constant 0 : i32
        %dma_wait3A_229 = arith.constant 0 : i32
        %dma_wait3A_230 = tpu.memref_slice %dma_wait3A_227[%dma_wait3A_228, %dma_wait3A_229] : memref<10000x128xf32, #tpu.memory_space<hbm>> -> memref<10000x128xf32, #tpu.memory_space<hbm>>
        tpu.wait_indirect_dma semaphore(%arg12 : memref<!tpu.dma_semaphore, #tpu.memory_space<semaphore_mem>>) src(%dma_wait3A_230 : memref<10000x128xf32, #tpu.memory_space<hbm>>) dst(%arg9 : memref<128x128xf32, #tpu.memory_space<vmem>>)
        %add3A_231 = arith.constant 4 : i32
        %add3A_232 = arith.addi %mul3A_82, %add3A_231 : i32
        %add3A_233 = arith.constant 1 : i32
        %add3A_234 = arith.addi %add3A_232, %add3A_233 : i32
        "tpu.region"() ({
          %run_scoped3A_301 = tpu.sem_alloc : memref<!tpu.dma_semaphore, #tpu.memory_space<semaphore_mem>>
          %dma_start3A_302 = arith.constant 0 : i32
          %dma_start3A_303 = tpu.memref_slice %arg7[%add3A_234, %dma_start3A_302] : memref<16x128xi32, #tpu.memory_space<vmem>> -> memref<1x128xi32, #tpu.memory_space<vmem>>
          %dma_start3A_304 = tpu.memref_squeeze %dma_start3A_303 : memref<1x128xi32, #tpu.memory_space<vmem>> -> memref<128xi32, #tpu.memory_space<vmem>>
          %dma_start3A_305 = arith.constant 0 : i32
          %dma_start3A_306 = arith.constant 0 : i32
          %dma_start3A_307 = tpu.memref_slice %arg10[%dma_start3A_305, %dma_start3A_306] : memref<10240x128xf32, #tpu.memory_space<vmem_shared>> -> memref<10240x128xf32, #tpu.memory_space<vmem_shared>>
          tpu.enqueue_indirect_dma source(%arg9 : memref<128x128xf32, #tpu.memory_space<vmem>>) target(%dma_start3A_307 : memref<10240x128xf32, #tpu.memory_space<vmem_shared>>) offsets(%dma_start3A_304 : memref<128xi32, #tpu.memory_space<vmem>>) semaphore(%run_scoped3A_301 : memref<!tpu.dma_semaphore, #tpu.memory_space<semaphore_mem>>) {add = true}
          %dma_wait3A_308 = arith.constant 0 : i32
          %dma_wait3A_309 = tpu.memref_slice %arg7[%add3A_234, %dma_wait3A_308] : memref<16x128xi32, #tpu.memory_space<vmem>> -> memref<1x128xi32, #tpu.memory_space<vmem>>
          %dma_wait3A_310 = tpu.memref_squeeze %dma_wait3A_309 : memref<1x128xi32, #tpu.memory_space<vmem>> -> memref<128xi32, #tpu.memory_space<vmem>>
          %dma_wait3A_311 = arith.constant 0 : i32
          %dma_wait3A_312 = arith.constant 0 : i32
          %dma_wait3A_313 = tpu.memref_slice %arg10[%dma_wait3A_311, %dma_wait3A_312] : memref<10240x128xf32, #tpu.memory_space<vmem_shared>> -> memref<10240x128xf32, #tpu.memory_space<vmem_shared>>
          tpu.wait_indirect_dma semaphore(%run_scoped3A_301 : memref<!tpu.dma_semaphore, #tpu.memory_space<semaphore_mem>>) src(%arg9 : memref<128x128xf32, #tpu.memory_space<vmem>>) dst(%dma_wait3A_313 : memref<10240x128xf32, #tpu.memory_space<vmem_shared>>)
          tpu.yield
        }) : () -> ()
        %mul3A_235 = arith.constant 8 : i32
        %mul3A_236 = arith.muli %mul3A_235, %scan3A_79 : i32
        %add3A_237 = arith.constant 6 : i32
        %add3A_238 = arith.addi %mul3A_236, %add3A_237 : i32
        %add3A_239 = arith.constant 1 : i32
        %add3A_240 = arith.addi %add3A_238, %add3A_239 : i32
        %dma_start3A_241 = arith.constant 0 : i32
        %dma_start3A_242 = tpu.memref_slice %arg6[%add3A_240, %dma_start3A_241] : memref<80x128xi32, #tpu.memory_space<vmem>> -> memref<1x128xi32, #tpu.memory_space<vmem>>
        %dma_start3A_243 = tpu.memref_squeeze %dma_start3A_242 : memref<1x128xi32, #tpu.memory_space<vmem>> -> memref<128xi32, #tpu.memory_space<vmem>>
        %dma_start3A_244 = arith.constant 0 : i32
        %dma_start3A_245 = arith.constant 0 : i32
        %dma_start3A_246 = tpu.memref_slice %arg2[%add3A_9, %dma_start3A_244, %dma_start3A_245] : memref<4x10000x128xf32, #tpu.memory_space<hbm>> -> memref<1x10000x128xf32, #tpu.memory_space<hbm>>
        %dma_start3A_247 = tpu.memref_squeeze %dma_start3A_246 : memref<1x10000x128xf32, #tpu.memory_space<hbm>> -> memref<10000x128xf32, #tpu.memory_space<hbm>>
        %dma_start3A_248 = arith.constant 0 : i32
        %dma_start3A_249 = arith.constant 0 : i32
        %dma_start3A_250 = tpu.memref_slice %dma_start3A_247[%dma_start3A_248, %dma_start3A_249] : memref<10000x128xf32, #tpu.memory_space<hbm>> -> memref<10000x128xf32, #tpu.memory_space<hbm>>
        tpu.enqueue_indirect_dma source(%dma_start3A_250 : memref<10000x128xf32, #tpu.memory_space<hbm>>) target(%arg9 : memref<128x128xf32, #tpu.memory_space<vmem>>) offsets(%dma_start3A_243 : memref<128xi32, #tpu.memory_space<vmem>>) semaphore(%arg12 : memref<!tpu.dma_semaphore, #tpu.memory_space<semaphore_mem>>)
        %dma_wait3A_251 = arith.constant 0 : i32
        %dma_wait3A_252 = tpu.memref_slice %arg6[%add3A_238, %dma_wait3A_251] : memref<80x128xi32, #tpu.memory_space<vmem>> -> memref<1x128xi32, #tpu.memory_space<vmem>>
        %dma_wait3A_253 = tpu.memref_squeeze %dma_wait3A_252 : memref<1x128xi32, #tpu.memory_space<vmem>> -> memref<128xi32, #tpu.memory_space<vmem>>
        %dma_wait3A_254 = arith.constant 0 : i32
        %dma_wait3A_255 = arith.constant 0 : i32
        %dma_wait3A_256 = tpu.memref_slice %arg2[%add3A_9, %dma_wait3A_254, %dma_wait3A_255] : memref<4x10000x128xf32, #tpu.memory_space<hbm>> -> memref<1x10000x128xf32, #tpu.memory_space<hbm>>
        %dma_wait3A_257 = tpu.memref_squeeze %dma_wait3A_256 : memref<1x10000x128xf32, #tpu.memory_space<hbm>> -> memref<10000x128xf32, #tpu.memory_space<hbm>>
        %dma_wait3A_258 = arith.constant 0 : i32
        %dma_wait3A_259 = arith.constant 0 : i32
        %dma_wait3A_260 = tpu.memref_slice %dma_wait3A_257[%dma_wait3A_258, %dma_wait3A_259] : memref<10000x128xf32, #tpu.memory_space<hbm>> -> memref<10000x128xf32, #tpu.memory_space<hbm>>
        tpu.wait_indirect_dma semaphore(%arg11 : memref<!tpu.dma_semaphore, #tpu.memory_space<semaphore_mem>>) src(%dma_wait3A_260 : memref<10000x128xf32, #tpu.memory_space<hbm>>) dst(%arg8 : memref<128x128xf32, #tpu.memory_space<vmem>>)
        %add3A_261 = arith.constant 6 : i32
        %add3A_262 = arith.addi %mul3A_82, %add3A_261 : i32
        "tpu.region"() ({
          %run_scoped3A_301 = tpu.sem_alloc : memref<!tpu.dma_semaphore, #tpu.memory_space<semaphore_mem>>
          %dma_start3A_302 = arith.constant 0 : i32
          %dma_start3A_303 = tpu.memref_slice %arg7[%add3A_262, %dma_start3A_302] : memref<16x128xi32, #tpu.memory_space<vmem>> -> memref<1x128xi32, #tpu.memory_space<vmem>>
          %dma_start3A_304 = tpu.memref_squeeze %dma_start3A_303 : memref<1x128xi32, #tpu.memory_space<vmem>> -> memref<128xi32, #tpu.memory_space<vmem>>
          %dma_start3A_305 = arith.constant 0 : i32
          %dma_start3A_306 = arith.constant 0 : i32
          %dma_start3A_307 = tpu.memref_slice %arg10[%dma_start3A_305, %dma_start3A_306] : memref<10240x128xf32, #tpu.memory_space<vmem_shared>> -> memref<10240x128xf32, #tpu.memory_space<vmem_shared>>
          tpu.enqueue_indirect_dma source(%arg8 : memref<128x128xf32, #tpu.memory_space<vmem>>) target(%dma_start3A_307 : memref<10240x128xf32, #tpu.memory_space<vmem_shared>>) offsets(%dma_start3A_304 : memref<128xi32, #tpu.memory_space<vmem>>) semaphore(%run_scoped3A_301 : memref<!tpu.dma_semaphore, #tpu.memory_space<semaphore_mem>>) {add = true}
          %dma_wait3A_308 = arith.constant 0 : i32
          %dma_wait3A_309 = tpu.memref_slice %arg7[%add3A_262, %dma_wait3A_308] : memref<16x128xi32, #tpu.memory_space<vmem>> -> memref<1x128xi32, #tpu.memory_space<vmem>>
          %dma_wait3A_310 = tpu.memref_squeeze %dma_wait3A_309 : memref<1x128xi32, #tpu.memory_space<vmem>> -> memref<128xi32, #tpu.memory_space<vmem>>
          %dma_wait3A_311 = arith.constant 0 : i32
          %dma_wait3A_312 = arith.constant 0 : i32
          %dma_wait3A_313 = tpu.memref_slice %arg10[%dma_wait3A_311, %dma_wait3A_312] : memref<10240x128xf32, #tpu.memory_space<vmem_shared>> -> memref<10240x128xf32, #tpu.memory_space<vmem_shared>>
          tpu.wait_indirect_dma semaphore(%run_scoped3A_301 : memref<!tpu.dma_semaphore, #tpu.memory_space<semaphore_mem>>) src(%arg8 : memref<128x128xf32, #tpu.memory_space<vmem>>) dst(%dma_wait3A_313 : memref<10240x128xf32, #tpu.memory_space<vmem_shared>>)
          tpu.yield
        }) : () -> ()
        %add3A_263 = arith.constant 2 : i32
        %add3A_264 = arith.addi %add3A_238, %add3A_263 : i32
        %lt3A_265 = arith.constant 80 : i32
        %lt3A_266 = arith.cmpi slt, %add3A_264, %lt3A_265 : i32
        %convert_element_type3A_267 = arith.extui %lt3A_266 : i1 to i32
        %cond3A_268 = arith.constant 0 : i32
        %cond3A_269 = arith.cmpi ne, %convert_element_type3A_267, %cond3A_268 : i32
        scf.if %cond3A_269 {
          %dma_start3A_301 = arith.constant 0 : i32
          %dma_start3A_302 = tpu.memref_slice %arg6[%add3A_264, %dma_start3A_301] : memref<80x128xi32, #tpu.memory_space<vmem>> -> memref<1x128xi32, #tpu.memory_space<vmem>>
          %dma_start3A_303 = tpu.memref_squeeze %dma_start3A_302 : memref<1x128xi32, #tpu.memory_space<vmem>> -> memref<128xi32, #tpu.memory_space<vmem>>
          %dma_start3A_304 = arith.constant 0 : i32
          %dma_start3A_305 = arith.constant 0 : i32
          %dma_start3A_306 = tpu.memref_slice %arg2[%add3A_9, %dma_start3A_304, %dma_start3A_305] : memref<4x10000x128xf32, #tpu.memory_space<hbm>> -> memref<1x10000x128xf32, #tpu.memory_space<hbm>>
          %dma_start3A_307 = tpu.memref_squeeze %dma_start3A_306 : memref<1x10000x128xf32, #tpu.memory_space<hbm>> -> memref<10000x128xf32, #tpu.memory_space<hbm>>
          %dma_start3A_308 = arith.constant 0 : i32
          %dma_start3A_309 = arith.constant 0 : i32
          %dma_start3A_310 = tpu.memref_slice %dma_start3A_307[%dma_start3A_308, %dma_start3A_309] : memref<10000x128xf32, #tpu.memory_space<hbm>> -> memref<10000x128xf32, #tpu.memory_space<hbm>>
          tpu.enqueue_indirect_dma source(%dma_start3A_310 : memref<10000x128xf32, #tpu.memory_space<hbm>>) target(%arg8 : memref<128x128xf32, #tpu.memory_space<vmem>>) offsets(%dma_start3A_303 : memref<128xi32, #tpu.memory_space<vmem>>) semaphore(%arg11 : memref<!tpu.dma_semaphore, #tpu.memory_space<semaphore_mem>>)
        } else {
        }
        %dma_wait3A_270 = arith.constant 0 : i32
        %dma_wait3A_271 = tpu.memref_slice %arg6[%add3A_240, %dma_wait3A_270] : memref<80x128xi32, #tpu.memory_space<vmem>> -> memref<1x128xi32, #tpu.memory_space<vmem>>
        %dma_wait3A_272 = tpu.memref_squeeze %dma_wait3A_271 : memref<1x128xi32, #tpu.memory_space<vmem>> -> memref<128xi32, #tpu.memory_space<vmem>>
        %dma_wait3A_273 = arith.constant 0 : i32
        %dma_wait3A_274 = arith.constant 0 : i32
        %dma_wait3A_275 = tpu.memref_slice %arg2[%add3A_9, %dma_wait3A_273, %dma_wait3A_274] : memref<4x10000x128xf32, #tpu.memory_space<hbm>> -> memref<1x10000x128xf32, #tpu.memory_space<hbm>>
        %dma_wait3A_276 = tpu.memref_squeeze %dma_wait3A_275 : memref<1x10000x128xf32, #tpu.memory_space<hbm>> -> memref<10000x128xf32, #tpu.memory_space<hbm>>
        %dma_wait3A_277 = arith.constant 0 : i32
        %dma_wait3A_278 = arith.constant 0 : i32
        %dma_wait3A_279 = tpu.memref_slice %dma_wait3A_276[%dma_wait3A_277, %dma_wait3A_278] : memref<10000x128xf32, #tpu.memory_space<hbm>> -> memref<10000x128xf32, #tpu.memory_space<hbm>>
        tpu.wait_indirect_dma semaphore(%arg12 : memref<!tpu.dma_semaphore, #tpu.memory_space<semaphore_mem>>) src(%dma_wait3A_279 : memref<10000x128xf32, #tpu.memory_space<hbm>>) dst(%arg9 : memref<128x128xf32, #tpu.memory_space<vmem>>)
        %add3A_280 = arith.constant 6 : i32
        %add3A_281 = arith.addi %mul3A_82, %add3A_280 : i32
        %add3A_282 = arith.constant 1 : i32
        %add3A_283 = arith.addi %add3A_281, %add3A_282 : i32
        "tpu.region"() ({
          %run_scoped3A_301 = tpu.sem_alloc : memref<!tpu.dma_semaphore, #tpu.memory_space<semaphore_mem>>
          %dma_start3A_302 = arith.constant 0 : i32
          %dma_start3A_303 = tpu.memref_slice %arg7[%add3A_283, %dma_start3A_302] : memref<16x128xi32, #tpu.memory_space<vmem>> -> memref<1x128xi32, #tpu.memory_space<vmem>>
          %dma_start3A_304 = tpu.memref_squeeze %dma_start3A_303 : memref<1x128xi32, #tpu.memory_space<vmem>> -> memref<128xi32, #tpu.memory_space<vmem>>
          %dma_start3A_305 = arith.constant 0 : i32
          %dma_start3A_306 = arith.constant 0 : i32
          %dma_start3A_307 = tpu.memref_slice %arg10[%dma_start3A_305, %dma_start3A_306] : memref<10240x128xf32, #tpu.memory_space<vmem_shared>> -> memref<10240x128xf32, #tpu.memory_space<vmem_shared>>
          tpu.enqueue_indirect_dma source(%arg9 : memref<128x128xf32, #tpu.memory_space<vmem>>) target(%dma_start3A_307 : memref<10240x128xf32, #tpu.memory_space<vmem_shared>>) offsets(%dma_start3A_304 : memref<128xi32, #tpu.memory_space<vmem>>) semaphore(%run_scoped3A_301 : memref<!tpu.dma_semaphore, #tpu.memory_space<semaphore_mem>>) {add = true}
          %dma_wait3A_308 = arith.constant 0 : i32
          %dma_wait3A_309 = tpu.memref_slice %arg7[%add3A_283, %dma_wait3A_308] : memref<16x128xi32, #tpu.memory_space<vmem>> -> memref<1x128xi32, #tpu.memory_space<vmem>>
          %dma_wait3A_310 = tpu.memref_squeeze %dma_wait3A_309 : memref<1x128xi32, #tpu.memory_space<vmem>> -> memref<128xi32, #tpu.memory_space<vmem>>
          %dma_wait3A_311 = arith.constant 0 : i32
          %dma_wait3A_312 = arith.constant 0 : i32
          %dma_wait3A_313 = tpu.memref_slice %arg10[%dma_wait3A_311, %dma_wait3A_312] : memref<10240x128xf32, #tpu.memory_space<vmem_shared>> -> memref<10240x128xf32, #tpu.memory_space<vmem_shared>>
          tpu.wait_indirect_dma semaphore(%run_scoped3A_301 : memref<!tpu.dma_semaphore, #tpu.memory_space<semaphore_mem>>) src(%arg9 : memref<128x128xf32, #tpu.memory_space<vmem>>) dst(%dma_wait3A_313 : memref<10240x128xf32, #tpu.memory_space<vmem_shared>>)
          tpu.yield
        }) : () -> ()
        %add3A_284 = arith.constant 2 : i32
        %add3A_285 = arith.addi %scan3A_79, %add3A_284 : i32
        %lt3A_286 = arith.constant 10 : i32
        %lt3A_287 = arith.cmpi slt, %add3A_285, %lt3A_286 : i32
        %eq3A_288 = arith.constant 0 : i32
        %eq3A_289 = arith.cmpi eq, %rem3A_80, %eq3A_288 : i32
        %and3A = arith.andi %lt3A_287, %eq3A_289 : i1
        %convert_element_type3A_290 = arith.extui %and3A : i1 to i32
        %cond3A_291 = arith.constant 0 : i32
        %cond3A_292 = arith.cmpi ne, %convert_element_type3A_290, %cond3A_291 : i32
        scf.if %cond3A_292 {
          %ge3A = arith.constant 5 : i32
          %ge3A_301 = arith.cmpi sge, %add3A_285, %ge3A : i32
          %jit3A_302 = arith.constant 16 : i32
          %jit3A_303 = arith.constant 0 : i32
          %select_n3A_304 = arith.select %ge3A_301, %jit3A_302, %jit3A_303 : i32
          %add3A_305 = arith.addi %arg1, %select_n3A_304 : i32
          %mul3A_306 = arith.constant 8 : i32
          %mul3A_307 = arith.muli %mul3A_306, %add3A_285 : i32
          %ge3A_308 = arith.constant 5 : i32
          %ge3A_309 = arith.cmpi sge, %add3A_285, %ge3A_308 : i32
          %jit3A_310 = arith.constant 40 : i32
          %jit3A_311 = arith.constant 0 : i32
          %select_n3A_312 = arith.select %ge3A_309, %jit3A_310, %jit3A_311 : i32
          %sub3A_313 = arith.subi %mul3A_307, %select_n3A_312 : i32
          %dma_start3A_314 = arith.constant 1 : i32
          %dma_start3A_315 = arith.constant 0 : i32
          %dma_start3A_316 = arith.constant 0 : i32
          %dma_start3A_317 = tpu.memref_slice %arg7[%dma_start3A_315, %dma_start3A_316] : memref<16x128xi32, #tpu.memory_space<vmem>> -> memref<8x128xi32, #tpu.memory_space<vmem>>
          %dma_start3A_318 = arith.constant 0 : i32
          %dma_start3A_319 = tpu.memref_slice %arg3[%dma_start3A_314, %add3A_305, %sub3A_313, %dma_start3A_318] : memref<2x32x40x128xi32, #tpu.memory_space<hbm>> -> memref<1x1x8x128xi32, #tpu.memory_space<hbm>>
          %dma_start3A_320 = tpu.memref_squeeze %dma_start3A_319 : memref<1x1x8x128xi32, #tpu.memory_space<hbm>> -> memref<8x128xi32, #tpu.memory_space<hbm>>
          %dma_start3A_321 = arith.constant 0 : i32
          %dma_start3A_322 = arith.constant 0 : i32
          %dma_start3A_323 = tpu.memref_slice %arg7[%dma_start3A_321, %dma_start3A_322] : memref<16x128xi32, #tpu.memory_space<vmem>> -> memref<8x128xi32, #tpu.memory_space<vmem>>
          %dma_start3A_324 = arith.constant 0 : i32
          %dma_start3A_325 = tpu.memref_slice %arg3[%dma_start3A_314, %add3A_305, %sub3A_313, %dma_start3A_324] : memref<2x32x40x128xi32, #tpu.memory_space<hbm>> -> memref<1x1x8x128xi32, #tpu.memory_space<hbm>>
          %dma_start3A_326 = tpu.memref_squeeze %dma_start3A_325 : memref<1x1x8x128xi32, #tpu.memory_space<hbm>> -> memref<8x128xi32, #tpu.memory_space<hbm>>
          tpu.enqueue_dma source(%dma_start3A_326 : memref<8x128xi32, #tpu.memory_space<hbm>>) target(%dma_start3A_323 : memref<8x128xi32, #tpu.memory_space<vmem>>) target_semaphore(%arg13 : memref<!tpu.dma_semaphore, #tpu.memory_space<semaphore_mem>>)
        } else {
        }
        %lt3A_293 = arith.constant 10 : i32
        %lt3A_294 = arith.cmpi slt, %add3A_285, %lt3A_293 : i32
        %eq3A_295 = arith.constant 1 : i32
        %eq3A_296 = arith.cmpi eq, %rem3A_80, %eq3A_295 : i32
        %and3A_297 = arith.andi %lt3A_294, %eq3A_296 : i1
        %convert_element_type3A_298 = arith.extui %and3A_297 : i1 to i32
        %cond3A_299 = arith.constant 0 : i32
        %cond3A_300 = arith.cmpi ne, %convert_element_type3A_298, %cond3A_299 : i32
        scf.if %cond3A_300 {
          %ge3A = arith.constant 5 : i32
          %ge3A_301 = arith.cmpi sge, %add3A_285, %ge3A : i32
          %jit3A_302 = arith.constant 16 : i32
          %jit3A_303 = arith.constant 0 : i32
          %select_n3A_304 = arith.select %ge3A_301, %jit3A_302, %jit3A_303 : i32
          %add3A_305 = arith.addi %arg1, %select_n3A_304 : i32
          %mul3A_306 = arith.constant 8 : i32
          %mul3A_307 = arith.muli %mul3A_306, %add3A_285 : i32
          %ge3A_308 = arith.constant 5 : i32
          %ge3A_309 = arith.cmpi sge, %add3A_285, %ge3A_308 : i32
          %jit3A_310 = arith.constant 40 : i32
          %jit3A_311 = arith.constant 0 : i32
          %select_n3A_312 = arith.select %ge3A_309, %jit3A_310, %jit3A_311 : i32
          %sub3A_313 = arith.subi %mul3A_307, %select_n3A_312 : i32
          %dma_start3A_314 = arith.constant 1 : i32
          %dma_start3A_315 = arith.constant 8 : i32
          %dma_start3A_316 = arith.constant 0 : i32
          %dma_start3A_317 = tpu.memref_slice %arg7[%dma_start3A_315, %dma_start3A_316] : memref<16x128xi32, #tpu.memory_space<vmem>> -> memref<8x128xi32, #tpu.memory_space<vmem>>
          %dma_start3A_318 = arith.constant 0 : i32
          %dma_start3A_319 = tpu.memref_slice %arg3[%dma_start3A_314, %add3A_305, %sub3A_313, %dma_start3A_318] : memref<2x32x40x128xi32, #tpu.memory_space<hbm>> -> memref<1x1x8x128xi32, #tpu.memory_space<hbm>>
          %dma_start3A_320 = tpu.memref_squeeze %dma_start3A_319 : memref<1x1x8x128xi32, #tpu.memory_space<hbm>> -> memref<8x128xi32, #tpu.memory_space<hbm>>
          %dma_start3A_321 = arith.constant 8 : i32
          %dma_start3A_322 = arith.constant 0 : i32
          %dma_start3A_323 = tpu.memref_slice %arg7[%dma_start3A_321, %dma_start3A_322] : memref<16x128xi32, #tpu.memory_space<vmem>> -> memref<8x128xi32, #tpu.memory_space<vmem>>
          %dma_start3A_324 = arith.constant 0 : i32
          %dma_start3A_325 = tpu.memref_slice %arg3[%dma_start3A_314, %add3A_305, %sub3A_313, %dma_start3A_324] : memref<2x32x40x128xi32, #tpu.memory_space<hbm>> -> memref<1x1x8x128xi32, #tpu.memory_space<hbm>>
          %dma_start3A_326 = tpu.memref_squeeze %dma_start3A_325 : memref<1x1x8x128xi32, #tpu.memory_space<hbm>> -> memref<8x128xi32, #tpu.memory_space<hbm>>
          tpu.enqueue_dma source(%dma_start3A_326 : memref<8x128xi32, #tpu.memory_space<hbm>>) target(%dma_start3A_323 : memref<8x128xi32, #tpu.memory_space<vmem>>) target_semaphore(%arg14 : memref<!tpu.dma_semaphore, #tpu.memory_space<semaphore_mem>>)
        } else {
        }
      }
      %scan3A_72 = arith.constant 10 : i32
      %barrier3A_73 = arith.constant 0 : index
      tpu.barrier barrier_id(%barrier3A_73)
      %mul3A_74 = arith.constant 640 : i32
      %mul3A_75 = arith.muli %arg1, %mul3A_74 : i32
      %mul3A_76 = arith.constant 640 : i32
      %mul3A_77 = arith.muli %arg1, %mul3A_76 : i32
      "tpu.region"() ({
        %run_scoped3A_79 = tpu.sem_alloc : memref<!tpu.dma_semaphore, #tpu.memory_space<semaphore_mem>>
        %dma_start3A_80 = arith.constant 0 : i32
        %dma_start3A_81 = tpu.memref_slice %arg5[%add3A_9, %mul3A_77, %dma_start3A_80] : memref<4x10240x128xf32, #tpu.memory_space<hbm>> -> memref<1x640x128xf32, #tpu.memory_space<hbm>>
        %dma_start3A_82 = tpu.memref_squeeze %dma_start3A_81 : memref<1x640x128xf32, #tpu.memory_space<hbm>> -> memref<640x128xf32, #tpu.memory_space<hbm>>
        %dma_start3A_83 = arith.constant 0 : i32
        %dma_start3A_84 = tpu.memref_slice %arg10[%mul3A_75, %dma_start3A_83] : memref<10240x128xf32, #tpu.memory_space<vmem_shared>> -> memref<640x128xf32, #tpu.memory_space<vmem_shared>>
        tpu.enqueue_dma source(%dma_start3A_84 : memref<640x128xf32, #tpu.memory_space<vmem_shared>>) target(%dma_start3A_82 : memref<640x128xf32, #tpu.memory_space<hbm>>) target_semaphore(%run_scoped3A_79 : memref<!tpu.dma_semaphore, #tpu.memory_space<semaphore_mem>>)
        %dma_wait3A = arith.constant 0 : i32
        %dma_wait3A_85 = tpu.memref_slice %arg5[%add3A_9, %mul3A_77, %dma_wait3A] : memref<4x10240x128xf32, #tpu.memory_space<hbm>> -> memref<1x640x128xf32, #tpu.memory_space<hbm>>
        %dma_wait3A_86 = tpu.memref_squeeze %dma_wait3A_85 : memref<1x640x128xf32, #tpu.memory_space<hbm>> -> memref<640x128xf32, #tpu.memory_space<hbm>>
        %dma_wait3A_87 = arith.constant 0 : i32
        %dma_wait3A_88 = tpu.memref_slice %arg10[%mul3A_75, %dma_wait3A_87] : memref<10240x128xf32, #tpu.memory_space<vmem_shared>> -> memref<640x128xf32, #tpu.memory_space<vmem_shared>>
        tpu.wait_dma2 semaphore(%run_scoped3A_79 : memref<!tpu.dma_semaphore, #tpu.memory_space<semaphore_mem>>) src(%dma_wait3A_88 : memref<640x128xf32, #tpu.memory_space<vmem_shared>>) dst(%dma_wait3A_86 : memref<640x128xf32, #tpu.memory_space<hbm>>)
        tpu.yield
      }) : () -> ()
      %barrier3A_78 = arith.constant 0 : index
      tpu.barrier barrier_id(%barrier3A_78)
    }
    %scan3A_6 = arith.constant 2 : i32
    return
  }
}

#map = affine_map<(d0, d1) -> (0, 0, 0, 0)>
#map1 = affine_map<(d0, d1) -> (0)>
#map2 = affine_map<(d0, d1) -> (0, 0)>
module attributes {stable_mosaic.version = 14 : i64} {
  func.func @_deg_kernel(%arg0: i32, %arg1: i32, %arg2: memref<2x32x40x128xi32, #tpu.memory_space<hbm>>, %arg3: memref<128xf32, #tpu.memory_space<hbm>>, %arg4: memref<640xf32, #tpu.memory_space<hbm>>, %arg5: memref<2x10240xf32, #tpu.memory_space<hbm>>, %arg6: memref<40x128xi32, #tpu.memory_space<vmem>>, %arg7: memref<128xf32, #tpu.memory_space<vmem>>, %arg8: memref<10240xf32, #tpu.memory_space<vmem_shared>>) attributes {dimension_semantics = [#tpu.dimension_semantics<core_parallel>, #tpu.dimension_semantics<subcore_parallel>], iteration_bounds = array<i64: 2, 16>, scalar_prefetch = 0 : i64, scratch_operands = 3 : i64, tpu.core_type = #tpu.core_type<sc_vector_subcore>, window_params = [{transform_indices = #map}, {transform_indices = #map1}, {transform_indices = #map1}, {transform_indices = #map2}]} {
    %mul3A = arith.constant 16 : i32
    %mul3A_0 = arith.muli %arg0, %mul3A : i32
    %add3A = arith.addi %mul3A_0, %arg1 : i32
    %run_scoped3A = arith.constant 1 : i32
    "tpu.region"() ({
      %run_scoped3A_13 = tpu.sem_alloc : memref<!tpu.dma_semaphore, #tpu.memory_space<semaphore_mem>>
      %dma_start3A = arith.constant 0 : i32
      %dma_start3A_14 = arith.constant 0 : i32
      %dma_start3A_15 = tpu.memref_slice %arg2[%run_scoped3A, %add3A, %dma_start3A, %dma_start3A_14] : memref<2x32x40x128xi32, #tpu.memory_space<hbm>> -> memref<1x1x40x128xi32, #tpu.memory_space<hbm>>
      %dma_start3A_16 = tpu.memref_squeeze %dma_start3A_15 : memref<1x1x40x128xi32, #tpu.memory_space<hbm>> -> memref<40x128xi32, #tpu.memory_space<hbm>>
      %dma_start3A_17 = arith.constant 0 : i32
      %dma_start3A_18 = arith.constant 0 : i32
      %dma_start3A_19 = tpu.memref_slice %arg2[%run_scoped3A, %add3A, %dma_start3A_17, %dma_start3A_18] : memref<2x32x40x128xi32, #tpu.memory_space<hbm>> -> memref<1x1x40x128xi32, #tpu.memory_space<hbm>>
      %dma_start3A_20 = tpu.memref_squeeze %dma_start3A_19 : memref<1x1x40x128xi32, #tpu.memory_space<hbm>> -> memref<40x128xi32, #tpu.memory_space<hbm>>
      tpu.enqueue_dma source(%dma_start3A_20 : memref<40x128xi32, #tpu.memory_space<hbm>>) target(%arg6 : memref<40x128xi32, #tpu.memory_space<vmem>>) target_semaphore(%run_scoped3A_13 : memref<!tpu.dma_semaphore, #tpu.memory_space<semaphore_mem>>)
      %dma_wait3A = arith.constant 0 : i32
      %dma_wait3A_21 = arith.constant 0 : i32
      %dma_wait3A_22 = tpu.memref_slice %arg2[%run_scoped3A, %add3A, %dma_wait3A, %dma_wait3A_21] : memref<2x32x40x128xi32, #tpu.memory_space<hbm>> -> memref<1x1x40x128xi32, #tpu.memory_space<hbm>>
      %dma_wait3A_23 = tpu.memref_squeeze %dma_wait3A_22 : memref<1x1x40x128xi32, #tpu.memory_space<hbm>> -> memref<40x128xi32, #tpu.memory_space<hbm>>
      %dma_wait3A_24 = arith.constant 0 : i32
      %dma_wait3A_25 = arith.constant 0 : i32
      %dma_wait3A_26 = tpu.memref_slice %arg2[%run_scoped3A, %add3A, %dma_wait3A_24, %dma_wait3A_25] : memref<2x32x40x128xi32, #tpu.memory_space<hbm>> -> memref<1x1x40x128xi32, #tpu.memory_space<hbm>>
      %dma_wait3A_27 = tpu.memref_squeeze %dma_wait3A_26 : memref<1x1x40x128xi32, #tpu.memory_space<hbm>> -> memref<40x128xi32, #tpu.memory_space<hbm>>
      tpu.wait_dma2 semaphore(%run_scoped3A_13 : memref<!tpu.dma_semaphore, #tpu.memory_space<semaphore_mem>>) src(%dma_wait3A_27 : memref<40x128xi32, #tpu.memory_space<hbm>>) dst(%arg6 : memref<40x128xi32, #tpu.memory_space<vmem>>)
      tpu.yield
    }) : () -> ()
    "tpu.region"() ({
      %run_scoped3A_13 = tpu.sem_alloc : memref<!tpu.dma_semaphore, #tpu.memory_space<semaphore_mem>>
      tpu.enqueue_dma source(%arg3 : memref<128xf32, #tpu.memory_space<hbm>>) target(%arg7 : memref<128xf32, #tpu.memory_space<vmem>>) target_semaphore(%run_scoped3A_13 : memref<!tpu.dma_semaphore, #tpu.memory_space<semaphore_mem>>)
      tpu.wait_dma2 semaphore(%run_scoped3A_13 : memref<!tpu.dma_semaphore, #tpu.memory_space<semaphore_mem>>) src(%arg3 : memref<128xf32, #tpu.memory_space<hbm>>) dst(%arg7 : memref<128xf32, #tpu.memory_space<vmem>>)
      tpu.yield
    }) : () -> ()
    %mul3A_1 = arith.constant 640 : i32
    %mul3A_2 = arith.muli %arg1, %mul3A_1 : i32
    "tpu.region"() ({
      %run_scoped3A_13 = tpu.sem_alloc : memref<!tpu.dma_semaphore, #tpu.memory_space<semaphore_mem>>
      %dma_start3A = tpu.memref_slice %arg8[%mul3A_2] : memref<10240xf32, #tpu.memory_space<vmem_shared>> -> memref<640xf32, #tpu.memory_space<vmem_shared>>
      tpu.enqueue_dma source(%arg4 : memref<640xf32, #tpu.memory_space<hbm>>) target(%dma_start3A : memref<640xf32, #tpu.memory_space<vmem_shared>>) target_semaphore(%run_scoped3A_13 : memref<!tpu.dma_semaphore, #tpu.memory_space<semaphore_mem>>)
      %dma_wait3A = tpu.memref_slice %arg8[%mul3A_2] : memref<10240xf32, #tpu.memory_space<vmem_shared>> -> memref<640xf32, #tpu.memory_space<vmem_shared>>
      tpu.wait_dma2 semaphore(%run_scoped3A_13 : memref<!tpu.dma_semaphore, #tpu.memory_space<semaphore_mem>>) src(%arg4 : memref<640xf32, #tpu.memory_space<hbm>>) dst(%dma_wait3A : memref<640xf32, #tpu.memory_space<vmem_shared>>)
      tpu.yield
    }) : () -> ()
    %barrier3A = arith.constant 0 : index
    tpu.barrier barrier_id(%barrier3A)
    %scan3A = arith.constant 0 : i32
    %scan3A_3 = arith.constant 0 : i32
    %scan3A_4 = arith.constant 40 : i32
    %scan3A_5 = arith.addi %scan3A_3, %scan3A_4 : i32
    %scan3A_6 = arith.constant 1 : i32
    scf.for %scan3A_13 = %scan3A_3 to %scan3A_5 step %scan3A_6  : i32 {
      "tpu.region"() ({
        %run_scoped3A_14 = tpu.sem_alloc : memref<!tpu.dma_semaphore, #tpu.memory_space<semaphore_mem>>
        %dma_start3A = arith.constant 0 : i32
        %dma_start3A_15 = tpu.memref_slice %arg6[%scan3A_13, %dma_start3A] : memref<40x128xi32, #tpu.memory_space<vmem>> -> memref<1x128xi32, #tpu.memory_space<vmem>>
        %dma_start3A_16 = tpu.memref_squeeze %dma_start3A_15 : memref<1x128xi32, #tpu.memory_space<vmem>> -> memref<128xi32, #tpu.memory_space<vmem>>
        %dma_start3A_17 = arith.constant 0 : i32
        %dma_start3A_18 = tpu.memref_slice %arg8[%dma_start3A_17] : memref<10240xf32, #tpu.memory_space<vmem_shared>> -> memref<10240xf32, #tpu.memory_space<vmem_shared>>
        tpu.enqueue_indirect_dma source(%arg7 : memref<128xf32, #tpu.memory_space<vmem>>) target(%dma_start3A_18 : memref<10240xf32, #tpu.memory_space<vmem_shared>>) offsets(%dma_start3A_16 : memref<128xi32, #tpu.memory_space<vmem>>) semaphore(%run_scoped3A_14 : memref<!tpu.dma_semaphore, #tpu.memory_space<semaphore_mem>>) {add = true}
        %dma_wait3A = arith.constant 0 : i32
        %dma_wait3A_19 = tpu.memref_slice %arg6[%scan3A_13, %dma_wait3A] : memref<40x128xi32, #tpu.memory_space<vmem>> -> memref<1x128xi32, #tpu.memory_space<vmem>>
        %dma_wait3A_20 = tpu.memref_squeeze %dma_wait3A_19 : memref<1x128xi32, #tpu.memory_space<vmem>> -> memref<128xi32, #tpu.memory_space<vmem>>
        %dma_wait3A_21 = arith.constant 0 : i32
        %dma_wait3A_22 = tpu.memref_slice %arg8[%dma_wait3A_21] : memref<10240xf32, #tpu.memory_space<vmem_shared>> -> memref<10240xf32, #tpu.memory_space<vmem_shared>>
        tpu.wait_indirect_dma semaphore(%run_scoped3A_14 : memref<!tpu.dma_semaphore, #tpu.memory_space<semaphore_mem>>) src(%arg7 : memref<128xf32, #tpu.memory_space<vmem>>) dst(%dma_wait3A_22 : memref<10240xf32, #tpu.memory_space<vmem_shared>>)
        tpu.yield
      }) : () -> ()
    }
    %scan3A_7 = arith.constant 40 : i32
    %barrier3A_8 = arith.constant 0 : index
    tpu.barrier barrier_id(%barrier3A_8)
    %mul3A_9 = arith.constant 640 : i32
    %mul3A_10 = arith.muli %arg1, %mul3A_9 : i32
    %mul3A_11 = arith.constant 640 : i32
    %mul3A_12 = arith.muli %arg1, %mul3A_11 : i32
    "tpu.region"() ({
      %run_scoped3A_13 = tpu.sem_alloc : memref<!tpu.dma_semaphore, #tpu.memory_space<semaphore_mem>>
      %dma_start3A = tpu.memref_slice %arg5[%arg0, %mul3A_12] : memref<2x10240xf32, #tpu.memory_space<hbm>> -> memref<1x640xf32, #tpu.memory_space<hbm>>
      %dma_start3A_14 = tpu.memref_squeeze %dma_start3A : memref<1x640xf32, #tpu.memory_space<hbm>> -> memref<640xf32, #tpu.memory_space<hbm>>
      %dma_start3A_15 = tpu.memref_slice %arg8[%mul3A_10] : memref<10240xf32, #tpu.memory_space<vmem_shared>> -> memref<640xf32, #tpu.memory_space<vmem_shared>>
      tpu.enqueue_dma source(%dma_start3A_15 : memref<640xf32, #tpu.memory_space<vmem_shared>>) target(%dma_start3A_14 : memref<640xf32, #tpu.memory_space<hbm>>) target_semaphore(%run_scoped3A_13 : memref<!tpu.dma_semaphore, #tpu.memory_space<semaphore_mem>>)
      %dma_wait3A = tpu.memref_slice %arg5[%arg0, %mul3A_12] : memref<2x10240xf32, #tpu.memory_space<hbm>> -> memref<1x640xf32, #tpu.memory_space<hbm>>
      %dma_wait3A_16 = tpu.memref_squeeze %dma_wait3A : memref<1x640xf32, #tpu.memory_space<hbm>> -> memref<640xf32, #tpu.memory_space<hbm>>
      %dma_wait3A_17 = tpu.memref_slice %arg8[%mul3A_10] : memref<10240xf32, #tpu.memory_space<vmem_shared>> -> memref<640xf32, #tpu.memory_space<vmem_shared>>
      tpu.wait_dma2 semaphore(%run_scoped3A_13 : memref<!tpu.dma_semaphore, #tpu.memory_space<semaphore_mem>>) src(%dma_wait3A_17 : memref<640xf32, #tpu.memory_space<vmem_shared>>) dst(%dma_wait3A_16 : memref<640xf32, #tpu.memory_space<hbm>>)
      tpu.yield
    }) : () -> ()
    return
  }
}

#map = affine_map<(d0, d1) -> (0, 0, 0)>
#map1 = affine_map<(d0, d1) -> (0, 0, 0, 0)>
#map2 = affine_map<(d0, d1) -> (0, 0)>
module attributes {stable_mosaic.version = 14 : i64} {
  func.func @prop(%arg0: i32, %arg1: i32, %arg2: memref<16x10000x128xf32, #tpu.memory_space<hbm>>, %arg3: memref<2x32x40x128xi32, #tpu.memory_space<hbm>>, %arg4: memref<640x128xf32, #tpu.memory_space<hbm>>, %arg5: memref<16x10240x128xf32, #tpu.memory_space<hbm>>, %arg6: memref<80x128xi32, #tpu.memory_space<vmem>>, %arg7: memref<16x128xi32, #tpu.memory_space<vmem>>, %arg8: memref<128x128xf32, #tpu.memory_space<vmem>>, %arg9: memref<128x128xf32, #tpu.memory_space<vmem>>, %arg10: memref<10240x128xf32, #tpu.memory_space<vmem_shared>>, %arg11: memref<!tpu.dma_semaphore, #tpu.memory_space<semaphore_mem>>, %arg12: memref<!tpu.dma_semaphore, #tpu.memory_space<semaphore_mem>>, %arg13: memref<!tpu.dma_semaphore, #tpu.memory_space<semaphore_mem>>, %arg14: memref<!tpu.dma_semaphore, #tpu.memory_space<semaphore_mem>>) attributes {dimension_semantics = [#tpu.dimension_semantics<core_parallel>, #tpu.dimension_semantics<subcore_parallel>], iteration_bounds = array<i64: 2, 16>, scalar_prefetch = 0 : i64, scratch_operands = 9 : i64, tpu.core_type = #tpu.core_type<sc_vector_subcore>, window_params = [{transform_indices = #map}, {transform_indices = #map1}, {transform_indices = #map2}, {transform_indices = #map}]} {
    %run_scoped3A = arith.constant 0 : i32
    "tpu.region"() ({
      %run_scoped3A_7 = tpu.sem_alloc : memref<!tpu.dma_semaphore, #tpu.memory_space<semaphore_mem>>
      %dma_start3A = arith.constant 0 : i32
      %dma_start3A_8 = arith.constant 0 : i32
      %dma_start3A_9 = tpu.memref_slice %arg6[%dma_start3A, %dma_start3A_8] : memref<80x128xi32, #tpu.memory_space<vmem>> -> memref<40x128xi32, #tpu.memory_space<vmem>>
      %dma_start3A_10 = arith.constant 0 : i32
      %dma_start3A_11 = arith.constant 0 : i32
      %dma_start3A_12 = tpu.memref_slice %arg3[%run_scoped3A, %arg1, %dma_start3A_10, %dma_start3A_11] : memref<2x32x40x128xi32, #tpu.memory_space<hbm>> -> memref<1x1x40x128xi32, #tpu.memory_space<hbm>>
      %dma_start3A_13 = tpu.memref_squeeze %dma_start3A_12 : memref<1x1x40x128xi32, #tpu.memory_space<hbm>> -> memref<40x128xi32, #tpu.memory_space<hbm>>
      %dma_start3A_14 = arith.constant 0 : i32
      %dma_start3A_15 = arith.constant 0 : i32
      %dma_start3A_16 = tpu.memref_slice %arg6[%dma_start3A_14, %dma_start3A_15] : memref<80x128xi32, #tpu.memory_space<vmem>> -> memref<40x128xi32, #tpu.memory_space<vmem>>
      %dma_start3A_17 = arith.constant 0 : i32
      %dma_start3A_18 = arith.constant 0 : i32
      %dma_start3A_19 = tpu.memref_slice %arg3[%run_scoped3A, %arg1, %dma_start3A_17, %dma_start3A_18] : memref<2x32x40x128xi32, #tpu.memory_space<hbm>> -> memref<1x1x40x128xi32, #tpu.memory_space<hbm>>
      %dma_start3A_20 = tpu.memref_squeeze %dma_start3A_19 : memref<1x1x40x128xi32, #tpu.memory_space<hbm>> -> memref<40x128xi32, #tpu.memory_space<hbm>>
      tpu.enqueue_dma source(%dma_start3A_20 : memref<40x128xi32, #tpu.memory_space<hbm>>) target(%dma_start3A_16 : memref<40x128xi32, #tpu.memory_space<vmem>>) target_semaphore(%run_scoped3A_7 : memref<!tpu.dma_semaphore, #tpu.memory_space<semaphore_mem>>)
      %dma_wait3A = arith.constant 0 : i32
      %dma_wait3A_21 = arith.constant 0 : i32
      %dma_wait3A_22 = tpu.memref_slice %arg6[%dma_wait3A, %dma_wait3A_21] : memref<80x128xi32, #tpu.memory_space<vmem>> -> memref<40x128xi32, #tpu.memory_space<vmem>>
      %dma_wait3A_23 = arith.constant 0 : i32
      %dma_wait3A_24 = arith.constant 0 : i32
      %dma_wait3A_25 = tpu.memref_slice %arg3[%run_scoped3A, %arg1, %dma_wait3A_23, %dma_wait3A_24] : memref<2x32x40x128xi32, #tpu.memory_space<hbm>> -> memref<1x1x40x128xi32, #tpu.memory_space<hbm>>
      %dma_wait3A_26 = tpu.memref_squeeze %dma_wait3A_25 : memref<1x1x40x128xi32, #tpu.memory_space<hbm>> -> memref<40x128xi32, #tpu.memory_space<hbm>>
      %dma_wait3A_27 = arith.constant 0 : i32
      %dma_wait3A_28 = arith.constant 0 : i32
      %dma_wait3A_29 = tpu.memref_slice %arg6[%dma_wait3A_27, %dma_wait3A_28] : memref<80x128xi32, #tpu.memory_space<vmem>> -> memref<40x128xi32, #tpu.memory_space<vmem>>
      %dma_wait3A_30 = arith.constant 0 : i32
      %dma_wait3A_31 = arith.constant 0 : i32
      %dma_wait3A_32 = tpu.memref_slice %arg3[%run_scoped3A, %arg1, %dma_wait3A_30, %dma_wait3A_31] : memref<2x32x40x128xi32, #tpu.memory_space<hbm>> -> memref<1x1x40x128xi32, #tpu.memory_space<hbm>>
      %dma_wait3A_33 = tpu.memref_squeeze %dma_wait3A_32 : memref<1x1x40x128xi32, #tpu.memory_space<hbm>> -> memref<40x128xi32, #tpu.memory_space<hbm>>
      tpu.wait_dma2 semaphore(%run_scoped3A_7 : memref<!tpu.dma_semaphore, #tpu.memory_space<semaphore_mem>>) src(%dma_wait3A_33 : memref<40x128xi32, #tpu.memory_space<hbm>>) dst(%dma_wait3A_29 : memref<40x128xi32, #tpu.memory_space<vmem>>)
      tpu.yield
    }) : () -> ()
    %add3A = arith.constant 16 : i32
    %add3A_0 = arith.addi %arg1, %add3A : i32
    %run_scoped3A_1 = arith.constant 0 : i32
    "tpu.region"() ({
      %run_scoped3A_7 = tpu.sem_alloc : memref<!tpu.dma_semaphore, #tpu.memory_space<semaphore_mem>>
      %dma_start3A = arith.constant 40 : i32
      %dma_start3A_8 = arith.constant 0 : i32
      %dma_start3A_9 = tpu.memref_slice %arg6[%dma_start3A, %dma_start3A_8] : memref<80x128xi32, #tpu.memory_space<vmem>> -> memref<40x128xi32, #tpu.memory_space<vmem>>
      %dma_start3A_10 = arith.constant 0 : i32
      %dma_start3A_11 = arith.constant 0 : i32
      %dma_start3A_12 = tpu.memref_slice %arg3[%run_scoped3A_1, %add3A_0, %dma_start3A_10, %dma_start3A_11] : memref<2x32x40x128xi32, #tpu.memory_space<hbm>> -> memref<1x1x40x128xi32, #tpu.memory_space<hbm>>
      %dma_start3A_13 = tpu.memref_squeeze %dma_start3A_12 : memref<1x1x40x128xi32, #tpu.memory_space<hbm>> -> memref<40x128xi32, #tpu.memory_space<hbm>>
      %dma_start3A_14 = arith.constant 40 : i32
      %dma_start3A_15 = arith.constant 0 : i32
      %dma_start3A_16 = tpu.memref_slice %arg6[%dma_start3A_14, %dma_start3A_15] : memref<80x128xi32, #tpu.memory_space<vmem>> -> memref<40x128xi32, #tpu.memory_space<vmem>>
      %dma_start3A_17 = arith.constant 0 : i32
      %dma_start3A_18 = arith.constant 0 : i32
      %dma_start3A_19 = tpu.memref_slice %arg3[%run_scoped3A_1, %add3A_0, %dma_start3A_17, %dma_start3A_18] : memref<2x32x40x128xi32, #tpu.memory_space<hbm>> -> memref<1x1x40x128xi32, #tpu.memory_space<hbm>>
      %dma_start3A_20 = tpu.memref_squeeze %dma_start3A_19 : memref<1x1x40x128xi32, #tpu.memory_space<hbm>> -> memref<40x128xi32, #tpu.memory_space<hbm>>
      tpu.enqueue_dma source(%dma_start3A_20 : memref<40x128xi32, #tpu.memory_space<hbm>>) target(%dma_start3A_16 : memref<40x128xi32, #tpu.memory_space<vmem>>) target_semaphore(%run_scoped3A_7 : memref<!tpu.dma_semaphore, #tpu.memory_space<semaphore_mem>>)
      %dma_wait3A = arith.constant 40 : i32
      %dma_wait3A_21 = arith.constant 0 : i32
      %dma_wait3A_22 = tpu.memref_slice %arg6[%dma_wait3A, %dma_wait3A_21] : memref<80x128xi32, #tpu.memory_space<vmem>> -> memref<40x128xi32, #tpu.memory_space<vmem>>
      %dma_wait3A_23 = arith.constant 0 : i32
      %dma_wait3A_24 = arith.constant 0 : i32
      %dma_wait3A_25 = tpu.memref_slice %arg3[%run_scoped3A_1, %add3A_0, %dma_wait3A_23, %dma_wait3A_24] : memref<2x32x40x128xi32, #tpu.memory_space<hbm>> -> memref<1x1x40x128xi32, #tpu.memory_space<hbm>>
      %dma_wait3A_26 = tpu.memref_squeeze %dma_wait3A_25 : memref<1x1x40x128xi32, #tpu.memory_space<hbm>> -> memref<40x128xi32, #tpu.memory_space<hbm>>
      %dma_wait3A_27 = arith.constant 40 : i32
      %dma_wait3A_28 = arith.constant 0 : i32
      %dma_wait3A_29 = tpu.memref_slice %arg6[%dma_wait3A_27, %dma_wait3A_28] : memref<80x128xi32, #tpu.memory_space<vmem>> -> memref<40x128xi32, #tpu.memory_space<vmem>>
      %dma_wait3A_30 = arith.constant 0 : i32
      %dma_wait3A_31 = arith.constant 0 : i32
      %dma_wait3A_32 = tpu.memref_slice %arg3[%run_scoped3A_1, %add3A_0, %dma_wait3A_30, %dma_wait3A_31] : memref<2x32x40x128xi32, #tpu.memory_space<hbm>> -> memref<1x1x40x128xi32, #tpu.memory_space<hbm>>
      %dma_wait3A_33 = tpu.memref_squeeze %dma_wait3A_32 : memref<1x1x40x128xi32, #tpu.memory_space<hbm>> -> memref<40x128xi32, #tpu.memory_space<hbm>>
      tpu.wait_dma2 semaphore(%run_scoped3A_7 : memref<!tpu.dma_semaphore, #tpu.memory_space<semaphore_mem>>) src(%dma_wait3A_33 : memref<40x128xi32, #tpu.memory_space<hbm>>) dst(%dma_wait3A_29 : memref<40x128xi32, #tpu.memory_space<vmem>>)
      tpu.yield
    }) : () -> ()
    %scan3A = arith.constant 0 : i32
    %scan3A_2 = arith.constant 0 : i32
    %scan3A_3 = arith.constant 8 : i32
    %scan3A_4 = arith.addi %scan3A_2, %scan3A_3 : i32
    %scan3A_5 = arith.constant 1 : i32
    scf.for %scan3A_7 = %scan3A_2 to %scan3A_4 step %scan3A_5  : i32 {
      %mul3A = arith.constant 8 : i32
      %mul3A_8 = arith.muli %arg0, %mul3A : i32
      %add3A_9 = arith.addi %mul3A_8, %scan3A_7 : i32
      %mul3A_10 = arith.constant 640 : i32
      %mul3A_11 = arith.muli %arg1, %mul3A_10 : i32
      "tpu.region"() ({
        %run_scoped3A_79 = tpu.sem_alloc : memref<!tpu.dma_semaphore, #tpu.memory_space<semaphore_mem>>
        %dma_start3A_80 = arith.constant 0 : i32
        %dma_start3A_81 = tpu.memref_slice %arg10[%mul3A_11, %dma_start3A_80] : memref<10240x128xf32, #tpu.memory_space<vmem_shared>> -> memref<640x128xf32, #tpu.memory_space<vmem_shared>>
        tpu.enqueue_dma source(%arg4 : memref<640x128xf32, #tpu.memory_space<hbm>>) target(%dma_start3A_81 : memref<640x128xf32, #tpu.memory_space<vmem_shared>>) target_semaphore(%run_scoped3A_79 : memref<!tpu.dma_semaphore, #tpu.memory_space<semaphore_mem>>)
        %dma_wait3A = arith.constant 0 : i32
        %dma_wait3A_82 = tpu.memref_slice %arg10[%mul3A_11, %dma_wait3A] : memref<10240x128xf32, #tpu.memory_space<vmem_shared>> -> memref<640x128xf32, #tpu.memory_space<vmem_shared>>
        tpu.wait_dma2 semaphore(%run_scoped3A_79 : memref<!tpu.dma_semaphore, #tpu.memory_space<semaphore_mem>>) src(%arg4 : memref<640x128xf32, #tpu.memory_space<hbm>>) dst(%dma_wait3A_82 : memref<640x128xf32, #tpu.memory_space<vmem_shared>>)
        tpu.yield
      }) : () -> ()
      %barrier3A = arith.constant 0 : index
      tpu.barrier barrier_id(%barrier3A)
      %jit3A = arith.constant false
      %jit3A_12 = arith.constant 16 : i32
      %jit3A_13 = arith.constant 0 : i32
      %select_n3A = arith.select %jit3A, %jit3A_12, %jit3A_13 : i32
      %add3A_14 = arith.addi %arg1, %select_n3A : i32
      %jit3A_15 = arith.constant false
      %jit3A_16 = arith.constant 40 : i32
      %jit3A_17 = arith.constant 0 : i32
      %select_n3A_18 = arith.select %jit3A_15, %jit3A_16, %jit3A_17 : i32
      %sub3A = arith.constant 0 : i32
      %sub3A_19 = arith.subi %sub3A, %select_n3A_18 : i32
      %dma_start3A = arith.constant 1 : i32
      %dma_start3A_20 = arith.constant 0 : i32
      %dma_start3A_21 = arith.constant 0 : i32
      %dma_start3A_22 = tpu.memref_slice %arg7[%dma_start3A_20, %dma_start3A_21] : memref<16x128xi32, #tpu.memory_space<vmem>> -> memref<8x128xi32, #tpu.memory_space<vmem>>
      %dma_start3A_23 = arith.constant 0 : i32
      %dma_start3A_24 = tpu.memref_slice %arg3[%dma_start3A, %add3A_14, %sub3A_19, %dma_start3A_23] : memref<2x32x40x128xi32, #tpu.memory_space<hbm>> -> memref<1x1x8x128xi32, #tpu.memory_space<hbm>>
      %dma_start3A_25 = tpu.memref_squeeze %dma_start3A_24 : memref<1x1x8x128xi32, #tpu.memory_space<hbm>> -> memref<8x128xi32, #tpu.memory_space<hbm>>
      %dma_start3A_26 = arith.constant 0 : i32
      %dma_start3A_27 = arith.constant 0 : i32
      %dma_start3A_28 = tpu.memref_slice %arg7[%dma_start3A_26, %dma_start3A_27] : memref<16x128xi32, #tpu.memory_space<vmem>> -> memref<8x128xi32, #tpu.memory_space<vmem>>
      %dma_start3A_29 = arith.constant 0 : i32
      %dma_start3A_30 = tpu.memref_slice %arg3[%dma_start3A, %add3A_14, %sub3A_19, %dma_start3A_29] : memref<2x32x40x128xi32, #tpu.memory_space<hbm>> -> memref<1x1x8x128xi32, #tpu.memory_space<hbm>>
      %dma_start3A_31 = tpu.memref_squeeze %dma_start3A_30 : memref<1x1x8x128xi32, #tpu.memory_space<hbm>> -> memref<8x128xi32, #tpu.memory_space<hbm>>
      tpu.enqueue_dma source(%dma_start3A_31 : memref<8x128xi32, #tpu.memory_space<hbm>>) target(%dma_start3A_28 : memref<8x128xi32, #tpu.memory_space<vmem>>) target_semaphore(%arg13 : memref<!tpu.dma_semaphore, #tpu.memory_space<semaphore_mem>>)
      %jit3A_32 = arith.constant false
      %jit3A_33 = arith.constant 16 : i32
      %jit3A_34 = arith.constant 0 : i32
      %select_n3A_35 = arith.select %jit3A_32, %jit3A_33, %jit3A_34 : i32
      %add3A_36 = arith.addi %arg1, %select_n3A_35 : i32
      %jit3A_37 = arith.constant false
      %jit3A_38 = arith.constant 40 : i32
      %jit3A_39 = arith.constant 0 : i32
      %select_n3A_40 = arith.select %jit3A_37, %jit3A_38, %jit3A_39 : i32
      %sub3A_41 = arith.constant 8 : i32
      %sub3A_42 = arith.subi %sub3A_41, %select_n3A_40 : i32
      %dma_start3A_43 = arith.constant 1 : i32
      %dma_start3A_44 = arith.constant 8 : i32
      %dma_start3A_45 = arith.constant 0 : i32
      %dma_start3A_46 = tpu.memref_slice %arg7[%dma_start3A_44, %dma_start3A_45] : memref<16x128xi32, #tpu.memory_space<vmem>> -> memref<8x128xi32, #tpu.memory_space<vmem>>
      %dma_start3A_47 = arith.constant 0 : i32
      %dma_start3A_48 = tpu.memref_slice %arg3[%dma_start3A_43, %add3A_36, %sub3A_42, %dma_start3A_47] : memref<2x32x40x128xi32, #tpu.memory_space<hbm>> -> memref<1x1x8x128xi32, #tpu.memory_space<hbm>>
      %dma_start3A_49 = tpu.memref_squeeze %dma_start3A_48 : memref<1x1x8x128xi32, #tpu.memory_space<hbm>> -> memref<8x128xi32, #tpu.memory_space<hbm>>
      %dma_start3A_50 = arith.constant 8 : i32
      %dma_start3A_51 = arith.constant 0 : i32
      %dma_start3A_52 = tpu.memref_slice %arg7[%dma_start3A_50, %dma_start3A_51] : memref<16x128xi32, #tpu.memory_space<vmem>> -> memref<8x128xi32, #tpu.memory_space<vmem>>
      %dma_start3A_53 = arith.constant 0 : i32
      %dma_start3A_54 = tpu.memref_slice %arg3[%dma_start3A_43, %add3A_36, %sub3A_42, %dma_start3A_53] : memref<2x32x40x128xi32, #tpu.memory_space<hbm>> -> memref<1x1x8x128xi32, #tpu.memory_space<hbm>>
      %dma_start3A_55 = tpu.memref_squeeze %dma_start3A_54 : memref<1x1x8x128xi32, #tpu.memory_space<hbm>> -> memref<8x128xi32, #tpu.memory_space<hbm>>
      tpu.enqueue_dma source(%dma_start3A_55 : memref<8x128xi32, #tpu.memory_space<hbm>>) target(%dma_start3A_52 : memref<8x128xi32, #tpu.memory_space<vmem>>) target_semaphore(%arg14 : memref<!tpu.dma_semaphore, #tpu.memory_space<semaphore_mem>>)
      %dma_start3A_56 = arith.constant 0 : i32
      %dma_start3A_57 = arith.constant 0 : i32
      %dma_start3A_58 = tpu.memref_slice %arg6[%dma_start3A_56, %dma_start3A_57] : memref<80x128xi32, #tpu.memory_space<vmem>> -> memref<1x128xi32, #tpu.memory_space<vmem>>
      %dma_start3A_59 = tpu.memref_squeeze %dma_start3A_58 : memref<1x128xi32, #tpu.memory_space<vmem>> -> memref<128xi32, #tpu.memory_space<vmem>>
      %dma_start3A_60 = arith.constant 0 : i32
      %dma_start3A_61 = arith.constant 0 : i32
      %dma_start3A_62 = tpu.memref_slice %arg2[%add3A_9, %dma_start3A_60, %dma_start3A_61] : memref<16x10000x128xf32, #tpu.memory_space<hbm>> -> memref<1x10000x128xf32, #tpu.memory_space<hbm>>
      %dma_start3A_63 = tpu.memref_squeeze %dma_start3A_62 : memref<1x10000x128xf32, #tpu.memory_space<hbm>> -> memref<10000x128xf32, #tpu.memory_space<hbm>>
      %dma_start3A_64 = arith.constant 0 : i32
      %dma_start3A_65 = arith.constant 0 : i32
      %dma_start3A_66 = tpu.memref_slice %dma_start3A_63[%dma_start3A_64, %dma_start3A_65] : memref<10000x128xf32, #tpu.memory_space<hbm>> -> memref<10000x128xf32, #tpu.memory_space<hbm>>
      tpu.enqueue_indirect_dma source(%dma_start3A_66 : memref<10000x128xf32, #tpu.memory_space<hbm>>) target(%arg8 : memref<128x128xf32, #tpu.memory_space<vmem>>) offsets(%dma_start3A_59 : memref<128xi32, #tpu.memory_space<vmem>>) semaphore(%arg11 : memref<!tpu.dma_semaphore, #tpu.memory_space<semaphore_mem>>)
      %scan3A_67 = arith.constant 0 : i32
      %scan3A_68 = arith.constant 0 : i32
      %scan3A_69 = arith.constant 10 : i32
      %scan3A_70 = arith.addi %scan3A_68, %scan3A_69 : i32
      %scan3A_71 = arith.constant 1 : i32
      scf.for %scan3A_79 = %scan3A_68 to %scan3A_70 step %scan3A_71  : i32 {
        %rem3A = arith.constant 2 : i32
        %rem3A_80 = arith.remsi %scan3A_79, %rem3A : i32
        %mul3A_81 = arith.constant 8 : i32
        %mul3A_82 = arith.muli %rem3A_80, %mul3A_81 : i32
        %eq3A = arith.constant 0 : i32
        %eq3A_83 = arith.cmpi eq, %rem3A_80, %eq3A : i32
        %convert_element_type3A = arith.extui %eq3A_83 : i1 to i32
        %cond3A = arith.constant 0 : i32
        %cond3A_84 = arith.cmpi ne, %convert_element_type3A, %cond3A : i32
        scf.if %cond3A_84 {
          %ge3A = arith.constant 5 : i32
          %ge3A_301 = arith.cmpi sge, %scan3A_79, %ge3A : i32
          %jit3A_302 = arith.constant 16 : i32
          %jit3A_303 = arith.constant 0 : i32
          %select_n3A_304 = arith.select %ge3A_301, %jit3A_302, %jit3A_303 : i32
          %add3A_305 = arith.addi %arg1, %select_n3A_304 : i32
          %mul3A_306 = arith.constant 8 : i32
          %mul3A_307 = arith.muli %mul3A_306, %scan3A_79 : i32
          %ge3A_308 = arith.constant 5 : i32
          %ge3A_309 = arith.cmpi sge, %scan3A_79, %ge3A_308 : i32
          %jit3A_310 = arith.constant 40 : i32
          %jit3A_311 = arith.constant 0 : i32
          %select_n3A_312 = arith.select %ge3A_309, %jit3A_310, %jit3A_311 : i32
          %sub3A_313 = arith.subi %mul3A_307, %select_n3A_312 : i32
          %dma_wait3A_314 = arith.constant 1 : i32
          %dma_wait3A_315 = arith.constant 0 : i32
          %dma_wait3A_316 = arith.constant 0 : i32
          %dma_wait3A_317 = tpu.memref_slice %arg7[%dma_wait3A_315, %dma_wait3A_316] : memref<16x128xi32, #tpu.memory_space<vmem>> -> memref<8x128xi32, #tpu.memory_space<vmem>>
          %dma_wait3A_318 = arith.constant 0 : i32
          %dma_wait3A_319 = tpu.memref_slice %arg3[%dma_wait3A_314, %add3A_305, %sub3A_313, %dma_wait3A_318] : memref<2x32x40x128xi32, #tpu.memory_space<hbm>> -> memref<1x1x8x128xi32, #tpu.memory_space<hbm>>
          %dma_wait3A_320 = tpu.memref_squeeze %dma_wait3A_319 : memref<1x1x8x128xi32, #tpu.memory_space<hbm>> -> memref<8x128xi32, #tpu.memory_space<hbm>>
          %dma_wait3A_321 = arith.constant 0 : i32
          %dma_wait3A_322 = arith.constant 0 : i32
          %dma_wait3A_323 = tpu.memref_slice %arg7[%dma_wait3A_321, %dma_wait3A_322] : memref<16x128xi32, #tpu.memory_space<vmem>> -> memref<8x128xi32, #tpu.memory_space<vmem>>
          %dma_wait3A_324 = arith.constant 0 : i32
          %dma_wait3A_325 = tpu.memref_slice %arg3[%dma_wait3A_314, %add3A_305, %sub3A_313, %dma_wait3A_324] : memref<2x32x40x128xi32, #tpu.memory_space<hbm>> -> memref<1x1x8x128xi32, #tpu.memory_space<hbm>>
          %dma_wait3A_326 = tpu.memref_squeeze %dma_wait3A_325 : memref<1x1x8x128xi32, #tpu.memory_space<hbm>> -> memref<8x128xi32, #tpu.memory_space<hbm>>
          tpu.wait_dma2 semaphore(%arg13 : memref<!tpu.dma_semaphore, #tpu.memory_space<semaphore_mem>>) src(%dma_wait3A_326 : memref<8x128xi32, #tpu.memory_space<hbm>>) dst(%dma_wait3A_323 : memref<8x128xi32, #tpu.memory_space<vmem>>)
        } else {
        }
        %eq3A_85 = arith.constant 1 : i32
        %eq3A_86 = arith.cmpi eq, %rem3A_80, %eq3A_85 : i32
        %convert_element_type3A_87 = arith.extui %eq3A_86 : i1 to i32
        %cond3A_88 = arith.constant 0 : i32
        %cond3A_89 = arith.cmpi ne, %convert_element_type3A_87, %cond3A_88 : i32
        scf.if %cond3A_89 {
          %ge3A = arith.constant 5 : i32
          %ge3A_301 = arith.cmpi sge, %scan3A_79, %ge3A : i32
          %jit3A_302 = arith.constant 16 : i32
          %jit3A_303 = arith.constant 0 : i32
          %select_n3A_304 = arith.select %ge3A_301, %jit3A_302, %jit3A_303 : i32
          %add3A_305 = arith.addi %arg1, %select_n3A_304 : i32
          %mul3A_306 = arith.constant 8 : i32
          %mul3A_307 = arith.muli %mul3A_306, %scan3A_79 : i32
          %ge3A_308 = arith.constant 5 : i32
          %ge3A_309 = arith.cmpi sge, %scan3A_79, %ge3A_308 : i32
          %jit3A_310 = arith.constant 40 : i32
          %jit3A_311 = arith.constant 0 : i32
          %select_n3A_312 = arith.select %ge3A_309, %jit3A_310, %jit3A_311 : i32
          %sub3A_313 = arith.subi %mul3A_307, %select_n3A_312 : i32
          %dma_wait3A_314 = arith.constant 1 : i32
          %dma_wait3A_315 = arith.constant 8 : i32
          %dma_wait3A_316 = arith.constant 0 : i32
          %dma_wait3A_317 = tpu.memref_slice %arg7[%dma_wait3A_315, %dma_wait3A_316] : memref<16x128xi32, #tpu.memory_space<vmem>> -> memref<8x128xi32, #tpu.memory_space<vmem>>
          %dma_wait3A_318 = arith.constant 0 : i32
          %dma_wait3A_319 = tpu.memref_slice %arg3[%dma_wait3A_314, %add3A_305, %sub3A_313, %dma_wait3A_318] : memref<2x32x40x128xi32, #tpu.memory_space<hbm>> -> memref<1x1x8x128xi32, #tpu.memory_space<hbm>>
          %dma_wait3A_320 = tpu.memref_squeeze %dma_wait3A_319 : memref<1x1x8x128xi32, #tpu.memory_space<hbm>> -> memref<8x128xi32, #tpu.memory_space<hbm>>
          %dma_wait3A_321 = arith.constant 8 : i32
          %dma_wait3A_322 = arith.constant 0 : i32
          %dma_wait3A_323 = tpu.memref_slice %arg7[%dma_wait3A_321, %dma_wait3A_322] : memref<16x128xi32, #tpu.memory_space<vmem>> -> memref<8x128xi32, #tpu.memory_space<vmem>>
          %dma_wait3A_324 = arith.constant 0 : i32
          %dma_wait3A_325 = tpu.memref_slice %arg3[%dma_wait3A_314, %add3A_305, %sub3A_313, %dma_wait3A_324] : memref<2x32x40x128xi32, #tpu.memory_space<hbm>> -> memref<1x1x8x128xi32, #tpu.memory_space<hbm>>
          %dma_wait3A_326 = tpu.memref_squeeze %dma_wait3A_325 : memref<1x1x8x128xi32, #tpu.memory_space<hbm>> -> memref<8x128xi32, #tpu.memory_space<hbm>>
          tpu.wait_dma2 semaphore(%arg14 : memref<!tpu.dma_semaphore, #tpu.memory_space<semaphore_mem>>) src(%dma_wait3A_326 : memref<8x128xi32, #tpu.memory_space<hbm>>) dst(%dma_wait3A_323 : memref<8x128xi32, #tpu.memory_space<vmem>>)
        } else {
        }
        %mul3A_90 = arith.constant 8 : i32
        %mul3A_91 = arith.muli %mul3A_90, %scan3A_79 : i32
        %add3A_92 = arith.constant 0 : i32
        %add3A_93 = arith.addi %mul3A_91, %add3A_92 : i32
        %add3A_94 = arith.constant 1 : i32
        %add3A_95 = arith.addi %add3A_93, %add3A_94 : i32
        %dma_start3A_96 = arith.constant 0 : i32
        %dma_start3A_97 = tpu.memref_slice %arg6[%add3A_95, %dma_start3A_96] : memref<80x128xi32, #tpu.memory_space<vmem>> -> memref<1x128xi32, #tpu.memory_space<vmem>>
        %dma_start3A_98 = tpu.memref_squeeze %dma_start3A_97 : memref<1x128xi32, #tpu.memory_space<vmem>> -> memref<128xi32, #tpu.memory_space<vmem>>
        %dma_start3A_99 = arith.constant 0 : i32
        %dma_start3A_100 = arith.constant 0 : i32
        %dma_start3A_101 = tpu.memref_slice %arg2[%add3A_9, %dma_start3A_99, %dma_start3A_100] : memref<16x10000x128xf32, #tpu.memory_space<hbm>> -> memref<1x10000x128xf32, #tpu.memory_space<hbm>>
        %dma_start3A_102 = tpu.memref_squeeze %dma_start3A_101 : memref<1x10000x128xf32, #tpu.memory_space<hbm>> -> memref<10000x128xf32, #tpu.memory_space<hbm>>
        %dma_start3A_103 = arith.constant 0 : i32
        %dma_start3A_104 = arith.constant 0 : i32
        %dma_start3A_105 = tpu.memref_slice %dma_start3A_102[%dma_start3A_103, %dma_start3A_104] : memref<10000x128xf32, #tpu.memory_space<hbm>> -> memref<10000x128xf32, #tpu.memory_space<hbm>>
        tpu.enqueue_indirect_dma source(%dma_start3A_105 : memref<10000x128xf32, #tpu.memory_space<hbm>>) target(%arg9 : memref<128x128xf32, #tpu.memory_space<vmem>>) offsets(%dma_start3A_98 : memref<128xi32, #tpu.memory_space<vmem>>) semaphore(%arg12 : memref<!tpu.dma_semaphore, #tpu.memory_space<semaphore_mem>>)
        %dma_wait3A = arith.constant 0 : i32
        %dma_wait3A_106 = tpu.memref_slice %arg6[%add3A_93, %dma_wait3A] : memref<80x128xi32, #tpu.memory_space<vmem>> -> memref<1x128xi32, #tpu.memory_space<vmem>>
        %dma_wait3A_107 = tpu.memref_squeeze %dma_wait3A_106 : memref<1x128xi32, #tpu.memory_space<vmem>> -> memref<128xi32, #tpu.memory_space<vmem>>
        %dma_wait3A_108 = arith.constant 0 : i32
        %dma_wait3A_109 = arith.constant 0 : i32
        %dma_wait3A_110 = tpu.memref_slice %arg2[%add3A_9, %dma_wait3A_108, %dma_wait3A_109] : memref<16x10000x128xf32, #tpu.memory_space<hbm>> -> memref<1x10000x128xf32, #tpu.memory_space<hbm>>
        %dma_wait3A_111 = tpu.memref_squeeze %dma_wait3A_110 : memref<1x10000x128xf32, #tpu.memory_space<hbm>> -> memref<10000x128xf32, #tpu.memory_space<hbm>>
        %dma_wait3A_112 = arith.constant 0 : i32
        %dma_wait3A_113 = arith.constant 0 : i32
        %dma_wait3A_114 = tpu.memref_slice %dma_wait3A_111[%dma_wait3A_112, %dma_wait3A_113] : memref<10000x128xf32, #tpu.memory_space<hbm>> -> memref<10000x128xf32, #tpu.memory_space<hbm>>
        tpu.wait_indirect_dma semaphore(%arg11 : memref<!tpu.dma_semaphore, #tpu.memory_space<semaphore_mem>>) src(%dma_wait3A_114 : memref<10000x128xf32, #tpu.memory_space<hbm>>) dst(%arg8 : memref<128x128xf32, #tpu.memory_space<vmem>>)
        %add3A_115 = arith.constant 0 : i32
        %add3A_116 = arith.addi %mul3A_82, %add3A_115 : i32
        "tpu.region"() ({
          %run_scoped3A_301 = tpu.sem_alloc : memref<!tpu.dma_semaphore, #tpu.memory_space<semaphore_mem>>
          %dma_start3A_302 = arith.constant 0 : i32
          %dma_start3A_303 = tpu.memref_slice %arg7[%add3A_116, %dma_start3A_302] : memref<16x128xi32, #tpu.memory_space<vmem>> -> memref<1x128xi32, #tpu.memory_space<vmem>>
          %dma_start3A_304 = tpu.memref_squeeze %dma_start3A_303 : memref<1x128xi32, #tpu.memory_space<vmem>> -> memref<128xi32, #tpu.memory_space<vmem>>
          %dma_start3A_305 = arith.constant 0 : i32
          %dma_start3A_306 = arith.constant 0 : i32
          %dma_start3A_307 = tpu.memref_slice %arg10[%dma_start3A_305, %dma_start3A_306] : memref<10240x128xf32, #tpu.memory_space<vmem_shared>> -> memref<10240x128xf32, #tpu.memory_space<vmem_shared>>
          tpu.enqueue_indirect_dma source(%arg8 : memref<128x128xf32, #tpu.memory_space<vmem>>) target(%dma_start3A_307 : memref<10240x128xf32, #tpu.memory_space<vmem_shared>>) offsets(%dma_start3A_304 : memref<128xi32, #tpu.memory_space<vmem>>) semaphore(%run_scoped3A_301 : memref<!tpu.dma_semaphore, #tpu.memory_space<semaphore_mem>>) {add = true}
          %dma_wait3A_308 = arith.constant 0 : i32
          %dma_wait3A_309 = tpu.memref_slice %arg7[%add3A_116, %dma_wait3A_308] : memref<16x128xi32, #tpu.memory_space<vmem>> -> memref<1x128xi32, #tpu.memory_space<vmem>>
          %dma_wait3A_310 = tpu.memref_squeeze %dma_wait3A_309 : memref<1x128xi32, #tpu.memory_space<vmem>> -> memref<128xi32, #tpu.memory_space<vmem>>
          %dma_wait3A_311 = arith.constant 0 : i32
          %dma_wait3A_312 = arith.constant 0 : i32
          %dma_wait3A_313 = tpu.memref_slice %arg10[%dma_wait3A_311, %dma_wait3A_312] : memref<10240x128xf32, #tpu.memory_space<vmem_shared>> -> memref<10240x128xf32, #tpu.memory_space<vmem_shared>>
          tpu.wait_indirect_dma semaphore(%run_scoped3A_301 : memref<!tpu.dma_semaphore, #tpu.memory_space<semaphore_mem>>) src(%arg8 : memref<128x128xf32, #tpu.memory_space<vmem>>) dst(%dma_wait3A_313 : memref<10240x128xf32, #tpu.memory_space<vmem_shared>>)
          tpu.yield
        }) : () -> ()
        %add3A_117 = arith.constant 2 : i32
        %add3A_118 = arith.addi %add3A_93, %add3A_117 : i32
        %lt3A = arith.constant 80 : i32
        %lt3A_119 = arith.cmpi slt, %add3A_118, %lt3A : i32
        %convert_element_type3A_120 = arith.extui %lt3A_119 : i1 to i32
        %cond3A_121 = arith.constant 0 : i32
        %cond3A_122 = arith.cmpi ne, %convert_element_type3A_120, %cond3A_121 : i32
        scf.if %cond3A_122 {
          %dma_start3A_301 = arith.constant 0 : i32
          %dma_start3A_302 = tpu.memref_slice %arg6[%add3A_118, %dma_start3A_301] : memref<80x128xi32, #tpu.memory_space<vmem>> -> memref<1x128xi32, #tpu.memory_space<vmem>>
          %dma_start3A_303 = tpu.memref_squeeze %dma_start3A_302 : memref<1x128xi32, #tpu.memory_space<vmem>> -> memref<128xi32, #tpu.memory_space<vmem>>
          %dma_start3A_304 = arith.constant 0 : i32
          %dma_start3A_305 = arith.constant 0 : i32
          %dma_start3A_306 = tpu.memref_slice %arg2[%add3A_9, %dma_start3A_304, %dma_start3A_305] : memref<16x10000x128xf32, #tpu.memory_space<hbm>> -> memref<1x10000x128xf32, #tpu.memory_space<hbm>>
          %dma_start3A_307 = tpu.memref_squeeze %dma_start3A_306 : memref<1x10000x128xf32, #tpu.memory_space<hbm>> -> memref<10000x128xf32, #tpu.memory_space<hbm>>
          %dma_start3A_308 = arith.constant 0 : i32
          %dma_start3A_309 = arith.constant 0 : i32
          %dma_start3A_310 = tpu.memref_slice %dma_start3A_307[%dma_start3A_308, %dma_start3A_309] : memref<10000x128xf32, #tpu.memory_space<hbm>> -> memref<10000x128xf32, #tpu.memory_space<hbm>>
          tpu.enqueue_indirect_dma source(%dma_start3A_310 : memref<10000x128xf32, #tpu.memory_space<hbm>>) target(%arg8 : memref<128x128xf32, #tpu.memory_space<vmem>>) offsets(%dma_start3A_303 : memref<128xi32, #tpu.memory_space<vmem>>) semaphore(%arg11 : memref<!tpu.dma_semaphore, #tpu.memory_space<semaphore_mem>>)
        } else {
        }
        %dma_wait3A_123 = arith.constant 0 : i32
        %dma_wait3A_124 = tpu.memref_slice %arg6[%add3A_95, %dma_wait3A_123] : memref<80x128xi32, #tpu.memory_space<vmem>> -> memref<1x128xi32, #tpu.memory_space<vmem>>
        %dma_wait3A_125 = tpu.memref_squeeze %dma_wait3A_124 : memref<1x128xi32, #tpu.memory_space<vmem>> -> memref<128xi32, #tpu.memory_space<vmem>>
        %dma_wait3A_126 = arith.constant 0 : i32
        %dma_wait3A_127 = arith.constant 0 : i32
        %dma_wait3A_128 = tpu.memref_slice %arg2[%add3A_9, %dma_wait3A_126, %dma_wait3A_127] : memref<16x10000x128xf32, #tpu.memory_space<hbm>> -> memref<1x10000x128xf32, #tpu.memory_space<hbm>>
        %dma_wait3A_129 = tpu.memref_squeeze %dma_wait3A_128 : memref<1x10000x128xf32, #tpu.memory_space<hbm>> -> memref<10000x128xf32, #tpu.memory_space<hbm>>
        %dma_wait3A_130 = arith.constant 0 : i32
        %dma_wait3A_131 = arith.constant 0 : i32
        %dma_wait3A_132 = tpu.memref_slice %dma_wait3A_129[%dma_wait3A_130, %dma_wait3A_131] : memref<10000x128xf32, #tpu.memory_space<hbm>> -> memref<10000x128xf32, #tpu.memory_space<hbm>>
        tpu.wait_indirect_dma semaphore(%arg12 : memref<!tpu.dma_semaphore, #tpu.memory_space<semaphore_mem>>) src(%dma_wait3A_132 : memref<10000x128xf32, #tpu.memory_space<hbm>>) dst(%arg9 : memref<128x128xf32, #tpu.memory_space<vmem>>)
        %add3A_133 = arith.constant 0 : i32
        %add3A_134 = arith.addi %mul3A_82, %add3A_133 : i32
        %add3A_135 = arith.constant 1 : i32
        %add3A_136 = arith.addi %add3A_134, %add3A_135 : i32
        "tpu.region"() ({
          %run_scoped3A_301 = tpu.sem_alloc : memref<!tpu.dma_semaphore, #tpu.memory_space<semaphore_mem>>
          %dma_start3A_302 = arith.constant 0 : i32
          %dma_start3A_303 = tpu.memref_slice %arg7[%add3A_136, %dma_start3A_302] : memref<16x128xi32, #tpu.memory_space<vmem>> -> memref<1x128xi32, #tpu.memory_space<vmem>>
          %dma_start3A_304 = tpu.memref_squeeze %dma_start3A_303 : memref<1x128xi32, #tpu.memory_space<vmem>> -> memref<128xi32, #tpu.memory_space<vmem>>
          %dma_start3A_305 = arith.constant 0 : i32
          %dma_start3A_306 = arith.constant 0 : i32
          %dma_start3A_307 = tpu.memref_slice %arg10[%dma_start3A_305, %dma_start3A_306] : memref<10240x128xf32, #tpu.memory_space<vmem_shared>> -> memref<10240x128xf32, #tpu.memory_space<vmem_shared>>
          tpu.enqueue_indirect_dma source(%arg9 : memref<128x128xf32, #tpu.memory_space<vmem>>) target(%dma_start3A_307 : memref<10240x128xf32, #tpu.memory_space<vmem_shared>>) offsets(%dma_start3A_304 : memref<128xi32, #tpu.memory_space<vmem>>) semaphore(%run_scoped3A_301 : memref<!tpu.dma_semaphore, #tpu.memory_space<semaphore_mem>>) {add = true}
          %dma_wait3A_308 = arith.constant 0 : i32
          %dma_wait3A_309 = tpu.memref_slice %arg7[%add3A_136, %dma_wait3A_308] : memref<16x128xi32, #tpu.memory_space<vmem>> -> memref<1x128xi32, #tpu.memory_space<vmem>>
          %dma_wait3A_310 = tpu.memref_squeeze %dma_wait3A_309 : memref<1x128xi32, #tpu.memory_space<vmem>> -> memref<128xi32, #tpu.memory_space<vmem>>
          %dma_wait3A_311 = arith.constant 0 : i32
          %dma_wait3A_312 = arith.constant 0 : i32
          %dma_wait3A_313 = tpu.memref_slice %arg10[%dma_wait3A_311, %dma_wait3A_312] : memref<10240x128xf32, #tpu.memory_space<vmem_shared>> -> memref<10240x128xf32, #tpu.memory_space<vmem_shared>>
          tpu.wait_indirect_dma semaphore(%run_scoped3A_301 : memref<!tpu.dma_semaphore, #tpu.memory_space<semaphore_mem>>) src(%arg9 : memref<128x128xf32, #tpu.memory_space<vmem>>) dst(%dma_wait3A_313 : memref<10240x128xf32, #tpu.memory_space<vmem_shared>>)
          tpu.yield
        }) : () -> ()
        %mul3A_137 = arith.constant 8 : i32
        %mul3A_138 = arith.muli %mul3A_137, %scan3A_79 : i32
        %add3A_139 = arith.constant 2 : i32
        %add3A_140 = arith.addi %mul3A_138, %add3A_139 : i32
        %add3A_141 = arith.constant 1 : i32
        %add3A_142 = arith.addi %add3A_140, %add3A_141 : i32
        %dma_start3A_143 = arith.constant 0 : i32
        %dma_start3A_144 = tpu.memref_slice %arg6[%add3A_142, %dma_start3A_143] : memref<80x128xi32, #tpu.memory_space<vmem>> -> memref<1x128xi32, #tpu.memory_space<vmem>>
        %dma_start3A_145 = tpu.memref_squeeze %dma_start3A_144 : memref<1x128xi32, #tpu.memory_space<vmem>> -> memref<128xi32, #tpu.memory_space<vmem>>
        %dma_start3A_146 = arith.constant 0 : i32
        %dma_start3A_147 = arith.constant 0 : i32
        %dma_start3A_148 = tpu.memref_slice %arg2[%add3A_9, %dma_start3A_146, %dma_start3A_147] : memref<16x10000x128xf32, #tpu.memory_space<hbm>> -> memref<1x10000x128xf32, #tpu.memory_space<hbm>>
        %dma_start3A_149 = tpu.memref_squeeze %dma_start3A_148 : memref<1x10000x128xf32, #tpu.memory_space<hbm>> -> memref<10000x128xf32, #tpu.memory_space<hbm>>
        %dma_start3A_150 = arith.constant 0 : i32
        %dma_start3A_151 = arith.constant 0 : i32
        %dma_start3A_152 = tpu.memref_slice %dma_start3A_149[%dma_start3A_150, %dma_start3A_151] : memref<10000x128xf32, #tpu.memory_space<hbm>> -> memref<10000x128xf32, #tpu.memory_space<hbm>>
        tpu.enqueue_indirect_dma source(%dma_start3A_152 : memref<10000x128xf32, #tpu.memory_space<hbm>>) target(%arg9 : memref<128x128xf32, #tpu.memory_space<vmem>>) offsets(%dma_start3A_145 : memref<128xi32, #tpu.memory_space<vmem>>) semaphore(%arg12 : memref<!tpu.dma_semaphore, #tpu.memory_space<semaphore_mem>>)
        %dma_wait3A_153 = arith.constant 0 : i32
        %dma_wait3A_154 = tpu.memref_slice %arg6[%add3A_140, %dma_wait3A_153] : memref<80x128xi32, #tpu.memory_space<vmem>> -> memref<1x128xi32, #tpu.memory_space<vmem>>
        %dma_wait3A_155 = tpu.memref_squeeze %dma_wait3A_154 : memref<1x128xi32, #tpu.memory_space<vmem>> -> memref<128xi32, #tpu.memory_space<vmem>>
        %dma_wait3A_156 = arith.constant 0 : i32
        %dma_wait3A_157 = arith.constant 0 : i32
        %dma_wait3A_158 = tpu.memref_slice %arg2[%add3A_9, %dma_wait3A_156, %dma_wait3A_157] : memref<16x10000x128xf32, #tpu.memory_space<hbm>> -> memref<1x10000x128xf32, #tpu.memory_space<hbm>>
        %dma_wait3A_159 = tpu.memref_squeeze %dma_wait3A_158 : memref<1x10000x128xf32, #tpu.memory_space<hbm>> -> memref<10000x128xf32, #tpu.memory_space<hbm>>
        %dma_wait3A_160 = arith.constant 0 : i32
        %dma_wait3A_161 = arith.constant 0 : i32
        %dma_wait3A_162 = tpu.memref_slice %dma_wait3A_159[%dma_wait3A_160, %dma_wait3A_161] : memref<10000x128xf32, #tpu.memory_space<hbm>> -> memref<10000x128xf32, #tpu.memory_space<hbm>>
        tpu.wait_indirect_dma semaphore(%arg11 : memref<!tpu.dma_semaphore, #tpu.memory_space<semaphore_mem>>) src(%dma_wait3A_162 : memref<10000x128xf32, #tpu.memory_space<hbm>>) dst(%arg8 : memref<128x128xf32, #tpu.memory_space<vmem>>)
        %add3A_163 = arith.constant 2 : i32
        %add3A_164 = arith.addi %mul3A_82, %add3A_163 : i32
        "tpu.region"() ({
          %run_scoped3A_301 = tpu.sem_alloc : memref<!tpu.dma_semaphore, #tpu.memory_space<semaphore_mem>>
          %dma_start3A_302 = arith.constant 0 : i32
          %dma_start3A_303 = tpu.memref_slice %arg7[%add3A_164, %dma_start3A_302] : memref<16x128xi32, #tpu.memory_space<vmem>> -> memref<1x128xi32, #tpu.memory_space<vmem>>
          %dma_start3A_304 = tpu.memref_squeeze %dma_start3A_303 : memref<1x128xi32, #tpu.memory_space<vmem>> -> memref<128xi32, #tpu.memory_space<vmem>>
          %dma_start3A_305 = arith.constant 0 : i32
          %dma_start3A_306 = arith.constant 0 : i32
          %dma_start3A_307 = tpu.memref_slice %arg10[%dma_start3A_305, %dma_start3A_306] : memref<10240x128xf32, #tpu.memory_space<vmem_shared>> -> memref<10240x128xf32, #tpu.memory_space<vmem_shared>>
          tpu.enqueue_indirect_dma source(%arg8 : memref<128x128xf32, #tpu.memory_space<vmem>>) target(%dma_start3A_307 : memref<10240x128xf32, #tpu.memory_space<vmem_shared>>) offsets(%dma_start3A_304 : memref<128xi32, #tpu.memory_space<vmem>>) semaphore(%run_scoped3A_301 : memref<!tpu.dma_semaphore, #tpu.memory_space<semaphore_mem>>) {add = true}
          %dma_wait3A_308 = arith.constant 0 : i32
          %dma_wait3A_309 = tpu.memref_slice %arg7[%add3A_164, %dma_wait3A_308] : memref<16x128xi32, #tpu.memory_space<vmem>> -> memref<1x128xi32, #tpu.memory_space<vmem>>
          %dma_wait3A_310 = tpu.memref_squeeze %dma_wait3A_309 : memref<1x128xi32, #tpu.memory_space<vmem>> -> memref<128xi32, #tpu.memory_space<vmem>>
          %dma_wait3A_311 = arith.constant 0 : i32
          %dma_wait3A_312 = arith.constant 0 : i32
          %dma_wait3A_313 = tpu.memref_slice %arg10[%dma_wait3A_311, %dma_wait3A_312] : memref<10240x128xf32, #tpu.memory_space<vmem_shared>> -> memref<10240x128xf32, #tpu.memory_space<vmem_shared>>
          tpu.wait_indirect_dma semaphore(%run_scoped3A_301 : memref<!tpu.dma_semaphore, #tpu.memory_space<semaphore_mem>>) src(%arg8 : memref<128x128xf32, #tpu.memory_space<vmem>>) dst(%dma_wait3A_313 : memref<10240x128xf32, #tpu.memory_space<vmem_shared>>)
          tpu.yield
        }) : () -> ()
        %add3A_165 = arith.constant 2 : i32
        %add3A_166 = arith.addi %add3A_140, %add3A_165 : i32
        %lt3A_167 = arith.constant 80 : i32
        %lt3A_168 = arith.cmpi slt, %add3A_166, %lt3A_167 : i32
        %convert_element_type3A_169 = arith.extui %lt3A_168 : i1 to i32
        %cond3A_170 = arith.constant 0 : i32
        %cond3A_171 = arith.cmpi ne, %convert_element_type3A_169, %cond3A_170 : i32
        scf.if %cond3A_171 {
          %dma_start3A_301 = arith.constant 0 : i32
          %dma_start3A_302 = tpu.memref_slice %arg6[%add3A_166, %dma_start3A_301] : memref<80x128xi32, #tpu.memory_space<vmem>> -> memref<1x128xi32, #tpu.memory_space<vmem>>
          %dma_start3A_303 = tpu.memref_squeeze %dma_start3A_302 : memref<1x128xi32, #tpu.memory_space<vmem>> -> memref<128xi32, #tpu.memory_space<vmem>>
          %dma_start3A_304 = arith.constant 0 : i32
          %dma_start3A_305 = arith.constant 0 : i32
          %dma_start3A_306 = tpu.memref_slice %arg2[%add3A_9, %dma_start3A_304, %dma_start3A_305] : memref<16x10000x128xf32, #tpu.memory_space<hbm>> -> memref<1x10000x128xf32, #tpu.memory_space<hbm>>
          %dma_start3A_307 = tpu.memref_squeeze %dma_start3A_306 : memref<1x10000x128xf32, #tpu.memory_space<hbm>> -> memref<10000x128xf32, #tpu.memory_space<hbm>>
          %dma_start3A_308 = arith.constant 0 : i32
          %dma_start3A_309 = arith.constant 0 : i32
          %dma_start3A_310 = tpu.memref_slice %dma_start3A_307[%dma_start3A_308, %dma_start3A_309] : memref<10000x128xf32, #tpu.memory_space<hbm>> -> memref<10000x128xf32, #tpu.memory_space<hbm>>
          tpu.enqueue_indirect_dma source(%dma_start3A_310 : memref<10000x128xf32, #tpu.memory_space<hbm>>) target(%arg8 : memref<128x128xf32, #tpu.memory_space<vmem>>) offsets(%dma_start3A_303 : memref<128xi32, #tpu.memory_space<vmem>>) semaphore(%arg11 : memref<!tpu.dma_semaphore, #tpu.memory_space<semaphore_mem>>)
        } else {
        }
        %dma_wait3A_172 = arith.constant 0 : i32
        %dma_wait3A_173 = tpu.memref_slice %arg6[%add3A_142, %dma_wait3A_172] : memref<80x128xi32, #tpu.memory_space<vmem>> -> memref<1x128xi32, #tpu.memory_space<vmem>>
        %dma_wait3A_174 = tpu.memref_squeeze %dma_wait3A_173 : memref<1x128xi32, #tpu.memory_space<vmem>> -> memref<128xi32, #tpu.memory_space<vmem>>
        %dma_wait3A_175 = arith.constant 0 : i32
        %dma_wait3A_176 = arith.constant 0 : i32
        %dma_wait3A_177 = tpu.memref_slice %arg2[%add3A_9, %dma_wait3A_175, %dma_wait3A_176] : memref<16x10000x128xf32, #tpu.memory_space<hbm>> -> memref<1x10000x128xf32, #tpu.memory_space<hbm>>
        %dma_wait3A_178 = tpu.memref_squeeze %dma_wait3A_177 : memref<1x10000x128xf32, #tpu.memory_space<hbm>> -> memref<10000x128xf32, #tpu.memory_space<hbm>>
        %dma_wait3A_179 = arith.constant 0 : i32
        %dma_wait3A_180 = arith.constant 0 : i32
        %dma_wait3A_181 = tpu.memref_slice %dma_wait3A_178[%dma_wait3A_179, %dma_wait3A_180] : memref<10000x128xf32, #tpu.memory_space<hbm>> -> memref<10000x128xf32, #tpu.memory_space<hbm>>
        tpu.wait_indirect_dma semaphore(%arg12 : memref<!tpu.dma_semaphore, #tpu.memory_space<semaphore_mem>>) src(%dma_wait3A_181 : memref<10000x128xf32, #tpu.memory_space<hbm>>) dst(%arg9 : memref<128x128xf32, #tpu.memory_space<vmem>>)
        %add3A_182 = arith.constant 2 : i32
        %add3A_183 = arith.addi %mul3A_82, %add3A_182 : i32
        %add3A_184 = arith.constant 1 : i32
        %add3A_185 = arith.addi %add3A_183, %add3A_184 : i32
        "tpu.region"() ({
          %run_scoped3A_301 = tpu.sem_alloc : memref<!tpu.dma_semaphore, #tpu.memory_space<semaphore_mem>>
          %dma_start3A_302 = arith.constant 0 : i32
          %dma_start3A_303 = tpu.memref_slice %arg7[%add3A_185, %dma_start3A_302] : memref<16x128xi32, #tpu.memory_space<vmem>> -> memref<1x128xi32, #tpu.memory_space<vmem>>
          %dma_start3A_304 = tpu.memref_squeeze %dma_start3A_303 : memref<1x128xi32, #tpu.memory_space<vmem>> -> memref<128xi32, #tpu.memory_space<vmem>>
          %dma_start3A_305 = arith.constant 0 : i32
          %dma_start3A_306 = arith.constant 0 : i32
          %dma_start3A_307 = tpu.memref_slice %arg10[%dma_start3A_305, %dma_start3A_306] : memref<10240x128xf32, #tpu.memory_space<vmem_shared>> -> memref<10240x128xf32, #tpu.memory_space<vmem_shared>>
          tpu.enqueue_indirect_dma source(%arg9 : memref<128x128xf32, #tpu.memory_space<vmem>>) target(%dma_start3A_307 : memref<10240x128xf32, #tpu.memory_space<vmem_shared>>) offsets(%dma_start3A_304 : memref<128xi32, #tpu.memory_space<vmem>>) semaphore(%run_scoped3A_301 : memref<!tpu.dma_semaphore, #tpu.memory_space<semaphore_mem>>) {add = true}
          %dma_wait3A_308 = arith.constant 0 : i32
          %dma_wait3A_309 = tpu.memref_slice %arg7[%add3A_185, %dma_wait3A_308] : memref<16x128xi32, #tpu.memory_space<vmem>> -> memref<1x128xi32, #tpu.memory_space<vmem>>
          %dma_wait3A_310 = tpu.memref_squeeze %dma_wait3A_309 : memref<1x128xi32, #tpu.memory_space<vmem>> -> memref<128xi32, #tpu.memory_space<vmem>>
          %dma_wait3A_311 = arith.constant 0 : i32
          %dma_wait3A_312 = arith.constant 0 : i32
          %dma_wait3A_313 = tpu.memref_slice %arg10[%dma_wait3A_311, %dma_wait3A_312] : memref<10240x128xf32, #tpu.memory_space<vmem_shared>> -> memref<10240x128xf32, #tpu.memory_space<vmem_shared>>
          tpu.wait_indirect_dma semaphore(%run_scoped3A_301 : memref<!tpu.dma_semaphore, #tpu.memory_space<semaphore_mem>>) src(%arg9 : memref<128x128xf32, #tpu.memory_space<vmem>>) dst(%dma_wait3A_313 : memref<10240x128xf32, #tpu.memory_space<vmem_shared>>)
          tpu.yield
        }) : () -> ()
        %mul3A_186 = arith.constant 8 : i32
        %mul3A_187 = arith.muli %mul3A_186, %scan3A_79 : i32
        %add3A_188 = arith.constant 4 : i32
        %add3A_189 = arith.addi %mul3A_187, %add3A_188 : i32
        %add3A_190 = arith.constant 1 : i32
        %add3A_191 = arith.addi %add3A_189, %add3A_190 : i32
        %dma_start3A_192 = arith.constant 0 : i32
        %dma_start3A_193 = tpu.memref_slice %arg6[%add3A_191, %dma_start3A_192] : memref<80x128xi32, #tpu.memory_space<vmem>> -> memref<1x128xi32, #tpu.memory_space<vmem>>
        %dma_start3A_194 = tpu.memref_squeeze %dma_start3A_193 : memref<1x128xi32, #tpu.memory_space<vmem>> -> memref<128xi32, #tpu.memory_space<vmem>>
        %dma_start3A_195 = arith.constant 0 : i32
        %dma_start3A_196 = arith.constant 0 : i32
        %dma_start3A_197 = tpu.memref_slice %arg2[%add3A_9, %dma_start3A_195, %dma_start3A_196] : memref<16x10000x128xf32, #tpu.memory_space<hbm>> -> memref<1x10000x128xf32, #tpu.memory_space<hbm>>
        %dma_start3A_198 = tpu.memref_squeeze %dma_start3A_197 : memref<1x10000x128xf32, #tpu.memory_space<hbm>> -> memref<10000x128xf32, #tpu.memory_space<hbm>>
        %dma_start3A_199 = arith.constant 0 : i32
        %dma_start3A_200 = arith.constant 0 : i32
        %dma_start3A_201 = tpu.memref_slice %dma_start3A_198[%dma_start3A_199, %dma_start3A_200] : memref<10000x128xf32, #tpu.memory_space<hbm>> -> memref<10000x128xf32, #tpu.memory_space<hbm>>
        tpu.enqueue_indirect_dma source(%dma_start3A_201 : memref<10000x128xf32, #tpu.memory_space<hbm>>) target(%arg9 : memref<128x128xf32, #tpu.memory_space<vmem>>) offsets(%dma_start3A_194 : memref<128xi32, #tpu.memory_space<vmem>>) semaphore(%arg12 : memref<!tpu.dma_semaphore, #tpu.memory_space<semaphore_mem>>)
        %dma_wait3A_202 = arith.constant 0 : i32
        %dma_wait3A_203 = tpu.memref_slice %arg6[%add3A_189, %dma_wait3A_202] : memref<80x128xi32, #tpu.memory_space<vmem>> -> memref<1x128xi32, #tpu.memory_space<vmem>>
        %dma_wait3A_204 = tpu.memref_squeeze %dma_wait3A_203 : memref<1x128xi32, #tpu.memory_space<vmem>> -> memref<128xi32, #tpu.memory_space<vmem>>
        %dma_wait3A_205 = arith.constant 0 : i32
        %dma_wait3A_206 = arith.constant 0 : i32
        %dma_wait3A_207 = tpu.memref_slice %arg2[%add3A_9, %dma_wait3A_205, %dma_wait3A_206] : memref<16x10000x128xf32, #tpu.memory_space<hbm>> -> memref<1x10000x128xf32, #tpu.memory_space<hbm>>
        %dma_wait3A_208 = tpu.memref_squeeze %dma_wait3A_207 : memref<1x10000x128xf32, #tpu.memory_space<hbm>> -> memref<10000x128xf32, #tpu.memory_space<hbm>>
        %dma_wait3A_209 = arith.constant 0 : i32
        %dma_wait3A_210 = arith.constant 0 : i32
        %dma_wait3A_211 = tpu.memref_slice %dma_wait3A_208[%dma_wait3A_209, %dma_wait3A_210] : memref<10000x128xf32, #tpu.memory_space<hbm>> -> memref<10000x128xf32, #tpu.memory_space<hbm>>
        tpu.wait_indirect_dma semaphore(%arg11 : memref<!tpu.dma_semaphore, #tpu.memory_space<semaphore_mem>>) src(%dma_wait3A_211 : memref<10000x128xf32, #tpu.memory_space<hbm>>) dst(%arg8 : memref<128x128xf32, #tpu.memory_space<vmem>>)
        %add3A_212 = arith.constant 4 : i32
        %add3A_213 = arith.addi %mul3A_82, %add3A_212 : i32
        "tpu.region"() ({
          %run_scoped3A_301 = tpu.sem_alloc : memref<!tpu.dma_semaphore, #tpu.memory_space<semaphore_mem>>
          %dma_start3A_302 = arith.constant 0 : i32
          %dma_start3A_303 = tpu.memref_slice %arg7[%add3A_213, %dma_start3A_302] : memref<16x128xi32, #tpu.memory_space<vmem>> -> memref<1x128xi32, #tpu.memory_space<vmem>>
          %dma_start3A_304 = tpu.memref_squeeze %dma_start3A_303 : memref<1x128xi32, #tpu.memory_space<vmem>> -> memref<128xi32, #tpu.memory_space<vmem>>
          %dma_start3A_305 = arith.constant 0 : i32
          %dma_start3A_306 = arith.constant 0 : i32
          %dma_start3A_307 = tpu.memref_slice %arg10[%dma_start3A_305, %dma_start3A_306] : memref<10240x128xf32, #tpu.memory_space<vmem_shared>> -> memref<10240x128xf32, #tpu.memory_space<vmem_shared>>
          tpu.enqueue_indirect_dma source(%arg8 : memref<128x128xf32, #tpu.memory_space<vmem>>) target(%dma_start3A_307 : memref<10240x128xf32, #tpu.memory_space<vmem_shared>>) offsets(%dma_start3A_304 : memref<128xi32, #tpu.memory_space<vmem>>) semaphore(%run_scoped3A_301 : memref<!tpu.dma_semaphore, #tpu.memory_space<semaphore_mem>>) {add = true}
          %dma_wait3A_308 = arith.constant 0 : i32
          %dma_wait3A_309 = tpu.memref_slice %arg7[%add3A_213, %dma_wait3A_308] : memref<16x128xi32, #tpu.memory_space<vmem>> -> memref<1x128xi32, #tpu.memory_space<vmem>>
          %dma_wait3A_310 = tpu.memref_squeeze %dma_wait3A_309 : memref<1x128xi32, #tpu.memory_space<vmem>> -> memref<128xi32, #tpu.memory_space<vmem>>
          %dma_wait3A_311 = arith.constant 0 : i32
          %dma_wait3A_312 = arith.constant 0 : i32
          %dma_wait3A_313 = tpu.memref_slice %arg10[%dma_wait3A_311, %dma_wait3A_312] : memref<10240x128xf32, #tpu.memory_space<vmem_shared>> -> memref<10240x128xf32, #tpu.memory_space<vmem_shared>>
          tpu.wait_indirect_dma semaphore(%run_scoped3A_301 : memref<!tpu.dma_semaphore, #tpu.memory_space<semaphore_mem>>) src(%arg8 : memref<128x128xf32, #tpu.memory_space<vmem>>) dst(%dma_wait3A_313 : memref<10240x128xf32, #tpu.memory_space<vmem_shared>>)
          tpu.yield
        }) : () -> ()
        %add3A_214 = arith.constant 2 : i32
        %add3A_215 = arith.addi %add3A_189, %add3A_214 : i32
        %lt3A_216 = arith.constant 80 : i32
        %lt3A_217 = arith.cmpi slt, %add3A_215, %lt3A_216 : i32
        %convert_element_type3A_218 = arith.extui %lt3A_217 : i1 to i32
        %cond3A_219 = arith.constant 0 : i32
        %cond3A_220 = arith.cmpi ne, %convert_element_type3A_218, %cond3A_219 : i32
        scf.if %cond3A_220 {
          %dma_start3A_301 = arith.constant 0 : i32
          %dma_start3A_302 = tpu.memref_slice %arg6[%add3A_215, %dma_start3A_301] : memref<80x128xi32, #tpu.memory_space<vmem>> -> memref<1x128xi32, #tpu.memory_space<vmem>>
          %dma_start3A_303 = tpu.memref_squeeze %dma_start3A_302 : memref<1x128xi32, #tpu.memory_space<vmem>> -> memref<128xi32, #tpu.memory_space<vmem>>
          %dma_start3A_304 = arith.constant 0 : i32
          %dma_start3A_305 = arith.constant 0 : i32
          %dma_start3A_306 = tpu.memref_slice %arg2[%add3A_9, %dma_start3A_304, %dma_start3A_305] : memref<16x10000x128xf32, #tpu.memory_space<hbm>> -> memref<1x10000x128xf32, #tpu.memory_space<hbm>>
          %dma_start3A_307 = tpu.memref_squeeze %dma_start3A_306 : memref<1x10000x128xf32, #tpu.memory_space<hbm>> -> memref<10000x128xf32, #tpu.memory_space<hbm>>
          %dma_start3A_308 = arith.constant 0 : i32
          %dma_start3A_309 = arith.constant 0 : i32
          %dma_start3A_310 = tpu.memref_slice %dma_start3A_307[%dma_start3A_308, %dma_start3A_309] : memref<10000x128xf32, #tpu.memory_space<hbm>> -> memref<10000x128xf32, #tpu.memory_space<hbm>>
          tpu.enqueue_indirect_dma source(%dma_start3A_310 : memref<10000x128xf32, #tpu.memory_space<hbm>>) target(%arg8 : memref<128x128xf32, #tpu.memory_space<vmem>>) offsets(%dma_start3A_303 : memref<128xi32, #tpu.memory_space<vmem>>) semaphore(%arg11 : memref<!tpu.dma_semaphore, #tpu.memory_space<semaphore_mem>>)
        } else {
        }
        %dma_wait3A_221 = arith.constant 0 : i32
        %dma_wait3A_222 = tpu.memref_slice %arg6[%add3A_191, %dma_wait3A_221] : memref<80x128xi32, #tpu.memory_space<vmem>> -> memref<1x128xi32, #tpu.memory_space<vmem>>
        %dma_wait3A_223 = tpu.memref_squeeze %dma_wait3A_222 : memref<1x128xi32, #tpu.memory_space<vmem>> -> memref<128xi32, #tpu.memory_space<vmem>>
        %dma_wait3A_224 = arith.constant 0 : i32
        %dma_wait3A_225 = arith.constant 0 : i32
        %dma_wait3A_226 = tpu.memref_slice %arg2[%add3A_9, %dma_wait3A_224, %dma_wait3A_225] : memref<16x10000x128xf32, #tpu.memory_space<hbm>> -> memref<1x10000x128xf32, #tpu.memory_space<hbm>>
        %dma_wait3A_227 = tpu.memref_squeeze %dma_wait3A_226 : memref<1x10000x128xf32, #tpu.memory_space<hbm>> -> memref<10000x128xf32, #tpu.memory_space<hbm>>
        %dma_wait3A_228 = arith.constant 0 : i32
        %dma_wait3A_229 = arith.constant 0 : i32
        %dma_wait3A_230 = tpu.memref_slice %dma_wait3A_227[%dma_wait3A_228, %dma_wait3A_229] : memref<10000x128xf32, #tpu.memory_space<hbm>> -> memref<10000x128xf32, #tpu.memory_space<hbm>>
        tpu.wait_indirect_dma semaphore(%arg12 : memref<!tpu.dma_semaphore, #tpu.memory_space<semaphore_mem>>) src(%dma_wait3A_230 : memref<10000x128xf32, #tpu.memory_space<hbm>>) dst(%arg9 : memref<128x128xf32, #tpu.memory_space<vmem>>)
        %add3A_231 = arith.constant 4 : i32
        %add3A_232 = arith.addi %mul3A_82, %add3A_231 : i32
        %add3A_233 = arith.constant 1 : i32
        %add3A_234 = arith.addi %add3A_232, %add3A_233 : i32
        "tpu.region"() ({
          %run_scoped3A_301 = tpu.sem_alloc : memref<!tpu.dma_semaphore, #tpu.memory_space<semaphore_mem>>
          %dma_start3A_302 = arith.constant 0 : i32
          %dma_start3A_303 = tpu.memref_slice %arg7[%add3A_234, %dma_start3A_302] : memref<16x128xi32, #tpu.memory_space<vmem>> -> memref<1x128xi32, #tpu.memory_space<vmem>>
          %dma_start3A_304 = tpu.memref_squeeze %dma_start3A_303 : memref<1x128xi32, #tpu.memory_space<vmem>> -> memref<128xi32, #tpu.memory_space<vmem>>
          %dma_start3A_305 = arith.constant 0 : i32
          %dma_start3A_306 = arith.constant 0 : i32
          %dma_start3A_307 = tpu.memref_slice %arg10[%dma_start3A_305, %dma_start3A_306] : memref<10240x128xf32, #tpu.memory_space<vmem_shared>> -> memref<10240x128xf32, #tpu.memory_space<vmem_shared>>
          tpu.enqueue_indirect_dma source(%arg9 : memref<128x128xf32, #tpu.memory_space<vmem>>) target(%dma_start3A_307 : memref<10240x128xf32, #tpu.memory_space<vmem_shared>>) offsets(%dma_start3A_304 : memref<128xi32, #tpu.memory_space<vmem>>) semaphore(%run_scoped3A_301 : memref<!tpu.dma_semaphore, #tpu.memory_space<semaphore_mem>>) {add = true}
          %dma_wait3A_308 = arith.constant 0 : i32
          %dma_wait3A_309 = tpu.memref_slice %arg7[%add3A_234, %dma_wait3A_308] : memref<16x128xi32, #tpu.memory_space<vmem>> -> memref<1x128xi32, #tpu.memory_space<vmem>>
          %dma_wait3A_310 = tpu.memref_squeeze %dma_wait3A_309 : memref<1x128xi32, #tpu.memory_space<vmem>> -> memref<128xi32, #tpu.memory_space<vmem>>
          %dma_wait3A_311 = arith.constant 0 : i32
          %dma_wait3A_312 = arith.constant 0 : i32
          %dma_wait3A_313 = tpu.memref_slice %arg10[%dma_wait3A_311, %dma_wait3A_312] : memref<10240x128xf32, #tpu.memory_space<vmem_shared>> -> memref<10240x128xf32, #tpu.memory_space<vmem_shared>>
          tpu.wait_indirect_dma semaphore(%run_scoped3A_301 : memref<!tpu.dma_semaphore, #tpu.memory_space<semaphore_mem>>) src(%arg9 : memref<128x128xf32, #tpu.memory_space<vmem>>) dst(%dma_wait3A_313 : memref<10240x128xf32, #tpu.memory_space<vmem_shared>>)
          tpu.yield
        }) : () -> ()
        %mul3A_235 = arith.constant 8 : i32
        %mul3A_236 = arith.muli %mul3A_235, %scan3A_79 : i32
        %add3A_237 = arith.constant 6 : i32
        %add3A_238 = arith.addi %mul3A_236, %add3A_237 : i32
        %add3A_239 = arith.constant 1 : i32
        %add3A_240 = arith.addi %add3A_238, %add3A_239 : i32
        %dma_start3A_241 = arith.constant 0 : i32
        %dma_start3A_242 = tpu.memref_slice %arg6[%add3A_240, %dma_start3A_241] : memref<80x128xi32, #tpu.memory_space<vmem>> -> memref<1x128xi32, #tpu.memory_space<vmem>>
        %dma_start3A_243 = tpu.memref_squeeze %dma_start3A_242 : memref<1x128xi32, #tpu.memory_space<vmem>> -> memref<128xi32, #tpu.memory_space<vmem>>
        %dma_start3A_244 = arith.constant 0 : i32
        %dma_start3A_245 = arith.constant 0 : i32
        %dma_start3A_246 = tpu.memref_slice %arg2[%add3A_9, %dma_start3A_244, %dma_start3A_245] : memref<16x10000x128xf32, #tpu.memory_space<hbm>> -> memref<1x10000x128xf32, #tpu.memory_space<hbm>>
        %dma_start3A_247 = tpu.memref_squeeze %dma_start3A_246 : memref<1x10000x128xf32, #tpu.memory_space<hbm>> -> memref<10000x128xf32, #tpu.memory_space<hbm>>
        %dma_start3A_248 = arith.constant 0 : i32
        %dma_start3A_249 = arith.constant 0 : i32
        %dma_start3A_250 = tpu.memref_slice %dma_start3A_247[%dma_start3A_248, %dma_start3A_249] : memref<10000x128xf32, #tpu.memory_space<hbm>> -> memref<10000x128xf32, #tpu.memory_space<hbm>>
        tpu.enqueue_indirect_dma source(%dma_start3A_250 : memref<10000x128xf32, #tpu.memory_space<hbm>>) target(%arg9 : memref<128x128xf32, #tpu.memory_space<vmem>>) offsets(%dma_start3A_243 : memref<128xi32, #tpu.memory_space<vmem>>) semaphore(%arg12 : memref<!tpu.dma_semaphore, #tpu.memory_space<semaphore_mem>>)
        %dma_wait3A_251 = arith.constant 0 : i32
        %dma_wait3A_252 = tpu.memref_slice %arg6[%add3A_238, %dma_wait3A_251] : memref<80x128xi32, #tpu.memory_space<vmem>> -> memref<1x128xi32, #tpu.memory_space<vmem>>
        %dma_wait3A_253 = tpu.memref_squeeze %dma_wait3A_252 : memref<1x128xi32, #tpu.memory_space<vmem>> -> memref<128xi32, #tpu.memory_space<vmem>>
        %dma_wait3A_254 = arith.constant 0 : i32
        %dma_wait3A_255 = arith.constant 0 : i32
        %dma_wait3A_256 = tpu.memref_slice %arg2[%add3A_9, %dma_wait3A_254, %dma_wait3A_255] : memref<16x10000x128xf32, #tpu.memory_space<hbm>> -> memref<1x10000x128xf32, #tpu.memory_space<hbm>>
        %dma_wait3A_257 = tpu.memref_squeeze %dma_wait3A_256 : memref<1x10000x128xf32, #tpu.memory_space<hbm>> -> memref<10000x128xf32, #tpu.memory_space<hbm>>
        %dma_wait3A_258 = arith.constant 0 : i32
        %dma_wait3A_259 = arith.constant 0 : i32
        %dma_wait3A_260 = tpu.memref_slice %dma_wait3A_257[%dma_wait3A_258, %dma_wait3A_259] : memref<10000x128xf32, #tpu.memory_space<hbm>> -> memref<10000x128xf32, #tpu.memory_space<hbm>>
        tpu.wait_indirect_dma semaphore(%arg11 : memref<!tpu.dma_semaphore, #tpu.memory_space<semaphore_mem>>) src(%dma_wait3A_260 : memref<10000x128xf32, #tpu.memory_space<hbm>>) dst(%arg8 : memref<128x128xf32, #tpu.memory_space<vmem>>)
        %add3A_261 = arith.constant 6 : i32
        %add3A_262 = arith.addi %mul3A_82, %add3A_261 : i32
        "tpu.region"() ({
          %run_scoped3A_301 = tpu.sem_alloc : memref<!tpu.dma_semaphore, #tpu.memory_space<semaphore_mem>>
          %dma_start3A_302 = arith.constant 0 : i32
          %dma_start3A_303 = tpu.memref_slice %arg7[%add3A_262, %dma_start3A_302] : memref<16x128xi32, #tpu.memory_space<vmem>> -> memref<1x128xi32, #tpu.memory_space<vmem>>
          %dma_start3A_304 = tpu.memref_squeeze %dma_start3A_303 : memref<1x128xi32, #tpu.memory_space<vmem>> -> memref<128xi32, #tpu.memory_space<vmem>>
          %dma_start3A_305 = arith.constant 0 : i32
          %dma_start3A_306 = arith.constant 0 : i32
          %dma_start3A_307 = tpu.memref_slice %arg10[%dma_start3A_305, %dma_start3A_306] : memref<10240x128xf32, #tpu.memory_space<vmem_shared>> -> memref<10240x128xf32, #tpu.memory_space<vmem_shared>>
          tpu.enqueue_indirect_dma source(%arg8 : memref<128x128xf32, #tpu.memory_space<vmem>>) target(%dma_start3A_307 : memref<10240x128xf32, #tpu.memory_space<vmem_shared>>) offsets(%dma_start3A_304 : memref<128xi32, #tpu.memory_space<vmem>>) semaphore(%run_scoped3A_301 : memref<!tpu.dma_semaphore, #tpu.memory_space<semaphore_mem>>) {add = true}
          %dma_wait3A_308 = arith.constant 0 : i32
          %dma_wait3A_309 = tpu.memref_slice %arg7[%add3A_262, %dma_wait3A_308] : memref<16x128xi32, #tpu.memory_space<vmem>> -> memref<1x128xi32, #tpu.memory_space<vmem>>
          %dma_wait3A_310 = tpu.memref_squeeze %dma_wait3A_309 : memref<1x128xi32, #tpu.memory_space<vmem>> -> memref<128xi32, #tpu.memory_space<vmem>>
          %dma_wait3A_311 = arith.constant 0 : i32
          %dma_wait3A_312 = arith.constant 0 : i32
          %dma_wait3A_313 = tpu.memref_slice %arg10[%dma_wait3A_311, %dma_wait3A_312] : memref<10240x128xf32, #tpu.memory_space<vmem_shared>> -> memref<10240x128xf32, #tpu.memory_space<vmem_shared>>
          tpu.wait_indirect_dma semaphore(%run_scoped3A_301 : memref<!tpu.dma_semaphore, #tpu.memory_space<semaphore_mem>>) src(%arg8 : memref<128x128xf32, #tpu.memory_space<vmem>>) dst(%dma_wait3A_313 : memref<10240x128xf32, #tpu.memory_space<vmem_shared>>)
          tpu.yield
        }) : () -> ()
        %add3A_263 = arith.constant 2 : i32
        %add3A_264 = arith.addi %add3A_238, %add3A_263 : i32
        %lt3A_265 = arith.constant 80 : i32
        %lt3A_266 = arith.cmpi slt, %add3A_264, %lt3A_265 : i32
        %convert_element_type3A_267 = arith.extui %lt3A_266 : i1 to i32
        %cond3A_268 = arith.constant 0 : i32
        %cond3A_269 = arith.cmpi ne, %convert_element_type3A_267, %cond3A_268 : i32
        scf.if %cond3A_269 {
          %dma_start3A_301 = arith.constant 0 : i32
          %dma_start3A_302 = tpu.memref_slice %arg6[%add3A_264, %dma_start3A_301] : memref<80x128xi32, #tpu.memory_space<vmem>> -> memref<1x128xi32, #tpu.memory_space<vmem>>
          %dma_start3A_303 = tpu.memref_squeeze %dma_start3A_302 : memref<1x128xi32, #tpu.memory_space<vmem>> -> memref<128xi32, #tpu.memory_space<vmem>>
          %dma_start3A_304 = arith.constant 0 : i32
          %dma_start3A_305 = arith.constant 0 : i32
          %dma_start3A_306 = tpu.memref_slice %arg2[%add3A_9, %dma_start3A_304, %dma_start3A_305] : memref<16x10000x128xf32, #tpu.memory_space<hbm>> -> memref<1x10000x128xf32, #tpu.memory_space<hbm>>
          %dma_start3A_307 = tpu.memref_squeeze %dma_start3A_306 : memref<1x10000x128xf32, #tpu.memory_space<hbm>> -> memref<10000x128xf32, #tpu.memory_space<hbm>>
          %dma_start3A_308 = arith.constant 0 : i32
          %dma_start3A_309 = arith.constant 0 : i32
          %dma_start3A_310 = tpu.memref_slice %dma_start3A_307[%dma_start3A_308, %dma_start3A_309] : memref<10000x128xf32, #tpu.memory_space<hbm>> -> memref<10000x128xf32, #tpu.memory_space<hbm>>
          tpu.enqueue_indirect_dma source(%dma_start3A_310 : memref<10000x128xf32, #tpu.memory_space<hbm>>) target(%arg8 : memref<128x128xf32, #tpu.memory_space<vmem>>) offsets(%dma_start3A_303 : memref<128xi32, #tpu.memory_space<vmem>>) semaphore(%arg11 : memref<!tpu.dma_semaphore, #tpu.memory_space<semaphore_mem>>)
        } else {
        }
        %dma_wait3A_270 = arith.constant 0 : i32
        %dma_wait3A_271 = tpu.memref_slice %arg6[%add3A_240, %dma_wait3A_270] : memref<80x128xi32, #tpu.memory_space<vmem>> -> memref<1x128xi32, #tpu.memory_space<vmem>>
        %dma_wait3A_272 = tpu.memref_squeeze %dma_wait3A_271 : memref<1x128xi32, #tpu.memory_space<vmem>> -> memref<128xi32, #tpu.memory_space<vmem>>
        %dma_wait3A_273 = arith.constant 0 : i32
        %dma_wait3A_274 = arith.constant 0 : i32
        %dma_wait3A_275 = tpu.memref_slice %arg2[%add3A_9, %dma_wait3A_273, %dma_wait3A_274] : memref<16x10000x128xf32, #tpu.memory_space<hbm>> -> memref<1x10000x128xf32, #tpu.memory_space<hbm>>
        %dma_wait3A_276 = tpu.memref_squeeze %dma_wait3A_275 : memref<1x10000x128xf32, #tpu.memory_space<hbm>> -> memref<10000x128xf32, #tpu.memory_space<hbm>>
        %dma_wait3A_277 = arith.constant 0 : i32
        %dma_wait3A_278 = arith.constant 0 : i32
        %dma_wait3A_279 = tpu.memref_slice %dma_wait3A_276[%dma_wait3A_277, %dma_wait3A_278] : memref<10000x128xf32, #tpu.memory_space<hbm>> -> memref<10000x128xf32, #tpu.memory_space<hbm>>
        tpu.wait_indirect_dma semaphore(%arg12 : memref<!tpu.dma_semaphore, #tpu.memory_space<semaphore_mem>>) src(%dma_wait3A_279 : memref<10000x128xf32, #tpu.memory_space<hbm>>) dst(%arg9 : memref<128x128xf32, #tpu.memory_space<vmem>>)
        %add3A_280 = arith.constant 6 : i32
        %add3A_281 = arith.addi %mul3A_82, %add3A_280 : i32
        %add3A_282 = arith.constant 1 : i32
        %add3A_283 = arith.addi %add3A_281, %add3A_282 : i32
        "tpu.region"() ({
          %run_scoped3A_301 = tpu.sem_alloc : memref<!tpu.dma_semaphore, #tpu.memory_space<semaphore_mem>>
          %dma_start3A_302 = arith.constant 0 : i32
          %dma_start3A_303 = tpu.memref_slice %arg7[%add3A_283, %dma_start3A_302] : memref<16x128xi32, #tpu.memory_space<vmem>> -> memref<1x128xi32, #tpu.memory_space<vmem>>
          %dma_start3A_304 = tpu.memref_squeeze %dma_start3A_303 : memref<1x128xi32, #tpu.memory_space<vmem>> -> memref<128xi32, #tpu.memory_space<vmem>>
          %dma_start3A_305 = arith.constant 0 : i32
          %dma_start3A_306 = arith.constant 0 : i32
          %dma_start3A_307 = tpu.memref_slice %arg10[%dma_start3A_305, %dma_start3A_306] : memref<10240x128xf32, #tpu.memory_space<vmem_shared>> -> memref<10240x128xf32, #tpu.memory_space<vmem_shared>>
          tpu.enqueue_indirect_dma source(%arg9 : memref<128x128xf32, #tpu.memory_space<vmem>>) target(%dma_start3A_307 : memref<10240x128xf32, #tpu.memory_space<vmem_shared>>) offsets(%dma_start3A_304 : memref<128xi32, #tpu.memory_space<vmem>>) semaphore(%run_scoped3A_301 : memref<!tpu.dma_semaphore, #tpu.memory_space<semaphore_mem>>) {add = true}
          %dma_wait3A_308 = arith.constant 0 : i32
          %dma_wait3A_309 = tpu.memref_slice %arg7[%add3A_283, %dma_wait3A_308] : memref<16x128xi32, #tpu.memory_space<vmem>> -> memref<1x128xi32, #tpu.memory_space<vmem>>
          %dma_wait3A_310 = tpu.memref_squeeze %dma_wait3A_309 : memref<1x128xi32, #tpu.memory_space<vmem>> -> memref<128xi32, #tpu.memory_space<vmem>>
          %dma_wait3A_311 = arith.constant 0 : i32
          %dma_wait3A_312 = arith.constant 0 : i32
          %dma_wait3A_313 = tpu.memref_slice %arg10[%dma_wait3A_311, %dma_wait3A_312] : memref<10240x128xf32, #tpu.memory_space<vmem_shared>> -> memref<10240x128xf32, #tpu.memory_space<vmem_shared>>
          tpu.wait_indirect_dma semaphore(%run_scoped3A_301 : memref<!tpu.dma_semaphore, #tpu.memory_space<semaphore_mem>>) src(%arg9 : memref<128x128xf32, #tpu.memory_space<vmem>>) dst(%dma_wait3A_313 : memref<10240x128xf32, #tpu.memory_space<vmem_shared>>)
          tpu.yield
        }) : () -> ()
        %add3A_284 = arith.constant 2 : i32
        %add3A_285 = arith.addi %scan3A_79, %add3A_284 : i32
        %lt3A_286 = arith.constant 10 : i32
        %lt3A_287 = arith.cmpi slt, %add3A_285, %lt3A_286 : i32
        %eq3A_288 = arith.constant 0 : i32
        %eq3A_289 = arith.cmpi eq, %rem3A_80, %eq3A_288 : i32
        %and3A = arith.andi %lt3A_287, %eq3A_289 : i1
        %convert_element_type3A_290 = arith.extui %and3A : i1 to i32
        %cond3A_291 = arith.constant 0 : i32
        %cond3A_292 = arith.cmpi ne, %convert_element_type3A_290, %cond3A_291 : i32
        scf.if %cond3A_292 {
          %ge3A = arith.constant 5 : i32
          %ge3A_301 = arith.cmpi sge, %add3A_285, %ge3A : i32
          %jit3A_302 = arith.constant 16 : i32
          %jit3A_303 = arith.constant 0 : i32
          %select_n3A_304 = arith.select %ge3A_301, %jit3A_302, %jit3A_303 : i32
          %add3A_305 = arith.addi %arg1, %select_n3A_304 : i32
          %mul3A_306 = arith.constant 8 : i32
          %mul3A_307 = arith.muli %mul3A_306, %add3A_285 : i32
          %ge3A_308 = arith.constant 5 : i32
          %ge3A_309 = arith.cmpi sge, %add3A_285, %ge3A_308 : i32
          %jit3A_310 = arith.constant 40 : i32
          %jit3A_311 = arith.constant 0 : i32
          %select_n3A_312 = arith.select %ge3A_309, %jit3A_310, %jit3A_311 : i32
          %sub3A_313 = arith.subi %mul3A_307, %select_n3A_312 : i32
          %dma_start3A_314 = arith.constant 1 : i32
          %dma_start3A_315 = arith.constant 0 : i32
          %dma_start3A_316 = arith.constant 0 : i32
          %dma_start3A_317 = tpu.memref_slice %arg7[%dma_start3A_315, %dma_start3A_316] : memref<16x128xi32, #tpu.memory_space<vmem>> -> memref<8x128xi32, #tpu.memory_space<vmem>>
          %dma_start3A_318 = arith.constant 0 : i32
          %dma_start3A_319 = tpu.memref_slice %arg3[%dma_start3A_314, %add3A_305, %sub3A_313, %dma_start3A_318] : memref<2x32x40x128xi32, #tpu.memory_space<hbm>> -> memref<1x1x8x128xi32, #tpu.memory_space<hbm>>
          %dma_start3A_320 = tpu.memref_squeeze %dma_start3A_319 : memref<1x1x8x128xi32, #tpu.memory_space<hbm>> -> memref<8x128xi32, #tpu.memory_space<hbm>>
          %dma_start3A_321 = arith.constant 0 : i32
          %dma_start3A_322 = arith.constant 0 : i32
          %dma_start3A_323 = tpu.memref_slice %arg7[%dma_start3A_321, %dma_start3A_322] : memref<16x128xi32, #tpu.memory_space<vmem>> -> memref<8x128xi32, #tpu.memory_space<vmem>>
          %dma_start3A_324 = arith.constant 0 : i32
          %dma_start3A_325 = tpu.memref_slice %arg3[%dma_start3A_314, %add3A_305, %sub3A_313, %dma_start3A_324] : memref<2x32x40x128xi32, #tpu.memory_space<hbm>> -> memref<1x1x8x128xi32, #tpu.memory_space<hbm>>
          %dma_start3A_326 = tpu.memref_squeeze %dma_start3A_325 : memref<1x1x8x128xi32, #tpu.memory_space<hbm>> -> memref<8x128xi32, #tpu.memory_space<hbm>>
          tpu.enqueue_dma source(%dma_start3A_326 : memref<8x128xi32, #tpu.memory_space<hbm>>) target(%dma_start3A_323 : memref<8x128xi32, #tpu.memory_space<vmem>>) target_semaphore(%arg13 : memref<!tpu.dma_semaphore, #tpu.memory_space<semaphore_mem>>)
        } else {
        }
        %lt3A_293 = arith.constant 10 : i32
        %lt3A_294 = arith.cmpi slt, %add3A_285, %lt3A_293 : i32
        %eq3A_295 = arith.constant 1 : i32
        %eq3A_296 = arith.cmpi eq, %rem3A_80, %eq3A_295 : i32
        %and3A_297 = arith.andi %lt3A_294, %eq3A_296 : i1
        %convert_element_type3A_298 = arith.extui %and3A_297 : i1 to i32
        %cond3A_299 = arith.constant 0 : i32
        %cond3A_300 = arith.cmpi ne, %convert_element_type3A_298, %cond3A_299 : i32
        scf.if %cond3A_300 {
          %ge3A = arith.constant 5 : i32
          %ge3A_301 = arith.cmpi sge, %add3A_285, %ge3A : i32
          %jit3A_302 = arith.constant 16 : i32
          %jit3A_303 = arith.constant 0 : i32
          %select_n3A_304 = arith.select %ge3A_301, %jit3A_302, %jit3A_303 : i32
          %add3A_305 = arith.addi %arg1, %select_n3A_304 : i32
          %mul3A_306 = arith.constant 8 : i32
          %mul3A_307 = arith.muli %mul3A_306, %add3A_285 : i32
          %ge3A_308 = arith.constant 5 : i32
          %ge3A_309 = arith.cmpi sge, %add3A_285, %ge3A_308 : i32
          %jit3A_310 = arith.constant 40 : i32
          %jit3A_311 = arith.constant 0 : i32
          %select_n3A_312 = arith.select %ge3A_309, %jit3A_310, %jit3A_311 : i32
          %sub3A_313 = arith.subi %mul3A_307, %select_n3A_312 : i32
          %dma_start3A_314 = arith.constant 1 : i32
          %dma_start3A_315 = arith.constant 8 : i32
          %dma_start3A_316 = arith.constant 0 : i32
          %dma_start3A_317 = tpu.memref_slice %arg7[%dma_start3A_315, %dma_start3A_316] : memref<16x128xi32, #tpu.memory_space<vmem>> -> memref<8x128xi32, #tpu.memory_space<vmem>>
          %dma_start3A_318 = arith.constant 0 : i32
          %dma_start3A_319 = tpu.memref_slice %arg3[%dma_start3A_314, %add3A_305, %sub3A_313, %dma_start3A_318] : memref<2x32x40x128xi32, #tpu.memory_space<hbm>> -> memref<1x1x8x128xi32, #tpu.memory_space<hbm>>
          %dma_start3A_320 = tpu.memref_squeeze %dma_start3A_319 : memref<1x1x8x128xi32, #tpu.memory_space<hbm>> -> memref<8x128xi32, #tpu.memory_space<hbm>>
          %dma_start3A_321 = arith.constant 8 : i32
          %dma_start3A_322 = arith.constant 0 : i32
          %dma_start3A_323 = tpu.memref_slice %arg7[%dma_start3A_321, %dma_start3A_322] : memref<16x128xi32, #tpu.memory_space<vmem>> -> memref<8x128xi32, #tpu.memory_space<vmem>>
          %dma_start3A_324 = arith.constant 0 : i32
          %dma_start3A_325 = tpu.memref_slice %arg3[%dma_start3A_314, %add3A_305, %sub3A_313, %dma_start3A_324] : memref<2x32x40x128xi32, #tpu.memory_space<hbm>> -> memref<1x1x8x128xi32, #tpu.memory_space<hbm>>
          %dma_start3A_326 = tpu.memref_squeeze %dma_start3A_325 : memref<1x1x8x128xi32, #tpu.memory_space<hbm>> -> memref<8x128xi32, #tpu.memory_space<hbm>>
          tpu.enqueue_dma source(%dma_start3A_326 : memref<8x128xi32, #tpu.memory_space<hbm>>) target(%dma_start3A_323 : memref<8x128xi32, #tpu.memory_space<vmem>>) target_semaphore(%arg14 : memref<!tpu.dma_semaphore, #tpu.memory_space<semaphore_mem>>)
        } else {
        }
      }
      %scan3A_72 = arith.constant 10 : i32
      %barrier3A_73 = arith.constant 0 : index
      tpu.barrier barrier_id(%barrier3A_73)
      %mul3A_74 = arith.constant 640 : i32
      %mul3A_75 = arith.muli %arg1, %mul3A_74 : i32
      %mul3A_76 = arith.constant 640 : i32
      %mul3A_77 = arith.muli %arg1, %mul3A_76 : i32
      "tpu.region"() ({
        %run_scoped3A_79 = tpu.sem_alloc : memref<!tpu.dma_semaphore, #tpu.memory_space<semaphore_mem>>
        %dma_start3A_80 = arith.constant 0 : i32
        %dma_start3A_81 = tpu.memref_slice %arg5[%add3A_9, %mul3A_77, %dma_start3A_80] : memref<16x10240x128xf32, #tpu.memory_space<hbm>> -> memref<1x640x128xf32, #tpu.memory_space<hbm>>
        %dma_start3A_82 = tpu.memref_squeeze %dma_start3A_81 : memref<1x640x128xf32, #tpu.memory_space<hbm>> -> memref<640x128xf32, #tpu.memory_space<hbm>>
        %dma_start3A_83 = arith.constant 0 : i32
        %dma_start3A_84 = tpu.memref_slice %arg10[%mul3A_75, %dma_start3A_83] : memref<10240x128xf32, #tpu.memory_space<vmem_shared>> -> memref<640x128xf32, #tpu.memory_space<vmem_shared>>
        tpu.enqueue_dma source(%dma_start3A_84 : memref<640x128xf32, #tpu.memory_space<vmem_shared>>) target(%dma_start3A_82 : memref<640x128xf32, #tpu.memory_space<hbm>>) target_semaphore(%run_scoped3A_79 : memref<!tpu.dma_semaphore, #tpu.memory_space<semaphore_mem>>)
        %dma_wait3A = arith.constant 0 : i32
        %dma_wait3A_85 = tpu.memref_slice %arg5[%add3A_9, %mul3A_77, %dma_wait3A] : memref<16x10240x128xf32, #tpu.memory_space<hbm>> -> memref<1x640x128xf32, #tpu.memory_space<hbm>>
        %dma_wait3A_86 = tpu.memref_squeeze %dma_wait3A_85 : memref<1x640x128xf32, #tpu.memory_space<hbm>> -> memref<640x128xf32, #tpu.memory_space<hbm>>
        %dma_wait3A_87 = arith.constant 0 : i32
        %dma_wait3A_88 = tpu.memref_slice %arg10[%mul3A_75, %dma_wait3A_87] : memref<10240x128xf32, #tpu.memory_space<vmem_shared>> -> memref<640x128xf32, #tpu.memory_space<vmem_shared>>
        tpu.wait_dma2 semaphore(%run_scoped3A_79 : memref<!tpu.dma_semaphore, #tpu.memory_space<semaphore_mem>>) src(%dma_wait3A_88 : memref<640x128xf32, #tpu.memory_space<vmem_shared>>) dst(%dma_wait3A_86 : memref<640x128xf32, #tpu.memory_space<hbm>>)
        tpu.yield
      }) : () -> ()
      %barrier3A_78 = arith.constant 0 : index
      tpu.barrier barrier_id(%barrier3A_78)
    }
    %scan3A_6 = arith.constant 8 : i32
    return
  }
}

module attributes {stable_mosaic.version = 14 : i64} {
  func.func @_relayout_body(%arg0: i32, %arg1: i32, %arg2: i32, %arg3: memref<1x2000x256xf32, #tpu.memory_space<vmem>>, %arg4: memref<2x2000x1xf32, #tpu.memory_space<vmem>>, %arg5: memref<1x256x128xf32, #tpu.memory_space<vmem>>, %arg6: memref<1x2000x128xf32, #tpu.memory_space<vmem>>) attributes {dimension_semantics = [#tpu.dimension_semantics<arbitrary>, #tpu.dimension_semantics<arbitrary>, #tpu.dimension_semantics<arbitrary>], iteration_bounds = array<i64: 8, 2, 5>, scalar_prefetch = 0 : i64, scratch_operands = 0 : i64, tpu.core_type = #tpu.core_type<tc>, window_params = [{transform_indices = @transform_0, window_bounds = array<i64: 1, 2000, 256>}, {transform_indices = @transform_1, window_bounds = array<i64: 2, 2000, 1>}, {transform_indices = @transform_2, window_bounds = array<i64: 1, 256, 128>}, {transform_indices = @transform_3, window_bounds = array<i64: 1, 2000, 128>}]} {
    %get3A = arith.constant 0 : index
    %get3A_0 = arith.constant 0 : index
    %get3A_1 = arith.constant 0 : index
    %get3A_2 = vector.load %arg4[%get3A, %get3A_0, %get3A_1] : memref<2x2000x1xf32, #tpu.memory_space<vmem>>, vector<2x2000x1xf32>
    %slice3A = vector.extract_strided_slice %get3A_2 {offsets = [0, 0, 0], sizes = [1, 2000, 1], strides = [1, 1, 1]} : vector<2x2000x1xf32> to vector<1x2000x1xf32>
    %squeeze3A = vector.shape_cast %slice3A : vector<1x2000x1xf32> to vector<2000xf32>
    %add3A = arith.constant 1.000000e+00 : f32
    %add3A_3 = vector.broadcast %add3A : f32 to vector<2000xf32>
    %add3A_4 = arith.addf %add3A_3, %squeeze3A : vector<2000xf32>
    %slice3A_5 = vector.extract_strided_slice %get3A_2 {offsets = [1, 0, 0], sizes = [1, 2000, 1], strides = [1, 1, 1]} : vector<2x2000x1xf32> to vector<1x2000x1xf32>
    %squeeze3A_6 = vector.shape_cast %slice3A_5 : vector<1x2000x1xf32> to vector<2000xf32>
    %add3A_7 = arith.addf %add3A_4, %squeeze3A_6 : vector<2000xf32>
    %rsqrt3A = math.rsqrt %add3A_7 : vector<2000xf32>
    %get3A_8 = arith.constant 0 : index
    %get3A_9 = arith.constant 0 : index
    %get3A_10 = arith.constant 0 : index
    %get3A_11 = vector.load %arg3[%get3A_8, %get3A_9, %get3A_10] : memref<1x2000x256xf32, #tpu.memory_space<vmem>>, vector<1x2000x256xf32>
    %get3A_12 = vector.shape_cast %get3A_11 : vector<1x2000x256xf32> to vector<2000x256xf32>
    %get3A_13 = arith.constant 0 : index
    %get3A_14 = arith.constant 0 : index
    %get3A_15 = arith.constant 0 : index
    %get3A_16 = vector.load %arg5[%get3A_13, %get3A_14, %get3A_15] : memref<1x256x128xf32, #tpu.memory_space<vmem>>, vector<1x256x128xf32>
    %get3A_17 = vector.shape_cast %get3A_16 : vector<1x256x128xf32> to vector<256x128xf32>
    %dot_general3A = arith.constant dense<0.000000e+00> : vector<2000x128xf32>
    %dot_general3A_18 = tpu.matmul %get3A_12, %get3A_17, %dot_general3A {dimension_numbers = #tpu.dot_dimension_numbers<[1], [0], [0], [1], [0, 0, 1, 1], [], []>, transpose_lhs_hint = false} : vector<2000x256xf32>, vector<256x128xf32>, vector<2000x128xf32> -> vector<2000x128xf32>
    %broadcast_in_dim3A = vector.shape_cast %rsqrt3A : vector<2000xf32> to vector<2000x1xf32>
    %mul3A = vector.broadcast %broadcast_in_dim3A : vector<2000x1xf32> to vector<2000x128xf32>
    %mul3A_19 = arith.mulf %dot_general3A_18, %mul3A : vector<2000x128xf32>
    %swap3A = arith.constant 0 : index
    %swap3A_20 = arith.constant 0 : index
    %swap3A_21 = arith.constant 0 : index
    %swap3A_22 = vector.load %arg6[%swap3A, %swap3A_20, %swap3A_21] : memref<1x2000x128xf32, #tpu.memory_space<vmem>>, vector<1x2000x128xf32>
    %swap3A_23 = vector.shape_cast %swap3A_22 : vector<1x2000x128xf32> to vector<2000x128xf32>
    %swap3A_24 = vector.shape_cast %mul3A_19 : vector<2000x128xf32> to vector<1x2000x128xf32>
    tpu.vector_store %arg6[%swap3A, %swap3A_20, %swap3A_21], %swap3A_24 {strides = array<i32>} : memref<1x2000x128xf32, #tpu.memory_space<vmem>>, vector<1x2000x128xf32>,
    return
  }
  func.func @transform_0(%arg0: i32, %arg1: i32, %arg2: i32) -> (i32, i32, i32) {
    %c0_i32 = arith.constant 0 : i32
    %c0_i32_0 = arith.constant 0 : i32
    return %arg0, %arg2, %c0_i32 : i32, i32, i32
  }
  func.func @transform_1(%arg0: i32, %arg1: i32, %arg2: i32) -> (i32, i32, i32) {
    %c0_i32 = arith.constant 0 : i32
    %c0_i32_0 = arith.constant 0 : i32
    %c0_i32_1 = arith.constant 0 : i32
    return %c0_i32, %arg2, %c0_i32_0 : i32, i32, i32
  }
  func.func @transform_2(%arg0: i32, %arg1: i32, %arg2: i32) -> (i32, i32, i32) {
    %c0_i32 = arith.constant 0 : i32
    %c0_i32_0 = arith.constant 0 : i32
    %c0_i32_1 = arith.constant 0 : i32
    return %arg1, %c0_i32, %c0_i32_0 : i32, i32, i32
  }
  func.func @transform_3(%arg0: i32, %arg1: i32, %arg2: i32) -> (i32, i32, i32) {
    %mul3A = arith.constant 2 : i32
    %mul3A_0 = arith.muli %arg0, %mul3A : i32
    %add3A = arith.addi %mul3A_0, %arg1 : i32
    %c0_i32 = arith.constant 0 : i32
    %c0_i32_1 = arith.constant 0 : i32
    return %add3A, %arg2, %c0_i32 : i32, i32, i32
  }
}

module attributes {stable_mosaic.version = 14 : i64} {
  func.func @_foldw_body(%arg0: memref<3x32x64xf32, #tpu.memory_space<vmem>>, %arg1: memref<3x128x64xf32, #tpu.memory_space<vmem>>, %arg2: memref<3x64xf32, #tpu.memory_space<vmem>>, %arg3: memref<3x64xf32, #tpu.memory_space<vmem>>, %arg4: memref<1x8xf32, #tpu.memory_space<vmem>>, %arg5: memref<3x64x64xf32, #tpu.memory_space<vmem>>, %arg6: memref<3x128x64xf32, #tpu.memory_space<vmem>>, %arg7: memref<3x64xf32, #tpu.memory_space<vmem>>, %arg8: memref<3x64xf32, #tpu.memory_space<vmem>>, %arg9: memref<64x1xf32, #tpu.memory_space<vmem>>, %arg10: memref<128x256xf32, #tpu.memory_space<vmem>>, %arg11: memref<128x256xf32, #tpu.memory_space<vmem>>, %arg12: memref<1x256xf32, #tpu.memory_space<vmem>>, %arg13: memref<1x256xf32, #tpu.memory_space<vmem>>, %arg14: memref<256x64xf32, #tpu.memory_space<vmem>>, %arg15: memref<256x64xf32, #tpu.memory_space<vmem>>, %arg16: memref<128x128xf32, #tpu.memory_space<vmem>>, %arg17: memref<128x128xf32, #tpu.memory_space<vmem>>, %arg18: memref<1x128xf32, #tpu.memory_space<vmem>>, %arg19: memref<1x128xf32, #tpu.memory_space<vmem>>, %arg20: memref<128x2xf32, #tpu.memory_space<vmem>>) attributes {dimension_semantics = [], scalar_prefetch = 0 : i64, scratch_operands = 0 : i64, tpu.core_type = #tpu.core_type<tc>} {
    %broadcast_in_dim3A = arith.constant 0.000000e+00 : f32
    %broadcast_in_dim3A_0 = vector.broadcast %broadcast_in_dim3A : f32 to vector<32x64xf32>
    %broadcast_in_dim3A_1 = arith.constant 0.000000e+00 : f32
    %broadcast_in_dim3A_2 = vector.broadcast %broadcast_in_dim3A_1 : f32 to vector<64x64xf32>
    %iota3A = tpu.iota {dimensions = array<i32: 0>} : vector<64x64xi32>
    %iota3A_3 = tpu.iota {dimensions = array<i32: 1>} : vector<64x64xi32>
    %add3A = arith.constant 0 : i32
    %add3A_4 = vector.broadcast %add3A : i32 to vector<64x64xi32>
    %add3A_5 = arith.addi %iota3A, %add3A_4 : vector<64x64xi32>
    %eq3A = arith.cmpi eq, %add3A_5, %iota3A_3 : vector<64x64xi32>
    %convert_element_type3A = arith.extui %eq3A : vector<64x64xi1> to vector<64x64xi32>
    %convert_element_type3A_6 = arith.sitofp %convert_element_type3A : vector<64x64xi32> to vector<64x64xf32>
    %get3A = arith.constant 0 : index
    %get3A_7 = arith.constant 0 : index
    %get3A_8 = arith.constant 0 : index
    %get3A_9 = vector.load %arg0[%get3A, %get3A_7, %get3A_8] : memref<3x32x64xf32, #tpu.memory_space<vmem>>, vector<1x32x64xf32>
    %get3A_10 = vector.shape_cast %get3A_9 : vector<1x32x64xf32> to vector<32x64xf32>
    %get3A_11 = arith.constant 0 : index
    %get3A_12 = arith.constant 0 : index
    %get3A_13 = arith.constant 0 : index
    %get3A_14 = vector.load %arg1[%get3A_11, %get3A_12, %get3A_13] : memref<3x128x64xf32, #tpu.memory_space<vmem>>, vector<1x64x64xf32>
    %get3A_15 = vector.shape_cast %get3A_14 : vector<1x64x64xf32> to vector<64x64xf32>
    %dot_general3A = arith.constant dense<0.000000e+00> : vector<32x64xf32>
    %dot_general3A_16 = tpu.matmul %get3A_10, %get3A_15, %dot_general3A {dimension_numbers = #tpu.dot_dimension_numbers<[1], [0], [0], [1], [0, 0, 1, 1], [], []>, transpose_lhs_hint = false} : vector<32x64xf32>, vector<64x64xf32>, vector<32x64xf32> -> vector<32x64xf32>
    %get3A_17 = arith.constant 0 : index
    %get3A_18 = arith.constant 0 : index
    %get3A_19 = vector.load %arg2[%get3A_17, %get3A_18] : memref<3x64xf32, #tpu.memory_space<vmem>>, vector<1x64xf32>
    %get3A_20 = arith.constant 0 : index
    %get3A_21 = arith.constant 0 : index
    %get3A_22 = arith.constant 0 : index
    %get3A_23 = vector.load %arg1[%get3A_20, %get3A_21, %get3A_22] : memref<3x128x64xf32, #tpu.memory_space<vmem>>, vector<1x64x64xf32>
    %get3A_24 = vector.shape_cast %get3A_23 : vector<1x64x64xf32> to vector<64x64xf32>
    %dot_general3A_25 = arith.constant dense<0.000000e+00> : vector<1x64xf32>
    %dot_general3A_26 = tpu.matmul %get3A_19, %get3A_24, %dot_general3A_25 {dimension_numbers = #tpu.dot_dimension_numbers<[1], [0], [0], [1], [0, 0, 1, 1], [], []>, transpose_lhs_hint = false} : vector<1x64xf32>, vector<64x64xf32>, vector<1x64xf32> -> vector<1x64xf32>
    %get3A_27 = arith.constant 0 : index
    %get3A_28 = arith.constant 0 : index
    %get3A_29 = vector.load %arg3[%get3A_27, %get3A_28] : memref<3x64xf32, #tpu.memory_space<vmem>>, vector<1x64xf32>
    %add3A_30 = arith.addf %dot_general3A_26, %get3A_29 : vector<1x64xf32>
    %get3A_31 = arith.constant 2 : index
    %get3A_32 = arith.constant 0 : index
    %get3A_33 = arith.constant 0 : index
    %get3A_34 = vector.load %arg0[%get3A_31, %get3A_32, %get3A_33] : memref<3x32x64xf32, #tpu.memory_space<vmem>>, vector<1x32x64xf32>
    %get3A_35 = vector.shape_cast %get3A_34 : vector<1x32x64xf32> to vector<32x64xf32>
    %get3A_36 = arith.constant 2 : index
    %get3A_37 = arith.constant 0 : index
    %get3A_38 = arith.constant 0 : index
    %get3A_39 = vector.load %arg1[%get3A_36, %get3A_37, %get3A_38] : memref<3x128x64xf32, #tpu.memory_space<vmem>>, vector<1x64x64xf32>
    %get3A_40 = vector.shape_cast %get3A_39 : vector<1x64x64xf32> to vector<64x64xf32>
    %dot_general3A_41 = arith.constant dense<0.000000e+00> : vector<32x64xf32>
    %dot_general3A_42 = tpu.matmul %get3A_35, %get3A_40, %dot_general3A_41 {dimension_numbers = #tpu.dot_dimension_numbers<[1], [0], [0], [1], [0, 0, 1, 1], [], []>, transpose_lhs_hint = false} : vector<32x64xf32>, vector<64x64xf32>, vector<32x64xf32> -> vector<32x64xf32>
    %get3A_43 = arith.constant 2 : index
    %get3A_44 = arith.constant 0 : index
    %get3A_45 = vector.load %arg2[%get3A_43, %get3A_44] : memref<3x64xf32, #tpu.memory_space<vmem>>, vector<1x64xf32>
    %get3A_46 = arith.constant 2 : index
    %get3A_47 = arith.constant 0 : index
    %get3A_48 = arith.constant 0 : index
    %get3A_49 = vector.load %arg1[%get3A_46, %get3A_47, %get3A_48] : memref<3x128x64xf32, #tpu.memory_space<vmem>>, vector<1x64x64xf32>
    %get3A_50 = vector.shape_cast %get3A_49 : vector<1x64x64xf32> to vector<64x64xf32>
    %dot_general3A_51 = arith.constant dense<0.000000e+00> : vector<1x64xf32>
    %dot_general3A_52 = tpu.matmul %get3A_45, %get3A_50, %dot_general3A_51 {dimension_numbers = #tpu.dot_dimension_numbers<[1], [0], [0], [1], [0, 0, 1, 1], [], []>, transpose_lhs_hint = false} : vector<1x64xf32>, vector<64x64xf32>, vector<1x64xf32> -> vector<1x64xf32>
    %get3A_53 = arith.constant 2 : index
    %get3A_54 = arith.constant 0 : index
    %get3A_55 = vector.load %arg3[%get3A_53, %get3A_54] : memref<3x64xf32, #tpu.memory_space<vmem>>, vector<1x64xf32>
    %add3A_56 = arith.addf %dot_general3A_52, %get3A_55 : vector<1x64xf32>
    %concatenate3A = tpu.concatenate %dot_general3A_16, %broadcast_in_dim3A_0, %broadcast_in_dim3A_0, %broadcast_in_dim3A_0 in 0 : vector<32x64xf32>, vector<32x64xf32>, vector<32x64xf32>, vector<32x64xf32> -> vector<128x64xf32>
    %concatenate3A_57 = tpu.concatenate %broadcast_in_dim3A_0, %dot_general3A_16, %broadcast_in_dim3A_0, %broadcast_in_dim3A_0 in 0 : vector<32x64xf32>, vector<32x64xf32>, vector<32x64xf32>, vector<32x64xf32> -> vector<128x64xf32>
    %concatenate3A_58 = tpu.concatenate %broadcast_in_dim3A_0, %broadcast_in_dim3A_0, %dot_general3A_16, %broadcast_in_dim3A_0 in 0 : vector<32x64xf32>, vector<32x64xf32>, vector<32x64xf32>, vector<32x64xf32> -> vector<128x64xf32>
    %concatenate3A_59 = tpu.concatenate %broadcast_in_dim3A_0, %broadcast_in_dim3A_0, %broadcast_in_dim3A_0, %dot_general3A_16 in 0 : vector<32x64xf32>, vector<32x64xf32>, vector<32x64xf32>, vector<32x64xf32> -> vector<128x64xf32>
    %concatenate3A_60 = tpu.concatenate %concatenate3A, %concatenate3A_57, %concatenate3A_58, %concatenate3A_59 in 1 : vector<128x64xf32>, vector<128x64xf32>, vector<128x64xf32>, vector<128x64xf32> -> vector<128x256xf32>
    %swap3A = arith.constant 0 : index
    %swap3A_61 = arith.constant 0 : index
    %swap3A_62 = vector.load %arg10[%swap3A, %swap3A_61] : memref<128x256xf32, #tpu.memory_space<vmem>>, vector<128x256xf32>
    tpu.vector_store %arg10[%swap3A, %swap3A_61], %concatenate3A_60 {strides = array<i32>} : memref<128x256xf32, #tpu.memory_space<vmem>>, vector<128x256xf32>,
    %concatenate3A_63 = tpu.concatenate %dot_general3A_42, %broadcast_in_dim3A_0, %broadcast_in_dim3A_0, %broadcast_in_dim3A_0 in 0 : vector<32x64xf32>, vector<32x64xf32>, vector<32x64xf32>, vector<32x64xf32> -> vector<128x64xf32>
    %concatenate3A_64 = tpu.concatenate %broadcast_in_dim3A_0, %dot_general3A_42, %broadcast_in_dim3A_0, %broadcast_in_dim3A_0 in 0 : vector<32x64xf32>, vector<32x64xf32>, vector<32x64xf32>, vector<32x64xf32> -> vector<128x64xf32>
    %concatenate3A_65 = tpu.concatenate %broadcast_in_dim3A_0, %broadcast_in_dim3A_0, %dot_general3A_42, %broadcast_in_dim3A_0 in 0 : vector<32x64xf32>, vector<32x64xf32>, vector<32x64xf32>, vector<32x64xf32> -> vector<128x64xf32>
    %concatenate3A_66 = tpu.concatenate %broadcast_in_dim3A_0, %broadcast_in_dim3A_0, %broadcast_in_dim3A_0, %dot_general3A_42 in 0 : vector<32x64xf32>, vector<32x64xf32>, vector<32x64xf32>, vector<32x64xf32> -> vector<128x64xf32>
    %concatenate3A_67 = tpu.concatenate %concatenate3A_63, %concatenate3A_64, %concatenate3A_65, %concatenate3A_66 in 1 : vector<128x64xf32>, vector<128x64xf32>, vector<128x64xf32>, vector<128x64xf32> -> vector<128x256xf32>
    %swap3A_68 = arith.constant 0 : index
    %swap3A_69 = arith.constant 0 : index
    %swap3A_70 = vector.load %arg11[%swap3A_68, %swap3A_69] : memref<128x256xf32, #tpu.memory_space<vmem>>, vector<128x256xf32>
    tpu.vector_store %arg11[%swap3A_68, %swap3A_69], %concatenate3A_67 {strides = array<i32>} : memref<128x256xf32, #tpu.memory_space<vmem>>, vector<128x256xf32>,
    %concatenate3A_71 = tpu.concatenate %add3A_30, %add3A_30, %add3A_30, %add3A_30 in 1 : vector<1x64xf32>, vector<1x64xf32>, vector<1x64xf32>, vector<1x64xf32> -> vector<1x256xf32>
    %swap3A_72 = arith.constant 0 : index
    %swap3A_73 = arith.constant 0 : index
    %swap3A_74 = vector.load %arg12[%swap3A_72, %swap3A_73] : memref<1x256xf32, #tpu.memory_space<vmem>>, vector<1x256xf32>
    tpu.vector_store %arg12[%swap3A_72, %swap3A_73], %concatenate3A_71 {strides = array<i32>} : memref<1x256xf32, #tpu.memory_space<vmem>>, vector<1x256xf32>,
    %concatenate3A_75 = tpu.concatenate %add3A_56, %add3A_56, %add3A_56, %add3A_56 in 1 : vector<1x64xf32>, vector<1x64xf32>, vector<1x64xf32>, vector<1x64xf32> -> vector<1x256xf32>
    %swap3A_76 = arith.constant 0 : index
    %swap3A_77 = arith.constant 0 : index
    %swap3A_78 = vector.load %arg13[%swap3A_76, %swap3A_77] : memref<1x256xf32, #tpu.memory_space<vmem>>, vector<1x256xf32>
    tpu.vector_store %arg13[%swap3A_76, %swap3A_77], %concatenate3A_75 {strides = array<i32>} : memref<1x256xf32, #tpu.memory_space<vmem>>, vector<1x256xf32>,
    %get3A_79 = arith.constant 0 : index
    %get3A_80 = arith.constant 0 : index
    %get3A_81 = vector.load %arg4[%get3A_79, %get3A_80] : memref<1x8xf32, #tpu.memory_space<vmem>>, vector<1x8xf32>
    %reduce_max3A = arith.constant dense<0xFF800000> : vector<1xf32>
    %reduce_max3A_82 = vector.multi_reduction <maximumf>, %get3A_81, %reduce_max3A [1] : vector<1x8xf32> to vector<1xf32>
    %max3A = arith.constant 0xFF800000 : f32
    %max3A_83 = vector.broadcast %max3A : f32 to vector<1xf32>
    %max3A_84 = arith.maximumf %max3A_83, %reduce_max3A_82 : vector<1xf32>
    %broadcast_in_dim3A_85 = vector.shape_cast %max3A_84 : vector<1xf32> to vector<1x1xf32>
    %sub3A = vector.broadcast %broadcast_in_dim3A_85 : vector<1x1xf32> to vector<1x8xf32>
    %sub3A_86 = arith.subf %get3A_81, %sub3A : vector<1x8xf32>
    %exp3A = math.exp %sub3A_86 : vector<1x8xf32>
    %reduce_sum3A = arith.constant dense<0.000000e+00> : vector<1xf32>
    %reduce_sum3A_87 = vector.multi_reduction <add>, %exp3A, %reduce_sum3A [1] : vector<1x8xf32> to vector<1xf32>
    %broadcast_in_dim3A_88 = vector.shape_cast %reduce_sum3A_87 : vector<1xf32> to vector<1x1xf32>
    %div3A = vector.broadcast %broadcast_in_dim3A_88 : vector<1x1xf32> to vector<1x8xf32>
    %div3A_89 = arith.divf %exp3A, %div3A : vector<1x8xf32>
    %slice3A = vector.extract_strided_slice %div3A_89 {offsets = [0, 0], sizes = [1, 1], strides = [1, 1]} : vector<1x8xf32> to vector<1x1xf32>
    %mul3A = vector.broadcast %slice3A : vector<1x1xf32> to vector<64x64xf32>
    %mul3A_90 = arith.mulf %mul3A, %convert_element_type3A_6 : vector<64x64xf32>
    %slice3A_91 = vector.extract_strided_slice %div3A_89 {offsets = [0, 1], sizes = [1, 1], strides = [1, 1]} : vector<1x8xf32> to vector<1x1xf32>
    %mul3A_92 = vector.broadcast %slice3A_91 : vector<1x1xf32> to vector<64x64xf32>
    %mul3A_93 = arith.mulf %mul3A_92, %convert_element_type3A_6 : vector<64x64xf32>
    %slice3A_94 = vector.extract_strided_slice %div3A_89 {offsets = [0, 2], sizes = [1, 1], strides = [1, 1]} : vector<1x8xf32> to vector<1x1xf32>
    %mul3A_95 = vector.broadcast %slice3A_94 : vector<1x1xf32> to vector<64x64xf32>
    %mul3A_96 = arith.mulf %mul3A_95, %convert_element_type3A_6 : vector<64x64xf32>
    %slice3A_97 = vector.extract_strided_slice %div3A_89 {offsets = [0, 3], sizes = [1, 1], strides = [1, 1]} : vector<1x8xf32> to vector<1x1xf32>
    %mul3A_98 = vector.broadcast %slice3A_97 : vector<1x1xf32> to vector<64x64xf32>
    %mul3A_99 = arith.mulf %mul3A_98, %convert_element_type3A_6 : vector<64x64xf32>
    %concatenate3A_100 = tpu.concatenate %mul3A_90, %mul3A_93, %mul3A_96, %mul3A_99 in 0 : vector<64x64xf32>, vector<64x64xf32>, vector<64x64xf32>, vector<64x64xf32> -> vector<256x64xf32>
    %swap3A_101 = arith.constant 0 : index
    %swap3A_102 = arith.constant 0 : index
    %swap3A_103 = vector.load %arg14[%swap3A_101, %swap3A_102] : memref<256x64xf32, #tpu.memory_space<vmem>>, vector<256x64xf32>
    tpu.vector_store %arg14[%swap3A_101, %swap3A_102], %concatenate3A_100 {strides = array<i32>} : memref<256x64xf32, #tpu.memory_space<vmem>>, vector<256x64xf32>,
    %slice3A_104 = vector.extract_strided_slice %div3A_89 {offsets = [0, 4], sizes = [1, 1], strides = [1, 1]} : vector<1x8xf32> to vector<1x1xf32>
    %mul3A_105 = vector.broadcast %slice3A_104 : vector<1x1xf32> to vector<64x64xf32>
    %mul3A_106 = arith.mulf %mul3A_105, %convert_element_type3A_6 : vector<64x64xf32>
    %slice3A_107 = vector.extract_strided_slice %div3A_89 {offsets = [0, 5], sizes = [1, 1], strides = [1, 1]} : vector<1x8xf32> to vector<1x1xf32>
    %mul3A_108 = vector.broadcast %slice3A_107 : vector<1x1xf32> to vector<64x64xf32>
    %mul3A_109 = arith.mulf %mul3A_108, %convert_element_type3A_6 : vector<64x64xf32>
    %slice3A_110 = vector.extract_strided_slice %div3A_89 {offsets = [0, 6], sizes = [1, 1], strides = [1, 1]} : vector<1x8xf32> to vector<1x1xf32>
    %mul3A_111 = vector.broadcast %slice3A_110 : vector<1x1xf32> to vector<64x64xf32>
    %mul3A_112 = arith.mulf %mul3A_111, %convert_element_type3A_6 : vector<64x64xf32>
    %slice3A_113 = vector.extract_strided_slice %div3A_89 {offsets = [0, 7], sizes = [1, 1], strides = [1, 1]} : vector<1x8xf32> to vector<1x1xf32>
    %mul3A_114 = vector.broadcast %slice3A_113 : vector<1x1xf32> to vector<64x64xf32>
    %mul3A_115 = arith.mulf %mul3A_114, %convert_element_type3A_6 : vector<64x64xf32>
    %concatenate3A_116 = tpu.concatenate %mul3A_106, %mul3A_109, %mul3A_112, %mul3A_115 in 0 : vector<64x64xf32>, vector<64x64xf32>, vector<64x64xf32>, vector<64x64xf32> -> vector<256x64xf32>
    %swap3A_117 = arith.constant 0 : index
    %swap3A_118 = arith.constant 0 : index
    %swap3A_119 = vector.load %arg15[%swap3A_117, %swap3A_118] : memref<256x64xf32, #tpu.memory_space<vmem>>, vector<256x64xf32>
    tpu.vector_store %arg15[%swap3A_117, %swap3A_118], %concatenate3A_116 {strides = array<i32>} : memref<256x64xf32, #tpu.memory_space<vmem>>, vector<256x64xf32>,
    %get3A_120 = arith.constant 0 : index
    %get3A_121 = arith.constant 0 : index
    %get3A_122 = arith.constant 0 : index
    %get3A_123 = vector.load %arg5[%get3A_120, %get3A_121, %get3A_122] : memref<3x64x64xf32, #tpu.memory_space<vmem>>, vector<1x64x64xf32>
    %get3A_124 = vector.shape_cast %get3A_123 : vector<1x64x64xf32> to vector<64x64xf32>
    %get3A_125 = arith.constant 0 : index
    %get3A_126 = arith.constant 0 : index
    %get3A_127 = arith.constant 0 : index
    %get3A_128 = vector.load %arg6[%get3A_125, %get3A_126, %get3A_127] : memref<3x128x64xf32, #tpu.memory_space<vmem>>, vector<1x64x64xf32>
    %get3A_129 = vector.shape_cast %get3A_128 : vector<1x64x64xf32> to vector<64x64xf32>
    %dot_general3A_130 = arith.constant dense<0.000000e+00> : vector<64x64xf32>
    %dot_general3A_131 = tpu.matmul %get3A_124, %get3A_129, %dot_general3A_130 {dimension_numbers = #tpu.dot_dimension_numbers<[1], [0], [0], [1], [0, 0, 1, 1], [], []>, transpose_lhs_hint = false} : vector<64x64xf32>, vector<64x64xf32>, vector<64x64xf32> -> vector<64x64xf32>
    %get3A_132 = arith.constant 0 : index
    %get3A_133 = arith.constant 0 : index
    %get3A_134 = vector.load %arg7[%get3A_132, %get3A_133] : memref<3x64xf32, #tpu.memory_space<vmem>>, vector<1x64xf32>
    %get3A_135 = arith.constant 0 : index
    %get3A_136 = arith.constant 0 : index
    %get3A_137 = arith.constant 0 : index
    %get3A_138 = vector.load %arg6[%get3A_135, %get3A_136, %get3A_137] : memref<3x128x64xf32, #tpu.memory_space<vmem>>, vector<1x64x64xf32>
    %get3A_139 = vector.shape_cast %get3A_138 : vector<1x64x64xf32> to vector<64x64xf32>
    %dot_general3A_140 = arith.constant dense<0.000000e+00> : vector<1x64xf32>
    %dot_general3A_141 = tpu.matmul %get3A_134, %get3A_139, %dot_general3A_140 {dimension_numbers = #tpu.dot_dimension_numbers<[1], [0], [0], [1], [0, 0, 1, 1], [], []>, transpose_lhs_hint = false} : vector<1x64xf32>, vector<64x64xf32>, vector<1x64xf32> -> vector<1x64xf32>
    %get3A_142 = arith.constant 0 : index
    %get3A_143 = arith.constant 0 : index
    %get3A_144 = vector.load %arg8[%get3A_142, %get3A_143] : memref<3x64xf32, #tpu.memory_space<vmem>>, vector<1x64xf32>
    %add3A_145 = arith.addf %dot_general3A_141, %get3A_144 : vector<1x64xf32>
    %get3A_146 = arith.constant 2 : index
    %get3A_147 = arith.constant 0 : index
    %get3A_148 = arith.constant 0 : index
    %get3A_149 = vector.load %arg5[%get3A_146, %get3A_147, %get3A_148] : memref<3x64x64xf32, #tpu.memory_space<vmem>>, vector<1x64x64xf32>
    %get3A_150 = vector.shape_cast %get3A_149 : vector<1x64x64xf32> to vector<64x64xf32>
    %get3A_151 = arith.constant 2 : index
    %get3A_152 = arith.constant 0 : index
    %get3A_153 = arith.constant 0 : index
    %get3A_154 = vector.load %arg6[%get3A_151, %get3A_152, %get3A_153] : memref<3x128x64xf32, #tpu.memory_space<vmem>>, vector<1x64x64xf32>
    %get3A_155 = vector.shape_cast %get3A_154 : vector<1x64x64xf32> to vector<64x64xf32>
    %dot_general3A_156 = arith.constant dense<0.000000e+00> : vector<64x64xf32>
    %dot_general3A_157 = tpu.matmul %get3A_150, %get3A_155, %dot_general3A_156 {dimension_numbers = #tpu.dot_dimension_numbers<[1], [0], [0], [1], [0, 0, 1, 1], [], []>, transpose_lhs_hint = false} : vector<64x64xf32>, vector<64x64xf32>, vector<64x64xf32> -> vector<64x64xf32>
    %get3A_158 = arith.constant 2 : index
    %get3A_159 = arith.constant 0 : index
    %get3A_160 = vector.load %arg7[%get3A_158, %get3A_159] : memref<3x64xf32, #tpu.memory_space<vmem>>, vector<1x64xf32>
    %get3A_161 = arith.constant 2 : index
    %get3A_162 = arith.constant 0 : index
    %get3A_163 = arith.constant 0 : index
    %get3A_164 = vector.load %arg6[%get3A_161, %get3A_162, %get3A_163] : memref<3x128x64xf32, #tpu.memory_space<vmem>>, vector<1x64x64xf32>
    %get3A_165 = vector.shape_cast %get3A_164 : vector<1x64x64xf32> to vector<64x64xf32>
    %dot_general3A_166 = arith.constant dense<0.000000e+00> : vector<1x64xf32>
    %dot_general3A_167 = tpu.matmul %get3A_160, %get3A_165, %dot_general3A_166 {dimension_numbers = #tpu.dot_dimension_numbers<[1], [0], [0], [1], [0, 0, 1, 1], [], []>, transpose_lhs_hint = false} : vector<1x64xf32>, vector<64x64xf32>, vector<1x64xf32> -> vector<1x64xf32>
    %get3A_168 = arith.constant 2 : index
    %get3A_169 = arith.constant 0 : index
    %get3A_170 = vector.load %arg8[%get3A_168, %get3A_169] : memref<3x64xf32, #tpu.memory_space<vmem>>, vector<1x64xf32>
    %add3A_171 = arith.addf %dot_general3A_167, %get3A_170 : vector<1x64xf32>
    %concatenate3A_172 = tpu.concatenate %dot_general3A_131, %broadcast_in_dim3A_2 in 0 : vector<64x64xf32>, vector<64x64xf32> -> vector<128x64xf32>
    %concatenate3A_173 = tpu.concatenate %broadcast_in_dim3A_2, %dot_general3A_131 in 0 : vector<64x64xf32>, vector<64x64xf32> -> vector<128x64xf32>
    %concatenate3A_174 = tpu.concatenate %concatenate3A_172, %concatenate3A_173 in 1 : vector<128x64xf32>, vector<128x64xf32> -> vector<128x128xf32>
    %swap3A_175 = arith.constant 0 : index
    %swap3A_176 = arith.constant 0 : index
    %swap3A_177 = vector.load %arg16[%swap3A_175, %swap3A_176] : memref<128x128xf32, #tpu.memory_space<vmem>>, vector<128x128xf32>
    tpu.vector_store %arg16[%swap3A_175, %swap3A_176], %concatenate3A_174 {strides = array<i32>} : memref<128x128xf32, #tpu.memory_space<vmem>>, vector<128x128xf32>,
    %concatenate3A_178 = tpu.concatenate %dot_general3A_157, %broadcast_in_dim3A_2 in 0 : vector<64x64xf32>, vector<64x64xf32> -> vector<128x64xf32>
    %concatenate3A_179 = tpu.concatenate %broadcast_in_dim3A_2, %dot_general3A_157 in 0 : vector<64x64xf32>, vector<64x64xf32> -> vector<128x64xf32>
    %concatenate3A_180 = tpu.concatenate %concatenate3A_178, %concatenate3A_179 in 1 : vector<128x64xf32>, vector<128x64xf32> -> vector<128x128xf32>
    %swap3A_181 = arith.constant 0 : index
    %swap3A_182 = arith.constant 0 : index
    %swap3A_183 = vector.load %arg17[%swap3A_181, %swap3A_182] : memref<128x128xf32, #tpu.memory_space<vmem>>, vector<128x128xf32>
    tpu.vector_store %arg17[%swap3A_181, %swap3A_182], %concatenate3A_180 {strides = array<i32>} : memref<128x128xf32, #tpu.memory_space<vmem>>, vector<128x128xf32>,
    %concatenate3A_184 = tpu.concatenate %add3A_145, %add3A_145 in 1 : vector<1x64xf32>, vector<1x64xf32> -> vector<1x128xf32>
    %swap3A_185 = arith.constant 0 : index
    %swap3A_186 = arith.constant 0 : index
    %swap3A_187 = vector.load %arg18[%swap3A_185, %swap3A_186] : memref<1x128xf32, #tpu.memory_space<vmem>>, vector<1x128xf32>
    tpu.vector_store %arg18[%swap3A_185, %swap3A_186], %concatenate3A_184 {strides = array<i32>} : memref<1x128xf32, #tpu.memory_space<vmem>>, vector<1x128xf32>,
    %concatenate3A_188 = tpu.concatenate %add3A_171, %add3A_171 in 1 : vector<1x64xf32>, vector<1x64xf32> -> vector<1x128xf32>
    %swap3A_189 = arith.constant 0 : index
    %swap3A_190 = arith.constant 0 : index
    %swap3A_191 = vector.load %arg19[%swap3A_189, %swap3A_190] : memref<1x128xf32, #tpu.memory_space<vmem>>, vector<1x128xf32>
    tpu.vector_store %arg19[%swap3A_189, %swap3A_190], %concatenate3A_188 {strides = array<i32>} : memref<1x128xf32, #tpu.memory_space<vmem>>, vector<1x128xf32>,
    %broadcast_in_dim3A_192 = arith.constant 0.000000e+00 : f32
    %broadcast_in_dim3A_193 = vector.broadcast %broadcast_in_dim3A_192 : f32 to vector<64x1xf32>
    %get3A_194 = arith.constant 0 : index
    %get3A_195 = arith.constant 0 : index
    %get3A_196 = vector.load %arg9[%get3A_194, %get3A_195] : memref<64x1xf32, #tpu.memory_space<vmem>>, vector<64x1xf32>
    %concatenate3A_197 = tpu.concatenate %get3A_196, %broadcast_in_dim3A_193 in 0 : vector<64x1xf32>, vector<64x1xf32> -> vector<128x1xf32>
    %concatenate3A_198 = tpu.concatenate %broadcast_in_dim3A_193, %get3A_196 in 0 : vector<64x1xf32>, vector<64x1xf32> -> vector<128x1xf32>
    %concatenate3A_199 = tpu.concatenate %concatenate3A_197, %concatenate3A_198 in 1 : vector<128x1xf32>, vector<128x1xf32> -> vector<128x2xf32>
    %swap3A_200 = arith.constant 0 : index
    %swap3A_201 = arith.constant 0 : index
    %swap3A_202 = vector.load %arg20[%swap3A_200, %swap3A_201] : memref<128x2xf32, #tpu.memory_space<vmem>>, vector<128x2xf32>
    tpu.vector_store %arg20[%swap3A_200, %swap3A_201], %concatenate3A_199 {strides = array<i32>} : memref<128x2xf32, #tpu.memory_space<vmem>>, vector<128x2xf32>,
    return
  }
}

module attributes {stable_mosaic.version = 14 : i64} {
  func.func @_gates1_body(%arg0: i32, %arg1: i32, %arg2: memref<4x2000x128xf32, #tpu.memory_space<vmem>>, %arg3: memref<4x2000x128xf32, #tpu.memory_space<vmem>>, %arg4: memref<2x2000x1xf32, #tpu.memory_space<vmem>>, %arg5: memref<128x256xf32, #tpu.memory_space<vmem>>, %arg6: memref<128x256xf32, #tpu.memory_space<vmem>>, %arg7: memref<1x256xf32, #tpu.memory_space<vmem>>, %arg8: memref<1x256xf32, #tpu.memory_space<vmem>>, %arg9: memref<256x64xf32, #tpu.memory_space<vmem>>, %arg10: memref<256x64xf32, #tpu.memory_space<vmem>>, %arg11: memref<1x2000x128xf32, #tpu.memory_space<vmem>>) attributes {dimension_semantics = [#tpu.dimension_semantics<arbitrary>, #tpu.dimension_semantics<arbitrary>], iteration_bounds = array<i64: 4, 5>, scalar_prefetch = 0 : i64, scratch_operands = 0 : i64, tpu.core_type = #tpu.core_type<tc>, window_params = [{transform_indices = @transform_0, window_bounds = array<i64: 4, 2000, 128>}, {transform_indices = @transform_1, window_bounds = array<i64: 4, 2000, 128>}, {transform_indices = @transform_2, window_bounds = array<i64: 2, 2000, 1>}, {pipeline_mode = #tpu.pipeline_mode<synchronous>, transform_indices = @transform_3, window_bounds = array<i64: 128, 256>}, {pipeline_mode = #tpu.pipeline_mode<synchronous>, transform_indices = @transform_4, window_bounds = array<i64: 128, 256>}, {pipeline_mode = #tpu.pipeline_mode<synchronous>, transform_indices = @transform_5, window_bounds = array<i64: 1, 256>}, {pipeline_mode = #tpu.pipeline_mode<synchronous>, transform_indices = @transform_6, window_bounds = array<i64: 1, 256>}, {pipeline_mode = #tpu.pipeline_mode<synchronous>, transform_indices = @transform_7, window_bounds = array<i64: 256, 64>}, {pipeline_mode = #tpu.pipeline_mode<synchronous>, transform_indices = @transform_8, window_bounds = array<i64: 256, 64>}, {transform_indices = @transform_9, window_bounds = array<i64: 1, 2000, 128>}]} {
    %get3A = arith.constant 0 : index
    %get3A_0 = arith.constant 0 : index
    %get3A_1 = arith.constant 0 : index
    %get3A_2 = vector.load %arg4[%get3A, %get3A_0, %get3A_1] : memref<2x2000x1xf32, #tpu.memory_space<vmem>>, vector<2x2000x1xf32>
    %slice3A = vector.extract_strided_slice %get3A_2 {offsets = [0, 0, 0], sizes = [1, 2000, 1], strides = [1, 1, 1]} : vector<2x2000x1xf32> to vector<1x2000x1xf32>
    %squeeze3A = vector.shape_cast %slice3A : vector<1x2000x1xf32> to vector<2000xf32>
    %add3A = arith.constant 1.000000e+00 : f32
    %add3A_3 = vector.broadcast %add3A : f32 to vector<2000xf32>
    %add3A_4 = arith.addf %add3A_3, %squeeze3A : vector<2000xf32>
    %slice3A_5 = vector.extract_strided_slice %get3A_2 {offsets = [1, 0, 0], sizes = [1, 2000, 1], strides = [1, 1, 1]} : vector<2x2000x1xf32> to vector<1x2000x1xf32>
    %squeeze3A_6 = vector.shape_cast %slice3A_5 : vector<1x2000x1xf32> to vector<2000xf32>
    %add3A_7 = arith.addf %add3A_4, %squeeze3A_6 : vector<2000xf32>
    %rsqrt3A = math.rsqrt %add3A_7 : vector<2000xf32>
    %broadcast_in_dim3A = vector.shape_cast %rsqrt3A : vector<2000xf32> to vector<2000x1xf32>
    %broadcast_in_dim3A_8 = arith.constant 0.000000e+00 : f32
    %broadcast_in_dim3A_9 = vector.broadcast %broadcast_in_dim3A_8 : f32 to vector<2000x64xf32>
    %get3A_10 = arith.constant 0 : index
    %get3A_11 = arith.constant 0 : index
    %get3A_12 = arith.constant 0 : index
    %get3A_13 = vector.load %arg2[%get3A_10, %get3A_11, %get3A_12] : memref<4x2000x128xf32, #tpu.memory_space<vmem>>, vector<1x2000x128xf32>
    %get3A_14 = vector.shape_cast %get3A_13 : vector<1x2000x128xf32> to vector<2000x128xf32>
    %get3A_15 = arith.constant 0 : index
    %get3A_16 = arith.constant 0 : index
    %get3A_17 = arith.constant 0 : index
    %get3A_18 = vector.load %arg3[%get3A_15, %get3A_16, %get3A_17] : memref<4x2000x128xf32, #tpu.memory_space<vmem>>, vector<1x2000x128xf32>
    %get3A_19 = vector.shape_cast %get3A_18 : vector<1x2000x128xf32> to vector<2000x128xf32>
    %add3A_20 = arith.addf %get3A_14, %get3A_19 : vector<2000x128xf32>
    %mul3A = vector.broadcast %broadcast_in_dim3A : vector<2000x1xf32> to vector<2000x128xf32>
    %mul3A_21 = arith.mulf %mul3A, %add3A_20 : vector<2000x128xf32>
    %get3A_22 = arith.constant 0 : index
    %get3A_23 = arith.constant 0 : index
    %get3A_24 = vector.load %arg5[%get3A_22, %get3A_23] : memref<128x256xf32, #tpu.memory_space<vmem>>, vector<128x256xf32>
    %dot_general3A = arith.constant dense<0.000000e+00> : vector<2000x256xf32>
    %dot_general3A_25 = tpu.matmul %mul3A_21, %get3A_24, %dot_general3A {dimension_numbers = #tpu.dot_dimension_numbers<[1], [0], [0], [1], [0, 0, 1, 1], [], []>, transpose_lhs_hint = false} : vector<2000x128xf32>, vector<128x256xf32>, vector<2000x256xf32> -> vector<2000x256xf32>
    %get3A_26 = arith.constant 0 : index
    %get3A_27 = arith.constant 0 : index
    %get3A_28 = vector.load %arg7[%get3A_26, %get3A_27] : memref<1x256xf32, #tpu.memory_space<vmem>>, vector<1x256xf32>
    %add3A_29 = vector.broadcast %get3A_28 : vector<1x256xf32> to vector<2000x256xf32>
    %add3A_30 = arith.addf %dot_general3A_25, %add3A_29 : vector<2000x256xf32>
    %logistic3A = arith.negf %add3A_30 : vector<2000x256xf32>
    %logistic3A_31 = math.exp %logistic3A : vector<2000x256xf32>
    %logistic3A_32 = arith.constant 1.000000e+00 : f32
    %logistic3A_33 = vector.broadcast %logistic3A_32 : f32 to vector<2000x256xf32>
    %logistic3A_34 = arith.addf %logistic3A_33, %logistic3A_31 : vector<2000x256xf32>
    %logistic3A_35 = arith.divf %logistic3A_33, %logistic3A_34 : vector<2000x256xf32>
    %get3A_36 = arith.constant 0 : index
    %get3A_37 = arith.constant 0 : index
    %get3A_38 = vector.load %arg6[%get3A_36, %get3A_37] : memref<128x256xf32, #tpu.memory_space<vmem>>, vector<128x256xf32>
    %dot_general3A_39 = arith.constant dense<0.000000e+00> : vector<2000x256xf32>
    %dot_general3A_40 = tpu.matmul %mul3A_21, %get3A_38, %dot_general3A_39 {dimension_numbers = #tpu.dot_dimension_numbers<[1], [0], [0], [1], [0, 0, 1, 1], [], []>, transpose_lhs_hint = false} : vector<2000x128xf32>, vector<128x256xf32>, vector<2000x256xf32> -> vector<2000x256xf32>
    %get3A_41 = arith.constant 0 : index
    %get3A_42 = arith.constant 0 : index
    %get3A_43 = vector.load %arg8[%get3A_41, %get3A_42] : memref<1x256xf32, #tpu.memory_space<vmem>>, vector<1x256xf32>
    %add3A_44 = vector.broadcast %get3A_43 : vector<1x256xf32> to vector<2000x256xf32>
    %add3A_45 = arith.addf %dot_general3A_40, %add3A_44 : vector<2000x256xf32>
    %tanh3A = math.tanh %add3A_45 : vector<2000x256xf32>
    %sub3A = arith.constant 1.000000e+00 : f32
    %sub3A_46 = vector.broadcast %sub3A : f32 to vector<2000x256xf32>
    %sub3A_47 = arith.subf %sub3A_46, %logistic3A_35 : vector<2000x256xf32>
    %mul3A_48 = arith.mulf %sub3A_47, %tanh3A : vector<2000x256xf32>
    %get3A_49 = arith.constant 0 : index
    %get3A_50 = arith.constant 0 : index
    %get3A_51 = vector.load %arg9[%get3A_49, %get3A_50] : memref<256x64xf32, #tpu.memory_space<vmem>>, vector<256x64xf32>
    %dot_general3A_52 = arith.constant dense<0.000000e+00> : vector<2000x64xf32>
    %dot_general3A_53 = tpu.matmul %mul3A_48, %get3A_51, %dot_general3A_52 {dimension_numbers = #tpu.dot_dimension_numbers<[1], [0], [0], [1], [0, 0, 1, 1], [], []>, transpose_lhs_hint = false} : vector<2000x256xf32>, vector<256x64xf32>, vector<2000x64xf32> -> vector<2000x64xf32>
    %add3A_54 = arith.addf %broadcast_in_dim3A_9, %dot_general3A_53 : vector<2000x64xf32>
    %get3A_55 = arith.constant 1 : index
    %get3A_56 = arith.constant 0 : index
    %get3A_57 = arith.constant 0 : index
    %get3A_58 = vector.load %arg2[%get3A_55, %get3A_56, %get3A_57] : memref<4x2000x128xf32, #tpu.memory_space<vmem>>, vector<1x2000x128xf32>
    %get3A_59 = vector.shape_cast %get3A_58 : vector<1x2000x128xf32> to vector<2000x128xf32>
    %get3A_60 = arith.constant 1 : index
    %get3A_61 = arith.constant 0 : index
    %get3A_62 = arith.constant 0 : index
    %get3A_63 = vector.load %arg3[%get3A_60, %get3A_61, %get3A_62] : memref<4x2000x128xf32, #tpu.memory_space<vmem>>, vector<1x2000x128xf32>
    %get3A_64 = vector.shape_cast %get3A_63 : vector<1x2000x128xf32> to vector<2000x128xf32>
    %add3A_65 = arith.addf %get3A_59, %get3A_64 : vector<2000x128xf32>
    %mul3A_66 = vector.broadcast %broadcast_in_dim3A : vector<2000x1xf32> to vector<2000x128xf32>
    %mul3A_67 = arith.mulf %mul3A_66, %add3A_65 : vector<2000x128xf32>
    %get3A_68 = arith.constant 0 : index
    %get3A_69 = arith.constant 0 : index
    %get3A_70 = vector.load %arg5[%get3A_68, %get3A_69] : memref<128x256xf32, #tpu.memory_space<vmem>>, vector<128x256xf32>
    %dot_general3A_71 = arith.constant dense<0.000000e+00> : vector<2000x256xf32>
    %dot_general3A_72 = tpu.matmul %mul3A_67, %get3A_70, %dot_general3A_71 {dimension_numbers = #tpu.dot_dimension_numbers<[1], [0], [0], [1], [0, 0, 1, 1], [], []>, transpose_lhs_hint = false} : vector<2000x128xf32>, vector<128x256xf32>, vector<2000x256xf32> -> vector<2000x256xf32>
    %get3A_73 = arith.constant 0 : index
    %get3A_74 = arith.constant 0 : index
    %get3A_75 = vector.load %arg7[%get3A_73, %get3A_74] : memref<1x256xf32, #tpu.memory_space<vmem>>, vector<1x256xf32>
    %add3A_76 = vector.broadcast %get3A_75 : vector<1x256xf32> to vector<2000x256xf32>
    %add3A_77 = arith.addf %dot_general3A_72, %add3A_76 : vector<2000x256xf32>
    %logistic3A_78 = arith.negf %add3A_77 : vector<2000x256xf32>
    %logistic3A_79 = math.exp %logistic3A_78 : vector<2000x256xf32>
    %logistic3A_80 = arith.constant 1.000000e+00 : f32
    %logistic3A_81 = vector.broadcast %logistic3A_80 : f32 to vector<2000x256xf32>
    %logistic3A_82 = arith.addf %logistic3A_81, %logistic3A_79 : vector<2000x256xf32>
    %logistic3A_83 = arith.divf %logistic3A_81, %logistic3A_82 : vector<2000x256xf32>
    %get3A_84 = arith.constant 0 : index
    %get3A_85 = arith.constant 0 : index
    %get3A_86 = vector.load %arg6[%get3A_84, %get3A_85] : memref<128x256xf32, #tpu.memory_space<vmem>>, vector<128x256xf32>
    %dot_general3A_87 = arith.constant dense<0.000000e+00> : vector<2000x256xf32>
    %dot_general3A_88 = tpu.matmul %mul3A_67, %get3A_86, %dot_general3A_87 {dimension_numbers = #tpu.dot_dimension_numbers<[1], [0], [0], [1], [0, 0, 1, 1], [], []>, transpose_lhs_hint = false} : vector<2000x128xf32>, vector<128x256xf32>, vector<2000x256xf32> -> vector<2000x256xf32>
    %get3A_89 = arith.constant 0 : index
    %get3A_90 = arith.constant 0 : index
    %get3A_91 = vector.load %arg8[%get3A_89, %get3A_90] : memref<1x256xf32, #tpu.memory_space<vmem>>, vector<1x256xf32>
    %add3A_92 = vector.broadcast %get3A_91 : vector<1x256xf32> to vector<2000x256xf32>
    %add3A_93 = arith.addf %dot_general3A_88, %add3A_92 : vector<2000x256xf32>
    %tanh3A_94 = math.tanh %add3A_93 : vector<2000x256xf32>
    %sub3A_95 = arith.constant 1.000000e+00 : f32
    %sub3A_96 = vector.broadcast %sub3A_95 : f32 to vector<2000x256xf32>
    %sub3A_97 = arith.subf %sub3A_96, %logistic3A_83 : vector<2000x256xf32>
    %mul3A_98 = arith.mulf %sub3A_97, %tanh3A_94 : vector<2000x256xf32>
    %get3A_99 = arith.constant 0 : index
    %get3A_100 = arith.constant 0 : index
    %get3A_101 = vector.load %arg10[%get3A_99, %get3A_100] : memref<256x64xf32, #tpu.memory_space<vmem>>, vector<256x64xf32>
    %dot_general3A_102 = arith.constant dense<0.000000e+00> : vector<2000x64xf32>
    %dot_general3A_103 = tpu.matmul %mul3A_98, %get3A_101, %dot_general3A_102 {dimension_numbers = #tpu.dot_dimension_numbers<[1], [0], [0], [1], [0, 0, 1, 1], [], []>, transpose_lhs_hint = false} : vector<2000x256xf32>, vector<256x64xf32>, vector<2000x64xf32> -> vector<2000x64xf32>
    %add3A_104 = arith.addf %add3A_54, %dot_general3A_103 : vector<2000x64xf32>
    %max3A = arith.constant 0.000000e+00 : f32
    %max3A_105 = vector.broadcast %max3A : f32 to vector<2000x64xf32>
    %max3A_106 = arith.maximumf %add3A_104, %max3A_105 : vector<2000x64xf32>
    %mul3A_107 = vector.broadcast %broadcast_in_dim3A : vector<2000x1xf32> to vector<2000x64xf32>
    %mul3A_108 = arith.mulf %max3A_106, %mul3A_107 : vector<2000x64xf32>
    %broadcast_in_dim3A_109 = arith.constant 0.000000e+00 : f32
    %broadcast_in_dim3A_110 = vector.broadcast %broadcast_in_dim3A_109 : f32 to vector<2000x64xf32>
    %get3A_111 = arith.constant 2 : index
    %get3A_112 = arith.constant 0 : index
    %get3A_113 = arith.constant 0 : index
    %get3A_114 = vector.load %arg2[%get3A_111, %get3A_112, %get3A_113] : memref<4x2000x128xf32, #tpu.memory_space<vmem>>, vector<1x2000x128xf32>
    %get3A_115 = vector.shape_cast %get3A_114 : vector<1x2000x128xf32> to vector<2000x128xf32>
    %get3A_116 = arith.constant 2 : index
    %get3A_117 = arith.constant 0 : index
    %get3A_118 = arith.constant 0 : index
    %get3A_119 = vector.load %arg3[%get3A_116, %get3A_117, %get3A_118] : memref<4x2000x128xf32, #tpu.memory_space<vmem>>, vector<1x2000x128xf32>
    %get3A_120 = vector.shape_cast %get3A_119 : vector<1x2000x128xf32> to vector<2000x128xf32>
    %add3A_121 = arith.addf %get3A_115, %get3A_120 : vector<2000x128xf32>
    %mul3A_122 = vector.broadcast %broadcast_in_dim3A : vector<2000x1xf32> to vector<2000x128xf32>
    %mul3A_123 = arith.mulf %mul3A_122, %add3A_121 : vector<2000x128xf32>
    %get3A_124 = arith.constant 0 : index
    %get3A_125 = arith.constant 0 : index
    %get3A_126 = vector.load %arg5[%get3A_124, %get3A_125] : memref<128x256xf32, #tpu.memory_space<vmem>>, vector<128x256xf32>
    %dot_general3A_127 = arith.constant dense<0.000000e+00> : vector<2000x256xf32>
    %dot_general3A_128 = tpu.matmul %mul3A_123, %get3A_126, %dot_general3A_127 {dimension_numbers = #tpu.dot_dimension_numbers<[1], [0], [0], [1], [0, 0, 1, 1], [], []>, transpose_lhs_hint = false} : vector<2000x128xf32>, vector<128x256xf32>, vector<2000x256xf32> -> vector<2000x256xf32>
    %get3A_129 = arith.constant 0 : index
    %get3A_130 = arith.constant 0 : index
    %get3A_131 = vector.load %arg7[%get3A_129, %get3A_130] : memref<1x256xf32, #tpu.memory_space<vmem>>, vector<1x256xf32>
    %add3A_132 = vector.broadcast %get3A_131 : vector<1x256xf32> to vector<2000x256xf32>
    %add3A_133 = arith.addf %dot_general3A_128, %add3A_132 : vector<2000x256xf32>
    %logistic3A_134 = arith.negf %add3A_133 : vector<2000x256xf32>
    %logistic3A_135 = math.exp %logistic3A_134 : vector<2000x256xf32>
    %logistic3A_136 = arith.constant 1.000000e+00 : f32
    %logistic3A_137 = vector.broadcast %logistic3A_136 : f32 to vector<2000x256xf32>
    %logistic3A_138 = arith.addf %logistic3A_137, %logistic3A_135 : vector<2000x256xf32>
    %logistic3A_139 = arith.divf %logistic3A_137, %logistic3A_138 : vector<2000x256xf32>
    %get3A_140 = arith.constant 0 : index
    %get3A_141 = arith.constant 0 : index
    %get3A_142 = vector.load %arg6[%get3A_140, %get3A_141] : memref<128x256xf32, #tpu.memory_space<vmem>>, vector<128x256xf32>
    %dot_general3A_143 = arith.constant dense<0.000000e+00> : vector<2000x256xf32>
    %dot_general3A_144 = tpu.matmul %mul3A_123, %get3A_142, %dot_general3A_143 {dimension_numbers = #tpu.dot_dimension_numbers<[1], [0], [0], [1], [0, 0, 1, 1], [], []>, transpose_lhs_hint = false} : vector<2000x128xf32>, vector<128x256xf32>, vector<2000x256xf32> -> vector<2000x256xf32>
    %get3A_145 = arith.constant 0 : index
    %get3A_146 = arith.constant 0 : index
    %get3A_147 = vector.load %arg8[%get3A_145, %get3A_146] : memref<1x256xf32, #tpu.memory_space<vmem>>, vector<1x256xf32>
    %add3A_148 = vector.broadcast %get3A_147 : vector<1x256xf32> to vector<2000x256xf32>
    %add3A_149 = arith.addf %dot_general3A_144, %add3A_148 : vector<2000x256xf32>
    %tanh3A_150 = math.tanh %add3A_149 : vector<2000x256xf32>
    %sub3A_151 = arith.constant 1.000000e+00 : f32
    %sub3A_152 = vector.broadcast %sub3A_151 : f32 to vector<2000x256xf32>
    %sub3A_153 = arith.subf %sub3A_152, %logistic3A_139 : vector<2000x256xf32>
    %mul3A_154 = arith.mulf %sub3A_153, %tanh3A_150 : vector<2000x256xf32>
    %get3A_155 = arith.constant 0 : index
    %get3A_156 = arith.constant 0 : index
    %get3A_157 = vector.load %arg9[%get3A_155, %get3A_156] : memref<256x64xf32, #tpu.memory_space<vmem>>, vector<256x64xf32>
    %dot_general3A_158 = arith.constant dense<0.000000e+00> : vector<2000x64xf32>
    %dot_general3A_159 = tpu.matmul %mul3A_154, %get3A_157, %dot_general3A_158 {dimension_numbers = #tpu.dot_dimension_numbers<[1], [0], [0], [1], [0, 0, 1, 1], [], []>, transpose_lhs_hint = false} : vector<2000x256xf32>, vector<256x64xf32>, vector<2000x64xf32> -> vector<2000x64xf32>
    %add3A_160 = arith.addf %broadcast_in_dim3A_110, %dot_general3A_159 : vector<2000x64xf32>
    %get3A_161 = arith.constant 3 : index
    %get3A_162 = arith.constant 0 : index
    %get3A_163 = arith.constant 0 : index
    %get3A_164 = vector.load %arg2[%get3A_161, %get3A_162, %get3A_163] : memref<4x2000x128xf32, #tpu.memory_space<vmem>>, vector<1x2000x128xf32>
    %get3A_165 = vector.shape_cast %get3A_164 : vector<1x2000x128xf32> to vector<2000x128xf32>
    %get3A_166 = arith.constant 3 : index
    %get3A_167 = arith.constant 0 : index
    %get3A_168 = arith.constant 0 : index
    %get3A_169 = vector.load %arg3[%get3A_166, %get3A_167, %get3A_168] : memref<4x2000x128xf32, #tpu.memory_space<vmem>>, vector<1x2000x128xf32>
    %get3A_170 = vector.shape_cast %get3A_169 : vector<1x2000x128xf32> to vector<2000x128xf32>
    %add3A_171 = arith.addf %get3A_165, %get3A_170 : vector<2000x128xf32>
    %mul3A_172 = vector.broadcast %broadcast_in_dim3A : vector<2000x1xf32> to vector<2000x128xf32>
    %mul3A_173 = arith.mulf %mul3A_172, %add3A_171 : vector<2000x128xf32>
    %get3A_174 = arith.constant 0 : index
    %get3A_175 = arith.constant 0 : index
    %get3A_176 = vector.load %arg5[%get3A_174, %get3A_175] : memref<128x256xf32, #tpu.memory_space<vmem>>, vector<128x256xf32>
    %dot_general3A_177 = arith.constant dense<0.000000e+00> : vector<2000x256xf32>
    %dot_general3A_178 = tpu.matmul %mul3A_173, %get3A_176, %dot_general3A_177 {dimension_numbers = #tpu.dot_dimension_numbers<[1], [0], [0], [1], [0, 0, 1, 1], [], []>, transpose_lhs_hint = false} : vector<2000x128xf32>, vector<128x256xf32>, vector<2000x256xf32> -> vector<2000x256xf32>
    %get3A_179 = arith.constant 0 : index
    %get3A_180 = arith.constant 0 : index
    %get3A_181 = vector.load %arg7[%get3A_179, %get3A_180] : memref<1x256xf32, #tpu.memory_space<vmem>>, vector<1x256xf32>
    %add3A_182 = vector.broadcast %get3A_181 : vector<1x256xf32> to vector<2000x256xf32>
    %add3A_183 = arith.addf %dot_general3A_178, %add3A_182 : vector<2000x256xf32>
    %logistic3A_184 = arith.negf %add3A_183 : vector<2000x256xf32>
    %logistic3A_185 = math.exp %logistic3A_184 : vector<2000x256xf32>
    %logistic3A_186 = arith.constant 1.000000e+00 : f32
    %logistic3A_187 = vector.broadcast %logistic3A_186 : f32 to vector<2000x256xf32>
    %logistic3A_188 = arith.addf %logistic3A_187, %logistic3A_185 : vector<2000x256xf32>
    %logistic3A_189 = arith.divf %logistic3A_187, %logistic3A_188 : vector<2000x256xf32>
    %get3A_190 = arith.constant 0 : index
    %get3A_191 = arith.constant 0 : index
    %get3A_192 = vector.load %arg6[%get3A_190, %get3A_191] : memref<128x256xf32, #tpu.memory_space<vmem>>, vector<128x256xf32>
    %dot_general3A_193 = arith.constant dense<0.000000e+00> : vector<2000x256xf32>
    %dot_general3A_194 = tpu.matmul %mul3A_173, %get3A_192, %dot_general3A_193 {dimension_numbers = #tpu.dot_dimension_numbers<[1], [0], [0], [1], [0, 0, 1, 1], [], []>, transpose_lhs_hint = false} : vector<2000x128xf32>, vector<128x256xf32>, vector<2000x256xf32> -> vector<2000x256xf32>
    %get3A_195 = arith.constant 0 : index
    %get3A_196 = arith.constant 0 : index
    %get3A_197 = vector.load %arg8[%get3A_195, %get3A_196] : memref<1x256xf32, #tpu.memory_space<vmem>>, vector<1x256xf32>
    %add3A_198 = vector.broadcast %get3A_197 : vector<1x256xf32> to vector<2000x256xf32>
    %add3A_199 = arith.addf %dot_general3A_194, %add3A_198 : vector<2000x256xf32>
    %tanh3A_200 = math.tanh %add3A_199 : vector<2000x256xf32>
    %sub3A_201 = arith.constant 1.000000e+00 : f32
    %sub3A_202 = vector.broadcast %sub3A_201 : f32 to vector<2000x256xf32>
    %sub3A_203 = arith.subf %sub3A_202, %logistic3A_189 : vector<2000x256xf32>
    %mul3A_204 = arith.mulf %sub3A_203, %tanh3A_200 : vector<2000x256xf32>
    %get3A_205 = arith.constant 0 : index
    %get3A_206 = arith.constant 0 : index
    %get3A_207 = vector.load %arg10[%get3A_205, %get3A_206] : memref<256x64xf32, #tpu.memory_space<vmem>>, vector<256x64xf32>
    %dot_general3A_208 = arith.constant dense<0.000000e+00> : vector<2000x64xf32>
    %dot_general3A_209 = tpu.matmul %mul3A_204, %get3A_207, %dot_general3A_208 {dimension_numbers = #tpu.dot_dimension_numbers<[1], [0], [0], [1], [0, 0, 1, 1], [], []>, transpose_lhs_hint = false} : vector<2000x256xf32>, vector<256x64xf32>, vector<2000x64xf32> -> vector<2000x64xf32>
    %add3A_210 = arith.addf %add3A_160, %dot_general3A_209 : vector<2000x64xf32>
    %max3A_211 = arith.constant 0.000000e+00 : f32
    %max3A_212 = vector.broadcast %max3A_211 : f32 to vector<2000x64xf32>
    %max3A_213 = arith.maximumf %add3A_210, %max3A_212 : vector<2000x64xf32>
    %mul3A_214 = vector.broadcast %broadcast_in_dim3A : vector<2000x1xf32> to vector<2000x64xf32>
    %mul3A_215 = arith.mulf %max3A_213, %mul3A_214 : vector<2000x64xf32>
    %concatenate3A = tpu.concatenate %mul3A_108, %mul3A_215 in 1 : vector<2000x64xf32>, vector<2000x64xf32> -> vector<2000x128xf32>
    %swap3A = arith.constant 0 : index
    %swap3A_216 = arith.constant 0 : index
    %swap3A_217 = arith.constant 0 : index
    %swap3A_218 = vector.load %arg11[%swap3A, %swap3A_216, %swap3A_217] : memref<1x2000x128xf32, #tpu.memory_space<vmem>>, vector<1x2000x128xf32>
    %swap3A_219 = vector.shape_cast %swap3A_218 : vector<1x2000x128xf32> to vector<2000x128xf32>
    %swap3A_220 = vector.shape_cast %concatenate3A : vector<2000x128xf32> to vector<1x2000x128xf32>
    tpu.vector_store %arg11[%swap3A, %swap3A_216, %swap3A_217], %swap3A_220 {strides = array<i32>} : memref<1x2000x128xf32, #tpu.memory_space<vmem>>, vector<1x2000x128xf32>,
    return
  }
  func.func @transform_0(%arg0: i32, %arg1: i32) -> (i32, i32, i32) {
    %c0_i32 = arith.constant 0 : i32
    %c0_i32_0 = arith.constant 0 : i32
    return %arg0, %arg1, %c0_i32 : i32, i32, i32
  }
  func.func @transform_1(%arg0: i32, %arg1: i32) -> (i32, i32, i32) {
    %c0_i32 = arith.constant 0 : i32
    %c0_i32_0 = arith.constant 0 : i32
    return %arg0, %arg1, %c0_i32 : i32, i32, i32
  }
  func.func @transform_2(%arg0: i32, %arg1: i32) -> (i32, i32, i32) {
    %c0_i32 = arith.constant 0 : i32
    %c0_i32_0 = arith.constant 0 : i32
    %c0_i32_1 = arith.constant 0 : i32
    return %c0_i32, %arg1, %c0_i32_0 : i32, i32, i32
  }
  func.func @transform_3(%arg0: i32, %arg1: i32) -> (i32, i32) {
    %c0_i32 = arith.constant 0 : i32
    %c0_i32_0 = arith.constant 0 : i32
    %c0_i32_1 = arith.constant 0 : i32
    return %c0_i32, %c0_i32_0 : i32, i32
  }
  func.func @transform_4(%arg0: i32, %arg1: i32) -> (i32, i32) {
    %c0_i32 = arith.constant 0 : i32
    %c0_i32_0 = arith.constant 0 : i32
    %c0_i32_1 = arith.constant 0 : i32
    return %c0_i32, %c0_i32_0 : i32, i32
  }
  func.func @transform_5(%arg0: i32, %arg1: i32) -> (i32, i32) {
    %c0_i32 = arith.constant 0 : i32
    %c0_i32_0 = arith.constant 0 : i32
    %c0_i32_1 = arith.constant 0 : i32
    return %c0_i32, %c0_i32_0 : i32, i32
  }
  func.func @transform_6(%arg0: i32, %arg1: i32) -> (i32, i32) {
    %c0_i32 = arith.constant 0 : i32
    %c0_i32_0 = arith.constant 0 : i32
    %c0_i32_1 = arith.constant 0 : i32
    return %c0_i32, %c0_i32_0 : i32, i32
  }
  func.func @transform_7(%arg0: i32, %arg1: i32) -> (i32, i32) {
    %c0_i32 = arith.constant 0 : i32
    %c0_i32_0 = arith.constant 0 : i32
    %c0_i32_1 = arith.constant 0 : i32
    return %c0_i32, %c0_i32_0 : i32, i32
  }
  func.func @transform_8(%arg0: i32, %arg1: i32) -> (i32, i32) {
    %c0_i32 = arith.constant 0 : i32
    %c0_i32_0 = arith.constant 0 : i32
    %c0_i32_1 = arith.constant 0 : i32
    return %c0_i32, %c0_i32_0 : i32, i32
  }
  func.func @transform_9(%arg0: i32, %arg1: i32) -> (i32, i32, i32) {
    %c0_i32 = arith.constant 0 : i32
    %c0_i32_0 = arith.constant 0 : i32
    return %arg0, %arg1, %c0_i32 : i32, i32, i32
  }
}

module attributes {stable_mosaic.version = 14 : i64} {
  func.func @_final_body(%arg0: i32, %arg1: i32, %arg2: memref<1x2000x128xf32, #tpu.memory_space<vmem>>, %arg3: memref<1x2000x128xf32, #tpu.memory_space<vmem>>, %arg4: memref<2x2000x1xf32, #tpu.memory_space<vmem>>, %arg5: memref<128x128xf32, #tpu.memory_space<vmem>>, %arg6: memref<128x128xf32, #tpu.memory_space<vmem>>, %arg7: memref<1x128xf32, #tpu.memory_space<vmem>>, %arg8: memref<1x128xf32, #tpu.memory_space<vmem>>, %arg9: memref<128x2xf32, #tpu.memory_space<vmem>>, %arg10: memref<1x1xf32, #tpu.memory_space<vmem>>, %arg11: memref<1x2000x2xf32, #tpu.memory_space<vmem>>) attributes {dimension_semantics = [#tpu.dimension_semantics<arbitrary>, #tpu.dimension_semantics<arbitrary>], iteration_bounds = array<i64: 4, 5>, scalar_prefetch = 0 : i64, scratch_operands = 0 : i64, tpu.core_type = #tpu.core_type<tc>, window_params = [{transform_indices = @transform_0, window_bounds = array<i64: 1, 2000, 128>}, {transform_indices = @transform_1, window_bounds = array<i64: 1, 2000, 128>}, {transform_indices = @transform_2, window_bounds = array<i64: 2, 2000, 1>}, {pipeline_mode = #tpu.pipeline_mode<synchronous>, transform_indices = @transform_3, window_bounds = array<i64: 128, 128>}, {pipeline_mode = #tpu.pipeline_mode<synchronous>, transform_indices = @transform_4, window_bounds = array<i64: 128, 128>}, {pipeline_mode = #tpu.pipeline_mode<synchronous>, transform_indices = @transform_5, window_bounds = array<i64: 1, 128>}, {pipeline_mode = #tpu.pipeline_mode<synchronous>, transform_indices = @transform_6, window_bounds = array<i64: 1, 128>}, {pipeline_mode = #tpu.pipeline_mode<synchronous>, transform_indices = @transform_7, window_bounds = array<i64: 128, 2>}, {pipeline_mode = #tpu.pipeline_mode<synchronous>, transform_indices = @transform_8, window_bounds = array<i64: 1, 1>}, {transform_indices = @transform_9, window_bounds = array<i64: 1, 2000, 2>}]} {
    %get3A = arith.constant 0 : index
    %get3A_0 = arith.constant 0 : index
    %get3A_1 = arith.constant 0 : index
    %get3A_2 = vector.load %arg4[%get3A, %get3A_0, %get3A_1] : memref<2x2000x1xf32, #tpu.memory_space<vmem>>, vector<2x2000x1xf32>
    %slice3A = vector.extract_strided_slice %get3A_2 {offsets = [0, 0, 0], sizes = [1, 2000, 1], strides = [1, 1, 1]} : vector<2x2000x1xf32> to vector<1x2000x1xf32>
    %squeeze3A = vector.shape_cast %slice3A : vector<1x2000x1xf32> to vector<2000xf32>
    %add3A = arith.constant 1.000000e+00 : f32
    %add3A_3 = vector.broadcast %add3A : f32 to vector<2000xf32>
    %add3A_4 = arith.addf %add3A_3, %squeeze3A : vector<2000xf32>
    %slice3A_5 = vector.extract_strided_slice %get3A_2 {offsets = [1, 0, 0], sizes = [1, 2000, 1], strides = [1, 1, 1]} : vector<2x2000x1xf32> to vector<1x2000x1xf32>
    %squeeze3A_6 = vector.shape_cast %slice3A_5 : vector<1x2000x1xf32> to vector<2000xf32>
    %add3A_7 = arith.addf %add3A_4, %squeeze3A_6 : vector<2000xf32>
    %rsqrt3A = math.rsqrt %add3A_7 : vector<2000xf32>
    %broadcast_in_dim3A = vector.shape_cast %rsqrt3A : vector<2000xf32> to vector<2000x1xf32>
    %get3A_8 = arith.constant 0 : index
    %get3A_9 = arith.constant 0 : index
    %get3A_10 = arith.constant 0 : index
    %get3A_11 = vector.load %arg2[%get3A_8, %get3A_9, %get3A_10] : memref<1x2000x128xf32, #tpu.memory_space<vmem>>, vector<1x2000x128xf32>
    %get3A_12 = vector.shape_cast %get3A_11 : vector<1x2000x128xf32> to vector<2000x128xf32>
    %get3A_13 = arith.constant 0 : index
    %get3A_14 = arith.constant 0 : index
    %get3A_15 = arith.constant 0 : index
    %get3A_16 = vector.load %arg3[%get3A_13, %get3A_14, %get3A_15] : memref<1x2000x128xf32, #tpu.memory_space<vmem>>, vector<1x2000x128xf32>
    %get3A_17 = vector.shape_cast %get3A_16 : vector<1x2000x128xf32> to vector<2000x128xf32>
    %add3A_18 = arith.addf %get3A_12, %get3A_17 : vector<2000x128xf32>
    %mul3A = vector.broadcast %broadcast_in_dim3A : vector<2000x1xf32> to vector<2000x128xf32>
    %mul3A_19 = arith.mulf %mul3A, %add3A_18 : vector<2000x128xf32>
    %get3A_20 = arith.constant 0 : index
    %get3A_21 = arith.constant 0 : index
    %get3A_22 = vector.load %arg5[%get3A_20, %get3A_21] : memref<128x128xf32, #tpu.memory_space<vmem>>, vector<128x128xf32>
    %dot_general3A = arith.constant dense<0.000000e+00> : vector<2000x128xf32>
    %dot_general3A_23 = tpu.matmul %mul3A_19, %get3A_22, %dot_general3A {dimension_numbers = #tpu.dot_dimension_numbers<[1], [0], [0], [1], [0, 0, 1, 1], [], []>, transpose_lhs_hint = false} : vector<2000x128xf32>, vector<128x128xf32>, vector<2000x128xf32> -> vector<2000x128xf32>
    %get3A_24 = arith.constant 0 : index
    %get3A_25 = arith.constant 0 : index
    %get3A_26 = vector.load %arg7[%get3A_24, %get3A_25] : memref<1x128xf32, #tpu.memory_space<vmem>>, vector<1x128xf32>
    %add3A_27 = vector.broadcast %get3A_26 : vector<1x128xf32> to vector<2000x128xf32>
    %add3A_28 = arith.addf %dot_general3A_23, %add3A_27 : vector<2000x128xf32>
    %logistic3A = arith.negf %add3A_28 : vector<2000x128xf32>
    %logistic3A_29 = math.exp %logistic3A : vector<2000x128xf32>
    %logistic3A_30 = arith.constant 1.000000e+00 : f32
    %logistic3A_31 = vector.broadcast %logistic3A_30 : f32 to vector<2000x128xf32>
    %logistic3A_32 = arith.addf %logistic3A_31, %logistic3A_29 : vector<2000x128xf32>
    %logistic3A_33 = arith.divf %logistic3A_31, %logistic3A_32 : vector<2000x128xf32>
    %get3A_34 = arith.constant 0 : index
    %get3A_35 = arith.constant 0 : index
    %get3A_36 = vector.load %arg6[%get3A_34, %get3A_35] : memref<128x128xf32, #tpu.memory_space<vmem>>, vector<128x128xf32>
    %dot_general3A_37 = arith.constant dense<0.000000e+00> : vector<2000x128xf32>
    %dot_general3A_38 = tpu.matmul %mul3A_19, %get3A_36, %dot_general3A_37 {dimension_numbers = #tpu.dot_dimension_numbers<[1], [0], [0], [1], [0, 0, 1, 1], [], []>, transpose_lhs_hint = false} : vector<2000x128xf32>, vector<128x128xf32>, vector<2000x128xf32> -> vector<2000x128xf32>
    %get3A_39 = arith.constant 0 : index
    %get3A_40 = arith.constant 0 : index
    %get3A_41 = vector.load %arg8[%get3A_39, %get3A_40] : memref<1x128xf32, #tpu.memory_space<vmem>>, vector<1x128xf32>
    %add3A_42 = vector.broadcast %get3A_41 : vector<1x128xf32> to vector<2000x128xf32>
    %add3A_43 = arith.addf %dot_general3A_38, %add3A_42 : vector<2000x128xf32>
    %tanh3A = math.tanh %add3A_43 : vector<2000x128xf32>
    %sub3A = arith.constant 1.000000e+00 : f32
    %sub3A_44 = vector.broadcast %sub3A : f32 to vector<2000x128xf32>
    %sub3A_45 = arith.subf %sub3A_44, %logistic3A_33 : vector<2000x128xf32>
    %mul3A_46 = arith.mulf %sub3A_45, %tanh3A : vector<2000x128xf32>
    %max3A = arith.constant 0.000000e+00 : f32
    %max3A_47 = vector.broadcast %max3A : f32 to vector<2000x128xf32>
    %max3A_48 = arith.maximumf %mul3A_46, %max3A_47 : vector<2000x128xf32>
    %get3A_49 = arith.constant 0 : index
    %get3A_50 = arith.constant 0 : index
    %get3A_51 = vector.load %arg9[%get3A_49, %get3A_50] : memref<128x2xf32, #tpu.memory_space<vmem>>, vector<128x2xf32>
    %dot_general3A_52 = arith.constant dense<0.000000e+00> : vector<2000x2xf32>
    %dot_general3A_53 = tpu.matmul %max3A_48, %get3A_51, %dot_general3A_52 {dimension_numbers = #tpu.dot_dimension_numbers<[1], [0], [0], [1], [0, 0, 1, 1], [], []>, transpose_lhs_hint = false} : vector<2000x128xf32>, vector<128x2xf32>, vector<2000x2xf32> -> vector<2000x2xf32>
    %get3A_54 = arith.constant 0 : index
    %get3A_55 = arith.constant 0 : index
    %get3A_56 = vector.load %arg10[%get3A_54, %get3A_55] : memref<1x1xf32, #tpu.memory_space<vmem>>, vector<1x1xf32>
    %add3A_57 = vector.broadcast %get3A_56 : vector<1x1xf32> to vector<2000x2xf32>
    %add3A_58 = arith.addf %dot_general3A_53, %add3A_57 : vector<2000x2xf32>
    %swap3A = arith.constant 0 : index
    %swap3A_59 = arith.constant 0 : index
    %swap3A_60 = arith.constant 0 : index
    %swap3A_61 = vector.load %arg11[%swap3A, %swap3A_59, %swap3A_60] : memref<1x2000x2xf32, #tpu.memory_space<vmem>>, vector<1x2000x2xf32>
    %swap3A_62 = vector.shape_cast %swap3A_61 : vector<1x2000x2xf32> to vector<2000x2xf32>
    %swap3A_63 = vector.shape_cast %add3A_58 : vector<2000x2xf32> to vector<1x2000x2xf32>
    tpu.vector_store %arg11[%swap3A, %swap3A_59, %swap3A_60], %swap3A_63 {strides = array<i32>} : memref<1x2000x2xf32, #tpu.memory_space<vmem>>, vector<1x2000x2xf32>,
    return
  }
  func.func @transform_0(%arg0: i32, %arg1: i32) -> (i32, i32, i32) {
    %c0_i32 = arith.constant 0 : i32
    %c0_i32_0 = arith.constant 0 : i32
    return %arg0, %arg1, %c0_i32 : i32, i32, i32
  }
  func.func @transform_1(%arg0: i32, %arg1: i32) -> (i32, i32, i32) {
    %c0_i32 = arith.constant 0 : i32
    %c0_i32_0 = arith.constant 0 : i32
    return %arg0, %arg1, %c0_i32 : i32, i32, i32
  }
  func.func @transform_2(%arg0: i32, %arg1: i32) -> (i32, i32, i32) {
    %c0_i32 = arith.constant 0 : i32
    %c0_i32_0 = arith.constant 0 : i32
    %c0_i32_1 = arith.constant 0 : i32
    return %c0_i32, %arg1, %c0_i32_0 : i32, i32, i32
  }
  func.func @transform_3(%arg0: i32, %arg1: i32) -> (i32, i32) {
    %c0_i32 = arith.constant 0 : i32
    %c0_i32_0 = arith.constant 0 : i32
    %c0_i32_1 = arith.constant 0 : i32
    return %c0_i32, %c0_i32_0 : i32, i32
  }
  func.func @transform_4(%arg0: i32, %arg1: i32) -> (i32, i32) {
    %c0_i32 = arith.constant 0 : i32
    %c0_i32_0 = arith.constant 0 : i32
    %c0_i32_1 = arith.constant 0 : i32
    return %c0_i32, %c0_i32_0 : i32, i32
  }
  func.func @transform_5(%arg0: i32, %arg1: i32) -> (i32, i32) {
    %c0_i32 = arith.constant 0 : i32
    %c0_i32_0 = arith.constant 0 : i32
    %c0_i32_1 = arith.constant 0 : i32
    return %c0_i32, %c0_i32_0 : i32, i32
  }
  func.func @transform_6(%arg0: i32, %arg1: i32) -> (i32, i32) {
    %c0_i32 = arith.constant 0 : i32
    %c0_i32_0 = arith.constant 0 : i32
    %c0_i32_1 = arith.constant 0 : i32
    return %c0_i32, %c0_i32_0 : i32, i32
  }
  func.func @transform_7(%arg0: i32, %arg1: i32) -> (i32, i32) {
    %c0_i32 = arith.constant 0 : i32
    %c0_i32_0 = arith.constant 0 : i32
    %c0_i32_1 = arith.constant 0 : i32
    return %c0_i32, %c0_i32_0 : i32, i32
  }
  func.func @transform_8(%arg0: i32, %arg1: i32) -> (i32, i32) {
    %c0_i32 = arith.constant 0 : i32
    %c0_i32_0 = arith.constant 0 : i32
    %c0_i32_1 = arith.constant 0 : i32
    return %c0_i32, %c0_i32_0 : i32, i32
  }
  func.func @transform_9(%arg0: i32, %arg1: i32) -> (i32, i32, i32) {
    %c0_i32 = arith.constant 0 : i32
    %c0_i32_0 = arith.constant 0 : i32
    return %arg0, %arg1, %c0_i32 : i32, i32, i32
  }
}

</mosaic_0001>

<sc_bundles>
// kernel: kernel.12.cloned.1.call-start
scs
__scs_entry_jumppad:
0x0: {  	(pc) =	sbr.rel $0x88, $3  }
0x1: {  	(tag) =	ssettag $0x0;
	lr =	simm.s32 $0x1  }
0x2: {  	[smem:$0x3F94] =	sst lr;
	_ =	strace $0xD0000000  }
0x3: {  	_ = 	snop  }
0x4: {  	_ = 	snop  }
0x5: {  	_ = 	snop  }
0x6: {  	_ = 	snop  }
0x7: {  	_ = 	snop  }
__scs_overlays_trampoline_lowered:
0x8: {  	[smem:$0x3FA3] =	sst s0  }
0x9: {  	[smem:$0x3FA4] =	sst s1  }
0xa: {  	[smem:$0x3FA5] =	sst s2  }
0xb: {  	[smem:$0x3FA6] =	sst s3  }
0xc: {  	[smem:$0x3FA7] =	sst s4  }
0xd: {  	[smem:$0x3FA8] =	sst s5  }
0xe: {  	[smem:$0x3FA9] =	sst s6  }
0xf: {  	[smem:$0x3FAA] =	sst s7  }
0x10: {  	[smem:$0x3FAB] =	sst s8  }
0x11: {  	[smem:$0x3FAC] =	sst s9;
	s0 =	simm.s32 @!p0 $0x0  }
0x12: {  	s1 =	sld [smem:$0x3F92];
	s0 =	simm.s32 @p0 $0x1  }
0x13: {  	[smem:$0x3FAD] =	sst s0;
	s0 =	simm.s32 @!p1 $0x0  }
0x14: {  	s2 =	sld [smem:$0x3F91];
	s0 =	simm.s32 @p1 $0x1  }
0x15: {  	[smem:$0x3FAE] =	sst s0;
	s0 =	simm.s32 @!p2 $0x0  }
0x16: {  	s3 =	sld [smem:$0x3FDB];
	s0 =	simm.s32 @p2 $0x1  }
0x17: {  	s4 =	simm.s32 $0x1BF5;
	[smem:$0x3FB0] =	sst s0  }
0x18: {  	s0 =	sld [smem:$0x3F93];
	_ =	swait.ge [sflag:s4], $0x0  }
0x19: {  	s7 =	sld [smem:$0x3F94]  }
0x1a: {  	s8 =	sadd.s32 $0xFFFFE003, lr  }
0x1b: {  	s9 =	sadd.s32 $0xFFFFFEF7, lr;
	s5 =	simm.s32 $0xFFFFFFFF;
	p2 =	slt.u32 s8, $0xFFFFF086  }
0x1c: {  	p1 =	slt.u32 s9, $0xF7A;
	s5 =	simm.s32 @!p2 $0x0  }
0x1d: {  	s5 =	simm.s32 @p1 $0x1;
	p0 =	seq.s32 s7, s2  }
0x1e: {  	s7 =	smul.u32 @!p0 $0xF7A, s2;
	p2 =	seq.s32 @!p0 s5, $0x0  }
0x1f: {  	s9 =	smul.u32 $0xF7A, s1;
	s8 =	simm.s32 @!p0 $0x1BF5;
	p2 =	por !p2, p0  }
0x20: {  	[sflag:s8] =	ssyncset.s32 @!p0 $0xFFFFF086;
	s6 =	sadd.s32 @!p0 s3, s7;
	s7 =	simm.s32 @!p0 $0x108  }
0x21: {  	s3 =	sadd.s32 s3, s9;
	s6 =	sadd.s32 @!p0 $0x88, s6;
	s7 =	simm.s32 @p2 $0x1082  }
0x22: {  	[simem:s7], [sflag:s8] =	dma.local @!p0 [hbm:s6], $0xF7A  }
0x23: {  	s9 =	sor.u32 $0xD0000000, s2;
	s6 =	simm.s32 $0x108;
	_ =	swait.ge @!p0 [sflag:s8], $0x0  }
0x24: {  	s3 =	sadd.s32 $0x88, s3;
	s6 =	simm.s32 @!p1 $0x1082;
	[sflag:s4] =	ssyncset.s32 $0xFFFFF086  }
0x25: {  	[simem:s6], [sflag:s4] =	dma.local [hbm:s3], $0xF7A  }
0x26: {  	[smem:$0x3F94] =	sst s1;
	(tag) =	ssettag s2;
	_ =	strace s9  }
0x27: {  	s1 =	sld [smem:$0x3FA4]  }
0x28: {  	s2 =	sld [smem:$0x3FA5]  }
0x29: {  	s4 =	sld [smem:$0x3FA7]  }
0x2a: {  	p0 =	seq.s32 s5, $0x0;
	s5 =	sld [smem:$0x3FA8]  }
0x2b: {  	s6 =	sld [smem:$0x3FA9]  }
0x2c: {  	s7 =	sld [smem:$0x3FAA]  }
0x2d: {  	s3 =	simm.s32 $0x108;
	s8 =	sld [smem:$0x3FAB]  }
0x2e: {  	s3 =	simm.s32 @!p0 $0x1082;
	s9 =	sld [smem:$0x3FAC]  }
0x2f: {  	lr =	sadd.s32 s0, s3;
	s0 =	sld [smem:$0x3FA3]  }
0x30: {  	s3 =	sld [smem:$0x3FA6]  }
0x31: {  	[smem:$0x3FAF] =	sst s10  }
0x32: {  	s10 =	sld [smem:$0x3FAD];
	_ =	sdelay $0x3  }
0x33: {  	p0 =	seq.s32 s10, $0x1;
	s10 =	sld [smem:$0x3FAF];
	_ =	sdelay $0x3  }
0x34: {  	[smem:$0x3FAF] =	sst s10  }
0x35: {  	s10 =	sld [smem:$0x3FAE];
	_ =	sdelay $0x3  }
0x36: {  	p1 =	seq.s32 s10, $0x1;
	s10 =	sld [smem:$0x3FAF];
	_ =	sdelay $0x3  }
0x37: {  	[smem:$0x3FAF] =	sst s10  }
0x38: {  	s10 =	sld [smem:$0x3FB0]  }
0x39: {  	_ = 	snop;
	(pc) =	sbr.ind lr, $3  }
0x3a: {  	_ = 	snop  }
0x3b: {  	_ = 	snop  }
0x3c: {  	p2 =	seq.s32 s10, $0x1;
	s10 =	sld [smem:$0x3FAF]  }
0x3d: {  	_ =	shalt  }
0x3e: {  	_ =	shalt  }
0x3f: {  	_ =	shalt  }
0x40: {  	_ =	shalt  }
0x41: {  	_ =	shalt  }
0x42: {  	_ =	shalt  }
0x43: {  	_ =	shalt  }
0x44: {  	_ =	shalt  }
0x45: {  	_ =	shalt  }
0x46: {  	_ =	shalt  }
0x47: {  	_ =	shalt  }
0x48: {  	_ =	shalt  }
0x49: {  	_ =	shalt  }
0x4a: {  	_ =	shalt  }
0x4b: {  	_ =	shalt  }
0x4c: {  	_ =	shalt  }
0x4d: {  	_ =	shalt  }
0x4e: {  	_ =	shalt  }
0x4f: {  	_ =	shalt  }
0x50: {  	_ =	shalt  }
0x51: {  	_ =	shalt  }
0x52: {  	_ =	shalt  }
0x53: {  	_ =	shalt  }
0x54: {  	_ =	shalt  }
0x55: {  	_ =	shalt  }
0x56: {  	_ =	shalt  }
0x57: {  	_ =	shalt  }
0x58: {  	_ =	shalt  }
0x59: {  	_ =	shalt  }
0x5a: {  	_ =	shalt  }
0x5b: {  	_ =	shalt  }
0x5c: {  	_ =	shalt  }
0x5d: {  	_ =	shalt  }
0x5e: {  	_ =	shalt  }
0x5f: {  	_ =	shalt  }
0x60: {  	_ =	shalt  }
0x61: {  	_ =	shalt  }
0x62: {  	_ =	shalt  }
0x63: {  	_ =	shalt  }
0x64: {  	_ =	shalt  }
0x65: {  	_ =	shalt  }
0x66: {  	_ =	shalt  }
0x67: {  	_ =	shalt  }
0x68: {  	_ =	shalt  }
0x69: {  	_ =	shalt  }
0x6a: {  	_ =	shalt  }
0x6b: {  	_ =	shalt  }
0x6c: {  	_ =	shalt  }
0x6d: {  	_ =	shalt  }
0x6e: {  	_ =	shalt  }
0x6f: {  	_ =	shalt  }
0x70: {  	_ =	shalt  }
0x71: {  	_ =	shalt  }
0x72: {  	_ =	shalt  }
0x73: {  	_ =	shalt  }
0x74: {  	_ =	shalt  }
0x75: {  	_ =	shalt  }
0x76: {  	_ =	shalt  }
0x77: {  	_ =	shalt  }
0x78: {  	_ =	shalt  }
0x79: {  	_ =	shalt  }
0x7a: {  	_ =	shalt  }
0x7b: {  	_ =	shalt  }
0x7c: {  	_ =	shalt  }
0x7d: {  	_ =	shalt  }
0x7e: {  	_ =	shalt  }
0x7f: {  	_ =	shalt  }
0x80: {  	_ =	shalt  }
0x81: {  	_ =	shalt  }
0x82: {  	_ =	shalt  }
0x83: {  	_ =	shalt  }
0x84: {  	_ =	shalt  }
0x85: {  	_ =	shalt  }
0x86: {  	_ =	shalt  }
0x87: {  	_ =	shalt  }
.Lfunc_end0:
.L_simem_size_0:
called_computation.1_lowered:
.L_overlay_start_0:
0x88: {  	s2 =	sld [smem:$0x3FD9]  }
0x89: {  	s3 =	sld [smem:$0x3FFE];
	_ =	sdelay $0x1  }
0x8a: {  	s1 =	srdreg.scid  }
0x8b: {  	s0 =	sand.u32 $0x1, s1  }
0x8c: {  	s16 =	sshll.u32 s0, $0xA;
	s2 =	sadd.s32 s3, s2  }
0x8d: {  	s2 =	sadd.s32 s2, s16  }
0x8e: {  	[smem:$0x3FBB] =	sst s2  }
0x8f: {  	_ = 	snop  }
0x90: {  	(tm) =	ssettm $0x1  }
0x91: {  	s17 =	sld [smem:$0x3FFB];
	_ =	sdelay $0x3  }
0x92: {  	_ =	strace s17  }
0x93: {  	s2 =	sld [smem:$0x3FFC];
	_ =	sdelay $0x3  }
0x94: {  	_ =	strace s2  }
0x95: {  	s2 =	sld [smem:$0x3FFD];
	_ =	sdelay $0x3  }
0x96: {  	_ =	strace s2  }
0x97: {  	_ =	strace $0x8FFFFFFF  }
0x98: {  	s18 =	sld [smem:$0x3FDB];
	_ =	sdelay $0x1  }
0x99: {  	s19 =	simm.s32 $_scs_section_size  }
0x9a: {  	s4 =	simm.s32 $_size__tile_overlayer_lowered;
	s5 =	simm.s32 $_tile_overlayer_lowered  }
0x9b: {  	s22 =	simm.s32 $0x1BFF;
	s21 =	sshll.u32 s5, $0x1;
	s2 =	sadd.s32 s19, s18  }
0x9c: {  	s6 =	simm.s32 $0x0;
	s20 =	sshll.u32 s4, $0x1;
	s4 =	sadd.s32 s21, s2  }
0x9d: {  	[timem:s6], [sflag:s22] =	dma.local [hbm:s4], s20  }
0x9e: {  	_ =	swait.ge [sflag:s22], s20  }
0x9f: {  	s3 =	ssub.s32 $0x0, s20;
	[sflag:s22] =	ssyncset.done $0x0  }
0xa0: {  	[sflag:s22] =	ssyncadd.s32 s3;
	_ =	sdelay $0x1  }
0xa1: {  	s23 =	simm.s32 $0x1B8B  }
0xa2: {  	_ =	swait.ge [sflag:s23], $0x1  }
0xa3: {  	[sflag:s23] =	ssyncset.done $0x0  }
0xa4: {  	s25 =	simm.s32 $0x1B8E;
	s24 =	sld [smem:$0x3FFE];
	[sflag:s23] =	ssyncadd.s32 $0xFFFFFFFF  }
0xa5: {  	s26 =	simm.s32 $execute0_lowered;
	[smem:$0x3FD2] =	sst s25  }
0xa6: {  	s4 =	sshll.u32 s26, $0x1;
	_ =	strace $0x80000049;
	[dreg:$0x1] =	wrdreg $0xFFFFFFFF  }
0xa7: {  	s28 =	simm.s32 $_size_execute0_lowered;
	s2 =	sadd.s32 s2, s4;
	[dreg:$0x0] =	wrdreg $0x0  }
0xa8: {  	s4 =	sshll.u32 s28, $0x1;
	[dreg:$0x2] =	wrdreg s2  }
0xa9: {  	[dreg:$0x3] =	wrdreg s4  }
0xaa: {  	[dreg:$0x4] =	wrdreg $0xC0  }
0xab: {  	_ =	task [dreg:s6], $0x5FFFF  }
0xac: {  	[dreg:$0x1] =	wrdreg $0xFFFFFFFF  }
0xad: {  	[dreg:$0x0] =	wrdreg $0x60  }
0xae: {  	[dreg:$0x2] =	wrdreg s24  }
0xaf: {  	[dreg:$0x3] =	wrdreg $0xB0000  }
0xb0: {  	[dreg:$0x4] =	wrdreg $0x9  }
0xb1: {  	_ =	task.clear_ibuf [dreg:s6], $0x5FFFF;
	_ =	strace $0x90000049  }
0xb2: {  	s29 =	simm.s32 $0x9;
	_ =	strace $0x8000004B  }
0xb3: {  	_ =	swait.ge [sflag:s29], $0x1  }
0xb4: {  	[sflag:s29] =	ssyncadd.s32 $0xFFFFFFFF  }
0xb5: {  	_ =	strace $0x9000004B  }
0xb6: {  	_ =	sfence  }
0xb7: {  	s30 =	sld [smem:$0x0];
	_ =	sdelay $0x2  }
0xb8: {  	s31 =	sshll.u32 s1, $0xD;
	s1 =	sshrl.u32 s1, $0x2  }
0xb9: {  	s3 =	sand.u32 $0x4000, s31;
	s1 =	sadd.s32 s1, s30  }
0xba: {  	s0 =	sor.u32 s3, s0;
	s1 =	sshll.u32 s1, $0x11  }
0xbb: {  	s0 =	sor.u32 s1, s0  }
0xbc: {  	s0 =	sadd.s32 $0x8F2B, s0  }
0xbd: {  	[sflag:s0] =	ssyncadd.remote.s32 $0x1  }
0xbe: {  	_ =	sfence.sel $0xFFFF  }
0xbf: {  	[dreg:$0x0] =	wrdreg $0xFFFFFFFF;
	(pc) =	sbr.abs _section_cstart, $3  }
0xc0: {  	[dreg:$0x1] =	wrdreg $0xFFFFFFFF  }
0xc1: {  	_ =	task.clear_ibuf [dreg:s6], $0x2FFFF;
	_ =	strace $0x9FFFFFFF  }
0xc2: {  	(tm) =	ssettm $0x7FFFFFFF  }
0xc3: {  	_ =	shalt  }
tec
execute0_lowered:
.L_overlay_start_1:
0x0: {  	(tag) =	ssettag $0x1  }
0x1: {  	s0 =	rddreg [dreg:$0x0]  }
0x2: {  	s1 =	rddreg [dreg:$0x1]  }
0x3: {  	s2 =	simm.s32 $0x0;
	s3 =	srdreg.scid;
	s15 =	simm.s32 $0x5  }
0x4: {  	s21 =	simm.s32 $0x80;
	s22 =	simm.s32 $0x3000;
	[smem:$0x7FF] =	sst s2  }
0x5: {  	s2 =	stileid.u32;
	s4 =	sadd.s32 $0x2CE000, s0;
	s3 =	sand.u32 $0x1, s3  }
0x6: {  	s5 =	sadd.s32 $0x2C00, s0;
	s6 =	sadd.s32 $0xCC00, s0;
	s0 =	sadd.s32 $0x53F000, s0  }
0x7: {  	_ =	strace $0x8000004A;
	[dreg:$0x3] =	wrdreg s4;
	s23 =	smul.u32 $0x1400, s2  }
0x8: {  	[dreg:$0x4] =	wrdreg s6;
	s24 =	ssub.s32 $0x2, s3;
	s9 =	smul.u32 $0x50000, s2  }
0x9: {  	[dreg:$0x5] =	wrdreg s0;
	s3 =	sshll.u32 s3, $0x3;
	s30 =	smul.u32 $0x14000, s2  }
0xa: {  	s31 =	sshll.u32 s2, $0x6;
	s8 =	sshrl.u32 s24, $0x1;
	[dreg:$0x8] =	wrdreg s3  }
0xb: {  	s17 =	sor.u32 $0x1C05, s31;
	s4 =	sshrl.u32 s23, $0x3;
	s25 =	ssub.s32 s24, s8  }
0xc: {  	s28 =	sshrl.u32 s9, $0x2;
	[dreg:$0xb] =	wrdreg s30;
	s4 =	sadd.s32 s5, s4  }
0xd: {  	s23 =	simm.s32 $0x7000;
	s0 =	smax.u32 s25, $0x1;
	[dreg:$0x6] =	wrdreg s4  }
0xe: {  	s24 =	simm.s32 $0x1;
	s26 =	sadd.s32 $0x2800, s4;
	[dreg:$0xc] =	wrdreg s0  }
0xf: {  	s3 =	sadd.s32 s28, s1;
	s29 =	sadd.s32 $0x5000, s4;
	[dreg:$0x7] =	wrdreg s26  }
0x10: {  	s25 =	simm.s32 $0x2;
	s4 =	sadd.s32 $0x5080, s4;
	[dreg:$0x9] =	wrdreg s29  }
0x11: {  	s18 =	sshrl.u32 s3, $0x3;
	s3 =	simm.s32 $0x0;
	[dreg:$0xa] =	wrdreg s4  }
.LBB2_1:
0x12: {  	[dreg:$0xd] =	wrdreg s3  }
0x13: {  	s0 =	simm.s32 $0x0;
	s30 =	rddreg [dreg:$0x6]  }
0x14: {  	[tilespmem:s0], [sflag:$0x5] =	stream.linear.gather [hbm4b:s30+s0], $0x1400, $0x38;
	[tilespmem:$0x1F000] =	vst v63  }
0x15: {  	_ =	swait.ge [sflag:s15], $0x1400  }
0x16: {  	[sflag:s15] =	ssyncset.done $0x0  }
0x17: {  	s4 =	simm.s32 $0x1400;
	s31 =	rddreg [dreg:$0x7];
	[sflag:s15] =	ssyncadd.s32 $0xFFFFEC00  }
0x18: {  	[tilespmem:s4], [sflag:$0x5] =	stream.linear.gather [hbm4b:s31+s0], $0x1400, $0x38;
	[tilespmem:$0x1F000] =	vst v63  }
0x19: {  	_ =	swait.ge [sflag:s15], $0x1400  }
0x1a: {  	[sflag:s15] =	ssyncset.done $0x0  }
0x1b: {  	s28 =	simm.s32 $0x0;
	[sflag:s15] =	ssyncadd.s32 $0xFFFFEC00  }
.LBB2_2:
0x1c: {  	s0 =	rddreg [dreg:$0x4]  }
0x1d: {  	[spmem:s18], [sflag:s17] =	dma.local [hbm:s0], $0x2800  }
0x1e: {  	_ =	swait.ge [sflag:s15], $0x2800  }
0x1f: {  	[sflag:s15] =	ssyncset.done $0x0  }
0x20: {  	s3 =	simm.s32 $0x0;
	[sflag:s15] =	ssyncadd.s32 $0xFFFFD800  }
0x21: {  	s16 =	simm.s32 $0x0;
	s6 =	rddreg [dreg:$0x8];
	[bflag:$0x0] =	sbarrier.arrive $0xFFFF  }
0x22: {  	s4 =	simm.s32 $0x2800;
	s11 =	sand.u32 $0x1, s16;
	s7 =	rddreg [dreg:$0x9]  }
0x23: {  	p0 =	seq.s32 s11, $0x1;
	s29 =	sadd.s32 s6, s28;
	s9 =	rddreg [dreg:$0xa]  }
0x24: {  	[tilespmem:s4], [sflag:$0x3] =	stream.linear.gather [hbm4b:s7+s3], $0x400, $0x38;
	[tilespmem:$0x1F000] =	vst v63  }
0x25: {  	s6 =	simm.s32 $0x2C00;
	s8 =	smul.u32 $0x27100, s29;
	s10 =	rddreg [dreg:$0x3]  }
0x26: {  	[tilespmem:s6], [sflag:$0x4] =	stream.linear.gather [hbm4b:s9+s3], $0x400, $0x38;
	[tilespmem:$0x1F000] =	vst v63  }
0x27: {  	s30 =	sadd.s32 s10, s8;
	s4 =	simm.s32 @!p0 $0x3  }
0x28: {  	[tilespmem:s22], [sflag:$0x1] =	stream.indirect.gather [hbm4b:s30+s21], $0x80, s3, s21, $0xb8;
	[tilespmem:$0x1F000] =	vst v63  }
0x29: {  	_ =	swait.ge @!p0 [sflag:s4], $0x400  }
0x2a: {  	p1 =	seq.s32 s11, $0x0;
	[sflag:s4] =	ssyncset.done @!p0 $0x0  }
0x2b: {  	s6 =	simm.s32 @!p1 $0x4;
	[sflag:s4] =	ssyncadd.s32 @!p0 $0xFFFFFC00  }
0x2c: {  	_ =	swait.ge @!p1 [sflag:s6], $0x400  }
0x2d: {  	[sflag:s6] =	ssyncset.done @!p1 $0x0  }
0x2e: {  	s12 =	simm.s32 $0x80;
	[sflag:s6] =	ssyncadd.s32 @!p1 $0xFFFFFC00  }
0x2f: {  	[tilespmem:s23], [sflag:$0x2] =	stream.indirect.gather [hbm4b:s30+s21], $0x80, s12, s21, $0xb8;
	[tilespmem:$0x1F000] =	vst v63  }
0x30: {  	_ =	swait.ge [sflag:s24], $0x4000  }
0x31: {  	s9 =	sshll.u32 s11, $0xA;
	[sflag:s24] =	ssyncset.done $0x0  }
0x32: {  	s0 =	sor.u32 $0x2800, s9;
	[sflag:s24] =	ssyncadd.s32 $0xFFFFC000  }
0x33: {  	[spmem:s1] =	stream.indirect.scatter.add.f32 [tilespmem:s22], [sflag:$0x5], $0x80, s0, s21, $0xb8;
	[tilespmem:$0x1F000] =	vst v63  }
0x34: {  	_ =	swait.ge [sflag:s15], $0x4000  }
0x35: {  	[sflag:s15] =	ssyncset.done $0x0  }
0x36: {  	s13 =	simm.s32 $0x100;
	[sflag:s15] =	ssyncadd.s32 $0xFFFFC000  }
0x37: {  	[tilespmem:s22], [sflag:$0x1] =	stream.indirect.gather [hbm4b:s30+s21], $0x80, s13, s21, $0xb8;
	[tilespmem:$0x1F000] =	vst v63  }
0x38: {  	_ =	swait.ge [sflag:s25], $0x4000  }
0x39: {  	[sflag:s25] =	ssyncset.done $0x0  }
0x3a: {  	s14 =	sor.u32 $0x2880, s9;
	[sflag:s25] =	ssyncadd.s32 $0xFFFFC000  }
0x3b: {  	[spmem:s1] =	stream.indirect.scatter.add.f32 [tilespmem:s23], [sflag:$0x5], $0x80, s14, s21, $0xb8;
	[tilespmem:$0x1F000] =	vst v63  }
0x3c: {  	_ =	swait.ge [sflag:s15], $0x4000  }
0x3d: {  	s19 =	simm.s32 $0x180;
	s31 =	simm.s32 $0x1000;
	[sflag:s15] =	ssyncset.done $0x0  }
0x3e: {  	s26 =	simm.s32 $0x0;
	s8 =	simm.s32 $0x2000;
	[sflag:s15] =	ssyncadd.s32 $0xFFFFC000  }
0x3f: {  	[tilespmem:s23], [sflag:$0x2] =	stream.indirect.gather [hbm4b:s30+s21], $0x80, s19, s21, $0xb8;
	[tilespmem:$0x1F000] =	vst v63  }
0x40: {  	s20 =	sor.u32 $0x2900, s9;
	s6 =	sand.u32 $0x9, s16;
	_ =	swait.ge [sflag:s24], $0x4000  }
0x41: {  	s4 =	simm.s32 $0x200;
	p0 =	seq.s32 s6, $0x1;
	[sflag:s24] =	ssyncset.done $0x0  }
0x42: {  	p1 =	por @p0 $0x0, $0x0;
	p3 =	sne.s32 @!p0 s6, $0x0;
	[sflag:s24] =	ssyncadd.s32 $0xFFFFC000  }
0x43: {  	[spmem:s1] =	stream.indirect.scatter.add.f32 [tilespmem:s22], [sflag:$0x5], $0x80, s20, s21, $0xb8;
	[tilespmem:$0x1F000] =	vst v63  }
0x44: {  	s6 =	sor.u32 $0x2980, s9;
	p4 =	por !p1, !p0;
	_ =	swait.ge [sflag:s15], $0x4000  }
0x45: {  	p1 =	por p3, p0;
	s0 =	simm.s32 $0x2;
	[sflag:s15] =	ssyncset.done $0x0  }
0x46: {  	s14 =	simm.s32 $0x2;
	s20 =	simm.s32 @p0 $0x10;
	[sflag:s15] =	ssyncadd.s32 $0xFFFFC000  }
.LBB2_3:
0x47: {  	[tilespmem:s22], [sflag:$0x1] =	stream.indirect.gather [hbm4b:s30+s21], $0x80, s4, s21, $0xb8;
	[tilespmem:$0x1F000] =	vst v63  }
0x48: {  	s20 =	simm.s32 @p4 $0x0;
	s19 =	smov.u32 s8;
	_ =	swait.ge [sflag:s25], $0x4000  }
0x49: {  	s8 =	sadd.s32 $0x1000, s8;
	s4 =	simm.s32 @p0 $0x3FFFFB;
	[sflag:s25] =	ssyncset.done $0x0  }
0x4a: {  	p2 =	sne.s32 s8, $0xA000;
	s4 =	simm.s32 @p4 $0x0;
	[sflag:s25] =	ssyncadd.s32 $0xFFFFC000  }
0x4b: {  	[spmem:s1] =	stream.indirect.scatter.add.f32 [tilespmem:s23], [sflag:$0x5], $0x80, s6, s21, $0xb8;
	[tilespmem:$0x1F000] =	vst v63  }
0x4c: {  	s6 =	sadd.s32 @p0 s0, s4;
	_ =	swait.ge [sflag:s15], $0x4000  }
0x4d: {  	s0 =	sadd.s32 $0x1, s0;
	[sflag:s15] =	ssyncset.done $0x0  }
0x4e: {  	s7 =	sor.u32 $0x2A00, s9;
	s4 =	sadd.s32 $0x280, s26;
	[sflag:s15] =	ssyncadd.s32 $0xFFFFC000  }
0x4f: {  	[tilespmem:s23], [sflag:$0x2] =	stream.indirect.gather [hbm4b:s30+s21], $0x80, s4, s21, $0xb8;
	[tilespmem:$0x1F000] =	vst v63  }
0x50: {  	_ =	swait.ge [sflag:s24], $0x4000  }
0x51: {  	[sflag:s24] =	ssyncset.done $0x0  }
0x52: {  	[sflag:s24] =	ssyncadd.s32 $0xFFFFC000  }
0x53: {  	[spmem:s1] =	stream.indirect.scatter.add.f32 [tilespmem:s22], [sflag:$0x5], $0x80, s7, s21, $0xb8;
	[tilespmem:$0x1F000] =	vst v63  }
0x54: {  	_ =	swait.ge [sflag:s15], $0x4000  }
0x55: {  	[sflag:s15] =	ssyncset.done $0x0  }
0x56: {  	s4 =	sadd.s32 $0x2B80, s9;
	s7 =	sadd.s32 $0x300, s26;
	[sflag:s15] =	ssyncadd.s32 $0xFFFFC000  }
0x57: {  	[tilespmem:s22], [sflag:$0x1] =	stream.indirect.gather [hbm4b:s30+s21], $0x80, s7, s21, $0xb8;
	[tilespmem:$0x1F000] =	vst v63  }
0x58: {  	s10 =	simm.s32 @!p1 $0x3FFFFB;
	s7 =	sor.u32 $0x2B00, s9;
	_ =	swait.ge [sflag:s25], $0x4000  }
0x59: {  	s20 =	sor.u32 @p0 s2, s20;
	s9 =	sor.u32 $0x2A80, s9;
	[sflag:s25] =	ssyncset.done $0x0  }
0x5a: {  	s11 =	smul.u32 @p0 $0x1400, s20;
	s6 =	sshll.u32 @p0 s6, $0xA;
	[sflag:s25] =	ssyncadd.s32 $0xFFFFC000  }
0x5b: {  	[spmem:s1] =	stream.indirect.scatter.add.f32 [tilespmem:s23], [sflag:$0x5], $0x80, s9, s21, $0xb8;
	[tilespmem:$0x1F000] =	vst v63  }
0x5c: {  	s20 =	sadd.s32 $0xFFFFFFFE, s0;
	s6 =	sadd.s32 @p0 s11, s6;
	_ =	swait.ge [sflag:s15], $0x4000  }
0x5d: {  	p4 =	seq.s32 s3, $0x9000;
	s9 =	sadd.s32 $0x380, s26;
	[sflag:s15] =	ssyncset.done $0x0  }
0x5e: {  	s11 =	simm.s32 @!p4 $0x80;
	s6 =	sadd.s32 @p0 $0x28000, s6;
	[sflag:s15] =	ssyncadd.s32 $0xFFFFC000  }
0x5f: {  	s3 =	sshra.s32 @!p4 s3, $0x2;
	s12 =	simm.s32 @!p4 $0x3000;
	s6 =	sshrl.u32 @p0 s6, $0x3  }
0x60: {  	[tilespmem:s23], [sflag:$0x2] =	stream.indirect.gather [hbm4b:s30+s21], $0x80, s9, s21, $0xb8;
	[tilespmem:$0x1F000] =	vst v63  }
0x61: {  	s6 =	sadd.s32 @p0 s5, s6;
	s26 =	sand.u32 $0x1, s20;
	_ =	swait.ge [sflag:s24], $0x4000  }
0x62: {  	s13 =	simm.s32 @p0 $0x2C00;
	p5 =	sgt.u32 @!p1 s16, $0x3;
	[sflag:s24] =	ssyncset.done $0x0  }
0x63: {  	p3 =	por @!p0 !p5, p3;
	s3 =	sadd.s32 @!p4 $0x400, s3;
	[sflag:s24] =	ssyncadd.s32 $0xFFFFC000  }
0x64: {  	[spmem:s1] =	stream.indirect.scatter.add.f32 [tilespmem:s22], [sflag:$0x5], $0x80, s7, s21, $0xb8;
	[tilespmem:$0x1F000] =	vst v63  }
0x65: {  	p3 =	por !p3, p0;
	s7 =	simm.s32 @!p1 $0x10;
	_ =	swait.ge [sflag:s15], $0x4000  }
0x66: {  	s10 =	simm.s32 @!p3 $0x0;
	s7 =	simm.s32 @!p3 $0x0;
	[sflag:s15] =	ssyncset.done $0x0  }
0x67: {  	s9 =	sadd.s32 @!p1 s14, s10;
	s7 =	sor.u32 @!p1 s2, s7;
	[sflag:s15] =	ssyncadd.s32 $0xFFFFC000  }
0x68: {  	[tilespmem:s12], [sflag:$0x1] =	stream.indirect.gather @!p4 [hbm4b:s30+s11], $0x80, s3, s11, $0xb8;
	[tilespmem:$0x1F000] =	vst v63  }
0x69: {  	s3 =	smul.u32 @!p1 $0x1400, s7;
	s7 =	sshll.u32 @!p1 s9, $0xA;
	_ =	swait.ge [sflag:s25], $0x4000  }
0x6a: {  	s10 =	simm.s32 @p0 $0x0;
	s9 =	sshll.u32 s26, $0xA;
	[sflag:s25] =	ssyncset.done $0x0  }
0x6b: {  	p3 =	seq.s32 s26, $0x1;
	s3 =	sadd.s32 @!p1 s3, s7;
	[sflag:s25] =	ssyncadd.s32 $0xFFFFC000  }
0x6c: {  	[spmem:s1] =	stream.indirect.scatter.add.f32 [tilespmem:s23], [sflag:$0x5], $0x80, s4, s21, $0xb8;
	[tilespmem:$0x1F000] =	vst v63  }
0x6d: {  	s3 =	sadd.s32 @!p1 $0x28000, s3;
	s4 =	simm.s32 @!p3 $0x3;
	_ =	swait.ge [sflag:s15], $0x4000  }
0x6e: {  	s7 =	simm.s32 @!p1 $0x2800;
	s3 =	sshrl.u32 @!p1 s3, $0x3;
	[sflag:s15] =	ssyncset.done $0x0  }
0x6f: {  	s11 =	sadd.s32 @!p1 s5, s3;
	s3 =	smov.u32 s31;
	[sflag:s15] =	ssyncadd.s32 $0xFFFFC000  }
0x70: {  	[tilespmem:s13], [sflag:$0x4] =	stream.linear.gather @p0 [hbm4b:s6+s10], $0x400, $0x38;
	[tilespmem:$0x1F000] =	vst v63  }
0x71: {  	s14 =	smov.u32 s0;
	s31 =	smov.u32 s19;
	s6 =	simm.s32 @!p1 $0x0  }
0x72: {  	[tilespmem:s7], [sflag:$0x3] =	stream.linear.gather @!p1 [hbm4b:s11+s6], $0x400, $0x38;
	[tilespmem:$0x1F000] =	vst v63  }
0x73: {  	s16 =	smov.u32 s20;
	p0 =	seq.s32 s26, $0x0;
	_ =	swait.ge @!p3 [sflag:s4], $0x400  }
0x74: {  	s6 =	simm.s32 @!p0 $0x4;
	[sflag:s4] =	ssyncset.done @!p3 $0x0  }
0x75: {  	s26 =	sshra.s32 s3, $0x2;
	[sflag:s4] =	ssyncadd.s32 @!p3 $0xFFFFFC00  }
0x76: {  	s4 =	sadd.s32 $0x100, s26;
	_ =	swait.ge @!p0 [sflag:s6], $0x400  }
0x77: {  	[sflag:s6] =	ssyncset.done @!p0 $0x0  }
0x78: {  	s7 =	sor.u32 $0x2800, s9;
	[sflag:s6] =	ssyncadd.s32 @!p0 $0xFFFFFC00;
	s6 =	sadd.s32 $0x80, s26  }
0x79: {  	[tilespmem:s23], [sflag:$0x2] =	stream.indirect.gather [hbm4b:s30+s21], $0x80, s6, s21, $0xb8;
	[tilespmem:$0x1F000] =	vst v63  }
0x7a: {  	_ =	swait.ge [sflag:s24], $0x4000  }
0x7b: {  	[sflag:s24] =	ssyncset.done $0x0  }
0x7c: {  	[sflag:s24] =	ssyncadd.s32 $0xFFFFC000  }
0x7d: {  	[spmem:s1] =	stream.indirect.scatter.add.f32 [tilespmem:s22], [sflag:$0x5], $0x80, s7, s21, $0xb8;
	[tilespmem:$0x1F000] =	vst v63  }
0x7e: {  	s6 =	sadd.s32 $0x180, s26;
	_ =	swait.ge [sflag:s15], $0x4000  }
0x7f: {  	[sflag:s15] =	ssyncset.done $0x0  }
0x80: {  	s7 =	sor.u32 $0x2880, s9;
	[sflag:s15] =	ssyncadd.s32 $0xFFFFC000  }
0x81: {  	[tilespmem:s22], [sflag:$0x1] =	stream.indirect.gather [hbm4b:s30+s21], $0x80, s4, s21, $0xb8;
	[tilespmem:$0x1F000] =	vst v63  }
0x82: {  	_ =	swait.ge [sflag:s25], $0x4000  }
0x83: {  	[sflag:s25] =	ssyncset.done $0x0  }
0x84: {  	[sflag:s25] =	ssyncadd.s32 $0xFFFFC000  }
0x85: {  	[spmem:s1] =	stream.indirect.scatter.add.f32 [tilespmem:s23], [sflag:$0x5], $0x80, s7, s21, $0xb8;
	[tilespmem:$0x1F000] =	vst v63  }
0x86: {  	s4 =	sadd.s32 $0x200, s26;
	_ =	swait.ge [sflag:s15], $0x4000  }
0x87: {  	[sflag:s15] =	ssyncset.done $0x0  }
0x88: {  	s7 =	sor.u32 $0x2900, s9;
	[sflag:s15] =	ssyncadd.s32 $0xFFFFC000  }
0x89: {  	[tilespmem:s23], [sflag:$0x2] =	stream.indirect.gather [hbm4b:s30+s21], $0x80, s6, s21, $0xb8;
	[tilespmem:$0x1F000] =	vst v63  }
0x8a: {  	_ =	swait.ge [sflag:s24], $0x4000  }
0x8b: {  	s6 =	sand.u32 $0x9, s16;
	[sflag:s24] =	ssyncset.done $0x0  }
.Ltmp0:
0x8c: {  	p0 =	seq.s32 s6, $0x1;
	[sflag:s24] =	ssyncadd.s32 $0xFFFFC000;
	(pc) =	sbr.rel @p2 .LBB2_3-.Ltmp0, $4  }
0x8d: {  	[spmem:s1] =	stream.indirect.scatter.add.f32 [tilespmem:s22], [sflag:$0x5], $0x80, s7, s21, $0xb8;
	[tilespmem:$0x1F000] =	vst v63  }
0x8e: {  	p1 =	sgt.u32 @p0 s16, $0x2;
	p3 =	sne.s32 @!p0 s6, $0x0;
	_ =	swait.ge [sflag:s15], $0x4000  }
0x8f: {  	s20 =	simm.s32 @p0 $0x10;
	p4 =	por !p1, !p0;
	[sflag:s15] =	ssyncset.done $0x0  }
0x90: {  	s6 =	sor.u32 $0x2980, s9;
	p1 =	por p3, p0;
	[sflag:s15] =	ssyncadd.s32 $0xFFFFC000  }
0x91: {  	[tilespmem:s22], [sflag:$0x1] =	stream.indirect.gather [hbm4b:s30+s21], $0x80, s4, s21, $0xb8;
	[tilespmem:$0x1F000] =	vst v63  }
0x92: {  	_ =	swait.ge [sflag:s25], $0x4000  }
0x93: {  	[sflag:s25] =	ssyncset.done $0x0  }
0x94: {  	[sflag:s25] =	ssyncadd.s32 $0xFFFFC000  }
0x95: {  	[spmem:s1] =	stream.indirect.scatter.add.f32 [tilespmem:s23], [sflag:$0x5], $0x80, s6, s21, $0xb8;
	[tilespmem:$0x1F000] =	vst v63  }
0x96: {  	_ =	swait.ge [sflag:s15], $0x4000  }
0x97: {  	[sflag:s15] =	ssyncset.done $0x0  }
0x98: {  	s7 =	sadd.s32 $0x280, s26;
	[sflag:s15] =	ssyncadd.s32 $0xFFFFC000  }
0x99: {  	[tilespmem:s23], [sflag:$0x2] =	stream.indirect.gather [hbm4b:s30+s21], $0x80, s7, s21, $0xb8;
	[tilespmem:$0x1F000] =	vst v63  }
0x9a: {  	_ =	swait.ge [sflag:s24], $0x4000  }
0x9b: {  	[sflag:s24] =	ssyncset.done $0x0  }
0x9c: {  	s8 =	sor.u32 $0x2A00, s9;
	[sflag:s24] =	ssyncadd.s32 $0xFFFFC000  }
0x9d: {  	[spmem:s1] =	stream.indirect.scatter.add.f32 [tilespmem:s22], [sflag:$0x5], $0x80, s8, s21, $0xb8;
	[tilespmem:$0x1F000] =	vst v63  }
0x9e: {  	_ =	swait.ge [sflag:s15], $0x4000  }
0x9f: {  	[sflag:s15] =	ssyncset.done $0x0  }
0xa0: {  	s10 =	sadd.s32 $0x300, s26;
	[sflag:s15] =	ssyncadd.s32 $0xFFFFC000  }
0xa1: {  	[tilespmem:s22], [sflag:$0x1] =	stream.indirect.gather [hbm4b:s30+s21], $0x80, s10, s21, $0xb8;
	[tilespmem:$0x1F000] =	vst v63  }
0xa2: {  	_ =	swait.ge [sflag:s25], $0x4000  }
0xa3: {  	[sflag:s25] =	ssyncset.done $0x0  }
0xa4: {  	s11 =	sor.u32 $0x2A80, s9;
	[sflag:s25] =	ssyncadd.s32 $0xFFFFC000  }
0xa5: {  	[spmem:s1] =	stream.indirect.scatter.add.f32 [tilespmem:s23], [sflag:$0x5], $0x80, s11, s21, $0xb8;
	[tilespmem:$0x1F000] =	vst v63  }
0xa6: {  	_ =	swait.ge [sflag:s15], $0x4000  }
0xa7: {  	[sflag:s15] =	ssyncset.done $0x0  }
0xa8: {  	s12 =	sadd.s32 $0x380, s26;
	[sflag:s15] =	ssyncadd.s32 $0xFFFFC000  }
0xa9: {  	[tilespmem:s23], [sflag:$0x2] =	stream.indirect.gather [hbm4b:s30+s21], $0x80, s12, s21, $0xb8;
	[tilespmem:$0x1F000] =	vst v63  }
0xaa: {  	_ =	swait.ge [sflag:s24], $0x4000  }
0xab: {  	[sflag:s24] =	ssyncset.done $0x0  }
0xac: {  	s13 =	sor.u32 $0x2B00, s9;
	[sflag:s24] =	ssyncadd.s32 $0xFFFFC000  }
0xad: {  	[spmem:s1] =	stream.indirect.scatter.add.f32 [tilespmem:s22], [sflag:$0x5], $0x80, s13, s21, $0xb8;
	[tilespmem:$0x1F000] =	vst v63  }
0xae: {  	p2 =	seq.s32 s3, $0x9000;
	s20 =	simm.s32 @p4 $0x0;
	_ =	swait.ge [sflag:s15], $0x4000  }
0xaf: {  	s4 =	simm.s32 @!p2 $0x80;
	s3 =	sshra.s32 @!p2 s3, $0x2;
	[sflag:s15] =	ssyncset.done $0x0  }
0xb0: {  	s3 =	sadd.s32 @!p2 $0x400, s3;
	s6 =	simm.s32 @!p2 $0x3000;
	[sflag:s15] =	ssyncadd.s32 $0xFFFFC000  }
0xb1: {  	[tilespmem:s6], [sflag:$0x1] =	stream.indirect.gather @!p2 [hbm4b:s30+s4], $0x80, s3, s4, $0xb8;
	[tilespmem:$0x1F000] =	vst v63  }
0xb2: {  	s7 =	sadd.s32 $0x2B80, s9;
	s3 =	simm.s32 @p0 $0x3FFFFB;
	s4 =	sor.u32 @p0 s2, s20  }
0xb3: {  	p2 =	sgt.u32 @!p1 s16, $0x3;
	s6 =	simm.s32 @!p1 $0x3FFFFB;
	s3 =	simm.s32 @p4 $0x0  }
0xb4: {  	s4 =	smul.u32 @p0 $0x1400, s4;
	p2 =	por @!p0 !p2, p3;
	_ =	swait.ge [sflag:s25], $0x4000  }
0xb5: {  	s3 =	sadd.s32 @p0 s0, s3;
	p2 =	por !p2, p0;
	[sflag:s25] =	ssyncset.done $0x0  }
0xb6: {  	s3 =	sshll.u32 @p0 s3, $0xA;
	s6 =	simm.s32 @!p2 $0x0;
	[sflag:s25] =	ssyncadd.s32 $0xFFFFC000  }
0xb7: {  	s3 =	sadd.s32 @p0 s4, s3;
	s4 =	sadd.s32 @!p1 s14, s6;
	s6 =	simm.s32 @!p1 $0x10  }
0xb8: {  	[spmem:s1] =	stream.indirect.scatter.add.f32 [tilespmem:s23], [sflag:$0x5], $0x80, s7, s21, $0xb8;
	[tilespmem:$0x1F000] =	vst v63  }
0xb9: {  	s0 =	sadd.s32 $0x1, s0;
	s6 =	simm.s32 @!p2 $0x0  }
0xba: {  	s7 =	simm.s32 @p0 $0x2C00;
	s3 =	sadd.s32 @p0 $0x28000, s3;
	s6 =	sor.u32 @!p1 s2, s6  }
0xbb: {  	_ =	swait.ge [sflag:s15], $0x4000;
	s3 =	sshrl.u32 @p0 s3, $0x3;
	s6 =	smul.u32 @!p1 $0x1400, s6  }
0xbc: {  	s4 =	sshll.u32 @!p1 s4, $0xA;
	[sflag:s15] =	ssyncset.done $0x0;
	s3 =	sadd.s32 @p0 s5, s3  }
0xbd: {  	[sflag:s15] =	ssyncadd.s32 $0xFFFFC000;
	s4 =	sadd.s32 @!p1 s6, s4;
	s6 =	simm.s32 @p0 $0x0  }
0xbe: {  	[tilespmem:s7], [sflag:$0x4] =	stream.linear.gather @p0 [hbm4b:s3+s6], $0x400, $0x38;
	[tilespmem:$0x1F000] =	vst v63  }
0xbf: {  	s4 =	sadd.s32 @!p1 $0x28000, s4;
	s3 =	sadd.s32 $0xFFFFFFFE, s0  }
0xc0: {  	s6 =	simm.s32 @!p1 $0x2800;
	s4 =	sshrl.u32 @!p1 s4, $0x3;
	s19 =	sand.u32 $0x1, s3  }
0xc1: {  	s7 =	simm.s32 @!p1 $0x0;
	s4 =	sadd.s32 @!p1 s5, s4;
	p0 =	seq.s32 s19, $0x1  }
0xc2: {  	[tilespmem:s6], [sflag:$0x3] =	stream.linear.gather @!p1 [hbm4b:s4+s7], $0x400, $0x38;
	[tilespmem:$0x1F000] =	vst v63  }
0xc3: {  	s4 =	simm.s32 @!p0 $0x3  }
0xc4: {  	_ =	swait.ge @!p0 [sflag:s4], $0x400  }
0xc5: {  	p1 =	seq.s32 s19, $0x0;
	[sflag:s4] =	ssyncset.done @!p0 $0x0  }
0xc6: {  	s7 =	simm.s32 @!p1 $0x4;
	[sflag:s4] =	ssyncadd.s32 @!p0 $0xFFFFFC00  }
0xc7: {  	_ =	swait.ge @!p1 [sflag:s7], $0x400  }
0xc8: {  	s4 =	sshra.s32 s31, $0x2;
	[sflag:s7] =	ssyncset.done @!p1 $0x0  }
0xc9: {  	s20 =	sadd.s32 $0x80, s4;
	[sflag:s7] =	ssyncadd.s32 @!p1 $0xFFFFFC00  }
0xca: {  	[tilespmem:s23], [sflag:$0x2] =	stream.indirect.gather [hbm4b:s30+s21], $0x80, s20, s21, $0xb8;
	[tilespmem:$0x1F000] =	vst v63  }
0xcb: {  	_ =	swait.ge [sflag:s24], $0x4000  }
0xcc: {  	s8 =	sshll.u32 s19, $0xA;
	[sflag:s24] =	ssyncset.done $0x0  }
0xcd: {  	s6 =	sor.u32 $0x2800, s8;
	[sflag:s24] =	ssyncadd.s32 $0xFFFFC000  }
0xce: {  	[spmem:s1] =	stream.indirect.scatter.add.f32 [tilespmem:s22], [sflag:$0x5], $0x80, s6, s21, $0xb8;
	[tilespmem:$0x1F000] =	vst v63  }
0xcf: {  	_ =	swait.ge [sflag:s15], $0x4000  }
0xd0: {  	[sflag:s15] =	ssyncset.done $0x0  }
0xd1: {  	s26 =	sadd.s32 $0x100, s4;
	[sflag:s15] =	ssyncadd.s32 $0xFFFFC000  }
0xd2: {  	[tilespmem:s22], [sflag:$0x1] =	stream.indirect.gather [hbm4b:s30+s21], $0x80, s26, s21, $0xb8;
	[tilespmem:$0x1F000] =	vst v63  }
0xd3: {  	_ =	swait.ge [sflag:s25], $0x4000  }
0xd4: {  	[sflag:s25] =	ssyncset.done $0x0  }
0xd5: {  	s7 =	sor.u32 $0x2880, s8;
	[sflag:s25] =	ssyncadd.s32 $0xFFFFC000  }
0xd6: {  	[spmem:s1] =	stream.indirect.scatter.add.f32 [tilespmem:s23], [sflag:$0x5], $0x80, s7, s21, $0xb8;
	[tilespmem:$0x1F000] =	vst v63  }
0xd7: {  	_ =	swait.ge [sflag:s15], $0x4000  }
0xd8: {  	[sflag:s15] =	ssyncset.done $0x0  }
0xd9: {  	s9 =	sadd.s32 $0x180, s4;
	[sflag:s15] =	ssyncadd.s32 $0xFFFFC000  }
0xda: {  	[tilespmem:s23], [sflag:$0x2] =	stream.indirect.gather [hbm4b:s30+s21], $0x80, s9, s21, $0xb8;
	[tilespmem:$0x1F000] =	vst v63  }
0xdb: {  	_ =	swait.ge [sflag:s24], $0x4000  }
0xdc: {  	[sflag:s24] =	ssyncset.done $0x0  }
0xdd: {  	s10 =	sor.u32 $0x2900, s8;
	[sflag:s24] =	ssyncadd.s32 $0xFFFFC000  }
0xde: {  	[spmem:s1] =	stream.indirect.scatter.add.f32 [tilespmem:s22], [sflag:$0x5], $0x80, s10, s21, $0xb8;
	[tilespmem:$0x1F000] =	vst v63  }
0xdf: {  	_ =	swait.ge [sflag:s15], $0x4000  }
0xe0: {  	[sflag:s15] =	ssyncset.done $0x0  }
0xe1: {  	s11 =	sadd.s32 $0x200, s4;
	[sflag:s15] =	ssyncadd.s32 $0xFFFFC000  }
0xe2: {  	[tilespmem:s22], [sflag:$0x1] =	stream.indirect.gather [hbm4b:s30+s21], $0x80, s11, s21, $0xb8;
	[tilespmem:$0x1F000] =	vst v63  }
0xe3: {  	_ =	swait.ge [sflag:s25], $0x4000  }
0xe4: {  	[sflag:s25] =	ssyncset.done $0x0  }
0xe5: {  	s12 =	sor.u32 $0x2980, s8;
	[sflag:s25] =	ssyncadd.s32 $0xFFFFC000  }
0xe6: {  	[spmem:s1] =	stream.indirect.scatter.add.f32 [tilespmem:s23], [sflag:$0x5], $0x80, s12, s21, $0xb8;
	[tilespmem:$0x1F000] =	vst v63  }
0xe7: {  	_ =	swait.ge [sflag:s15], $0x4000  }
0xe8: {  	[sflag:s15] =	ssyncset.done $0x0  }
0xe9: {  	s13 =	sadd.s32 $0x280, s4;
	[sflag:s15] =	ssyncadd.s32 $0xFFFFC000  }
0xea: {  	[tilespmem:s23], [sflag:$0x2] =	stream.indirect.gather [hbm4b:s30+s21], $0x80, s13, s21, $0xb8;
	[tilespmem:$0x1F000] =	vst v63  }
0xeb: {  	_ =	swait.ge [sflag:s24], $0x4000  }
0xec: {  	[sflag:s24] =	ssyncset.done $0x0  }
0xed: {  	s14 =	sor.u32 $0x2A00, s8;
	[sflag:s24] =	ssyncadd.s32 $0xFFFFC000  }
0xee: {  	[spmem:s1] =	stream.indirect.scatter.add.f32 [tilespmem:s22], [sflag:$0x5], $0x80, s14, s21, $0xb8;
	[tilespmem:$0x1F000] =	vst v63  }
0xef: {  	_ =	swait.ge [sflag:s15], $0x4000  }
0xf0: {  	[sflag:s15] =	ssyncset.done $0x0  }
0xf1: {  	s16 =	sadd.s32 $0x300, s4;
	[sflag:s15] =	ssyncadd.s32 $0xFFFFC000  }
0xf2: {  	[tilespmem:s22], [sflag:$0x1] =	stream.indirect.gather [hbm4b:s30+s21], $0x80, s16, s21, $0xb8;
	[tilespmem:$0x1F000] =	vst v63  }
0xf3: {  	_ =	swait.ge [sflag:s25], $0x4000  }
0xf4: {  	[sflag:s25] =	ssyncset.done $0x0  }
0xf5: {  	s19 =	sor.u32 $0x2A80, s8;
	[sflag:s25] =	ssyncadd.s32 $0xFFFFC000  }
0xf6: {  	[spmem:s1] =	stream.indirect.scatter.add.f32 [tilespmem:s23], [sflag:$0x5], $0x80, s19, s21, $0xb8;
	[tilespmem:$0x1F000] =	vst v63  }
0xf7: {  	_ =	swait.ge [sflag:s15], $0x4000  }
0xf8: {  	[sflag:s15] =	ssyncset.done $0x0  }
0xf9: {  	s4 =	sadd.s32 $0x380, s4;
	[sflag:s15] =	ssyncadd.s32 $0xFFFFC000  }
0xfa: {  	[tilespmem:s23], [sflag:$0x2] =	stream.indirect.gather [hbm4b:s30+s21], $0x80, s4, s21, $0xb8;
	[tilespmem:$0x1F000] =	vst v63  }
0xfb: {  	_ =	swait.ge [sflag:s24], $0x4000  }
0xfc: {  	[sflag:s24] =	ssyncset.done $0x0  }
0xfd: {  	p0 =	seq.s32 s31, $0x9000;
	s20 =	sor.u32 $0x2B00, s8;
	[sflag:s24] =	ssyncadd.s32 $0xFFFFC000  }
0xfe: {  	[spmem:s1] =	stream.indirect.scatter.add.f32 [tilespmem:s22], [sflag:$0x5], $0x80, s20, s21, $0xb8;
	[tilespmem:$0x1F000] =	vst v63  }
0xff: {  	s6 =	sshra.s32 @!p0 s31, $0x2;
	_ =	swait.ge [sflag:s15], $0x4000  }
0x100: {  	s6 =	sadd.s32 @!p0 $0x400, s6;
	[sflag:s15] =	ssyncset.done $0x0  }
0x101: {  	s7 =	simm.s32 @!p0 $0x3000;
	s4 =	simm.s32 @!p0 $0x80;
	[sflag:s15] =	ssyncadd.s32 $0xFFFFC000  }
0x102: {  	[tilespmem:s7], [sflag:$0x1] =	stream.indirect.gather @!p0 [hbm4b:s30+s4], $0x80, s6, s4, $0xb8;
	[tilespmem:$0x1F000] =	vst v63  }
0x103: {  	s4 =	sand.u32 $0x9, s3  }
0x104: {  	p0 =	seq.s32 s4, $0x1  }
0x105: {  	s26 =	sadd.s32 $0x2B80, s8;
	_ =	swait.ge [sflag:s25], $0x4000;
	p1 =	sgt.u32 @p0 s3, $0x2  }
0x106: {  	s6 =	simm.s32 @p0 $0x10;
	[sflag:s25] =	ssyncset.done $0x0;
	p1 =	por !p1, !p0  }
0x107: {  	s7 =	simm.s32 @p0 $0x3FFFFB;
	[sflag:s25] =	ssyncadd.s32 $0xFFFFC000;
	s6 =	simm.s32 @p1 $0x0  }
0x108: {  	[spmem:s1] =	stream.indirect.scatter.add.f32 [tilespmem:s23], [sflag:$0x5], $0x80, s26, s21, $0xb8;
	[tilespmem:$0x1F000] =	vst v63  }
0x109: {  	s7 =	simm.s32 @p1 $0x0;
	s6 =	sor.u32 @p0 s2, s6  }
0x10a: {  	s7 =	sadd.s32 @p0 s0, s7;
	s6 =	smul.u32 @p0 $0x1400, s6  }
0x10b: {  	p2 =	sne.s32 @!p0 s4, $0x0;
	s7 =	sshll.u32 @p0 s7, $0xA  }
0x10c: {  	s8 =	simm.s32 @p0 $0x0;
	p1 =	por p2, p0;
	s6 =	sadd.s32 @p0 s6, s7  }
0x10d: {  	_ =	swait.ge [sflag:s15], $0x4000;
	p3 =	sgt.u32 @!p1 s3, $0x3;
	s6 =	sadd.s32 @p0 $0x28000, s6  }
0x10e: {  	[sflag:s15] =	ssyncset.done $0x0;
	p2 =	por @!p0 !p3, p2;
	s6 =	sshrl.u32 @p0 s6, $0x3  }
0x10f: {  	[sflag:s15] =	ssyncadd.s32 $0xFFFFC000;
	s7 =	simm.s32 @p0 $0x2C00;
	s6 =	sadd.s32 @p0 s5, s6  }
0x110: {  	[tilespmem:s7], [sflag:$0x4] =	stream.linear.gather @p0 [hbm4b:s6+s8], $0x400, $0x38;
	[tilespmem:$0x1F000] =	vst v63  }
0x111: {  	s3 =	simm.s32 @!p1 $0x10;
	p0 =	por !p2, p0  }
0x112: {  	s4 =	simm.s32 @!p1 $0x3FFFFB;
	s3 =	simm.s32 @!p0 $0x0  }
0x113: {  	s4 =	simm.s32 @!p0 $0x0;
	s3 =	sor.u32 @!p1 s2, s3  }
0x114: {  	s0 =	sadd.s32 @!p1 s0, s4;
	s3 =	smul.u32 @!p1 $0x1400, s3  }
0x115: {  	s0 =	sshll.u32 @!p1 s0, $0xA  }
0x116: {  	s0 =	sadd.s32 @!p1 s3, s0  }
0x117: {  	s0 =	sadd.s32 @!p1 $0x28000, s0  }
0x118: {  	s29 =	smul.u32 $0x140000, s29;
	s30 =	rddreg [dreg:$0xb];
	s0 =	sshrl.u32 @!p1 s0, $0x3  }
0x119: {  	s4 =	simm.s32 @!p1 $0x0;
	s3 =	simm.s32 @!p1 $0x2800;
	s0 =	sadd.s32 @!p1 s5, s0  }
0x11a: {  	[tilespmem:s3], [sflag:$0x3] =	stream.linear.gather @!p1 [hbm4b:s0+s4], $0x400, $0x38;
	[tilespmem:$0x1F000] =	vst v63  }
0x11b: {  	s0 =	sadd.s32 s30, s29;
	[bflag:$0x0] =	sbarrier.arrive $0xFFFF  }
0x11c: {  	s28 =	sadd.s32 $0x1, s28;
	s0 =	sshrl.u32 s0, $0x3;
	s31 =	rddreg [dreg:$0x5]  }
0x11d: {  	p0 =	sne.s32 s28, $0x8;
	s0 =	sadd.s32 s31, s0  }
0x11e: {  	[hbm:s0], [sflag:s17] =	dma.local [spmem:s18], $0x2800  }
.Ltmp1:
0x11f: {  	_ =	swait.ge [sflag:s15], $0x2800;
	(pc) =	sbr.rel @p0 .LBB2_2-.Ltmp1, $3  }
0x120: {  	[sflag:s15] =	ssyncset.done $0x0  }
0x121: {  	[sflag:s15] =	ssyncadd.s32 $0xFFFFD800  }
0x122: {  	[bflag:$0x0] =	sbarrier.arrive $0xFFFF;
	_ =	sdelay $0x1  }
0x123: {  	s3 =	rddreg [dreg:$0xd]  }
0x124: {  	s0 =	rddreg [dreg:$0xc];
	s3 =	sadd.s32 $0x1, s3  }
0x125: {  	p0 =	sne.s32 s3, s0  }
.Ltmp2:
0x126: {  	_ = 	snop;
	(pc) =	sbr.rel @p0 .LBB2_1-.Ltmp2, $1  }
0x127: {  	_ =	sdelay $0x3  }
0x128: {  	_ =	sfence.sel $0x180000  }
0x129: {  	[bflag:$0x0] =	sbarrier.arrive $0xFFFF  }
0x12a: {  	_ =	strace $0x9000004A  }
0x12b: {  	[bflag:$0x2] =	sbarrier.arrive $0xFFFF  }
0x12c: {  	p0 =	sne.s32 s2, $0x0;
	s0 =	rddreg [dreg:$0x2]  }
0x12d: {  	s0 =	sadd.s32 @!p0 $0x100000, s0  }
0x12e: {  	[sflag:s0] =	ssyncadd.tile.s32 @!p0 $0x1;
	_ =	shalt  }
.Lfunc_end2:
_tile_overlayer_lowered:
.L_overlay_start_2:
0x12f: {  	(tag) =	ssettag $0x2  }
0x130: {  	s0 =	rddreg [dreg:$0x0];
	s2 =	stileid.u32  }
0x131: {  	s1 =	rddreg [dreg:$0x1];
	p0 =	sne.s32 s2, $0x0  }
0x132: {  	s3 =	rddreg [dreg:$0x2];
	[bflag:$0x3] =	sbarrier.arrive $0xFFFF;
	s2 =	simm.s32 @!p0 $0x1C05  }
0x133: {  	[timem:s3], [sflag:s2] =	dma.local @!p0 [hbm:s0], s1  }
0x134: {  	s0 =	simm.s32 @!p0 $0x5  }
0x135: {  	_ =	swait.ge @!p0 [sflag:s0], s1  }
0x136: {  	s1 =	ssub.s32 @!p0 $0x0, s1;
	[sflag:s0] =	ssyncset.done @!p0 $0x0  }
0x137: {  	[sflag:s0] =	ssyncadd.s32 @!p0 s1  }
0x138: {  	[bflag:$0x3] =	sbarrier.arrive $0xFFFF  }
0x139: {  	_ =	shalt  }

// kernel: kernel.15.cloned.1.call-start
scs
__scs_entry_jumppad:
0x0: {  	(pc) =	sbr.rel $0x88, $3  }
0x1: {  	(tag) =	ssettag $0x0;
	lr =	simm.s32 $0x1  }
0x2: {  	[smem:$0x3F94] =	sst lr;
	_ =	strace $0xD0000000  }
0x3: {  	_ = 	snop  }
0x4: {  	_ = 	snop  }
0x5: {  	_ = 	snop  }
0x6: {  	_ = 	snop  }
0x7: {  	_ = 	snop  }
__scs_overlays_trampoline_lowered:
0x8: {  	[smem:$0x3FA3] =	sst s0  }
0x9: {  	[smem:$0x3FA4] =	sst s1  }
0xa: {  	[smem:$0x3FA5] =	sst s2  }
0xb: {  	[smem:$0x3FA6] =	sst s3  }
0xc: {  	[smem:$0x3FA7] =	sst s4  }
0xd: {  	[smem:$0x3FA8] =	sst s5  }
0xe: {  	[smem:$0x3FA9] =	sst s6  }
0xf: {  	[smem:$0x3FAA] =	sst s7  }
0x10: {  	[smem:$0x3FAB] =	sst s8  }
0x11: {  	[smem:$0x3FAC] =	sst s9;
	s0 =	simm.s32 @!p0 $0x0  }
0x12: {  	s1 =	sld [smem:$0x3F92];
	s0 =	simm.s32 @p0 $0x1  }
0x13: {  	[smem:$0x3FAD] =	sst s0;
	s0 =	simm.s32 @!p1 $0x0  }
0x14: {  	s2 =	sld [smem:$0x3F91];
	s0 =	simm.s32 @p1 $0x1  }
0x15: {  	[smem:$0x3FAE] =	sst s0;
	s0 =	simm.s32 @!p2 $0x0  }
0x16: {  	s3 =	sld [smem:$0x3FDB];
	s0 =	simm.s32 @p2 $0x1  }
0x17: {  	s4 =	simm.s32 $0x1BF5;
	[smem:$0x3FB0] =	sst s0  }
0x18: {  	s0 =	sld [smem:$0x3F93];
	_ =	swait.ge [sflag:s4], $0x0  }
0x19: {  	s7 =	sld [smem:$0x3F94]  }
0x1a: {  	s8 =	sadd.s32 $0xFFFFE003, lr  }
0x1b: {  	s9 =	sadd.s32 $0xFFFFFEF7, lr;
	s5 =	simm.s32 $0xFFFFFFFF;
	p2 =	slt.u32 s8, $0xFFFFF086  }
0x1c: {  	p1 =	slt.u32 s9, $0xF7A;
	s5 =	simm.s32 @!p2 $0x0  }
0x1d: {  	s5 =	simm.s32 @p1 $0x1;
	p0 =	seq.s32 s7, s2  }
0x1e: {  	s7 =	smul.u32 @!p0 $0xF7A, s2;
	p2 =	seq.s32 @!p0 s5, $0x0  }
0x1f: {  	s9 =	smul.u32 $0xF7A, s1;
	s8 =	simm.s32 @!p0 $0x1BF5;
	p2 =	por !p2, p0  }
0x20: {  	[sflag:s8] =	ssyncset.s32 @!p0 $0xFFFFF086;
	s6 =	sadd.s32 @!p0 s3, s7;
	s7 =	simm.s32 @!p0 $0x108  }
0x21: {  	s3 =	sadd.s32 s3, s9;
	s6 =	sadd.s32 @!p0 $0x88, s6;
	s7 =	simm.s32 @p2 $0x1082  }
0x22: {  	[simem:s7], [sflag:s8] =	dma.local @!p0 [hbm:s6], $0xF7A  }
0x23: {  	s9 =	sor.u32 $0xD0000000, s2;
	s6 =	simm.s32 $0x108;
	_ =	swait.ge @!p0 [sflag:s8], $0x0  }
0x24: {  	s3 =	sadd.s32 $0x88, s3;
	s6 =	simm.s32 @!p1 $0x1082;
	[sflag:s4] =	ssyncset.s32 $0xFFFFF086  }
0x25: {  	[simem:s6], [sflag:s4] =	dma.local [hbm:s3], $0xF7A  }
0x26: {  	[smem:$0x3F94] =	sst s1;
	(tag) =	ssettag s2;
	_ =	strace s9  }
0x27: {  	s1 =	sld [smem:$0x3FA4]  }
0x28: {  	s2 =	sld [smem:$0x3FA5]  }
0x29: {  	s4 =	sld [smem:$0x3FA7]  }
0x2a: {  	p0 =	seq.s32 s5, $0x0;
	s5 =	sld [smem:$0x3FA8]  }
0x2b: {  	s6 =	sld [smem:$0x3FA9]  }
0x2c: {  	s7 =	sld [smem:$0x3FAA]  }
0x2d: {  	s3 =	simm.s32 $0x108;
	s8 =	sld [smem:$0x3FAB]  }
0x2e: {  	s3 =	simm.s32 @!p0 $0x1082;
	s9 =	sld [smem:$0x3FAC]  }
0x2f: {  	lr =	sadd.s32 s0, s3;
	s0 =	sld [smem:$0x3FA3]  }
0x30: {  	s3 =	sld [smem:$0x3FA6]  }
0x31: {  	[smem:$0x3FAF] =	sst s10  }
0x32: {  	s10 =	sld [smem:$0x3FAD];
	_ =	sdelay $0x3  }
0x33: {  	p0 =	seq.s32 s10, $0x1;
	s10 =	sld [smem:$0x3FAF];
	_ =	sdelay $0x3  }
0x34: {  	[smem:$0x3FAF] =	sst s10  }
0x35: {  	s10 =	sld [smem:$0x3FAE];
	_ =	sdelay $0x3  }
0x36: {  	p1 =	seq.s32 s10, $0x1;
	s10 =	sld [smem:$0x3FAF];
	_ =	sdelay $0x3  }
0x37: {  	[smem:$0x3FAF] =	sst s10  }
0x38: {  	s10 =	sld [smem:$0x3FB0]  }
0x39: {  	_ = 	snop;
	(pc) =	sbr.ind lr, $3  }
0x3a: {  	_ = 	snop  }
0x3b: {  	_ = 	snop  }
0x3c: {  	p2 =	seq.s32 s10, $0x1;
	s10 =	sld [smem:$0x3FAF]  }
0x3d: {  	_ =	shalt  }
0x3e: {  	_ =	shalt  }
0x3f: {  	_ =	shalt  }
0x40: {  	_ =	shalt  }
0x41: {  	_ =	shalt  }
0x42: {  	_ =	shalt  }
0x43: {  	_ =	shalt  }
0x44: {  	_ =	shalt  }
0x45: {  	_ =	shalt  }
0x46: {  	_ =	shalt  }
0x47: {  	_ =	shalt  }
0x48: {  	_ =	shalt  }
0x49: {  	_ =	shalt  }
0x4a: {  	_ =	shalt  }
0x4b: {  	_ =	shalt  }
0x4c: {  	_ =	shalt  }
0x4d: {  	_ =	shalt  }
0x4e: {  	_ =	shalt  }
0x4f: {  	_ =	shalt  }
0x50: {  	_ =	shalt  }
0x51: {  	_ =	shalt  }
0x52: {  	_ =	shalt  }
0x53: {  	_ =	shalt  }
0x54: {  	_ =	shalt  }
0x55: {  	_ =	shalt  }
0x56: {  	_ =	shalt  }
0x57: {  	_ =	shalt  }
0x58: {  	_ =	shalt  }
0x59: {  	_ =	shalt  }
0x5a: {  	_ =	shalt  }
0x5b: {  	_ =	shalt  }
0x5c: {  	_ =	shalt  }
0x5d: {  	_ =	shalt  }
0x5e: {  	_ =	shalt  }
0x5f: {  	_ =	shalt  }
0x60: {  	_ =	shalt  }
0x61: {  	_ =	shalt  }
0x62: {  	_ =	shalt  }
0x63: {  	_ =	shalt  }
0x64: {  	_ =	shalt  }
0x65: {  	_ =	shalt  }
0x66: {  	_ =	shalt  }
0x67: {  	_ =	shalt  }
0x68: {  	_ =	shalt  }
0x69: {  	_ =	shalt  }
0x6a: {  	_ =	shalt  }
0x6b: {  	_ =	shalt  }
0x6c: {  	_ =	shalt  }
0x6d: {  	_ =	shalt  }
0x6e: {  	_ =	shalt  }
0x6f: {  	_ =	shalt  }
0x70: {  	_ =	shalt  }
0x71: {  	_ =	shalt  }
0x72: {  	_ =	shalt  }
0x73: {  	_ =	shalt  }
0x74: {  	_ =	shalt  }
0x75: {  	_ =	shalt  }
0x76: {  	_ =	shalt  }
0x77: {  	_ =	shalt  }
0x78: {  	_ =	shalt  }
0x79: {  	_ =	shalt  }
0x7a: {  	_ =	shalt  }
0x7b: {  	_ =	shalt  }
0x7c: {  	_ =	shalt  }
0x7d: {  	_ =	shalt  }
0x7e: {  	_ =	shalt  }
0x7f: {  	_ =	shalt  }
0x80: {  	_ =	shalt  }
0x81: {  	_ =	shalt  }
0x82: {  	_ =	shalt  }
0x83: {  	_ =	shalt  }
0x84: {  	_ =	shalt  }
0x85: {  	_ =	shalt  }
0x86: {  	_ =	shalt  }
0x87: {  	_ =	shalt  }
.Lfunc_end0:
.L_simem_size_0:
called_computation.2_lowered:
.L_overlay_start_0:
0x88: {  	s2 =	sld [smem:$0x3FD9]  }
0x89: {  	s3 =	sld [smem:$0x3FFE];
	_ =	sdelay $0x1  }
0x8a: {  	s1 =	srdreg.scid  }
0x8b: {  	s0 =	sand.u32 $0x1, s1  }
0x8c: {  	s16 =	sshll.u32 s0, $0xA;
	s2 =	sadd.s32 s3, s2  }
0x8d: {  	s2 =	sadd.s32 s2, s16  }
0x8e: {  	[smem:$0x3FBB] =	sst s2  }
0x8f: {  	_ = 	snop  }
0x90: {  	(tm) =	ssettm $0x1  }
0x91: {  	s17 =	sld [smem:$0x3FFB];
	_ =	sdelay $0x3  }
0x92: {  	_ =	strace s17  }
0x93: {  	s2 =	sld [smem:$0x3FFC];
	_ =	sdelay $0x3  }
0x94: {  	_ =	strace s2  }
0x95: {  	s2 =	sld [smem:$0x3FFD];
	_ =	sdelay $0x3  }
0x96: {  	_ =	strace s2  }
0x97: {  	_ =	strace $0x8FFFFFFF  }
0x98: {  	s18 =	sld [smem:$0x3FDB];
	_ =	sdelay $0x1  }
0x99: {  	s19 =	simm.s32 $_scs_section_size  }
0x9a: {  	s4 =	simm.s32 $_size__tile_overlayer_lowered;
	s5 =	simm.s32 $_tile_overlayer_lowered  }
0x9b: {  	s22 =	simm.s32 $0x1BFF;
	s21 =	sshll.u32 s5, $0x1;
	s2 =	sadd.s32 s19, s18  }
0x9c: {  	s6 =	simm.s32 $0x0;
	s20 =	sshll.u32 s4, $0x1;
	s4 =	sadd.s32 s21, s2  }
0x9d: {  	[timem:s6], [sflag:s22] =	dma.local [hbm:s4], s20  }
0x9e: {  	_ =	swait.ge [sflag:s22], s20  }
0x9f: {  	s3 =	ssub.s32 $0x0, s20;
	[sflag:s22] =	ssyncset.done $0x0  }
0xa0: {  	[sflag:s22] =	ssyncadd.s32 s3;
	_ =	sdelay $0x1  }
0xa1: {  	s23 =	simm.s32 $0x1B8B  }
0xa2: {  	_ =	swait.ge [sflag:s23], $0x1  }
0xa3: {  	[sflag:s23] =	ssyncset.done $0x0  }
0xa4: {  	s25 =	simm.s32 $0x1B8E;
	s24 =	sld [smem:$0x3FFE];
	[sflag:s23] =	ssyncadd.s32 $0xFFFFFFFF  }
0xa5: {  	s26 =	simm.s32 $execute0_lowered;
	[smem:$0x3FD2] =	sst s25  }
0xa6: {  	s4 =	sshll.u32 s26, $0x1;
	_ =	strace $0x8000004C;
	[dreg:$0x1] =	wrdreg $0xFFFFFFFF  }
0xa7: {  	s28 =	simm.s32 $_size_execute0_lowered;
	s2 =	sadd.s32 s2, s4;
	[dreg:$0x0] =	wrdreg $0x0  }
0xa8: {  	s4 =	sshll.u32 s28, $0x1;
	[dreg:$0x2] =	wrdreg s2  }
0xa9: {  	[dreg:$0x3] =	wrdreg s4  }
0xaa: {  	[dreg:$0x4] =	wrdreg $0xC0  }
0xab: {  	_ =	task [dreg:s6], $0x5FFFF  }
0xac: {  	[dreg:$0x1] =	wrdreg $0xFFFFFFFF  }
0xad: {  	[dreg:$0x0] =	wrdreg $0x60  }
0xae: {  	[dreg:$0x2] =	wrdreg s24  }
0xaf: {  	[dreg:$0x3] =	wrdreg $0xB0000  }
0xb0: {  	[dreg:$0x4] =	wrdreg $0x9  }
0xb1: {  	_ =	task.clear_ibuf [dreg:s6], $0x5FFFF;
	_ =	strace $0x9000004C  }
0xb2: {  	s29 =	simm.s32 $0x9;
	_ =	strace $0x8000004E  }
0xb3: {  	_ =	swait.ge [sflag:s29], $0x1  }
0xb4: {  	[sflag:s29] =	ssyncadd.s32 $0xFFFFFFFF  }
0xb5: {  	_ =	strace $0x9000004E  }
0xb6: {  	_ =	sfence  }
0xb7: {  	s30 =	sld [smem:$0x0];
	_ =	sdelay $0x2  }
0xb8: {  	s31 =	sshll.u32 s1, $0xD;
	s1 =	sshrl.u32 s1, $0x2  }
0xb9: {  	s3 =	sand.u32 $0x4000, s31;
	s1 =	sadd.s32 s1, s30  }
0xba: {  	s0 =	sor.u32 s3, s0;
	s1 =	sshll.u32 s1, $0x11  }
0xbb: {  	s0 =	sor.u32 s1, s0  }
0xbc: {  	s0 =	sadd.s32 $0x8F2B, s0  }
0xbd: {  	[sflag:s0] =	ssyncadd.remote.s32 $0x1  }
0xbe: {  	_ =	sfence.sel $0xFFFF  }
0xbf: {  	[dreg:$0x0] =	wrdreg $0xFFFFFFFF;
	(pc) =	sbr.abs _section_cstart, $3  }
0xc0: {  	[dreg:$0x1] =	wrdreg $0xFFFFFFFF  }
0xc1: {  	_ =	task.clear_ibuf [dreg:s6], $0x2FFFF;
	_ =	strace $0x9FFFFFFF  }
0xc2: {  	(tm) =	ssettm $0x7FFFFFFF  }
0xc3: {  	_ =	shalt  }
tec
execute0_lowered:
.L_overlay_start_1:
0x0: {  	(tag) =	ssettag $0x1  }
0x1: {  	s0 =	rddreg [dreg:$0x0]  }
0x2: {  	s1 =	rddreg [dreg:$0x1];
	s2 =	simm.s32 $0x0;
	s3 =	srdreg.scid  }
0x3: {  	s15 =	simm.s32 $0x5;
	s21 =	simm.s32 $0x80;
	s22 =	simm.s32 $0x3000  }
0x4: {  	s23 =	simm.s32 $0x7000;
	s24 =	simm.s32 $0x1;
	[smem:$0x7FF] =	sst s2  }
0x5: {  	s2 =	stileid.u32;
	s4 =	sadd.s32 $0xF400, s0;
	s3 =	sand.u32 $0x1, s3  }
0x6: {  	s5 =	sadd.s32 $0x2C00, s0;
	s6 =	sadd.s32 $0xCC00, s0;
	s0 =	sadd.s32 $0xAB800, s0  }
0x7: {  	_ =	strace $0x8000004D;
	[dreg:$0x3] =	wrdreg s4;
	s25 =	smul.u32 $0x1400, s2  }
0x8: {  	[dreg:$0x4] =	wrdreg s6;
	s8 =	ssub.s32 $0x2, s3;
	s11 =	smul.u32 $0x50000, s2  }
0x9: {  	[dreg:$0x5] =	wrdreg s0;
	s3 =	sshll.u32 s3, $0x1;
	s13 =	smul.u32 $0x14000, s2  }
0xa: {  	s31 =	sshll.u32 s2, $0x6;
	s9 =	sshrl.u32 s8, $0x1;
	s4 =	sshrl.u32 s25, $0x3  }
0xb: {  	[dreg:$0x8] =	wrdreg s3;
	s26 =	ssub.s32 s8, s9;
	s4 =	sadd.s32 s5, s4  }
0xc: {  	s17 =	sor.u32 $0x1C05, s31;
	s0 =	smax.u32 s26, $0x1;
	[dreg:$0x6] =	wrdreg s4  }
0xd: {  	s29 =	sshrl.u32 s11, $0x2;
	s28 =	sadd.s32 $0x2800, s4;
	[dreg:$0xb] =	wrdreg s0  }
0xe: {  	s25 =	simm.s32 $0x2;
	s30 =	sadd.s32 $0x5000, s4;
	[dreg:$0x7] =	wrdreg s28  }
0xf: {  	s3 =	sadd.s32 s29, s1;
	s4 =	sadd.s32 $0x5080, s4;
	[dreg:$0x9] =	wrdreg s30  }
0x10: {  	s18 =	sshrl.u32 s3, $0x3;
	s3 =	simm.s32 $0x0;
	[dreg:$0xa] =	wrdreg s4  }
.LBB2_1:
0x11: {  	[dreg:$0xc] =	wrdreg s3  }
0x12: {  	s0 =	simm.s32 $0x0;
	s30 =	rddreg [dreg:$0x6]  }
0x13: {  	[tilespmem:s0], [sflag:$0x5] =	stream.linear.gather [hbm4b:s30+s0], $0x1400, $0x38;
	[tilespmem:$0x1F000] =	vst v63  }
0x14: {  	_ =	swait.ge [sflag:s15], $0x1400  }
0x15: {  	[sflag:s15] =	ssyncset.done $0x0  }
0x16: {  	s4 =	simm.s32 $0x1400;
	s31 =	rddreg [dreg:$0x7];
	[sflag:s15] =	ssyncadd.s32 $0xFFFFEC00  }
0x17: {  	[tilespmem:s4], [sflag:$0x5] =	stream.linear.gather [hbm4b:s31+s0], $0x1400, $0x38;
	[tilespmem:$0x1F000] =	vst v63  }
0x18: {  	_ =	swait.ge [sflag:s15], $0x1400  }
0x19: {  	[sflag:s15] =	ssyncset.done $0x0  }
0x1a: {  	p2 =	por $0x1, $0x1;
	s0 =	simm.s32 $0x0;
	[sflag:s15] =	ssyncadd.s32 $0xFFFFEC00  }
.LBB2_2:
0x1b: {  	s3 =	rddreg [dreg:$0x4]  }
0x1c: {  	[spmem:s18], [sflag:s17] =	dma.local [hbm:s3], $0x2800  }
0x1d: {  	_ =	swait.ge [sflag:s15], $0x2800  }
0x1e: {  	[sflag:s15] =	ssyncset.done $0x0  }
0x1f: {  	s16 =	simm.s32 $0x0;
	[sflag:s15] =	ssyncadd.s32 $0xFFFFD800  }
0x20: {  	s6 =	simm.s32 $0x2800;
	s26 =	rddreg [dreg:$0x8];
	[bflag:$0x0] =	sbarrier.arrive $0xFFFF  }
0x21: {  	s28 =	sor.u32 s26, s0;
	s0 =	simm.s32 $0x0;
	s4 =	rddreg [dreg:$0x9]  }
0x22: {  	s7 =	smul.u32 $0x27100, s28;
	s10 =	sand.u32 $0x1, s0;
	s8 =	rddreg [dreg:$0xa]  }
0x23: {  	[tilespmem:s6], [sflag:$0x3] =	stream.linear.gather [hbm4b:s4+s16], $0x400, $0x38;
	[tilespmem:$0x1F000] =	vst v63  }
0x24: {  	s9 =	rddreg [dreg:$0x3];
	p0 =	seq.s32 s10, $0x1;
	s4 =	simm.s32 $0x2C00  }
0x25: {  	[tilespmem:s4], [sflag:$0x4] =	stream.linear.gather [hbm4b:s8+s16], $0x400, $0x38;
	[tilespmem:$0x1F000] =	vst v63  }
0x26: {  	s29 =	sadd.s32 s9, s7;
	s4 =	simm.s32 @!p0 $0x3  }
0x27: {  	[tilespmem:s22], [sflag:$0x1] =	stream.indirect.gather [hbm4b:s29+s21], $0x80, s16, s21, $0xb8;
	[tilespmem:$0x1F000] =	vst v63  }
0x28: {  	_ =	swait.ge @!p0 [sflag:s4], $0x400  }
0x29: {  	p1 =	seq.s32 s10, $0x0;
	[sflag:s4] =	ssyncset.done @!p0 $0x0  }
0x2a: {  	s8 =	simm.s32 @!p1 $0x4;
	[sflag:s4] =	ssyncadd.s32 @!p0 $0xFFFFFC00  }
0x2b: {  	_ =	swait.ge @!p1 [sflag:s8], $0x400  }
0x2c: {  	[sflag:s8] =	ssyncset.done @!p1 $0x0  }
0x2d: {  	s11 =	simm.s32 $0x80;
	[sflag:s8] =	ssyncadd.s32 @!p1 $0xFFFFFC00  }
0x2e: {  	[tilespmem:s23], [sflag:$0x2] =	stream.indirect.gather [hbm4b:s29+s21], $0x80, s11, s21, $0xb8;
	[tilespmem:$0x1F000] =	vst v63  }
0x2f: {  	_ =	swait.ge [sflag:s24], $0x4000  }
0x30: {  	s3 =	sshll.u32 s10, $0xA;
	[sflag:s24] =	ssyncset.done $0x0  }
0x31: {  	s12 =	sor.u32 $0x2800, s3;
	[sflag:s24] =	ssyncadd.s32 $0xFFFFC000  }
0x32: {  	[spmem:s1] =	stream.indirect.scatter.add.f32 [tilespmem:s22], [sflag:$0x5], $0x80, s12, s21, $0xb8;
	[tilespmem:$0x1F000] =	vst v63  }
0x33: {  	_ =	swait.ge [sflag:s15], $0x4000  }
0x34: {  	[sflag:s15] =	ssyncset.done $0x0  }
0x35: {  	s14 =	simm.s32 $0x100;
	[sflag:s15] =	ssyncadd.s32 $0xFFFFC000  }
0x36: {  	[tilespmem:s22], [sflag:$0x1] =	stream.indirect.gather [hbm4b:s29+s21], $0x80, s14, s21, $0xb8;
	[tilespmem:$0x1F000] =	vst v63  }
0x37: {  	_ =	swait.ge [sflag:s25], $0x4000  }
0x38: {  	[sflag:s25] =	ssyncset.done $0x0  }
0x39: {  	s19 =	sor.u32 $0x2880, s3;
	[sflag:s25] =	ssyncadd.s32 $0xFFFFC000  }
0x3a: {  	[spmem:s1] =	stream.indirect.scatter.add.f32 [tilespmem:s23], [sflag:$0x5], $0x80, s19, s21, $0xb8;
	[tilespmem:$0x1F000] =	vst v63  }
0x3b: {  	s20 =	simm.s32 $0x180;
	_ =	swait.ge [sflag:s15], $0x4000  }
0x3c: {  	s31 =	simm.s32 $0x2;
	s30 =	simm.s32 $0x1000;
	[sflag:s15] =	ssyncset.done $0x0  }
0x3d: {  	s26 =	sor.u32 $0x2900, s3;
	s9 =	sand.u32 $0x9, s0;
	[sflag:s15] =	ssyncadd.s32 $0xFFFFC000  }
0x3e: {  	[tilespmem:s23], [sflag:$0x2] =	stream.indirect.gather [hbm4b:s29+s21], $0x80, s20, s21, $0xb8;
	[tilespmem:$0x1F000] =	vst v63  }
0x3f: {  	s4 =	sor.u32 $0x2980, s3;
	p1 =	seq.s32 s9, $0x1;
	_ =	swait.ge [sflag:s24], $0x4000  }
0x40: {  	s8 =	simm.s32 $0x0;
	p0 =	por @p1 $0x0, $0x0;
	[sflag:s24] =	ssyncset.done $0x0  }
0x41: {  	p4 =	sne.s32 @!p1 s9, $0x0;
	s9 =	simm.s32 $0x2;
	[sflag:s24] =	ssyncadd.s32 $0xFFFFC000  }
0x42: {  	[spmem:s1] =	stream.indirect.scatter.add.f32 [tilespmem:s22], [sflag:$0x5], $0x80, s26, s21, $0xb8;
	[tilespmem:$0x1F000] =	vst v63  }
0x43: {  	p5 =	por !p0, !p1;
	p0 =	por p2, p2;
	_ =	swait.ge [sflag:s15], $0x4000  }
0x44: {  	p2 =	por p4, p1;
	s14 =	simm.s32 $0x2000;
	[sflag:s15] =	ssyncset.done $0x0  }
0x45: {  	s19 =	simm.s32 @p1 $0x10;
	s20 =	simm.s32 $0x200;
	[sflag:s15] =	ssyncadd.s32 $0xFFFFC000  }
.LBB2_3:
0x46: {  	[tilespmem:s22], [sflag:$0x1] =	stream.indirect.gather [hbm4b:s29+s21], $0x80, s20, s21, $0xb8;
	[tilespmem:$0x1F000] =	vst v63  }
0x47: {  	s19 =	simm.s32 @p5 $0x0;
	s26 =	smov.u32 s14;
	_ =	swait.ge [sflag:s25], $0x4000  }
0x48: {  	s14 =	sadd.s32 $0x1000, s14;
	s20 =	simm.s32 @p1 $0x3FFFFB;
	[sflag:s25] =	ssyncset.done $0x0  }
0x49: {  	p3 =	sne.s32 s14, $0xA000;
	s20 =	simm.s32 @p5 $0x0;
	[sflag:s25] =	ssyncadd.s32 $0xFFFFC000  }
0x4a: {  	[spmem:s1] =	stream.indirect.scatter.add.f32 [tilespmem:s23], [sflag:$0x5], $0x80, s4, s21, $0xb8;
	[tilespmem:$0x1F000] =	vst v63  }
0x4b: {  	s4 =	sadd.s32 @p1 s31, s20;
	_ =	swait.ge [sflag:s15], $0x4000  }
0x4c: {  	s31 =	sadd.s32 $0x1, s31;
	[sflag:s15] =	ssyncset.done $0x0  }
0x4d: {  	s6 =	sor.u32 $0x2A00, s3;
	s20 =	sadd.s32 $0x280, s8;
	[sflag:s15] =	ssyncadd.s32 $0xFFFFC000  }
0x4e: {  	[tilespmem:s23], [sflag:$0x2] =	stream.indirect.gather [hbm4b:s29+s21], $0x80, s20, s21, $0xb8;
	[tilespmem:$0x1F000] =	vst v63  }
0x4f: {  	_ =	swait.ge [sflag:s24], $0x4000  }
0x50: {  	[sflag:s24] =	ssyncset.done $0x0  }
0x51: {  	[sflag:s24] =	ssyncadd.s32 $0xFFFFC000  }
0x52: {  	[spmem:s1] =	stream.indirect.scatter.add.f32 [tilespmem:s22], [sflag:$0x5], $0x80, s6, s21, $0xb8;
	[tilespmem:$0x1F000] =	vst v63  }
0x53: {  	_ =	swait.ge [sflag:s15], $0x4000  }
0x54: {  	[sflag:s15] =	ssyncset.done $0x0  }
0x55: {  	s20 =	sadd.s32 $0x2B80, s3;
	s6 =	sadd.s32 $0x300, s8;
	[sflag:s15] =	ssyncadd.s32 $0xFFFFC000  }
0x56: {  	[tilespmem:s22], [sflag:$0x1] =	stream.indirect.gather [hbm4b:s29+s21], $0x80, s6, s21, $0xb8;
	[tilespmem:$0x1F000] =	vst v63  }
0x57: {  	s7 =	simm.s32 @!p2 $0x3FFFFB;
	s6 =	sor.u32 $0x2B00, s3;
	_ =	swait.ge [sflag:s25], $0x4000  }
0x58: {  	s19 =	sor.u32 @p1 s2, s19;
	s3 =	sor.u32 $0x2A80, s3;
	[sflag:s25] =	ssyncset.done $0x0  }
0x59: {  	s10 =	smul.u32 @p1 $0x1400, s19;
	s4 =	sshll.u32 @p1 s4, $0xA;
	[sflag:s25] =	ssyncadd.s32 $0xFFFFC000  }
0x5a: {  	[spmem:s1] =	stream.indirect.scatter.add.f32 [tilespmem:s23], [sflag:$0x5], $0x80, s3, s21, $0xb8;
	[tilespmem:$0x1F000] =	vst v63  }
0x5b: {  	s19 =	sadd.s32 $0xFFFFFFFE, s31;
	s3 =	sadd.s32 @p1 s10, s4;
	_ =	swait.ge [sflag:s15], $0x4000  }
0x5c: {  	p5 =	seq.s32 s16, $0x9000;
	s4 =	sadd.s32 $0x380, s8;
	[sflag:s15] =	ssyncset.done $0x0  }
0x5d: {  	s10 =	simm.s32 @!p5 $0x80;
	s3 =	sadd.s32 @p1 $0x28000, s3;
	[sflag:s15] =	ssyncadd.s32 $0xFFFFC000  }
0x5e: {  	s16 =	sshra.s32 @!p5 s16, $0x2;
	s11 =	simm.s32 @!p5 $0x3000;
	s3 =	sshrl.u32 @p1 s3, $0x3  }
0x5f: {  	[tilespmem:s23], [sflag:$0x2] =	stream.indirect.gather [hbm4b:s29+s21], $0x80, s4, s21, $0xb8;
	[tilespmem:$0x1F000] =	vst v63  }
0x60: {  	s8 =	sand.u32 $0x1, s19;
	s4 =	sadd.s32 @p1 s5, s3;
	_ =	swait.ge [sflag:s24], $0x4000  }
0x61: {  	s12 =	simm.s32 @p1 $0x2C00;
	p6 =	sgt.u32 @!p2 s0, $0x3;
	[sflag:s24] =	ssyncset.done $0x0  }
0x62: {  	p4 =	por @!p1 !p6, p4;
	s0 =	sadd.s32 @!p5 $0x400, s16;
	[sflag:s24] =	ssyncadd.s32 $0xFFFFC000  }
0x63: {  	[spmem:s1] =	stream.indirect.scatter.add.f32 [tilespmem:s22], [sflag:$0x5], $0x80, s6, s21, $0xb8;
	[tilespmem:$0x1F000] =	vst v63  }
0x64: {  	p4 =	por !p4, p1;
	s3 =	simm.s32 @!p2 $0x10;
	_ =	swait.ge [sflag:s15], $0x4000  }
0x65: {  	s7 =	simm.s32 @!p4 $0x0;
	s3 =	simm.s32 @!p4 $0x0;
	[sflag:s15] =	ssyncset.done $0x0  }
0x66: {  	s3 =	sor.u32 @!p2 s2, s3;
	s6 =	sadd.s32 @!p2 s9, s7;
	[sflag:s15] =	ssyncadd.s32 $0xFFFFC000  }
0x67: {  	[tilespmem:s11], [sflag:$0x1] =	stream.indirect.gather @!p5 [hbm4b:s29+s10], $0x80, s0, s10, $0xb8;
	[tilespmem:$0x1F000] =	vst v63  }
0x68: {  	s6 =	sshll.u32 @!p2 s6, $0xA;
	s0 =	smul.u32 @!p2 $0x1400, s3;
	_ =	swait.ge [sflag:s25], $0x4000  }
0x69: {  	s7 =	simm.s32 @p1 $0x0;
	s3 =	sshll.u32 s8, $0xA;
	[sflag:s25] =	ssyncset.done $0x0  }
0x6a: {  	p4 =	seq.s32 s8, $0x1;
	s0 =	sadd.s32 @!p2 s0, s6;
	[sflag:s25] =	ssyncadd.s32 $0xFFFFC000  }
0x6b: {  	[spmem:s1] =	stream.indirect.scatter.add.f32 [tilespmem:s23], [sflag:$0x5], $0x80, s20, s21, $0xb8;
	[tilespmem:$0x1F000] =	vst v63  }
0x6c: {  	s6 =	simm.s32 @!p4 $0x3;
	s0 =	sadd.s32 @!p2 $0x28000, s0;
	_ =	swait.ge [sflag:s15], $0x4000  }
0x6d: {  	s10 =	simm.s32 @!p2 $0x2800;
	s0 =	sshrl.u32 @!p2 s0, $0x3;
	[sflag:s15] =	ssyncset.done $0x0  }
0x6e: {  	s16 =	smov.u32 s30;
	s0 =	sadd.s32 @!p2 s5, s0;
	[sflag:s15] =	ssyncadd.s32 $0xFFFFC000  }
0x6f: {  	[tilespmem:s12], [sflag:$0x4] =	stream.linear.gather @p1 [hbm4b:s4+s7], $0x400, $0x38;
	[tilespmem:$0x1F000] =	vst v63  }
0x70: {  	s30 =	smov.u32 s26;
	s9 =	smov.u32 s31;
	s4 =	simm.s32 @!p2 $0x0  }
0x71: {  	[tilespmem:s10], [sflag:$0x3] =	stream.linear.gather @!p2 [hbm4b:s0+s4], $0x400, $0x38;
	[tilespmem:$0x1F000] =	vst v63  }
0x72: {  	p1 =	seq.s32 s8, $0x0;
	s0 =	smov.u32 s19;
	_ =	swait.ge @!p4 [sflag:s6], $0x400  }
0x73: {  	s4 =	simm.s32 @!p1 $0x4;
	[sflag:s6] =	ssyncset.done @!p4 $0x0  }
0x74: {  	s8 =	sshra.s32 s16, $0x2;
	[sflag:s6] =	ssyncadd.s32 @!p4 $0xFFFFFC00  }
0x75: {  	s6 =	sadd.s32 $0x100, s8;
	_ =	swait.ge @!p1 [sflag:s4], $0x400  }
0x76: {  	[sflag:s4] =	ssyncset.done @!p1 $0x0  }
0x77: {  	s7 =	sor.u32 $0x2800, s3;
	[sflag:s4] =	ssyncadd.s32 @!p1 $0xFFFFFC00;
	s4 =	sadd.s32 $0x80, s8  }
0x78: {  	[tilespmem:s23], [sflag:$0x2] =	stream.indirect.gather [hbm4b:s29+s21], $0x80, s4, s21, $0xb8;
	[tilespmem:$0x1F000] =	vst v63  }
0x79: {  	_ =	swait.ge [sflag:s24], $0x4000  }
0x7a: {  	[sflag:s24] =	ssyncset.done $0x0  }
0x7b: {  	[sflag:s24] =	ssyncadd.s32 $0xFFFFC000  }
0x7c: {  	[spmem:s1] =	stream.indirect.scatter.add.f32 [tilespmem:s22], [sflag:$0x5], $0x80, s7, s21, $0xb8;
	[tilespmem:$0x1F000] =	vst v63  }
0x7d: {  	s4 =	sadd.s32 $0x180, s8;
	_ =	swait.ge [sflag:s15], $0x4000  }
0x7e: {  	[sflag:s15] =	ssyncset.done $0x0  }
0x7f: {  	s7 =	sor.u32 $0x2880, s3;
	[sflag:s15] =	ssyncadd.s32 $0xFFFFC000  }
0x80: {  	[tilespmem:s22], [sflag:$0x1] =	stream.indirect.gather [hbm4b:s29+s21], $0x80, s6, s21, $0xb8;
	[tilespmem:$0x1F000] =	vst v63  }
0x81: {  	_ =	swait.ge [sflag:s25], $0x4000  }
0x82: {  	[sflag:s25] =	ssyncset.done $0x0  }
0x83: {  	[sflag:s25] =	ssyncadd.s32 $0xFFFFC000  }
0x84: {  	[spmem:s1] =	stream.indirect.scatter.add.f32 [tilespmem:s23], [sflag:$0x5], $0x80, s7, s21, $0xb8;
	[tilespmem:$0x1F000] =	vst v63  }
0x85: {  	s20 =	sadd.s32 $0x200, s8;
	_ =	swait.ge [sflag:s15], $0x4000  }
0x86: {  	[sflag:s15] =	ssyncset.done $0x0  }
0x87: {  	s6 =	sor.u32 $0x2900, s3;
	[sflag:s15] =	ssyncadd.s32 $0xFFFFC000  }
0x88: {  	[tilespmem:s23], [sflag:$0x2] =	stream.indirect.gather [hbm4b:s29+s21], $0x80, s4, s21, $0xb8;
	[tilespmem:$0x1F000] =	vst v63  }
0x89: {  	_ =	swait.ge [sflag:s24], $0x4000  }
0x8a: {  	s4 =	sand.u32 $0x9, s0;
	[sflag:s24] =	ssyncset.done $0x0  }
.Ltmp0:
0x8b: {  	p1 =	seq.s32 s4, $0x1;
	[sflag:s24] =	ssyncadd.s32 $0xFFFFC000;
	(pc) =	sbr.rel @p3 .LBB2_3-.Ltmp0, $4  }
0x8c: {  	[spmem:s1] =	stream.indirect.scatter.add.f32 [tilespmem:s22], [sflag:$0x5], $0x80, s6, s21, $0xb8;
	[tilespmem:$0x1F000] =	vst v63  }
0x8d: {  	p2 =	sgt.u32 @p1 s0, $0x2;
	p4 =	sne.s32 @!p1 s4, $0x0;
	_ =	swait.ge [sflag:s15], $0x4000  }
0x8e: {  	s19 =	simm.s32 @p1 $0x10;
	p5 =	por !p2, !p1;
	[sflag:s15] =	ssyncset.done $0x0  }
0x8f: {  	s4 =	sor.u32 $0x2980, s3;
	p2 =	por p4, p1;
	[sflag:s15] =	ssyncadd.s32 $0xFFFFC000  }
0x90: {  	[tilespmem:s22], [sflag:$0x1] =	stream.indirect.gather [hbm4b:s29+s21], $0x80, s20, s21, $0xb8;
	[tilespmem:$0x1F000] =	vst v63  }
0x91: {  	_ =	swait.ge [sflag:s25], $0x4000  }
0x92: {  	[sflag:s25] =	ssyncset.done $0x0  }
0x93: {  	[sflag:s25] =	ssyncadd.s32 $0xFFFFC000  }
0x94: {  	[spmem:s1] =	stream.indirect.scatter.add.f32 [tilespmem:s23], [sflag:$0x5], $0x80, s4, s21, $0xb8;
	[tilespmem:$0x1F000] =	vst v63  }
0x95: {  	_ =	swait.ge [sflag:s15], $0x4000  }
0x96: {  	[sflag:s15] =	ssyncset.done $0x0  }
0x97: {  	s26 =	sadd.s32 $0x280, s8;
	[sflag:s15] =	ssyncadd.s32 $0xFFFFC000  }
0x98: {  	[tilespmem:s23], [sflag:$0x2] =	stream.indirect.gather [hbm4b:s29+s21], $0x80, s26, s21, $0xb8;
	[tilespmem:$0x1F000] =	vst v63  }
0x99: {  	_ =	swait.ge [sflag:s24], $0x4000  }
0x9a: {  	[sflag:s24] =	ssyncset.done $0x0  }
0x9b: {  	s6 =	sor.u32 $0x2A00, s3;
	[sflag:s24] =	ssyncadd.s32 $0xFFFFC000  }
0x9c: {  	[spmem:s1] =	stream.indirect.scatter.add.f32 [tilespmem:s22], [sflag:$0x5], $0x80, s6, s21, $0xb8;
	[tilespmem:$0x1F000] =	vst v63  }
0x9d: {  	_ =	swait.ge [sflag:s15], $0x4000  }
0x9e: {  	[sflag:s15] =	ssyncset.done $0x0  }
0x9f: {  	s7 =	sadd.s32 $0x300, s8;
	[sflag:s15] =	ssyncadd.s32 $0xFFFFC000  }
0xa0: {  	[tilespmem:s22], [sflag:$0x1] =	stream.indirect.gather [hbm4b:s29+s21], $0x80, s7, s21, $0xb8;
	[tilespmem:$0x1F000] =	vst v63  }
0xa1: {  	_ =	swait.ge [sflag:s25], $0x4000  }
0xa2: {  	[sflag:s25] =	ssyncset.done $0x0  }
0xa3: {  	s10 =	sor.u32 $0x2A80, s3;
	[sflag:s25] =	ssyncadd.s32 $0xFFFFC000  }
0xa4: {  	[spmem:s1] =	stream.indirect.scatter.add.f32 [tilespmem:s23], [sflag:$0x5], $0x80, s10, s21, $0xb8;
	[tilespmem:$0x1F000] =	vst v63  }
0xa5: {  	_ =	swait.ge [sflag:s15], $0x4000  }
0xa6: {  	[sflag:s15] =	ssyncset.done $0x0  }
0xa7: {  	s11 =	sadd.s32 $0x380, s8;
	[sflag:s15] =	ssyncadd.s32 $0xFFFFC000  }
0xa8: {  	[tilespmem:s23], [sflag:$0x2] =	stream.indirect.gather [hbm4b:s29+s21], $0x80, s11, s21, $0xb8;
	[tilespmem:$0x1F000] =	vst v63  }
0xa9: {  	_ =	swait.ge [sflag:s24], $0x4000  }
0xaa: {  	[sflag:s24] =	ssyncset.done $0x0  }
0xab: {  	s12 =	sor.u32 $0x2B00, s3;
	[sflag:s24] =	ssyncadd.s32 $0xFFFFC000  }
0xac: {  	[spmem:s1] =	stream.indirect.scatter.add.f32 [tilespmem:s22], [sflag:$0x5], $0x80, s12, s21, $0xb8;
	[tilespmem:$0x1F000] =	vst v63  }
0xad: {  	p3 =	seq.s32 s16, $0x9000;
	_ =	swait.ge [sflag:s15], $0x4000  }
0xae: {  	s4 =	simm.s32 @!p3 $0x80;
	s6 =	sshra.s32 @!p3 s16, $0x2;
	[sflag:s15] =	ssyncset.done $0x0  }
0xaf: {  	s6 =	sadd.s32 @!p3 $0x400, s6;
	s7 =	simm.s32 @!p3 $0x3000;
	[sflag:s15] =	ssyncadd.s32 $0xFFFFC000  }
0xb0: {  	[tilespmem:s7], [sflag:$0x1] =	stream.indirect.gather @!p3 [hbm4b:s29+s4], $0x80, s6, s4, $0xb8;
	[tilespmem:$0x1F000] =	vst v63  }
0xb1: {  	s19 =	simm.s32 @p5 $0x0;
	s14 =	sadd.s32 $0x2B80, s3;
	s4 =	simm.s32 @p1 $0x3FFFFB  }
0xb2: {  	s6 =	sor.u32 @p1 s2, s19;
	p3 =	sgt.u32 @!p2 s0, $0x3;
	s7 =	simm.s32 @!p2 $0x10  }
0xb3: {  	s4 =	simm.s32 @p5 $0x0;
	p3 =	por @!p1 !p3, p4;
	_ =	swait.ge [sflag:s25], $0x4000  }
0xb4: {  	s0 =	sadd.s32 @p1 s31, s4;
	s4 =	smul.u32 @p1 $0x1400, s6;
	s6 =	simm.s32 @!p2 $0x3FFFFB  }
0xb5: {  	p3 =	por !p3, p1;
	[sflag:s25] =	ssyncset.done $0x0;
	s0 =	sshll.u32 @p1 s0, $0xA  }
0xb6: {  	s6 =	simm.s32 @!p3 $0x0;
	s7 =	simm.s32 @!p3 $0x0;
	[sflag:s25] =	ssyncadd.s32 $0xFFFFC000  }
0xb7: {  	s4 =	sadd.s32 @p1 s4, s0;
	s0 =	sadd.s32 $0x1, s31;
	s6 =	sadd.s32 @!p2 s9, s6  }
0xb8: {  	[spmem:s1] =	stream.indirect.scatter.add.f32 [tilespmem:s23], [sflag:$0x5], $0x80, s14, s21, $0xb8;
	[tilespmem:$0x1F000] =	vst v63  }
0xb9: {  	s7 =	sor.u32 @!p2 s2, s7;
	s4 =	sadd.s32 @p1 $0x28000, s4;
	_ =	swait.ge [sflag:s15], $0x4000  }
0xba: {  	s7 =	smul.u32 @!p2 $0x1400, s7;
	s4 =	sshrl.u32 @p1 s4, $0x3;
	[sflag:s15] =	ssyncset.done $0x0  }
0xbb: {  	s3 =	sadd.s32 @p1 s5, s4;
	s4 =	sshll.u32 @!p2 s6, $0xA;
	s6 =	simm.s32 @p1 $0x2C00  }
0xbc: {  	[sflag:s15] =	ssyncadd.s32 $0xFFFFC000;
	s4 =	sadd.s32 @!p2 s7, s4;
	s7 =	simm.s32 @p1 $0x0  }
0xbd: {  	[tilespmem:s6], [sflag:$0x4] =	stream.linear.gather @p1 [hbm4b:s3+s7], $0x400, $0x38;
	[tilespmem:$0x1F000] =	vst v63  }
0xbe: {  	s4 =	sadd.s32 @!p2 $0x28000, s4;
	s3 =	sadd.s32 $0xFFFFFFFE, s0  }
0xbf: {  	s6 =	simm.s32 @!p2 $0x2800;
	s4 =	sshrl.u32 @!p2 s4, $0x3;
	s16 =	sand.u32 $0x1, s3  }
0xc0: {  	s7 =	simm.s32 @!p2 $0x0;
	s4 =	sadd.s32 @!p2 s5, s4;
	p1 =	seq.s32 s16, $0x1  }
0xc1: {  	[tilespmem:s6], [sflag:$0x3] =	stream.linear.gather @!p2 [hbm4b:s4+s7], $0x400, $0x38;
	[tilespmem:$0x1F000] =	vst v63  }
0xc2: {  	s6 =	simm.s32 @!p1 $0x3  }
0xc3: {  	_ =	swait.ge @!p1 [sflag:s6], $0x400  }
0xc4: {  	p2 =	seq.s32 s16, $0x0;
	[sflag:s6] =	ssyncset.done @!p1 $0x0  }
0xc5: {  	s7 =	simm.s32 @!p2 $0x4;
	[sflag:s6] =	ssyncadd.s32 @!p1 $0xFFFFFC00  }
0xc6: {  	_ =	swait.ge @!p2 [sflag:s7], $0x400  }
0xc7: {  	s9 =	sshra.s32 s30, $0x2;
	[sflag:s7] =	ssyncset.done @!p2 $0x0  }
0xc8: {  	s19 =	sadd.s32 $0x80, s9;
	[sflag:s7] =	ssyncadd.s32 @!p2 $0xFFFFFC00  }
0xc9: {  	[tilespmem:s23], [sflag:$0x2] =	stream.indirect.gather [hbm4b:s29+s21], $0x80, s19, s21, $0xb8;
	[tilespmem:$0x1F000] =	vst v63  }
0xca: {  	_ =	swait.ge [sflag:s24], $0x4000  }
0xcb: {  	s8 =	sshll.u32 s16, $0xA;
	[sflag:s24] =	ssyncset.done $0x0  }
0xcc: {  	s4 =	sor.u32 $0x2800, s8;
	[sflag:s24] =	ssyncadd.s32 $0xFFFFC000  }
0xcd: {  	[spmem:s1] =	stream.indirect.scatter.add.f32 [tilespmem:s22], [sflag:$0x5], $0x80, s4, s21, $0xb8;
	[tilespmem:$0x1F000] =	vst v63  }
0xce: {  	_ =	swait.ge [sflag:s15], $0x4000  }
0xcf: {  	[sflag:s15] =	ssyncset.done $0x0  }
0xd0: {  	s20 =	sadd.s32 $0x100, s9;
	[sflag:s15] =	ssyncadd.s32 $0xFFFFC000  }
0xd1: {  	[tilespmem:s22], [sflag:$0x1] =	stream.indirect.gather [hbm4b:s29+s21], $0x80, s20, s21, $0xb8;
	[tilespmem:$0x1F000] =	vst v63  }
0xd2: {  	_ =	swait.ge [sflag:s25], $0x4000  }
0xd3: {  	[sflag:s25] =	ssyncset.done $0x0  }
0xd4: {  	s26 =	sor.u32 $0x2880, s8;
	[sflag:s25] =	ssyncadd.s32 $0xFFFFC000  }
0xd5: {  	[spmem:s1] =	stream.indirect.scatter.add.f32 [tilespmem:s23], [sflag:$0x5], $0x80, s26, s21, $0xb8;
	[tilespmem:$0x1F000] =	vst v63  }
0xd6: {  	_ =	swait.ge [sflag:s15], $0x4000  }
0xd7: {  	[sflag:s15] =	ssyncset.done $0x0  }
0xd8: {  	s31 =	sadd.s32 $0x180, s9;
	[sflag:s15] =	ssyncadd.s32 $0xFFFFC000  }
0xd9: {  	[tilespmem:s23], [sflag:$0x2] =	stream.indirect.gather [hbm4b:s29+s21], $0x80, s31, s21, $0xb8;
	[tilespmem:$0x1F000] =	vst v63  }
0xda: {  	_ =	swait.ge [sflag:s24], $0x4000  }
0xdb: {  	[sflag:s24] =	ssyncset.done $0x0  }
0xdc: {  	s6 =	sor.u32 $0x2900, s8;
	[sflag:s24] =	ssyncadd.s32 $0xFFFFC000  }
0xdd: {  	[spmem:s1] =	stream.indirect.scatter.add.f32 [tilespmem:s22], [sflag:$0x5], $0x80, s6, s21, $0xb8;
	[tilespmem:$0x1F000] =	vst v63  }
0xde: {  	_ =	swait.ge [sflag:s15], $0x4000  }
0xdf: {  	[sflag:s15] =	ssyncset.done $0x0  }
0xe0: {  	s7 =	sadd.s32 $0x200, s9;
	[sflag:s15] =	ssyncadd.s32 $0xFFFFC000  }
0xe1: {  	[tilespmem:s22], [sflag:$0x1] =	stream.indirect.gather [hbm4b:s29+s21], $0x80, s7, s21, $0xb8;
	[tilespmem:$0x1F000] =	vst v63  }
0xe2: {  	_ =	swait.ge [sflag:s25], $0x4000  }
0xe3: {  	[sflag:s25] =	ssyncset.done $0x0  }
0xe4: {  	s10 =	sor.u32 $0x2980, s8;
	[sflag:s25] =	ssyncadd.s32 $0xFFFFC000  }
0xe5: {  	[spmem:s1] =	stream.indirect.scatter.add.f32 [tilespmem:s23], [sflag:$0x5], $0x80, s10, s21, $0xb8;
	[tilespmem:$0x1F000] =	vst v63  }
0xe6: {  	_ =	swait.ge [sflag:s15], $0x4000  }
0xe7: {  	[sflag:s15] =	ssyncset.done $0x0  }
0xe8: {  	s11 =	sadd.s32 $0x280, s9;
	[sflag:s15] =	ssyncadd.s32 $0xFFFFC000  }
0xe9: {  	[tilespmem:s23], [sflag:$0x2] =	stream.indirect.gather [hbm4b:s29+s21], $0x80, s11, s21, $0xb8;
	[tilespmem:$0x1F000] =	vst v63  }
0xea: {  	_ =	swait.ge [sflag:s24], $0x4000  }
0xeb: {  	[sflag:s24] =	ssyncset.done $0x0  }
0xec: {  	s12 =	sor.u32 $0x2A00, s8;
	[sflag:s24] =	ssyncadd.s32 $0xFFFFC000  }
0xed: {  	[spmem:s1] =	stream.indirect.scatter.add.f32 [tilespmem:s22], [sflag:$0x5], $0x80, s12, s21, $0xb8;
	[tilespmem:$0x1F000] =	vst v63  }
0xee: {  	_ =	swait.ge [sflag:s15], $0x4000  }
0xef: {  	[sflag:s15] =	ssyncset.done $0x0  }
0xf0: {  	s14 =	sadd.s32 $0x300, s9;
	[sflag:s15] =	ssyncadd.s32 $0xFFFFC000  }
0xf1: {  	[tilespmem:s22], [sflag:$0x1] =	stream.indirect.gather [hbm4b:s29+s21], $0x80, s14, s21, $0xb8;
	[tilespmem:$0x1F000] =	vst v63  }
0xf2: {  	_ =	swait.ge [sflag:s25], $0x4000  }
0xf3: {  	[sflag:s25] =	ssyncset.done $0x0  }
0xf4: {  	s16 =	sor.u32 $0x2A80, s8;
	[sflag:s25] =	ssyncadd.s32 $0xFFFFC000  }
0xf5: {  	[spmem:s1] =	stream.indirect.scatter.add.f32 [tilespmem:s23], [sflag:$0x5], $0x80, s16, s21, $0xb8;
	[tilespmem:$0x1F000] =	vst v63  }
0xf6: {  	_ =	swait.ge [sflag:s15], $0x4000  }
0xf7: {  	[sflag:s15] =	ssyncset.done $0x0  }
0xf8: {  	s19 =	sadd.s32 $0x380, s9;
	[sflag:s15] =	ssyncadd.s32 $0xFFFFC000  }
0xf9: {  	[tilespmem:s23], [sflag:$0x2] =	stream.indirect.gather [hbm4b:s29+s21], $0x80, s19, s21, $0xb8;
	[tilespmem:$0x1F000] =	vst v63  }
0xfa: {  	_ =	swait.ge [sflag:s24], $0x4000  }
0xfb: {  	[sflag:s24] =	ssyncset.done $0x0  }
0xfc: {  	s20 =	sor.u32 $0x2B00, s8;
	[sflag:s24] =	ssyncadd.s32 $0xFFFFC000  }
0xfd: {  	[spmem:s1] =	stream.indirect.scatter.add.f32 [tilespmem:s22], [sflag:$0x5], $0x80, s20, s21, $0xb8;
	[tilespmem:$0x1F000] =	vst v63  }
0xfe: {  	p1 =	seq.s32 s30, $0x9000;
	_ =	swait.ge [sflag:s15], $0x4000  }
0xff: {  	s4 =	simm.s32 @!p1 $0x80;
	s6 =	sshra.s32 @!p1 s30, $0x2;
	[sflag:s15] =	ssyncset.done $0x0  }
0x100: {  	s6 =	sadd.s32 @!p1 $0x400, s6;
	s7 =	simm.s32 @!p1 $0x3000;
	[sflag:s15] =	ssyncadd.s32 $0xFFFFC000  }
0x101: {  	[tilespmem:s7], [sflag:$0x1] =	stream.indirect.gather @!p1 [hbm4b:s29+s4], $0x80, s6, s4, $0xb8;
	[tilespmem:$0x1F000] =	vst v63  }
0x102: {  	s4 =	sand.u32 $0x9, s3  }
0x103: {  	p1 =	seq.s32 s4, $0x1  }
0x104: {  	s26 =	sadd.s32 $0x2B80, s8;
	_ =	swait.ge [sflag:s25], $0x4000;
	p2 =	sgt.u32 @p1 s3, $0x2  }
0x105: {  	s6 =	simm.s32 @p1 $0x10;
	[sflag:s25] =	ssyncset.done $0x0;
	p2 =	por !p2, !p1  }
0x106: {  	s7 =	simm.s32 @p1 $0x3FFFFB;
	[sflag:s25] =	ssyncadd.s32 $0xFFFFC000;
	s6 =	simm.s32 @p2 $0x0  }
0x107: {  	[spmem:s1] =	stream.indirect.scatter.add.f32 [tilespmem:s23], [sflag:$0x5], $0x80, s26, s21, $0xb8;
	[tilespmem:$0x1F000] =	vst v63  }
0x108: {  	s7 =	simm.s32 @p2 $0x0;
	s6 =	sor.u32 @p1 s2, s6  }
0x109: {  	s7 =	sadd.s32 @p1 s0, s7;
	s6 =	smul.u32 @p1 $0x1400, s6  }
0x10a: {  	p3 =	sne.s32 @!p1 s4, $0x0;
	s7 =	sshll.u32 @p1 s7, $0xA  }
0x10b: {  	s8 =	simm.s32 @p1 $0x0;
	p2 =	por p3, p1;
	s6 =	sadd.s32 @p1 s6, s7  }
0x10c: {  	_ =	swait.ge [sflag:s15], $0x4000;
	p4 =	sgt.u32 @!p2 s3, $0x3;
	s6 =	sadd.s32 @p1 $0x28000, s6  }
0x10d: {  	[sflag:s15] =	ssyncset.done $0x0;
	p3 =	por @!p1 !p4, p3;
	s6 =	sshrl.u32 @p1 s6, $0x3  }
0x10e: {  	[sflag:s15] =	ssyncadd.s32 $0xFFFFC000;
	s7 =	simm.s32 @p1 $0x2C00;
	s6 =	sadd.s32 @p1 s5, s6  }
0x10f: {  	[tilespmem:s7], [sflag:$0x4] =	stream.linear.gather @p1 [hbm4b:s6+s8], $0x400, $0x38;
	[tilespmem:$0x1F000] =	vst v63  }
0x110: {  	s3 =	simm.s32 @!p2 $0x10;
	p1 =	por !p3, p1  }
0x111: {  	s4 =	simm.s32 @!p2 $0x3FFFFB;
	s3 =	simm.s32 @!p1 $0x0  }
0x112: {  	s4 =	simm.s32 @!p1 $0x0;
	s3 =	sor.u32 @!p2 s2, s3  }
0x113: {  	s0 =	sadd.s32 @!p2 s0, s4;
	s3 =	smul.u32 @!p2 $0x1400, s3  }
0x114: {  	s0 =	sshll.u32 @!p2 s0, $0xA  }
0x115: {  	s0 =	sadd.s32 @!p2 s3, s0  }
0x116: {  	s0 =	sadd.s32 @!p2 $0x28000, s0  }
0x117: {  	s29 =	smul.u32 $0x140000, s28;
	s0 =	sshrl.u32 @!p2 s0, $0x3  }
0x118: {  	s4 =	simm.s32 @!p2 $0x0;
	s3 =	simm.s32 @!p2 $0x2800;
	s0 =	sadd.s32 @!p2 s5, s0  }
0x119: {  	[tilespmem:s3], [sflag:$0x3] =	stream.linear.gather @!p2 [hbm4b:s0+s4], $0x400, $0x38;
	[tilespmem:$0x1F000] =	vst v63  }
0x11a: {  	s30 =	sadd.s32 s13, s29;
	[bflag:$0x0] =	sbarrier.arrive $0xFFFF  }
0x11b: {  	s0 =	sshrl.u32 s30, $0x3;
	s31 =	rddreg [dreg:$0x5]  }
0x11c: {  	s0 =	sadd.s32 s31, s0  }
0x11d: {  	[hbm:s0], [sflag:s17] =	dma.local [spmem:s18], $0x2800  }
.Ltmp1:
0x11e: {  	_ =	swait.ge [sflag:s15], $0x2800;
	(pc) =	sbr.rel @p0 .LBB2_2-.Ltmp1, $4  }
0x11f: {  	[sflag:s15] =	ssyncset.done $0x0  }
0x120: {  	[sflag:s15] =	ssyncadd.s32 $0xFFFFD800  }
0x121: {  	[bflag:$0x0] =	sbarrier.arrive $0xFFFF  }
0x122: {  	p2 =	por $0x0, $0x0;
	s0 =	simm.s32 $0x1  }
0x123: {  	s3 =	rddreg [dreg:$0xc]  }
0x124: {  	s0 =	rddreg [dreg:$0xb];
	s3 =	sadd.s32 $0x1, s3  }
0x125: {  	p0 =	sne.s32 s3, s0  }
.Ltmp2:
0x126: {  	_ = 	snop;
	(pc) =	sbr.rel @p0 .LBB2_1-.Ltmp2, $1  }
0x127: {  	_ =	sdelay $0x3  }
0x128: {  	_ =	sfence.sel $0x180000  }
0x129: {  	[bflag:$0x0] =	sbarrier.arrive $0xFFFF  }
0x12a: {  	_ =	strace $0x9000004D  }
0x12b: {  	[bflag:$0x2] =	sbarrier.arrive $0xFFFF  }
0x12c: {  	p0 =	sne.s32 s2, $0x0;
	s0 =	rddreg [dreg:$0x2]  }
0x12d: {  	s0 =	sadd.s32 @!p0 $0x100000, s0  }
0x12e: {  	[sflag:s0] =	ssyncadd.tile.s32 @!p0 $0x1;
	_ =	shalt  }
.Lfunc_end2:
_tile_overlayer_lowered:
.L_overlay_start_2:
0x12f: {  	(tag) =	ssettag $0x2  }
0x130: {  	s0 =	rddreg [dreg:$0x0];
	s2 =	stileid.u32  }
0x131: {  	s1 =	rddreg [dreg:$0x1];
	p0 =	sne.s32 s2, $0x0  }
0x132: {  	s3 =	rddreg [dreg:$0x2];
	[bflag:$0x3] =	sbarrier.arrive $0xFFFF;
	s2 =	simm.s32 @!p0 $0x1C05  }
0x133: {  	[timem:s3], [sflag:s2] =	dma.local @!p0 [hbm:s0], s1  }
0x134: {  	s0 =	simm.s32 @!p0 $0x5  }
0x135: {  	_ =	swait.ge @!p0 [sflag:s0], s1  }
0x136: {  	s1 =	ssub.s32 @!p0 $0x0, s1;
	[sflag:s0] =	ssyncset.done @!p0 $0x0  }
0x137: {  	[sflag:s0] =	ssyncadd.s32 @!p0 s1  }
0x138: {  	[bflag:$0x3] =	sbarrier.arrive $0xFFFF  }
0x139: {  	_ =	shalt  }

// kernel: kernel.9.cloned.1.call-start
scs
__scs_entry_jumppad:
0x0: {  	(pc) =	sbr.rel $0x88, $3  }
0x1: {  	(tag) =	ssettag $0x0;
	lr =	simm.s32 $0x1  }
0x2: {  	[smem:$0x3F94] =	sst lr;
	_ =	strace $0xD0000000  }
0x3: {  	_ = 	snop  }
0x4: {  	_ = 	snop  }
0x5: {  	_ = 	snop  }
0x6: {  	_ = 	snop  }
0x7: {  	_ = 	snop  }
__scs_overlays_trampoline_lowered:
0x8: {  	[smem:$0x3FA3] =	sst s0  }
0x9: {  	[smem:$0x3FA4] =	sst s1  }
0xa: {  	[smem:$0x3FA5] =	sst s2  }
0xb: {  	[smem:$0x3FA6] =	sst s3  }
0xc: {  	[smem:$0x3FA7] =	sst s4  }
0xd: {  	[smem:$0x3FA8] =	sst s5  }
0xe: {  	[smem:$0x3FA9] =	sst s6  }
0xf: {  	[smem:$0x3FAA] =	sst s7  }
0x10: {  	[smem:$0x3FAB] =	sst s8  }
0x11: {  	[smem:$0x3FAC] =	sst s9;
	s0 =	simm.s32 @!p0 $0x0  }
0x12: {  	s1 =	sld [smem:$0x3F92];
	s0 =	simm.s32 @p0 $0x1  }
0x13: {  	[smem:$0x3FAD] =	sst s0;
	s0 =	simm.s32 @!p1 $0x0  }
0x14: {  	s2 =	sld [smem:$0x3F91];
	s0 =	simm.s32 @p1 $0x1  }
0x15: {  	[smem:$0x3FAE] =	sst s0;
	s0 =	simm.s32 @!p2 $0x0  }
0x16: {  	s3 =	sld [smem:$0x3FDB];
	s0 =	simm.s32 @p2 $0x1  }
0x17: {  	s4 =	simm.s32 $0x1BF5;
	[smem:$0x3FB0] =	sst s0  }
0x18: {  	s0 =	sld [smem:$0x3F93];
	_ =	swait.ge [sflag:s4], $0x0  }
0x19: {  	s7 =	sld [smem:$0x3F94]  }
0x1a: {  	s8 =	sadd.s32 $0xFFFFE003, lr  }
0x1b: {  	s9 =	sadd.s32 $0xFFFFFEF7, lr;
	s5 =	simm.s32 $0xFFFFFFFF;
	p2 =	slt.u32 s8, $0xFFFFF086  }
0x1c: {  	p1 =	slt.u32 s9, $0xF7A;
	s5 =	simm.s32 @!p2 $0x0  }
0x1d: {  	s5 =	simm.s32 @p1 $0x1;
	p0 =	seq.s32 s7, s2  }
0x1e: {  	s7 =	smul.u32 @!p0 $0xF7A, s2;
	p2 =	seq.s32 @!p0 s5, $0x0  }
0x1f: {  	s9 =	smul.u32 $0xF7A, s1;
	s8 =	simm.s32 @!p0 $0x1BF5;
	p2 =	por !p2, p0  }
0x20: {  	[sflag:s8] =	ssyncset.s32 @!p0 $0xFFFFF086;
	s6 =	sadd.s32 @!p0 s3, s7;
	s7 =	simm.s32 @!p0 $0x108  }
0x21: {  	s3 =	sadd.s32 s3, s9;
	s6 =	sadd.s32 @!p0 $0x88, s6;
	s7 =	simm.s32 @p2 $0x1082  }
0x22: {  	[simem:s7], [sflag:s8] =	dma.local @!p0 [hbm:s6], $0xF7A  }
0x23: {  	s9 =	sor.u32 $0xD0000000, s2;
	s6 =	simm.s32 $0x108;
	_ =	swait.ge @!p0 [sflag:s8], $0x0  }
0x24: {  	s3 =	sadd.s32 $0x88, s3;
	s6 =	simm.s32 @!p1 $0x1082;
	[sflag:s4] =	ssyncset.s32 $0xFFFFF086  }
0x25: {  	[simem:s6], [sflag:s4] =	dma.local [hbm:s3], $0xF7A  }
0x26: {  	[smem:$0x3F94] =	sst s1;
	(tag) =	ssettag s2;
	_ =	strace s9  }
0x27: {  	s1 =	sld [smem:$0x3FA4]  }
0x28: {  	s2 =	sld [smem:$0x3FA5]  }
0x29: {  	s4 =	sld [smem:$0x3FA7]  }
0x2a: {  	p0 =	seq.s32 s5, $0x0;
	s5 =	sld [smem:$0x3FA8]  }
0x2b: {  	s6 =	sld [smem:$0x3FA9]  }
0x2c: {  	s7 =	sld [smem:$0x3FAA]  }
0x2d: {  	s3 =	simm.s32 $0x108;
	s8 =	sld [smem:$0x3FAB]  }
0x2e: {  	s3 =	simm.s32 @!p0 $0x1082;
	s9 =	sld [smem:$0x3FAC]  }
0x2f: {  	lr =	sadd.s32 s0, s3;
	s0 =	sld [smem:$0x3FA3]  }
0x30: {  	s3 =	sld [smem:$0x3FA6]  }
0x31: {  	[smem:$0x3FAF] =	sst s10  }
0x32: {  	s10 =	sld [smem:$0x3FAD];
	_ =	sdelay $0x3  }
0x33: {  	p0 =	seq.s32 s10, $0x1;
	s10 =	sld [smem:$0x3FAF];
	_ =	sdelay $0x3  }
0x34: {  	[smem:$0x3FAF] =	sst s10  }
0x35: {  	s10 =	sld [smem:$0x3FAE];
	_ =	sdelay $0x3  }
0x36: {  	p1 =	seq.s32 s10, $0x1;
	s10 =	sld [smem:$0x3FAF];
	_ =	sdelay $0x3  }
0x37: {  	[smem:$0x3FAF] =	sst s10  }
0x38: {  	s10 =	sld [smem:$0x3FB0]  }
0x39: {  	_ = 	snop;
	(pc) =	sbr.ind lr, $3  }
0x3a: {  	_ = 	snop  }
0x3b: {  	_ = 	snop  }
0x3c: {  	p2 =	seq.s32 s10, $0x1;
	s10 =	sld [smem:$0x3FAF]  }
0x3d: {  	_ =	shalt  }
0x3e: {  	_ =	shalt  }
0x3f: {  	_ =	shalt  }
0x40: {  	_ =	shalt  }
0x41: {  	_ =	shalt  }
0x42: {  	_ =	shalt  }
0x43: {  	_ =	shalt  }
0x44: {  	_ =	shalt  }
0x45: {  	_ =	shalt  }
0x46: {  	_ =	shalt  }
0x47: {  	_ =	shalt  }
0x48: {  	_ =	shalt  }
0x49: {  	_ =	shalt  }
0x4a: {  	_ =	shalt  }
0x4b: {  	_ =	shalt  }
0x4c: {  	_ =	shalt  }
0x4d: {  	_ =	shalt  }
0x4e: {  	_ =	shalt  }
0x4f: {  	_ =	shalt  }
0x50: {  	_ =	shalt  }
0x51: {  	_ =	shalt  }
0x52: {  	_ =	shalt  }
0x53: {  	_ =	shalt  }
0x54: {  	_ =	shalt  }
0x55: {  	_ =	shalt  }
0x56: {  	_ =	shalt  }
0x57: {  	_ =	shalt  }
0x58: {  	_ =	shalt  }
0x59: {  	_ =	shalt  }
0x5a: {  	_ =	shalt  }
0x5b: {  	_ =	shalt  }
0x5c: {  	_ =	shalt  }
0x5d: {  	_ =	shalt  }
0x5e: {  	_ =	shalt  }
0x5f: {  	_ =	shalt  }
0x60: {  	_ =	shalt  }
0x61: {  	_ =	shalt  }
0x62: {  	_ =	shalt  }
0x63: {  	_ =	shalt  }
0x64: {  	_ =	shalt  }
0x65: {  	_ =	shalt  }
0x66: {  	_ =	shalt  }
0x67: {  	_ =	shalt  }
0x68: {  	_ =	shalt  }
0x69: {  	_ =	shalt  }
0x6a: {  	_ =	shalt  }
0x6b: {  	_ =	shalt  }
0x6c: {  	_ =	shalt  }
0x6d: {  	_ =	shalt  }
0x6e: {  	_ =	shalt  }
0x6f: {  	_ =	shalt  }
0x70: {  	_ =	shalt  }
0x71: {  	_ =	shalt  }
0x72: {  	_ =	shalt  }
0x73: {  	_ =	shalt  }
0x74: {  	_ =	shalt  }
0x75: {  	_ =	shalt  }
0x76: {  	_ =	shalt  }
0x77: {  	_ =	shalt  }
0x78: {  	_ =	shalt  }
0x79: {  	_ =	shalt  }
0x7a: {  	_ =	shalt  }
0x7b: {  	_ =	shalt  }
0x7c: {  	_ =	shalt  }
0x7d: {  	_ =	shalt  }
0x7e: {  	_ =	shalt  }
0x7f: {  	_ =	shalt  }
0x80: {  	_ =	shalt  }
0x81: {  	_ =	shalt  }
0x82: {  	_ =	shalt  }
0x83: {  	_ =	shalt  }
0x84: {  	_ =	shalt  }
0x85: {  	_ =	shalt  }
0x86: {  	_ =	shalt  }
0x87: {  	_ =	shalt  }
.Lfunc_end0:
.L_simem_size_0:
called_computation_lowered:
.L_overlay_start_0:
0x88: {  	s2 =	sld [smem:$0x3FD9]  }
0x89: {  	s3 =	sld [smem:$0x3FFE];
	_ =	sdelay $0x1  }
0x8a: {  	s1 =	srdreg.scid  }
0x8b: {  	s0 =	sand.u32 $0x1, s1  }
0x8c: {  	s17 =	sshll.u32 s0, $0xA;
	s2 =	sadd.s32 s3, s2  }
0x8d: {  	s2 =	sadd.s32 s2, s17  }
0x8e: {  	[smem:$0x3FBB] =	sst s2  }
0x8f: {  	_ = 	snop  }
0x90: {  	s2 =	sld [smem:$0x3FD0];
	(tm) =	ssettm $0x1  }
0x91: {  	s18 =	sld [smem:$0x3FFB];
	_ =	sdelay $0x3  }
0x92: {  	_ =	strace s18  }
0x93: {  	s3 =	sld [smem:$0x3FFC];
	_ =	sdelay $0x3  }
0x94: {  	_ =	strace s3  }
0x95: {  	s3 =	sld [smem:$0x3FFD];
	_ =	sdelay $0x3  }
0x96: {  	_ =	strace s3  }
0x97: {  	_ =	strace $0x8FFFFFFF  }
0x98: {  	s19 =	sld [smem:$0x3FDB];
	_ =	sdelay $0x1  }
0x99: {  	s4 =	simm.s32 $_scs_section_size  }
0x9a: {  	s5 =	simm.s32 $_size__tile_overlayer_lowered;
	s6 =	simm.s32 $_tile_overlayer_lowered  }
0x9b: {  	s22 =	simm.s32 $0x1BFF;
	s21 =	sshll.u32 s6, $0x1;
	s3 =	sadd.s32 s4, s19  }
0x9c: {  	s7 =	simm.s32 $0x0;
	s20 =	sshll.u32 s5, $0x1;
	s5 =	sadd.s32 s21, s3  }
0x9d: {  	[timem:s7], [sflag:s22] =	dma.local [hbm:s5], s20  }
0x9e: {  	_ =	swait.ge [sflag:s22], s20  }
0x9f: {  	s4 =	ssub.s32 $0x0, s20;
	[sflag:s22] =	ssyncset.done $0x0  }
0xa0: {  	[sflag:s22] =	ssyncadd.s32 s4;
	_ =	sdelay $0x1  }
0xa1: {  	s23 =	simm.s32 $0x1B8B  }
0xa2: {  	_ =	swait.ge [sflag:s23], $0x1  }
0xa3: {  	[sflag:s23] =	ssyncset.done $0x0  }
0xa4: {  	s25 =	simm.s32 $0x1B8E;
	s24 =	sld [smem:$0x3FFE];
	[sflag:s23] =	ssyncadd.s32 $0xFFFFFFFF  }
0xa5: {  	s26 =	simm.s32 $execute0_lowered;
	[smem:$0x3FD2] =	sst s25  }
0xa6: {  	s5 =	sshll.u32 s26, $0x1;
	_ =	strace $0x80000046;
	[dreg:$0x1] =	wrdreg $0xFFFFFFFF  }
0xa7: {  	s28 =	simm.s32 $_size_execute0_lowered;
	s3 =	sadd.s32 s3, s5;
	[dreg:$0x0] =	wrdreg $0x0  }
0xa8: {  	s5 =	sshll.u32 s28, $0x1;
	[dreg:$0x2] =	wrdreg s3  }
0xa9: {  	[dreg:$0x3] =	wrdreg s5  }
0xaa: {  	[dreg:$0x4] =	wrdreg $0xC0  }
0xab: {  	_ =	task [dreg:s7], $0x5FFFF  }
0xac: {  	[dreg:$0x1] =	wrdreg $0xFFFFFFFF  }
0xad: {  	[dreg:$0x0] =	wrdreg $0x60  }
0xae: {  	[dreg:$0x2] =	wrdreg s24  }
0xaf: {  	[dreg:$0x3] =	wrdreg s2  }
0xb0: {  	[dreg:$0x4] =	wrdreg $0x14800  }
0xb1: {  	[dreg:$0x5] =	wrdreg $0x9  }
0xb2: {  	_ =	task.clear_ibuf [dreg:s7], $0x6FFFF;
	_ =	strace $0x90000046  }
0xb3: {  	s29 =	simm.s32 $0x9;
	_ =	strace $0x80000048  }
0xb4: {  	_ =	swait.ge [sflag:s29], $0x1  }
0xb5: {  	[sflag:s29] =	ssyncadd.s32 $0xFFFFFFFF  }
0xb6: {  	_ =	strace $0x90000048  }
0xb7: {  	_ =	sfence  }
0xb8: {  	s30 =	sld [smem:$0x0];
	_ =	sdelay $0x2  }
0xb9: {  	s31 =	sshll.u32 s1, $0xD;
	s1 =	sshrl.u32 s1, $0x2  }
0xba: {  	s3 =	sand.u32 $0x4000, s31;
	s1 =	sadd.s32 s1, s30  }
0xbb: {  	s0 =	sor.u32 s3, s0;
	s1 =	sshll.u32 s1, $0x11  }
0xbc: {  	s0 =	sor.u32 s1, s0  }
0xbd: {  	s0 =	sadd.s32 $0x8F2B, s0  }
0xbe: {  	[sflag:s0] =	ssyncadd.remote.s32 $0x1  }
0xbf: {  	_ =	sfence.sel $0xFFFF  }
0xc0: {  	[dreg:$0x0] =	wrdreg $0xFFFFFFFF;
	(pc) =	sbr.abs _section_cstart, $3  }
0xc1: {  	[dreg:$0x1] =	wrdreg $0xFFFFFFFF  }
0xc2: {  	_ =	task.clear_ibuf [dreg:s7], $0x2FFFF;
	_ =	strace $0x9FFFFFFF  }
0xc3: {  	(tm) =	ssettm $0x7FFFFFFF  }
tec
execute0_lowered:
.L_overlay_start_1:
0x0: {  	(tag) =	ssettag $0x1  }
0x1: {  	s6 =	rddreg [dreg:$0x0]  }
0x2: {  	s7 =	rddreg [dreg:$0x1]  }
0x3: {  	s1 =	rddreg [dreg:$0x2]  }
0x4: {  	s2 =	srdreg.scid;
	s0 =	rddreg [dreg:$0x3];
	s3 =	simm.s32 $0x0  }
0x5: {  	s14 =	simm.s32 $0x20;
	s15 =	simm.s32 $0x10;
	s16 =	simm.s32 $0x0  }
0x6: {  	s8 =	sand.u32 $0x1, s2;
	[smem:$0x7FF] =	sst s3;
	s2 =	stileid.u32  }
0x7: {  	s4 =	sshll.u32 s8, $0x4;
	_ =	strace $0x80000047;
	s12 =	smul.u32 $0x500, s2  }
0x8: {  	s9 =	ssub.s32 $0x2, s8;
	s13 =	smul.u32 $0xA00, s2;
	s8 =	sshll.u32 s8, $0x7  }
0x9: {  	s31 =	sshll.u32 s2, $0x6;
	s5 =	sor.u32 s2, s4;
	s4 =	sadd.s32 $0xCE00, s6  }
0xa: {  	s11 =	sshrl.u32 s9, $0x1;
	s10 =	smul.u32 $0x1400, s5;
	s5 =	sadd.s32 $0xCC00, s6  }
0xb: {  	s9 =	ssub.s32 s9, s11;
	s8 =	sor.u32 s8, s12;
	s29 =	sshrl.u32 s13, $0x2  }
0xc: {  	s11 =	sor.u32 $0x1C01, s31;
	s13 =	simm.s32 $0x80;
	s8 =	sshrl.u32 s8, $0x3  }
0xd: {  	s30 =	sadd.s32 s29, s1;
	s10 =	sshrl.u32 s10, $0x3;
	s7 =	sadd.s32 s7, s8  }
0xe: {  	s8 =	smax.u32 s9, $0x1;
	s9 =	simm.s32 $0x1;
	s6 =	sadd.s32 s6, s10  }
0xf: {  	s12 =	sshrl.u32 s30, $0x3;
	s10 =	simm.s32 $0x1400;
	s6 =	sadd.s32 $0x7C00, s6  }
.LBB2_1:
0x10: {  	[tilespmem:s3], [sflag:$0x1] =	stream.linear.gather [hbm4b:s6+s3], $0x1400, $0x38;
	[tilespmem:$0x1700] =	vst v63  }
0x11: {  	_ =	swait.ge [sflag:s9], $0x1400  }
0x12: {  	[sflag:s9] =	ssyncset.done $0x0  }
0x13: {  	[sflag:s9] =	ssyncadd.s32 $0xFFFFEC00  }
0x14: {  	[tilespmem:s10], [sflag:$0x1] =	stream.linear.gather [hbm4b:s4+s3], $0x80, $0x38;
	[tilespmem:$0x1700] =	vst v63  }
0x15: {  	_ =	swait.ge [sflag:s9], $0x80  }
0x16: {  	[sflag:s9] =	ssyncset.done $0x0  }
0x17: {  	[sflag:s9] =	ssyncadd.s32 $0xFFFFFF80  }
0x18: {  	[spmem:s12], [sflag:s11] =	dma.local [hbm:s5], $0x50  }
0x19: {  	_ =	swait.ge [sflag:s9], $0x50  }
0x1a: {  	[sflag:s9] =	ssyncset.done $0x0  }
0x1b: {  	[sflag:s9] =	ssyncadd.s32 $0xFFFFFFB0  }
0x1c: {  	s17 =	simm.s32 $0x0;
	[bflag:$0x0] =	sbarrier.arrive $0xFFFF  }
0x1d: {  	[spmem:s1] =	stream.indirect.scatter.add.f32 [tilespmem:s10], [sflag:$0x1], $0x1, s17, s13, $0xb8;
	[tilespmem:$0x1700] =	vst v63  }
0x1e: {  	_ =	swait.ge [sflag:s9], $0x80  }
0x1f: {  	s17 =	simm.s32 $0x200;
	[sflag:s9] =	ssyncset.done $0x0  }
.LBB2_2:
0x20: {  	s18 =	sshra.s32 s17, $0x2;
	[sflag:s9] =	ssyncadd.s32 $0xFFFFFF80;
	p0 =	sne.s32 s17, $0x4E00  }
0x21: {  	[spmem:s1] =	stream.indirect.scatter.add.f32 [tilespmem:s10], [sflag:$0x1], $0x1, s18, s13, $0xb8;
	[tilespmem:$0x1700] =	vst v63  }
.Ltmp0:
0x22: {  	_ = 	snop;
	(pc) =	sbr.rel @p0 .LBB2_2-.Ltmp0, $4  }
0x23: {  	_ = 	snop  }
0x24: {  	s17 =	sadd.s32 $0x200, s17  }
0x25: {  	_ =	swait.ge [sflag:s9], $0x80  }
0x26: {  	[sflag:s9] =	ssyncset.done $0x0  }
0x27: {  	s16 =	sadd.s32 $0x1, s16  }
0x28: {  	[sflag:s9] =	ssyncadd.s32 $0xFFFFFF80;
	p0 =	sne.s32 s16, s8  }
.Ltmp1:
0x29: {  	[bflag:$0x0] =	sbarrier.arrive $0xFFFF;
	(pc) =	sbr.rel @p0 .LBB2_1-.Ltmp1, $4  }
0x2a: {  	[hbm:s7@s14], [sflag:s11] =	dma.strided [spmem:s12@s15], $0x50, s9, $0x10   }
0x2b: {  	_ =	swait.ge [sflag:s9], $0x50  }
0x2c: {  	[sflag:s9] =	ssyncset.done $0x0  }
0x2d: {  	[sflag:s9] =	ssyncadd.s32 $0xFFFFFFB0  }
0x2e: {  	_ =	sfence.sel $0x180000  }
0x2f: {  	[bflag:$0x0] =	sbarrier.arrive $0xFFFF  }
0x30: {  	p0 =	sne.s32 s2, $0x0;
	_ =	strace $0x90000047  }
0x31: {  	s0 =	sadd.s32 @!p0 $0x100000, s0;
	[bflag:$0x2] =	sbarrier.arrive $0xFFFF  }
0x32: {  	[sflag:s0] =	ssyncadd.tile.s32 @!p0 $0x1;
	_ =	shalt  }
.Lfunc_end2:
_tile_overlayer_lowered:
.L_overlay_start_2:
0x33: {  	(tag) =	ssettag $0x2  }
0x34: {  	s0 =	rddreg [dreg:$0x0];
	s2 =	stileid.u32  }
0x35: {  	s1 =	rddreg [dreg:$0x1];
	p0 =	sne.s32 s2, $0x0  }
0x36: {  	s3 =	rddreg [dreg:$0x2];
	[bflag:$0x3] =	sbarrier.arrive $0xFFFF;
	s2 =	simm.s32 @!p0 $0x1C01  }
0x37: {  	[timem:s3], [sflag:s2] =	dma.local @!p0 [hbm:s0], s1  }
0x38: {  	s0 =	simm.s32 @!p0 $0x1  }
0x39: {  	_ =	swait.ge @!p0 [sflag:s0], s1  }
0x3a: {  	s1 =	ssub.s32 @!p0 $0x0, s1;
	[sflag:s0] =	ssyncset.done @!p0 $0x0  }
0x3b: {  	[sflag:s0] =	ssyncadd.s32 @!p0 s1  }
0x3c: {  	[bflag:$0x3] =	sbarrier.arrive $0xFFFF  }
0x3d: {  	_ =	shalt  }

</sc_bundles>
